<compile_context>
chip_gen: v7x
topology: tpu7x:2x2x1
jax: 0.10.2.dev20260603
libtpu: 0.0.44.dev20260713+nightly
codegen_flags: <defaults>
</compile_context>

<pallas_src>
import jax
import jax.numpy as jnp
from jax import lax
from jax.experimental import pallas as pl
from jax.experimental.pallas import tpu as pltpu
from jax.experimental.pallas import tpu_sc as plsc

NUM_CLASSES = 14
NB = 10
GR = 7
GC = 7
CELLS = GR * GC
LANES = 16
NCHUNK = 4
CH = 190
PADC = 64
BSZ = 8
TOTAL = BSZ * NB * GR * GC


def _iota():
    return lax.broadcasted_iota(jnp.int32, (LANES,), 0)


def _nsqrt(x):
    i = plsc.bitcast(x, jnp.int32)
    y = plsc.bitcast(lax.shift_right_logical(i, 1) + 0x1FBD1DF5, jnp.float32)
    for _ in range(4):
        y = 0.5 * (y + x / y)
    return y


def _sc_body(pred_hbm, targ_hbm, out_hbm,
             Pv, Tv, miv, Vtmp, Dv, SQw, SQh, PB, pmv, Atmp, pvec):
    cid = lax.axis_index("c")
    sid = lax.axis_index("s")
    active = jnp.logical_and(cid == 0, sid < BSZ)
    b = sid
    iota = _iota()
    lanes_q = [iota + LANES * q for q in range(NCHUNK)]
    r_q = [jnp.minimum(l // GC, GR - 1) for l in lanes_q]
    c_q = [l % GC for l in lanes_q]

    @pl.when(active)
    def _compute():
        pltpu.sync_copy(pred_hbm.at[b], Pv)
        pltpu.sync_copy(targ_hbm.at[b], Tv)

        zero_v = jnp.zeros((LANES,), jnp.int32)

        def _init(r, _):
            for q in range(NCHUNK):
                miv[r, pl.ds(LANES * q, LANES)] = zero_v
            return 0

        lax.fori_loop(0, NB, _init, 0)
        for r in range(GR):
            pmv[r, :] = jnp.full((LANES,), 1, jnp.int32)

        def _dpre(a, _):
            for q in range(NCHUNK):
                acc = jnp.zeros((LANES,), jnp.float32)

                def _o(o, acc):
                    pc = Pv[a * 19 + 5 + o, pl.ds(LANES * q, LANES)]
                    tc = Tv[b * 19 + 5 + o, pl.ds(LANES * q, LANES)]
                    d = pc - tc
                    return acc + d * d

                acc = lax.fori_loop(0, NUM_CLASSES, _o, acc)
                Dv[a, pl.ds(LANES * q, LANES)] = acc / NUM_CLASSES
            return 0

        lax.fori_loop(0, NB, _dpre, 0)

        def _sqpre(a, _):
            for q in range(NCHUNK):
                sl = pl.ds(LANES * q, LANES)
                SQw[a, sl] = _nsqrt(jnp.maximum(Pv[a * 19 + 3, sl], 0.0))
                SQh[a, sl] = _nsqrt(jnp.maximum(Pv[a * 19 + 4, sl], 0.0))
            return 0

        lax.fori_loop(0, NB, _sqpre, 0)

        def _pbpre(a, _):
            cha = a * 19
            for q in range(NCHUNK):
                sl = pl.ds(LANES * q, LANES)
                px = Pv[cha + 1, sl]
                py = Pv[cha + 2, sl]
                pw = Pv[cha + 3, sl]
                ph = Pv[cha + 4, sl]
                PB[a * 4, sl] = px - pw / 2
                PB[a * 4 + 1, sl] = py - ph / 2
                PB[a * 4 + 2, sl] = px + pw / 2
                PB[a * 4 + 3, sl] = py + ph / 2
            return 0

        lax.fori_loop(0, NB, _pbpre, 0)

        def _scan(j, _):
            chj = j * 19
            jf = jnp.full((LANES,), j, jnp.int32)
            mask_q, tx1_q, ty1_q, tx2_q, ty2_q = [], [], [], [], []
            for q in range(NCHUNK):
                sl = pl.ds(LANES * q, LANES)
                tc = Tv[chj, sl]
                tx = Tv[chj + 1, sl]
                ty = Tv[chj + 2, sl]
                tw = Tv[chj + 3, sl]
                th = Tv[chj + 4, sl]
                mask_q.append(tc != 0.0)
                tx1_q.append(tx - tw / 2)
                ty1_q.append(ty - th / 2)
                tx2_q.append(tx + tw / 2)
                ty2_q.append(ty + th / 2)
            pmg_q = [plsc.load_gather(pmv, [r_q[q], c_q[q]])
                     for q in range(NCHUNK)]

            def _anchor(a, curA):
                curA2 = []
                for q in range(NCHUNK):
                    sl = pl.ds(LANES * q, LANES)
                    x1 = jnp.maximum(tx1_q[q], PB[a * 4, sl])
                    y1 = jnp.maximum(ty1_q[q], PB[a * 4 + 1, sl])
                    x2 = jnp.minimum(tx2_q[q], PB[a * 4 + 2, sl])
                    y2 = jnp.minimum(ty2_q[q], PB[a * 4 + 3, sl])
                    pos = (x2 > x1) & (y2 > y1)
                    Vtmp[a, sl] = jnp.where(pos, 1.0, 0.0)
                    notin = (lax.shift_right_logical(pmg_q[q], a) & 1) == 0
                    cond = mask_q[q] & (curA[q] == 0) & pos & notin
                    curA2.append(jnp.where(cond, a, curA[q]))
                return tuple(curA2)

            curA = lax.fori_loop(
                0, NB, _anchor,
                tuple(jnp.zeros((LANES,), jnp.int32) for _ in range(NCHUNK)))
            for q in range(NCHUNK):
                Atmp[pl.ds(LANES * q, LANES)] = curA[q]
                miv[j, pl.ds(LANES * q, LANES)] = curA[q]

            @pl.when(j < GR)
            def _phaseB():
                cl = jnp.minimum(iota, GC - 1)
                pmA = jnp.zeros((LANES,), jnp.int32)
                for k in range(GC):
                    vals = plsc.load_gather(Atmp, [cl * GC + k])
                    pmA = pmA | jnp.where(iota < GC, 1 << vals, 0)
                tconf_row = plsc.load_gather(
                    Tv, [jnp.full((LANES,), chj, jnp.int32),
                         jf * GC + cl])
                m_row = tconf_row != 0.0

                def _bpar(a, curB):
                    v = plsc.load_gather(
                        Vtmp, [jnp.full((LANES,), a, jnp.int32), jf * GC + cl])
                    bitA = (lax.shift_right_logical(pmA, a) & 1) == 0
                    notin = jnp.where(iota < j, bitA, a != 0)
                    cond = m_row & (curB == 0) & (v != 0.0) & notin \
                        & (iota < GC)
                    return jnp.where(cond, a, curB)

                curB = lax.fori_loop(0, NB, _bpar,
                                     jnp.zeros((LANES,), jnp.int32))
                mD = jnp.any(m_row & (iota == j))

                def _bdiag(a, curD):
                    v = plsc.load_gather(
                        Vtmp, [jnp.full((LANES,), a, jnp.int32), jf * GC + cl])
                    vD = jnp.sum(jnp.where(iota == j, v, 0.0))
                    allk = jnp.all((curB != a) | (iota >= j))
                    notin = allk & (curD != a) & ((j == GC - 1) | (a != 0))
                    cond = mD & (curD == 0) & (vD != 0.0) & notin
                    return jnp.where(cond, a, curD)

                curD = lax.fori_loop(0, NB, _bdiag, jnp.int32(0))
                rowj = jnp.where(iota == j, curD, curB)
                plsc.store_scatter(miv, [jf, jf * GC + iota], rowj,
                                   mask=iota < GC)
                pmrow = jnp.zeros((LANES,), jnp.int32)
                for k in range(GC):
                    vals = plsc.load_gather(miv, [jf, cl * GC + k])
                    pmrow = pmrow | jnp.where(iota < GC, 1 << vals, 0)
                pmv[j, :] = pmrow

            return 0

        lax.fori_loop(0, NB, _scan, 0)

        def _fwd(j, carry):
            n_s, loc_s, conf_s, cls_s, tb = carry
            chj = j * 19
            jf = jnp.full((LANES,), j, jnp.int32)
            tb_new = []
            for q in range(NCHUNK):
                sl = pl.ds(LANES * q, LANES)
                m = Tv[chj, sl] != 0.0
                mi = miv[j, sl]
                axy = plsc.load_gather(miv, [jf, r_q[q] * (GC + 1)])
                lanes = lanes_q[q]
                xsel = plsc.load_gather(Pv, [axy * 19 + 1, lanes])
                ysel = plsc.load_gather(Pv, [axy * 19 + 2, lanes])
                wsel = plsc.load_gather(SQw, [mi, lanes])
                hsel = plsc.load_gather(SQh, [mi, lanes])
                csel = plsc.load_gather(Pv, [mi * 19, lanes])
                dsel = plsc.load_gather(Dv, [mi, lanes])
                tb_new.append(tb[q] | jnp.where(m, 1 << mi, 0))
                xd = Tv[chj + 1, sl] - xsel
                yd = Tv[chj + 2, sl] - ysel
                wd = _nsqrt(jnp.maximum(Tv[chj + 3, sl], 0.0)) - wsel
                hd = _nsqrt(jnp.maximum(Tv[chj + 4, sl], 0.0)) - hsel
                cd = Tv[chj, sl] - csel
                xl, yl, wl, hl, cl_ = xd * xd, yd * yd, wd * wd, hd * hd, cd * cd
                mf = jnp.where(m, 1.0, 0.0)
                n_s = n_s + jnp.sum(mf)
                loc_s = loc_s + jnp.sum(mf * (xl + yl + wl + hl))
                conf_s = conf_s + jnp.sum(mf * cl_)
                cls_s = cls_s + jnp.sum(mf * dsel)
            return n_s, loc_s, conf_s, cls_s, tuple(tb_new)

        zero = jnp.float32(0.0)
        tb0 = tuple(jnp.zeros((LANES,), jnp.int32) for _ in range(NCHUNK))
        n_s, loc_s, conf_s, cls_s, tb = lax.fori_loop(
            0, NB, _fwd, (zero, zero, zero, zero, tb0))

        def _noth(a, noth):
            cha = a * 19
            for q in range(NCHUNK):
                sl = pl.ds(LANES * q, LANES)
                untouched = (lax.shift_right_logical(tb[q], a) & 1) == 0
                d = Tv[cha, sl] - Pv[cha, sl]
                noth = noth + jnp.sum(jnp.where(untouched, d * d, 0.0))
            return noth

        noth = lax.fori_loop(0, NB, _noth, zero)

        parts = jnp.where(iota == 0, n_s,
                 jnp.where(iota == 1, loc_s,
                  jnp.where(iota == 2, conf_s,
                   jnp.where(iota == 3, noth,
                    jnp.where(iota == 4, cls_s, 0.0)))))
        pvec[:] = parts
        pltpu.sync_copy(pvec, out_hbm.at[b])


def _tc_combine_body(parts_ref, out_ref):
    x = parts_ref[...]
    s = jnp.sum(x, axis=0, keepdims=True)
    lane = jax.lax.broadcasted_iota(jnp.int32, (1, LANES), 1)
    n = jnp.sum(jnp.where(lane == 0, s, 0.0))
    loc = jnp.sum(jnp.where(lane == 1, s, 0.0))
    conf = jnp.sum(jnp.where(lane == 2, s, 0.0))
    noth = jnp.sum(jnp.where(lane == 3, s, 0.0))
    cls = jnp.sum(jnp.where(lane == 4, s, 0.0))
    loss = (loc / n * 7.0 + conf / n * 5.0
            + noth / TOTAL * 5.0 + cls / n)
    out_ref[...] = jnp.full((1, 1), 1.0, jnp.float32) * loss


@jax.jit
def _yolo_sc(pred_pad, targ_pad):
    mesh = plsc.VectorSubcoreMesh(core_axis_name="c", subcore_axis_name="s",
                                  num_cores=2, num_subcores=16)
    f = pl.kernel(
        _sc_body,
        out_type=jax.ShapeDtypeStruct((BSZ, LANES), jnp.float32),
        mesh=mesh,
        compiler_params=pltpu.CompilerParams(needs_layout_passes=False),
        scratch_types=[
            pltpu.VMEM((CH, PADC), jnp.float32),
            pltpu.VMEM((CH, PADC), jnp.float32),
            pltpu.VMEM((NB, PADC), jnp.int32),
            pltpu.VMEM((NB, PADC), jnp.float32),
            pltpu.VMEM((NB, PADC), jnp.float32),
            pltpu.VMEM((NB, PADC), jnp.float32),
            pltpu.VMEM((NB, PADC), jnp.float32),
            pltpu.VMEM((4 * NB, PADC), jnp.float32),
            pltpu.VMEM((GR, LANES), jnp.int32),
            pltpu.VMEM((PADC,), jnp.int32),
            pltpu.VMEM((LANES,), jnp.float32),
        ],
    )
    parts = f(pred_pad, targ_pad)
    combine = pl.pallas_call(
        _tc_combine_body,
        out_shape=jax.ShapeDtypeStruct((1, 1), jnp.float32),
    )
    return combine(parts)


def kernel(predictions, targets):
    pred_pad = jnp.pad(predictions.reshape(BSZ, CH, CELLS),
                       ((0, 0), (0, 0), (0, PADC - CELLS)))
    targ_pad = jnp.pad(targets.reshape(BSZ, CH, CELLS),
                       ((0, 0), (0, 0), (0, PADC - CELLS)))
    return _yolo_sc(pred_pad, targ_pad)[0, 0]

# --- scband reference (transcript-rebuilt; emitter-appended) ---
"""Pipeline reference for scband-yololoss-22737556865663 (READ-ONLY COPY).

The authoritative reference and input builder live on the scoring server;
editing this copy changes nothing except your own understanding.
"""

import jax, jax.numpy as jnp
import numpy as np
from jax import lax

NUM_CLASSES = 14
NUM_BOXES = 10
LAMBDA_COORD = 5.0
LAMBDA_NOOBJ = 5.0
LAMBDA_LOC = 7.0


def setup_inputs(seed: int = 0):
    key = jax.random.key(seed)
    k1, k2 = jax.random.split(key)
    predictions = jax.random.uniform(k1, (8, 190, 7, 7), dtype=jnp.float32)
    targets = jax.random.uniform(k2, (8, 190, 7, 7), dtype=jnp.float32)
    return {"predictions": predictions, "targets": targets}


def _slices(arr):
    nb = NUM_BOXES
    conf = arr[:, 0:nb * 19:19]
    bx = arr[:, 1:nb * 19 + 1:19]
    by = arr[:, 2:nb * 19 + 2:19]
    bw = arr[:, 3:nb * 19 + 3:19]
    bh = arr[:, 4:nb * 19 + 4:19]
    return conf, bx, by, bw, bh


def _iou_and_grids(predictions, targets):
    # Non-differentiable index computation (torch.nonzero + the sequential
    # IOUcalc anchor-assignment loop), expressed as a fixed-shape masked
    # sequential scan in the same lexicographic order as np.argwhere.
    nb = NUM_BOXES
    t_conf, t_x, t_y, t_w, t_h = _slices(targets)
    p_conf, p_x, p_y, p_w, p_h = _slices(predictions)
    mask = t_conf != 0
    p_boxes = jnp.stack((p_x - p_w / 2, p_y - p_h / 2, p_x + p_w / 2, p_y + p_h / 2), axis=-1)
    t_boxes = jnp.stack((t_x - t_w / 2, t_y - t_h / 2, t_x + t_w / 2, t_y + t_h / 2), axis=-1)
    tb = t_boxes[:, :, :, :, None, :]                      # [B, nb, R, C, 1, 4]
    pb = jnp.moveaxis(p_boxes, 1, 3)[:, None, :, :, :, :]  # [B, 1, R, C, nb, 4]
    x1 = jnp.maximum(tb[..., 0], pb[..., 0])
    y1 = jnp.maximum(tb[..., 1], pb[..., 1])
    x2 = jnp.minimum(tb[..., 2], pb[..., 2])
    y2 = jnp.minimum(tb[..., 3], pb[..., 3])
    inter = jnp.clip(x2 - x1, 0, None) * jnp.clip(y2 - y1, 0, None)
    a1 = jnp.abs((tb[..., 2] - tb[..., 0]) * (tb[..., 3] - tb[..., 1]))
    a2 = jnp.abs((pb[..., 2] - pb[..., 0]) * (pb[..., 3] - pb[..., 1]))
    iou_full = inter / (a1 + a2 - inter + 1e-06)  # [B, nb, R, C, nb]
    bsz, _, gr, gc = t_conf.shape
    total = bsz * nb * gr * gc

    def body(i, mi):
        c = i % gc
        r = (i // gc) % gr
        j = (i // (gc * gr)) % nb
        b = i // (gc * gr * nb)
        m = mask[b, j, r, c]
        for a in range(nb):
            v = iou_full[b, j, r, c, a]
            cur = mi[b, j, r, c]
            # max_IOU[b][:][r][c] in torch == row max_iou[b, r, c, :]
            row = mi[b, r, c, :]
            cond = m & (cur < v) & jnp.all(row != a)
            mi = mi.at[b, j, r, c].set(jnp.where(cond, a, cur))
        return mi

    max_iou = lax.fori_loop(0, total, body, jnp.zeros(t_conf.shape, dtype=jnp.int32))
    return mask, max_iou


def _forward(predictions, targets, mask, max_iou):
    nc = NUM_CLASSES
    t_conf, t_x, t_y, t_w, t_h = _slices(targets)
    p_conf, p_x, p_y, p_w, p_h = _slices(predictions)
    bsz, nbb, gr, gc = t_conf.shape
    B0 = jnp.arange(bsz).reshape(bsz, 1, 1, 1)
    J = jnp.arange(nbb).reshape(1, nbb, 1, 1)
    R = jnp.arange(gr).reshape(1, 1, gr, 1)
    C = jnp.arange(gc).reshape(1, 1, 1, gc)
    fm = mask.astype(t_conf.dtype)
    n = jnp.sum(mask)
    # replicate the original indexing bugs exactly
    iou_xy = max_iou[B0, J, R, R]   # bug: last index is R (was g2), used for x and y
    iou_s = max_iou
    x_loss = (t_x - p_x[B0, iou_xy, R, C]) ** 2
    y_loss = (t_y - p_y[B0, iou_xy, R, C]) ** 2
    w_loss = (jnp.sqrt(jnp.clip(t_w, 0.0, None)) - jnp.sqrt(jnp.clip(p_w[B0, iou_s, R, C], 0.0, None))) ** 2
    h_loss = (jnp.sqrt(jnp.clip(t_h, 0.0, None)) - jnp.sqrt(jnp.clip(p_h[B0, iou_s, R, C], 0.0, None))) ** 2
    localization = jnp.sum(((x_loss + y_loss + w_loss + h_loss) * fm).reshape(-1)) / n
    conf_obj = jnp.sum((((t_conf - p_conf[B0, iou_s, R, C]) ** 2) * fm).reshape(-1)) / n
    conf_nothing = (t_conf - p_conf) ** 2
    touched = jnp.zeros_like(conf_nothing).at[B0, iou_s, R, C].max(fm)
    conf_nothing = jnp.where(touched > 0, 0.0, conf_nothing)
    conf_nothing = jnp.mean(conf_nothing)
    offs = jnp.arange(nc)
    pc = predictions[B0[..., None], iou_s[..., None] * 19 + 5 + offs, R[..., None], C[..., None]]
    # bug: target class channels indexed by batch index g0, replicated faithfully
    tc = targets[B0[..., None], B0[..., None] * 19 + 5 + offs, R[..., None], C[..., None]]
    class_loss = jnp.sum((jnp.mean((pc - tc) ** 2, axis=-1) * fm).reshape(-1)) / n
    return localization * LAMBDA_LOC + conf_obj * LAMBDA_COORD + conf_nothing * LAMBDA_NOOBJ + class_loss


def reference(predictions, targets):
    mask, max_iou = _iou_and_grids(predictions, targets)
    return _forward(predictions, targets, mask, max_iou)

if __name__ == "__main__":
    import jax
    _d = setup_inputs()
    print(jax.jit(kernel)(*tuple(_d.values())))

</pallas_src>

<mosaic_0001>
#map = affine_map<(d0, d1) -> (0, 0, 0)>
#map1 = affine_map<(d0, d1) -> (0, 0)>
module attributes {stable_mosaic.version = 14 : i64} {
  func.func @_sc_body(%arg0: i32, %arg1: i32, %arg2: memref<8x190x64xf32, #tpu.memory_space<hbm>>, %arg3: memref<8x190x64xf32, #tpu.memory_space<hbm>>, %arg4: memref<8x16xf32, #tpu.memory_space<hbm>>, %arg5: memref<190x64xf32, #tpu.memory_space<vmem>>, %arg6: memref<190x64xf32, #tpu.memory_space<vmem>>, %arg7: memref<10x64xi32, #tpu.memory_space<vmem>>, %arg8: memref<10x64xf32, #tpu.memory_space<vmem>>, %arg9: memref<10x64xf32, #tpu.memory_space<vmem>>, %arg10: memref<10x64xf32, #tpu.memory_space<vmem>>, %arg11: memref<10x64xf32, #tpu.memory_space<vmem>>, %arg12: memref<40x64xf32, #tpu.memory_space<vmem>>, %arg13: memref<7x16xi32, #tpu.memory_space<vmem>>, %arg14: memref<64xi32, #tpu.memory_space<vmem>>, %arg15: memref<16xf32, #tpu.memory_space<vmem>>) attributes {dimension_semantics = [#tpu.dimension_semantics<core_parallel>, #tpu.dimension_semantics<subcore_parallel>], iteration_bounds = array<i64: 2, 16>, scalar_prefetch = 0 : i64, scratch_operands = 11 : i64, tpu.core_type = #tpu.core_type<sc_vector_subcore>, window_params = [{transform_indices = #map}, {transform_indices = #map}, {transform_indices = #map1}]} {
    %eq3A = arith.constant 0 : i32
    %eq3A_0 = arith.cmpi eq, %arg0, %eq3A : i32
    %lt3A = arith.constant 8 : i32
    %lt3A_1 = arith.cmpi slt, %arg1, %lt3A : i32
    %and3A = arith.andi %eq3A_0, %lt3A_1 : i1
    %iota3A = tpu.iota {dimensions = array<i32: 0>} : vector<16xi32>
    %add3A = arith.constant 0 : i32
    %add3A_2 = vector.broadcast %add3A : i32 to vector<16xi32>
    %add3A_3 = arith.addi %iota3A, %add3A_2 : vector<16xi32>
    %add3A_4 = arith.constant 16 : i32
    %add3A_5 = vector.broadcast %add3A_4 : i32 to vector<16xi32>
    %add3A_6 = arith.addi %iota3A, %add3A_5 : vector<16xi32>
    %add3A_7 = arith.constant 32 : i32
    %add3A_8 = vector.broadcast %add3A_7 : i32 to vector<16xi32>
    %add3A_9 = arith.addi %iota3A, %add3A_8 : vector<16xi32>
    %add3A_10 = arith.constant 48 : i32
    %add3A_11 = vector.broadcast %add3A_10 : i32 to vector<16xi32>
    %add3A_12 = arith.addi %iota3A, %add3A_11 : vector<16xi32>
    %jit3A = arith.constant 7 : i32
    %div3A = vector.broadcast %jit3A : i32 to vector<16xi32>
    %div3A_13 = arith.divsi %add3A_3, %div3A : vector<16xi32>
    %sign3A = arith.constant 0 : i32
    %sign3A_14 = vector.broadcast %sign3A : i32 to vector<16xi32>
    %sign3A_15 = arith.cmpi sgt, %add3A_3, %sign3A_14 : vector<16xi32>
    %sign3A_16 = arith.extui %sign3A_15 : vector<16xi1> to vector<16xi32>
    %sign3A_17 = arith.constant 0 : i32
    %sign3A_18 = vector.broadcast %sign3A_17 : i32 to vector<16xi32>
    %sign3A_19 = arith.cmpi slt, %add3A_3, %sign3A_18 : vector<16xi32>
    %sign3A_20 = arith.extui %sign3A_19 : vector<16xi1> to vector<16xi32>
    %sign3A_21 = arith.subi %sign3A_16, %sign3A_20 : vector<16xi32>
    %sign3A_22 = arith.constant 0 : i32
    %sign3A_23 = arith.cmpi sgt, %jit3A, %sign3A_22 : i32
    %sign3A_24 = arith.extui %sign3A_23 : i1 to i32
    %sign3A_25 = arith.constant 0 : i32
    %sign3A_26 = arith.cmpi slt, %jit3A, %sign3A_25 : i32
    %sign3A_27 = arith.extui %sign3A_26 : i1 to i32
    %sign3A_28 = arith.subi %sign3A_24, %sign3A_27 : i32
    %ne3A = vector.broadcast %sign3A_28 : i32 to vector<16xi32>
    %ne3A_29 = arith.cmpi ne, %sign3A_21, %ne3A : vector<16xi32>
    %rem3A = vector.broadcast %jit3A : i32 to vector<16xi32>
    %rem3A_30 = arith.remsi %add3A_3, %rem3A : vector<16xi32>
    %ne3A_31 = arith.constant 0 : i32
    %ne3A_32 = vector.broadcast %ne3A_31 : i32 to vector<16xi32>
    %ne3A_33 = arith.cmpi ne, %rem3A_30, %ne3A_32 : vector<16xi32>
    %and3A_34 = arith.andi %ne3A_29, %ne3A_33 : vector<16xi1>
    %sub3A = arith.constant 1 : i32
    %sub3A_35 = vector.broadcast %sub3A : i32 to vector<16xi32>
    %sub3A_36 = arith.subi %div3A_13, %sub3A_35 : vector<16xi32>
    %select_n3A = arith.select %and3A_34, %sub3A_36, %div3A_13 : vector<16xi1>, vector<16xi32>
    %min3A = arith.constant 6 : i32
    %min3A_37 = vector.broadcast %min3A : i32 to vector<16xi32>
    %min3A_38 = arith.minsi %select_n3A, %min3A_37 : vector<16xi32>
    %jit3A_39 = arith.constant 7 : i32
    %div3A_40 = vector.broadcast %jit3A_39 : i32 to vector<16xi32>
    %div3A_41 = arith.divsi %add3A_6, %div3A_40 : vector<16xi32>
    %sign3A_42 = arith.constant 0 : i32
    %sign3A_43 = vector.broadcast %sign3A_42 : i32 to vector<16xi32>
    %sign3A_44 = arith.cmpi sgt, %add3A_6, %sign3A_43 : vector<16xi32>
    %sign3A_45 = arith.extui %sign3A_44 : vector<16xi1> to vector<16xi32>
    %sign3A_46 = arith.constant 0 : i32
    %sign3A_47 = vector.broadcast %sign3A_46 : i32 to vector<16xi32>
    %sign3A_48 = arith.cmpi slt, %add3A_6, %sign3A_47 : vector<16xi32>
    %sign3A_49 = arith.extui %sign3A_48 : vector<16xi1> to vector<16xi32>
    %sign3A_50 = arith.subi %sign3A_45, %sign3A_49 : vector<16xi32>
    %sign3A_51 = arith.constant 0 : i32
    %sign3A_52 = arith.cmpi sgt, %jit3A_39, %sign3A_51 : i32
    %sign3A_53 = arith.extui %sign3A_52 : i1 to i32
    %sign3A_54 = arith.constant 0 : i32
    %sign3A_55 = arith.cmpi slt, %jit3A_39, %sign3A_54 : i32
    %sign3A_56 = arith.extui %sign3A_55 : i1 to i32
    %sign3A_57 = arith.subi %sign3A_53, %sign3A_56 : i32
    %ne3A_58 = vector.broadcast %sign3A_57 : i32 to vector<16xi32>
    %ne3A_59 = arith.cmpi ne, %sign3A_50, %ne3A_58 : vector<16xi32>
    %rem3A_60 = vector.broadcast %jit3A_39 : i32 to vector<16xi32>
    %rem3A_61 = arith.remsi %add3A_6, %rem3A_60 : vector<16xi32>
    %ne3A_62 = arith.constant 0 : i32
    %ne3A_63 = vector.broadcast %ne3A_62 : i32 to vector<16xi32>
    %ne3A_64 = arith.cmpi ne, %rem3A_61, %ne3A_63 : vector<16xi32>
    %and3A_65 = arith.andi %ne3A_59, %ne3A_64 : vector<16xi1>
    %sub3A_66 = arith.constant 1 : i32
    %sub3A_67 = vector.broadcast %sub3A_66 : i32 to vector<16xi32>
    %sub3A_68 = arith.subi %div3A_41, %sub3A_67 : vector<16xi32>
    %select_n3A_69 = arith.select %and3A_65, %sub3A_68, %div3A_41 : vector<16xi1>, vector<16xi32>
    %min3A_70 = arith.constant 6 : i32
    %min3A_71 = vector.broadcast %min3A_70 : i32 to vector<16xi32>
    %min3A_72 = arith.minsi %select_n3A_69, %min3A_71 : vector<16xi32>
    %jit3A_73 = arith.constant 7 : i32
    %div3A_74 = vector.broadcast %jit3A_73 : i32 to vector<16xi32>
    %div3A_75 = arith.divsi %add3A_9, %div3A_74 : vector<16xi32>
    %sign3A_76 = arith.constant 0 : i32
    %sign3A_77 = vector.broadcast %sign3A_76 : i32 to vector<16xi32>
    %sign3A_78 = arith.cmpi sgt, %add3A_9, %sign3A_77 : vector<16xi32>
    %sign3A_79 = arith.extui %sign3A_78 : vector<16xi1> to vector<16xi32>
    %sign3A_80 = arith.constant 0 : i32
    %sign3A_81 = vector.broadcast %sign3A_80 : i32 to vector<16xi32>
    %sign3A_82 = arith.cmpi slt, %add3A_9, %sign3A_81 : vector<16xi32>
    %sign3A_83 = arith.extui %sign3A_82 : vector<16xi1> to vector<16xi32>
    %sign3A_84 = arith.subi %sign3A_79, %sign3A_83 : vector<16xi32>
    %sign3A_85 = arith.constant 0 : i32
    %sign3A_86 = arith.cmpi sgt, %jit3A_73, %sign3A_85 : i32
    %sign3A_87 = arith.extui %sign3A_86 : i1 to i32
    %sign3A_88 = arith.constant 0 : i32
    %sign3A_89 = arith.cmpi slt, %jit3A_73, %sign3A_88 : i32
    %sign3A_90 = arith.extui %sign3A_89 : i1 to i32
    %sign3A_91 = arith.subi %sign3A_87, %sign3A_90 : i32
    %ne3A_92 = vector.broadcast %sign3A_91 : i32 to vector<16xi32>
    %ne3A_93 = arith.cmpi ne, %sign3A_84, %ne3A_92 : vector<16xi32>
    %rem3A_94 = vector.broadcast %jit3A_73 : i32 to vector<16xi32>
    %rem3A_95 = arith.remsi %add3A_9, %rem3A_94 : vector<16xi32>
    %ne3A_96 = arith.constant 0 : i32
    %ne3A_97 = vector.broadcast %ne3A_96 : i32 to vector<16xi32>
    %ne3A_98 = arith.cmpi ne, %rem3A_95, %ne3A_97 : vector<16xi32>
    %and3A_99 = arith.andi %ne3A_93, %ne3A_98 : vector<16xi1>
    %sub3A_100 = arith.constant 1 : i32
    %sub3A_101 = vector.broadcast %sub3A_100 : i32 to vector<16xi32>
    %sub3A_102 = arith.subi %div3A_75, %sub3A_101 : vector<16xi32>
    %select_n3A_103 = arith.select %and3A_99, %sub3A_102, %div3A_75 : vector<16xi1>, vector<16xi32>
    %min3A_104 = arith.constant 6 : i32
    %min3A_105 = vector.broadcast %min3A_104 : i32 to vector<16xi32>
    %min3A_106 = arith.minsi %select_n3A_103, %min3A_105 : vector<16xi32>
    %jit3A_107 = arith.constant 7 : i32
    %div3A_108 = vector.broadcast %jit3A_107 : i32 to vector<16xi32>
    %div3A_109 = arith.divsi %add3A_12, %div3A_108 : vector<16xi32>
    %sign3A_110 = arith.constant 0 : i32
    %sign3A_111 = vector.broadcast %sign3A_110 : i32 to vector<16xi32>
    %sign3A_112 = arith.cmpi sgt, %add3A_12, %sign3A_111 : vector<16xi32>
    %sign3A_113 = arith.extui %sign3A_112 : vector<16xi1> to vector<16xi32>
    %sign3A_114 = arith.constant 0 : i32
    %sign3A_115 = vector.broadcast %sign3A_114 : i32 to vector<16xi32>
    %sign3A_116 = arith.cmpi slt, %add3A_12, %sign3A_115 : vector<16xi32>
    %sign3A_117 = arith.extui %sign3A_116 : vector<16xi1> to vector<16xi32>
    %sign3A_118 = arith.subi %sign3A_113, %sign3A_117 : vector<16xi32>
    %sign3A_119 = arith.constant 0 : i32
    %sign3A_120 = arith.cmpi sgt, %jit3A_107, %sign3A_119 : i32
    %sign3A_121 = arith.extui %sign3A_120 : i1 to i32
    %sign3A_122 = arith.constant 0 : i32
    %sign3A_123 = arith.cmpi slt, %jit3A_107, %sign3A_122 : i32
    %sign3A_124 = arith.extui %sign3A_123 : i1 to i32
    %sign3A_125 = arith.subi %sign3A_121, %sign3A_124 : i32
    %ne3A_126 = vector.broadcast %sign3A_125 : i32 to vector<16xi32>
    %ne3A_127 = arith.cmpi ne, %sign3A_118, %ne3A_126 : vector<16xi32>
    %rem3A_128 = vector.broadcast %jit3A_107 : i32 to vector<16xi32>
    %rem3A_129 = arith.remsi %add3A_12, %rem3A_128 : vector<16xi32>
    %ne3A_130 = arith.constant 0 : i32
    %ne3A_131 = vector.broadcast %ne3A_130 : i32 to vector<16xi32>
    %ne3A_132 = arith.cmpi ne, %rem3A_129, %ne3A_131 : vector<16xi32>
    %and3A_133 = arith.andi %ne3A_127, %ne3A_132 : vector<16xi1>
    %sub3A_134 = arith.constant 1 : i32
    %sub3A_135 = vector.broadcast %sub3A_134 : i32 to vector<16xi32>
    %sub3A_136 = arith.subi %div3A_109, %sub3A_135 : vector<16xi32>
    %select_n3A_137 = arith.select %and3A_133, %sub3A_136, %div3A_109 : vector<16xi1>, vector<16xi32>
    %min3A_138 = arith.constant 6 : i32
    %min3A_139 = vector.broadcast %min3A_138 : i32 to vector<16xi32>
    %min3A_140 = arith.minsi %select_n3A_137, %min3A_139 : vector<16xi32>
    %jit3A_141 = arith.constant 7 : i32
    %eq3A_142 = arith.constant 0 : i32
    %eq3A_143 = arith.cmpi eq, %jit3A_141, %eq3A_142 : i32
    %jit3A_144 = arith.constant 1 : i32
    %select_n3A_145 = arith.select %eq3A_143, %jit3A_144, %jit3A_141 : i32
    %rem3A_146 = vector.broadcast %select_n3A_145 : i32 to vector<16xi32>
    %rem3A_147 = arith.remsi %add3A_3, %rem3A_146 : vector<16xi32>
    %ne3A_148 = arith.constant 0 : i32
    %ne3A_149 = vector.broadcast %ne3A_148 : i32 to vector<16xi32>
    %ne3A_150 = arith.cmpi ne, %rem3A_147, %ne3A_149 : vector<16xi32>
    %lt3A_151 = arith.constant 0 : i32
    %lt3A_152 = vector.broadcast %lt3A_151 : i32 to vector<16xi32>
    %lt3A_153 = arith.cmpi slt, %rem3A_147, %lt3A_152 : vector<16xi32>
    %lt3A_154 = arith.constant 0 : i32
    %lt3A_155 = arith.cmpi slt, %select_n3A_145, %lt3A_154 : i32
    %ne3A_156 = vector.broadcast %lt3A_155 : i1 to vector<16xi1>
    %ne3A_157 = vector.broadcast %ne3A_156 : vector<16xi1> to vector<16xi1>
    %ne3A_158 = arith.xori %lt3A_153, %ne3A_157 : vector<16xi1>
    %and3A_159 = arith.andi %ne3A_158, %ne3A_150 : vector<16xi1>
    %add3A_160 = vector.broadcast %select_n3A_145 : i32 to vector<16xi32>
    %add3A_161 = arith.addi %rem3A_147, %add3A_160 : vector<16xi32>
    %select_n3A_162 = arith.select %and3A_159, %add3A_161, %rem3A_147 : vector<16xi1>, vector<16xi32>
    %jit3A_163 = arith.constant 7 : i32
    %eq3A_164 = arith.constant 0 : i32
    %eq3A_165 = arith.cmpi eq, %jit3A_163, %eq3A_164 : i32
    %jit3A_166 = arith.constant 1 : i32
    %select_n3A_167 = arith.select %eq3A_165, %jit3A_166, %jit3A_163 : i32
    %rem3A_168 = vector.broadcast %select_n3A_167 : i32 to vector<16xi32>
    %rem3A_169 = arith.remsi %add3A_6, %rem3A_168 : vector<16xi32>
    %ne3A_170 = arith.constant 0 : i32
    %ne3A_171 = vector.broadcast %ne3A_170 : i32 to vector<16xi32>
    %ne3A_172 = arith.cmpi ne, %rem3A_169, %ne3A_171 : vector<16xi32>
    %lt3A_173 = arith.constant 0 : i32
    %lt3A_174 = vector.broadcast %lt3A_173 : i32 to vector<16xi32>
    %lt3A_175 = arith.cmpi slt, %rem3A_169, %lt3A_174 : vector<16xi32>
    %lt3A_176 = arith.constant 0 : i32
    %lt3A_177 = arith.cmpi slt, %select_n3A_167, %lt3A_176 : i32
    %ne3A_178 = vector.broadcast %lt3A_177 : i1 to vector<16xi1>
    %ne3A_179 = vector.broadcast %ne3A_178 : vector<16xi1> to vector<16xi1>
    %ne3A_180 = arith.xori %lt3A_175, %ne3A_179 : vector<16xi1>
    %and3A_181 = arith.andi %ne3A_180, %ne3A_172 : vector<16xi1>
    %add3A_182 = vector.broadcast %select_n3A_167 : i32 to vector<16xi32>
    %add3A_183 = arith.addi %rem3A_169, %add3A_182 : vector<16xi32>
    %select_n3A_184 = arith.select %and3A_181, %add3A_183, %rem3A_169 : vector<16xi1>, vector<16xi32>
    %jit3A_185 = arith.constant 7 : i32
    %eq3A_186 = arith.constant 0 : i32
    %eq3A_187 = arith.cmpi eq, %jit3A_185, %eq3A_186 : i32
    %jit3A_188 = arith.constant 1 : i32
    %select_n3A_189 = arith.select %eq3A_187, %jit3A_188, %jit3A_185 : i32
    %rem3A_190 = vector.broadcast %select_n3A_189 : i32 to vector<16xi32>
    %rem3A_191 = arith.remsi %add3A_9, %rem3A_190 : vector<16xi32>
    %ne3A_192 = arith.constant 0 : i32
    %ne3A_193 = vector.broadcast %ne3A_192 : i32 to vector<16xi32>
    %ne3A_194 = arith.cmpi ne, %rem3A_191, %ne3A_193 : vector<16xi32>
    %lt3A_195 = arith.constant 0 : i32
    %lt3A_196 = vector.broadcast %lt3A_195 : i32 to vector<16xi32>
    %lt3A_197 = arith.cmpi slt, %rem3A_191, %lt3A_196 : vector<16xi32>
    %lt3A_198 = arith.constant 0 : i32
    %lt3A_199 = arith.cmpi slt, %select_n3A_189, %lt3A_198 : i32
    %ne3A_200 = vector.broadcast %lt3A_199 : i1 to vector<16xi1>
    %ne3A_201 = vector.broadcast %ne3A_200 : vector<16xi1> to vector<16xi1>
    %ne3A_202 = arith.xori %lt3A_197, %ne3A_201 : vector<16xi1>
    %and3A_203 = arith.andi %ne3A_202, %ne3A_194 : vector<16xi1>
    %add3A_204 = vector.broadcast %select_n3A_189 : i32 to vector<16xi32>
    %add3A_205 = arith.addi %rem3A_191, %add3A_204 : vector<16xi32>
    %select_n3A_206 = arith.select %and3A_203, %add3A_205, %rem3A_191 : vector<16xi1>, vector<16xi32>
    %jit3A_207 = arith.constant 7 : i32
    %eq3A_208 = arith.constant 0 : i32
    %eq3A_209 = arith.cmpi eq, %jit3A_207, %eq3A_208 : i32
    %jit3A_210 = arith.constant 1 : i32
    %select_n3A_211 = arith.select %eq3A_209, %jit3A_210, %jit3A_207 : i32
    %rem3A_212 = vector.broadcast %select_n3A_211 : i32 to vector<16xi32>
    %rem3A_213 = arith.remsi %add3A_12, %rem3A_212 : vector<16xi32>
    %ne3A_214 = arith.constant 0 : i32
    %ne3A_215 = vector.broadcast %ne3A_214 : i32 to vector<16xi32>
    %ne3A_216 = arith.cmpi ne, %rem3A_213, %ne3A_215 : vector<16xi32>
    %lt3A_217 = arith.constant 0 : i32
    %lt3A_218 = vector.broadcast %lt3A_217 : i32 to vector<16xi32>
    %lt3A_219 = arith.cmpi slt, %rem3A_213, %lt3A_218 : vector<16xi32>
    %lt3A_220 = arith.constant 0 : i32
    %lt3A_221 = arith.cmpi slt, %select_n3A_211, %lt3A_220 : i32
    %ne3A_222 = vector.broadcast %lt3A_221 : i1 to vector<16xi1>
    %ne3A_223 = vector.broadcast %ne3A_222 : vector<16xi1> to vector<16xi1>
    %ne3A_224 = arith.xori %lt3A_219, %ne3A_223 : vector<16xi1>
    %and3A_225 = arith.andi %ne3A_224, %ne3A_216 : vector<16xi1>
    %add3A_226 = vector.broadcast %select_n3A_211 : i32 to vector<16xi32>
    %add3A_227 = arith.addi %rem3A_213, %add3A_226 : vector<16xi32>
    %select_n3A_228 = arith.select %and3A_225, %add3A_227, %rem3A_213 : vector<16xi1>, vector<16xi32>
    %convert_element_type3A = arith.extui %and3A : i1 to i32
    %cond3A = arith.constant 0 : i32
    %cond3A_229 = arith.cmpi ne, %convert_element_type3A, %cond3A : i32
    scf.if %cond3A_229 {
      "tpu.region"() ({
        %run_scoped3A = tpu.sem_alloc : memref<!tpu.dma_semaphore, #tpu.memory_space<semaphore_mem>>
        %dma_start3A = arith.constant 0 : i32
        %dma_start3A_360 = arith.constant 0 : i32
        %dma_start3A_361 = tpu.memref_slice %arg2[%arg1, %dma_start3A, %dma_start3A_360] : memref<8x190x64xf32, #tpu.memory_space<hbm>> -> memref<1x190x64xf32, #tpu.memory_space<hbm>>
        %dma_start3A_362 = tpu.memref_squeeze %dma_start3A_361 : memref<1x190x64xf32, #tpu.memory_space<hbm>> -> memref<190x64xf32, #tpu.memory_space<hbm>>
        %dma_start3A_363 = arith.constant 0 : i32
        %dma_start3A_364 = arith.constant 0 : i32
        %dma_start3A_365 = tpu.memref_slice %arg2[%arg1, %dma_start3A_363, %dma_start3A_364] : memref<8x190x64xf32, #tpu.memory_space<hbm>> -> memref<1x190x64xf32, #tpu.memory_space<hbm>>
        %dma_start3A_366 = tpu.memref_squeeze %dma_start3A_365 : memref<1x190x64xf32, #tpu.memory_space<hbm>> -> memref<190x64xf32, #tpu.memory_space<hbm>>
        tpu.enqueue_dma source(%dma_start3A_366 : memref<190x64xf32, #tpu.memory_space<hbm>>) target(%arg5 : memref<190x64xf32, #tpu.memory_space<vmem>>) target_semaphore(%run_scoped3A : memref<!tpu.dma_semaphore, #tpu.memory_space<semaphore_mem>>)
        %dma_wait3A = arith.constant 0 : i32
        %dma_wait3A_367 = arith.constant 0 : i32
        %dma_wait3A_368 = tpu.memref_slice %arg2[%arg1, %dma_wait3A, %dma_wait3A_367] : memref<8x190x64xf32, #tpu.memory_space<hbm>> -> memref<1x190x64xf32, #tpu.memory_space<hbm>>
        %dma_wait3A_369 = tpu.memref_squeeze %dma_wait3A_368 : memref<1x190x64xf32, #tpu.memory_space<hbm>> -> memref<190x64xf32, #tpu.memory_space<hbm>>
        %dma_wait3A_370 = arith.constant 0 : i32
        %dma_wait3A_371 = arith.constant 0 : i32
        %dma_wait3A_372 = tpu.memref_slice %arg2[%arg1, %dma_wait3A_370, %dma_wait3A_371] : memref<8x190x64xf32, #tpu.memory_space<hbm>> -> memref<1x190x64xf32, #tpu.memory_space<hbm>>
        %dma_wait3A_373 = tpu.memref_squeeze %dma_wait3A_372 : memref<1x190x64xf32, #tpu.memory_space<hbm>> -> memref<190x64xf32, #tpu.memory_space<hbm>>
        tpu.wait_dma2 semaphore(%run_scoped3A : memref<!tpu.dma_semaphore, #tpu.memory_space<semaphore_mem>>) src(%dma_wait3A_373 : memref<190x64xf32, #tpu.memory_space<hbm>>) dst(%arg5 : memref<190x64xf32, #tpu.memory_space<vmem>>)
        tpu.yield
      }) : () -> ()
      "tpu.region"() ({
        %run_scoped3A = tpu.sem_alloc : memref<!tpu.dma_semaphore, #tpu.memory_space<semaphore_mem>>
        %dma_start3A = arith.constant 0 : i32
        %dma_start3A_360 = arith.constant 0 : i32
        %dma_start3A_361 = tpu.memref_slice %arg3[%arg1, %dma_start3A, %dma_start3A_360] : memref<8x190x64xf32, #tpu.memory_space<hbm>> -> memref<1x190x64xf32, #tpu.memory_space<hbm>>
        %dma_start3A_362 = tpu.memref_squeeze %dma_start3A_361 : memref<1x190x64xf32, #tpu.memory_space<hbm>> -> memref<190x64xf32, #tpu.memory_space<hbm>>
        %dma_start3A_363 = arith.constant 0 : i32
        %dma_start3A_364 = arith.constant 0 : i32
        %dma_start3A_365 = tpu.memref_slice %arg3[%arg1, %dma_start3A_363, %dma_start3A_364] : memref<8x190x64xf32, #tpu.memory_space<hbm>> -> memref<1x190x64xf32, #tpu.memory_space<hbm>>
        %dma_start3A_366 = tpu.memref_squeeze %dma_start3A_365 : memref<1x190x64xf32, #tpu.memory_space<hbm>> -> memref<190x64xf32, #tpu.memory_space<hbm>>
        tpu.enqueue_dma source(%dma_start3A_366 : memref<190x64xf32, #tpu.memory_space<hbm>>) target(%arg6 : memref<190x64xf32, #tpu.memory_space<vmem>>) target_semaphore(%run_scoped3A : memref<!tpu.dma_semaphore, #tpu.memory_space<semaphore_mem>>)
        %dma_wait3A = arith.constant 0 : i32
        %dma_wait3A_367 = arith.constant 0 : i32
        %dma_wait3A_368 = tpu.memref_slice %arg3[%arg1, %dma_wait3A, %dma_wait3A_367] : memref<8x190x64xf32, #tpu.memory_space<hbm>> -> memref<1x190x64xf32, #tpu.memory_space<hbm>>
        %dma_wait3A_369 = tpu.memref_squeeze %dma_wait3A_368 : memref<1x190x64xf32, #tpu.memory_space<hbm>> -> memref<190x64xf32, #tpu.memory_space<hbm>>
        %dma_wait3A_370 = arith.constant 0 : i32
        %dma_wait3A_371 = arith.constant 0 : i32
        %dma_wait3A_372 = tpu.memref_slice %arg3[%arg1, %dma_wait3A_370, %dma_wait3A_371] : memref<8x190x64xf32, #tpu.memory_space<hbm>> -> memref<1x190x64xf32, #tpu.memory_space<hbm>>
        %dma_wait3A_373 = tpu.memref_squeeze %dma_wait3A_372 : memref<1x190x64xf32, #tpu.memory_space<hbm>> -> memref<190x64xf32, #tpu.memory_space<hbm>>
        tpu.wait_dma2 semaphore(%run_scoped3A : memref<!tpu.dma_semaphore, #tpu.memory_space<semaphore_mem>>) src(%dma_wait3A_373 : memref<190x64xf32, #tpu.memory_space<hbm>>) dst(%arg6 : memref<190x64xf32, #tpu.memory_space<vmem>>)
        tpu.yield
      }) : () -> ()
      %broadcast_in_dim3A = arith.constant 0 : i32
      %broadcast_in_dim3A_230 = vector.broadcast %broadcast_in_dim3A : i32 to vector<16xi32>
      %scan3A = arith.constant 0 : i32
      %scan3A_231 = arith.constant 0 : i32
      %scan3A_232 = arith.constant 10 : i32
      %scan3A_233 = arith.addi %scan3A_231, %scan3A_232 : i32
      %scan3A_234 = arith.constant 1 : i32
      %scan3A_235 = scf.for %scan3A_360 = %scan3A_231 to %scan3A_233 step %scan3A_234 iter_args(%scan3A_361 = %scan3A) -> (i32)  : i32 {
        %swap3A_362 = arith.index_cast %scan3A_360 : i32 to index
        %swap3A_363 = arith.constant 0 : index
        %swap3A_364 = tpu.vector_load %arg7[%swap3A_362, %swap3A_363] {strides = array<i32>} : memref<10x64xi32, #tpu.memory_space<vmem>>, vector<16xi32>,
        tpu.vector_store %arg7[%swap3A_362, %swap3A_363], %broadcast_in_dim3A_230 {strides = array<i32>} : memref<10x64xi32, #tpu.memory_space<vmem>>, vector<16xi32>,
        %swap3A_365 = arith.index_cast %scan3A_360 : i32 to index
        %swap3A_366 = arith.constant 16 : index
        %swap3A_367 = tpu.vector_load %arg7[%swap3A_365, %swap3A_366] {strides = array<i32>} : memref<10x64xi32, #tpu.memory_space<vmem>>, vector<16xi32>,
        tpu.vector_store %arg7[%swap3A_365, %swap3A_366], %broadcast_in_dim3A_230 {strides = array<i32>} : memref<10x64xi32, #tpu.memory_space<vmem>>, vector<16xi32>,
        %swap3A_368 = arith.index_cast %scan3A_360 : i32 to index
        %swap3A_369 = arith.constant 32 : index
        %swap3A_370 = tpu.vector_load %arg7[%swap3A_368, %swap3A_369] {strides = array<i32>} : memref<10x64xi32, #tpu.memory_space<vmem>>, vector<16xi32>,
        tpu.vector_store %arg7[%swap3A_368, %swap3A_369], %broadcast_in_dim3A_230 {strides = array<i32>} : memref<10x64xi32, #tpu.memory_space<vmem>>, vector<16xi32>,
        %swap3A_371 = arith.index_cast %scan3A_360 : i32 to index
        %swap3A_372 = arith.constant 48 : index
        %swap3A_373 = tpu.vector_load %arg7[%swap3A_371, %swap3A_372] {strides = array<i32>} : memref<10x64xi32, #tpu.memory_space<vmem>>, vector<16xi32>,
        tpu.vector_store %arg7[%swap3A_371, %swap3A_372], %broadcast_in_dim3A_230 {strides = array<i32>} : memref<10x64xi32, #tpu.memory_space<vmem>>, vector<16xi32>,
        %scan3A_374 = arith.constant 0 : i32
        scf.yield %scan3A_374 : i32
      }
      %scan3A_236 = arith.constant 10 : i32
      %broadcast_in_dim3A_237 = arith.constant 1 : i32
      %broadcast_in_dim3A_238 = vector.broadcast %broadcast_in_dim3A_237 : i32 to vector<16xi32>
      %swap3A = arith.constant 0 : i32
      %swap3A_239 = arith.index_cast %swap3A : i32 to index
      %swap3A_240 = arith.constant 0 : index
      %swap3A_241 = tpu.vector_load %arg13[%swap3A_239, %swap3A_240] {strides = array<i32>} : memref<7x16xi32, #tpu.memory_space<vmem>>, vector<16xi32>,
      tpu.vector_store %arg13[%swap3A_239, %swap3A_240], %broadcast_in_dim3A_238 {strides = array<i32>} : memref<7x16xi32, #tpu.memory_space<vmem>>, vector<16xi32>,
      %broadcast_in_dim3A_242 = arith.constant 1 : i32
      %broadcast_in_dim3A_243 = vector.broadcast %broadcast_in_dim3A_242 : i32 to vector<16xi32>
      %swap3A_244 = arith.constant 1 : i32
      %swap3A_245 = arith.index_cast %swap3A_244 : i32 to index
      %swap3A_246 = arith.constant 0 : index
      %swap3A_247 = tpu.vector_load %arg13[%swap3A_245, %swap3A_246] {strides = array<i32>} : memref<7x16xi32, #tpu.memory_space<vmem>>, vector<16xi32>,
      tpu.vector_store %arg13[%swap3A_245, %swap3A_246], %broadcast_in_dim3A_243 {strides = array<i32>} : memref<7x16xi32, #tpu.memory_space<vmem>>, vector<16xi32>,
      %broadcast_in_dim3A_248 = arith.constant 1 : i32
      %broadcast_in_dim3A_249 = vector.broadcast %broadcast_in_dim3A_248 : i32 to vector<16xi32>
      %swap3A_250 = arith.constant 2 : i32
      %swap3A_251 = arith.index_cast %swap3A_250 : i32 to index
      %swap3A_252 = arith.constant 0 : index
      %swap3A_253 = tpu.vector_load %arg13[%swap3A_251, %swap3A_252] {strides = array<i32>} : memref<7x16xi32, #tpu.memory_space<vmem>>, vector<16xi32>,
      tpu.vector_store %arg13[%swap3A_251, %swap3A_252], %broadcast_in_dim3A_249 {strides = array<i32>} : memref<7x16xi32, #tpu.memory_space<vmem>>, vector<16xi32>,
      %broadcast_in_dim3A_254 = arith.constant 1 : i32
      %broadcast_in_dim3A_255 = vector.broadcast %broadcast_in_dim3A_254 : i32 to vector<16xi32>
      %swap3A_256 = arith.constant 3 : i32
      %swap3A_257 = arith.index_cast %swap3A_256 : i32 to index
      %swap3A_258 = arith.constant 0 : index
      %swap3A_259 = tpu.vector_load %arg13[%swap3A_257, %swap3A_258] {strides = array<i32>} : memref<7x16xi32, #tpu.memory_space<vmem>>, vector<16xi32>,
      tpu.vector_store %arg13[%swap3A_257, %swap3A_258], %broadcast_in_dim3A_255 {strides = array<i32>} : memref<7x16xi32, #tpu.memory_space<vmem>>, vector<16xi32>,
      %broadcast_in_dim3A_260 = arith.constant 1 : i32
      %broadcast_in_dim3A_261 = vector.broadcast %broadcast_in_dim3A_260 : i32 to vector<16xi32>
      %swap3A_262 = arith.constant 4 : i32
      %swap3A_263 = arith.index_cast %swap3A_262 : i32 to index
      %swap3A_264 = arith.constant 0 : index
      %swap3A_265 = tpu.vector_load %arg13[%swap3A_263, %swap3A_264] {strides = array<i32>} : memref<7x16xi32, #tpu.memory_space<vmem>>, vector<16xi32>,
      tpu.vector_store %arg13[%swap3A_263, %swap3A_264], %broadcast_in_dim3A_261 {strides = array<i32>} : memref<7x16xi32, #tpu.memory_space<vmem>>, vector<16xi32>,
      %broadcast_in_dim3A_266 = arith.constant 1 : i32
      %broadcast_in_dim3A_267 = vector.broadcast %broadcast_in_dim3A_266 : i32 to vector<16xi32>
      %swap3A_268 = arith.constant 5 : i32
      %swap3A_269 = arith.index_cast %swap3A_268 : i32 to index
      %swap3A_270 = arith.constant 0 : index
      %swap3A_271 = tpu.vector_load %arg13[%swap3A_269, %swap3A_270] {strides = array<i32>} : memref<7x16xi32, #tpu.memory_space<vmem>>, vector<16xi32>,
      tpu.vector_store %arg13[%swap3A_269, %swap3A_270], %broadcast_in_dim3A_267 {strides = array<i32>} : memref<7x16xi32, #tpu.memory_space<vmem>>, vector<16xi32>,
      %broadcast_in_dim3A_272 = arith.constant 1 : i32
      %broadcast_in_dim3A_273 = vector.broadcast %broadcast_in_dim3A_272 : i32 to vector<16xi32>
      %swap3A_274 = arith.constant 6 : i32
      %swap3A_275 = arith.index_cast %swap3A_274 : i32 to index
      %swap3A_276 = arith.constant 0 : index
      %swap3A_277 = tpu.vector_load %arg13[%swap3A_275, %swap3A_276] {strides = array<i32>} : memref<7x16xi32, #tpu.memory_space<vmem>>, vector<16xi32>,
      tpu.vector_store %arg13[%swap3A_275, %swap3A_276], %broadcast_in_dim3A_273 {strides = array<i32>} : memref<7x16xi32, #tpu.memory_space<vmem>>, vector<16xi32>,
      %scan3A_278 = arith.constant 0 : i32
      %scan3A_279 = arith.constant 0 : i32
      %scan3A_280 = arith.constant 10 : i32
      %scan3A_281 = arith.addi %scan3A_279, %scan3A_280 : i32
      %scan3A_282 = arith.constant 1 : i32
      %scan3A_283 = scf.for %scan3A_360 = %scan3A_279 to %scan3A_281 step %scan3A_282 iter_args(%scan3A_361 = %scan3A_278) -> (i32)  : i32 {
        %broadcast_in_dim3A_362 = arith.constant 0.000000e+00 : f32
        %broadcast_in_dim3A_363 = vector.broadcast %broadcast_in_dim3A_362 : f32 to vector<16xf32>
        %scan3A_364 = arith.constant 0 : i32
        %scan3A_365 = arith.constant 14 : i32
        %scan3A_366 = arith.addi %scan3A_364, %scan3A_365 : i32
        %scan3A_367 = arith.constant 1 : i32
        %scan3A_368 = scf.for %scan3A_419 = %scan3A_364 to %scan3A_366 step %scan3A_367 iter_args(%scan3A_420 = %broadcast_in_dim3A_363) -> (vector<16xf32>)  : i32 {
          %mul3A = arith.constant 19 : i32
          %mul3A_421 = arith.muli %scan3A_360, %mul3A : i32
          %add3A_422 = arith.constant 5 : i32
          %add3A_423 = arith.addi %mul3A_421, %add3A_422 : i32
          %add3A_424 = arith.addi %add3A_423, %scan3A_419 : i32
          %get3A = arith.index_cast %add3A_424 : i32 to index
          %get3A_425 = arith.constant 0 : index
          %get3A_426 = tpu.vector_load %arg5[%get3A, %get3A_425] {strides = array<i32>} : memref<190x64xf32, #tpu.memory_space<vmem>>, vector<16xf32>,
          %mul3A_427 = arith.constant 19 : i32
          %mul3A_428 = arith.muli %arg1, %mul3A_427 : i32
          %add3A_429 = arith.constant 5 : i32
          %add3A_430 = arith.addi %mul3A_428, %add3A_429 : i32
          %add3A_431 = arith.addi %add3A_430, %scan3A_419 : i32
          %get3A_432 = arith.index_cast %add3A_431 : i32 to index
          %get3A_433 = arith.constant 0 : index
          %get3A_434 = tpu.vector_load %arg6[%get3A_432, %get3A_433] {strides = array<i32>} : memref<190x64xf32, #tpu.memory_space<vmem>>, vector<16xf32>,
          %sub3A_435 = arith.subf %get3A_426, %get3A_434 : vector<16xf32>
          %mul3A_436 = arith.mulf %sub3A_435, %sub3A_435 : vector<16xf32>
          %add3A_437 = arith.addf %scan3A_420, %mul3A_436 : vector<16xf32>
          scf.yield %add3A_437 : vector<16xf32>
        }
        %scan3A_369 = arith.constant 14 : i32
        %div3A_370 = arith.constant 1.400000e+01 : f32
        %div3A_371 = vector.broadcast %div3A_370 : f32 to vector<16xf32>
        %div3A_372 = arith.divf %scan3A_368, %div3A_371 : vector<16xf32>
        %swap3A_373 = arith.index_cast %scan3A_360 : i32 to index
        %swap3A_374 = arith.constant 0 : index
        %swap3A_375 = tpu.vector_load %arg9[%swap3A_373, %swap3A_374] {strides = array<i32>} : memref<10x64xf32, #tpu.memory_space<vmem>>, vector<16xf32>,
        tpu.vector_store %arg9[%swap3A_373, %swap3A_374], %div3A_372 {strides = array<i32>} : memref<10x64xf32, #tpu.memory_space<vmem>>, vector<16xf32>,
        %broadcast_in_dim3A_376 = arith.constant 0.000000e+00 : f32
        %broadcast_in_dim3A_377 = vector.broadcast %broadcast_in_dim3A_376 : f32 to vector<16xf32>
        %scan3A_378 = arith.constant 0 : i32
        %scan3A_379 = arith.constant 14 : i32
        %scan3A_380 = arith.addi %scan3A_378, %scan3A_379 : i32
        %scan3A_381 = arith.constant 1 : i32
        %scan3A_382 = scf.for %scan3A_419 = %scan3A_378 to %scan3A_380 step %scan3A_381 iter_args(%scan3A_420 = %broadcast_in_dim3A_377) -> (vector<16xf32>)  : i32 {
          %mul3A = arith.constant 19 : i32
          %mul3A_421 = arith.muli %scan3A_360, %mul3A : i32
          %add3A_422 = arith.constant 5 : i32
          %add3A_423 = arith.addi %mul3A_421, %add3A_422 : i32
          %add3A_424 = arith.addi %add3A_423, %scan3A_419 : i32
          %get3A = arith.index_cast %add3A_424 : i32 to index
          %get3A_425 = arith.constant 16 : index
          %get3A_426 = tpu.vector_load %arg5[%get3A, %get3A_425] {strides = array<i32>} : memref<190x64xf32, #tpu.memory_space<vmem>>, vector<16xf32>,
          %mul3A_427 = arith.constant 19 : i32
          %mul3A_428 = arith.muli %arg1, %mul3A_427 : i32
          %add3A_429 = arith.constant 5 : i32
          %add3A_430 = arith.addi %mul3A_428, %add3A_429 : i32
          %add3A_431 = arith.addi %add3A_430, %scan3A_419 : i32
          %get3A_432 = arith.index_cast %add3A_431 : i32 to index
          %get3A_433 = arith.constant 16 : index
          %get3A_434 = tpu.vector_load %arg6[%get3A_432, %get3A_433] {strides = array<i32>} : memref<190x64xf32, #tpu.memory_space<vmem>>, vector<16xf32>,
          %sub3A_435 = arith.subf %get3A_426, %get3A_434 : vector<16xf32>
          %mul3A_436 = arith.mulf %sub3A_435, %sub3A_435 : vector<16xf32>
          %add3A_437 = arith.addf %scan3A_420, %mul3A_436 : vector<16xf32>
          scf.yield %add3A_437 : vector<16xf32>
        }
        %scan3A_383 = arith.constant 14 : i32
        %div3A_384 = arith.constant 1.400000e+01 : f32
        %div3A_385 = vector.broadcast %div3A_384 : f32 to vector<16xf32>
        %div3A_386 = arith.divf %scan3A_382, %div3A_385 : vector<16xf32>
        %swap3A_387 = arith.index_cast %scan3A_360 : i32 to index
        %swap3A_388 = arith.constant 16 : index
        %swap3A_389 = tpu.vector_load %arg9[%swap3A_387, %swap3A_388] {strides = array<i32>} : memref<10x64xf32, #tpu.memory_space<vmem>>, vector<16xf32>,
        tpu.vector_store %arg9[%swap3A_387, %swap3A_388], %div3A_386 {strides = array<i32>} : memref<10x64xf32, #tpu.memory_space<vmem>>, vector<16xf32>,
        %broadcast_in_dim3A_390 = arith.constant 0.000000e+00 : f32
        %broadcast_in_dim3A_391 = vector.broadcast %broadcast_in_dim3A_390 : f32 to vector<16xf32>
        %scan3A_392 = arith.constant 0 : i32
        %scan3A_393 = arith.constant 14 : i32
        %scan3A_394 = arith.addi %scan3A_392, %scan3A_393 : i32
        %scan3A_395 = arith.constant 1 : i32
        %scan3A_396 = scf.for %scan3A_419 = %scan3A_392 to %scan3A_394 step %scan3A_395 iter_args(%scan3A_420 = %broadcast_in_dim3A_391) -> (vector<16xf32>)  : i32 {
          %mul3A = arith.constant 19 : i32
          %mul3A_421 = arith.muli %scan3A_360, %mul3A : i32
          %add3A_422 = arith.constant 5 : i32
          %add3A_423 = arith.addi %mul3A_421, %add3A_422 : i32
          %add3A_424 = arith.addi %add3A_423, %scan3A_419 : i32
          %get3A = arith.index_cast %add3A_424 : i32 to index
          %get3A_425 = arith.constant 32 : index
          %get3A_426 = tpu.vector_load %arg5[%get3A, %get3A_425] {strides = array<i32>} : memref<190x64xf32, #tpu.memory_space<vmem>>, vector<16xf32>,
          %mul3A_427 = arith.constant 19 : i32
          %mul3A_428 = arith.muli %arg1, %mul3A_427 : i32
          %add3A_429 = arith.constant 5 : i32
          %add3A_430 = arith.addi %mul3A_428, %add3A_429 : i32
          %add3A_431 = arith.addi %add3A_430, %scan3A_419 : i32
          %get3A_432 = arith.index_cast %add3A_431 : i32 to index
          %get3A_433 = arith.constant 32 : index
          %get3A_434 = tpu.vector_load %arg6[%get3A_432, %get3A_433] {strides = array<i32>} : memref<190x64xf32, #tpu.memory_space<vmem>>, vector<16xf32>,
          %sub3A_435 = arith.subf %get3A_426, %get3A_434 : vector<16xf32>
          %mul3A_436 = arith.mulf %sub3A_435, %sub3A_435 : vector<16xf32>
          %add3A_437 = arith.addf %scan3A_420, %mul3A_436 : vector<16xf32>
          scf.yield %add3A_437 : vector<16xf32>
        }
        %scan3A_397 = arith.constant 14 : i32
        %div3A_398 = arith.constant 1.400000e+01 : f32
        %div3A_399 = vector.broadcast %div3A_398 : f32 to vector<16xf32>
        %div3A_400 = arith.divf %scan3A_396, %div3A_399 : vector<16xf32>
        %swap3A_401 = arith.index_cast %scan3A_360 : i32 to index
        %swap3A_402 = arith.constant 32 : index
        %swap3A_403 = tpu.vector_load %arg9[%swap3A_401, %swap3A_402] {strides = array<i32>} : memref<10x64xf32, #tpu.memory_space<vmem>>, vector<16xf32>,
        tpu.vector_store %arg9[%swap3A_401, %swap3A_402], %div3A_400 {strides = array<i32>} : memref<10x64xf32, #tpu.memory_space<vmem>>, vector<16xf32>,
        %broadcast_in_dim3A_404 = arith.constant 0.000000e+00 : f32
        %broadcast_in_dim3A_405 = vector.broadcast %broadcast_in_dim3A_404 : f32 to vector<16xf32>
        %scan3A_406 = arith.constant 0 : i32
        %scan3A_407 = arith.constant 14 : i32
        %scan3A_408 = arith.addi %scan3A_406, %scan3A_407 : i32
        %scan3A_409 = arith.constant 1 : i32
        %scan3A_410 = scf.for %scan3A_419 = %scan3A_406 to %scan3A_408 step %scan3A_409 iter_args(%scan3A_420 = %broadcast_in_dim3A_405) -> (vector<16xf32>)  : i32 {
          %mul3A = arith.constant 19 : i32
          %mul3A_421 = arith.muli %scan3A_360, %mul3A : i32
          %add3A_422 = arith.constant 5 : i32
          %add3A_423 = arith.addi %mul3A_421, %add3A_422 : i32
          %add3A_424 = arith.addi %add3A_423, %scan3A_419 : i32
          %get3A = arith.index_cast %add3A_424 : i32 to index
          %get3A_425 = arith.constant 48 : index
          %get3A_426 = tpu.vector_load %arg5[%get3A, %get3A_425] {strides = array<i32>} : memref<190x64xf32, #tpu.memory_space<vmem>>, vector<16xf32>,
          %mul3A_427 = arith.constant 19 : i32
          %mul3A_428 = arith.muli %arg1, %mul3A_427 : i32
          %add3A_429 = arith.constant 5 : i32
          %add3A_430 = arith.addi %mul3A_428, %add3A_429 : i32
          %add3A_431 = arith.addi %add3A_430, %scan3A_419 : i32
          %get3A_432 = arith.index_cast %add3A_431 : i32 to index
          %get3A_433 = arith.constant 48 : index
          %get3A_434 = tpu.vector_load %arg6[%get3A_432, %get3A_433] {strides = array<i32>} : memref<190x64xf32, #tpu.memory_space<vmem>>, vector<16xf32>,
          %sub3A_435 = arith.subf %get3A_426, %get3A_434 : vector<16xf32>
          %mul3A_436 = arith.mulf %sub3A_435, %sub3A_435 : vector<16xf32>
          %add3A_437 = arith.addf %scan3A_420, %mul3A_436 : vector<16xf32>
          scf.yield %add3A_437 : vector<16xf32>
        }
        %scan3A_411 = arith.constant 14 : i32
        %div3A_412 = arith.constant 1.400000e+01 : f32
        %div3A_413 = vector.broadcast %div3A_412 : f32 to vector<16xf32>
        %div3A_414 = arith.divf %scan3A_410, %div3A_413 : vector<16xf32>
        %swap3A_415 = arith.index_cast %scan3A_360 : i32 to index
        %swap3A_416 = arith.constant 48 : index
        %swap3A_417 = tpu.vector_load %arg9[%swap3A_415, %swap3A_416] {strides = array<i32>} : memref<10x64xf32, #tpu.memory_space<vmem>>, vector<16xf32>,
        tpu.vector_store %arg9[%swap3A_415, %swap3A_416], %div3A_414 {strides = array<i32>} : memref<10x64xf32, #tpu.memory_space<vmem>>, vector<16xf32>,
        %scan3A_418 = arith.constant 0 : i32
        scf.yield %scan3A_418 : i32
      }
      %scan3A_284 = arith.constant 10 : i32
      %scan3A_285 = arith.constant 0 : i32
      %scan3A_286 = arith.constant 0 : i32
      %scan3A_287 = arith.constant 10 : i32
      %scan3A_288 = arith.addi %scan3A_286, %scan3A_287 : i32
      %scan3A_289 = arith.constant 1 : i32
      %scan3A_290 = scf.for %scan3A_360 = %scan3A_286 to %scan3A_288 step %scan3A_289 iter_args(%scan3A_361 = %scan3A_285) -> (i32)  : i32 {
        %mul3A = arith.constant 19 : i32
        %mul3A_362 = arith.muli %scan3A_360, %mul3A : i32
        %add3A_363 = arith.constant 3 : i32
        %add3A_364 = arith.addi %mul3A_362, %add3A_363 : i32
        %get3A = arith.index_cast %add3A_364 : i32 to index
        %get3A_365 = arith.constant 0 : index
        %get3A_366 = tpu.vector_load %arg5[%get3A, %get3A_365] {strides = array<i32>} : memref<190x64xf32, #tpu.memory_space<vmem>>, vector<16xf32>,
        %max3A = arith.constant 0.000000e+00 : f32
        %max3A_367 = vector.broadcast %max3A : f32 to vector<16xf32>
        %max3A_368 = arith.maximumf %get3A_366, %max3A_367 : vector<16xf32>
        %bitcast3A = vector.bitcast %max3A_368 : vector<16xf32> to vector<16xi32>
        %shift_right_logical3A = arith.constant 1 : i32
        %shift_right_logical3A_369 = vector.broadcast %shift_right_logical3A : i32 to vector<16xi32>
        %shift_right_logical3A_370 = arith.shrui %bitcast3A, %shift_right_logical3A_369 : vector<16xi32>
        %add3A_371 = arith.constant 532487669 : i32
        %add3A_372 = vector.broadcast %add3A_371 : i32 to vector<16xi32>
        %add3A_373 = arith.addi %shift_right_logical3A_370, %add3A_372 : vector<16xi32>
        %bitcast3A_374 = vector.bitcast %add3A_373 : vector<16xi32> to vector<16xf32>
        %div3A_375 = arith.divf %max3A_368, %bitcast3A_374 : vector<16xf32>
        %add3A_376 = arith.addf %bitcast3A_374, %div3A_375 : vector<16xf32>
        %mul3A_377 = arith.constant 5.000000e-01 : f32
        %mul3A_378 = vector.broadcast %mul3A_377 : f32 to vector<16xf32>
        %mul3A_379 = arith.mulf %mul3A_378, %add3A_376 : vector<16xf32>
        %div3A_380 = arith.divf %max3A_368, %mul3A_379 : vector<16xf32>
        %add3A_381 = arith.addf %mul3A_379, %div3A_380 : vector<16xf32>
        %mul3A_382 = arith.constant 5.000000e-01 : f32
        %mul3A_383 = vector.broadcast %mul3A_382 : f32 to vector<16xf32>
        %mul3A_384 = arith.mulf %mul3A_383, %add3A_381 : vector<16xf32>
        %div3A_385 = arith.divf %max3A_368, %mul3A_384 : vector<16xf32>
        %add3A_386 = arith.addf %mul3A_384, %div3A_385 : vector<16xf32>
        %mul3A_387 = arith.constant 5.000000e-01 : f32
        %mul3A_388 = vector.broadcast %mul3A_387 : f32 to vector<16xf32>
        %mul3A_389 = arith.mulf %mul3A_388, %add3A_386 : vector<16xf32>
        %div3A_390 = arith.divf %max3A_368, %mul3A_389 : vector<16xf32>
        %add3A_391 = arith.addf %mul3A_389, %div3A_390 : vector<16xf32>
        %mul3A_392 = arith.constant 5.000000e-01 : f32
        %mul3A_393 = vector.broadcast %mul3A_392 : f32 to vector<16xf32>
        %mul3A_394 = arith.mulf %mul3A_393, %add3A_391 : vector<16xf32>
        %swap3A_395 = arith.index_cast %scan3A_360 : i32 to index
        %swap3A_396 = arith.constant 0 : index
        %swap3A_397 = tpu.vector_load %arg10[%swap3A_395, %swap3A_396] {strides = array<i32>} : memref<10x64xf32, #tpu.memory_space<vmem>>, vector<16xf32>,
        tpu.vector_store %arg10[%swap3A_395, %swap3A_396], %mul3A_394 {strides = array<i32>} : memref<10x64xf32, #tpu.memory_space<vmem>>, vector<16xf32>,
        %mul3A_398 = arith.constant 19 : i32
        %mul3A_399 = arith.muli %scan3A_360, %mul3A_398 : i32
        %add3A_400 = arith.constant 4 : i32
        %add3A_401 = arith.addi %mul3A_399, %add3A_400 : i32
        %get3A_402 = arith.index_cast %add3A_401 : i32 to index
        %get3A_403 = arith.constant 0 : index
        %get3A_404 = tpu.vector_load %arg5[%get3A_402, %get3A_403] {strides = array<i32>} : memref<190x64xf32, #tpu.memory_space<vmem>>, vector<16xf32>,
        %max3A_405 = arith.constant 0.000000e+00 : f32
        %max3A_406 = vector.broadcast %max3A_405 : f32 to vector<16xf32>
        %max3A_407 = arith.maximumf %get3A_404, %max3A_406 : vector<16xf32>
        %bitcast3A_408 = vector.bitcast %max3A_407 : vector<16xf32> to vector<16xi32>
        %shift_right_logical3A_409 = arith.constant 1 : i32
        %shift_right_logical3A_410 = vector.broadcast %shift_right_logical3A_409 : i32 to vector<16xi32>
        %shift_right_logical3A_411 = arith.shrui %bitcast3A_408, %shift_right_logical3A_410 : vector<16xi32>
        %add3A_412 = arith.constant 532487669 : i32
        %add3A_413 = vector.broadcast %add3A_412 : i32 to vector<16xi32>
        %add3A_414 = arith.addi %shift_right_logical3A_411, %add3A_413 : vector<16xi32>
        %bitcast3A_415 = vector.bitcast %add3A_414 : vector<16xi32> to vector<16xf32>
        %div3A_416 = arith.divf %max3A_407, %bitcast3A_415 : vector<16xf32>
        %add3A_417 = arith.addf %bitcast3A_415, %div3A_416 : vector<16xf32>
        %mul3A_418 = arith.constant 5.000000e-01 : f32
        %mul3A_419 = vector.broadcast %mul3A_418 : f32 to vector<16xf32>
        %mul3A_420 = arith.mulf %mul3A_419, %add3A_417 : vector<16xf32>
        %div3A_421 = arith.divf %max3A_407, %mul3A_420 : vector<16xf32>
        %add3A_422 = arith.addf %mul3A_420, %div3A_421 : vector<16xf32>
        %mul3A_423 = arith.constant 5.000000e-01 : f32
        %mul3A_424 = vector.broadcast %mul3A_423 : f32 to vector<16xf32>
        %mul3A_425 = arith.mulf %mul3A_424, %add3A_422 : vector<16xf32>
        %div3A_426 = arith.divf %max3A_407, %mul3A_425 : vector<16xf32>
        %add3A_427 = arith.addf %mul3A_425, %div3A_426 : vector<16xf32>
        %mul3A_428 = arith.constant 5.000000e-01 : f32
        %mul3A_429 = vector.broadcast %mul3A_428 : f32 to vector<16xf32>
        %mul3A_430 = arith.mulf %mul3A_429, %add3A_427 : vector<16xf32>
        %div3A_431 = arith.divf %max3A_407, %mul3A_430 : vector<16xf32>
        %add3A_432 = arith.addf %mul3A_430, %div3A_431 : vector<16xf32>
        %mul3A_433 = arith.constant 5.000000e-01 : f32
        %mul3A_434 = vector.broadcast %mul3A_433 : f32 to vector<16xf32>
        %mul3A_435 = arith.mulf %mul3A_434, %add3A_432 : vector<16xf32>
        %swap3A_436 = arith.index_cast %scan3A_360 : i32 to index
        %swap3A_437 = arith.constant 0 : index
        %swap3A_438 = tpu.vector_load %arg11[%swap3A_436, %swap3A_437] {strides = array<i32>} : memref<10x64xf32, #tpu.memory_space<vmem>>, vector<16xf32>,
        tpu.vector_store %arg11[%swap3A_436, %swap3A_437], %mul3A_435 {strides = array<i32>} : memref<10x64xf32, #tpu.memory_space<vmem>>, vector<16xf32>,
        %mul3A_439 = arith.constant 19 : i32
        %mul3A_440 = arith.muli %scan3A_360, %mul3A_439 : i32
        %add3A_441 = arith.constant 3 : i32
        %add3A_442 = arith.addi %mul3A_440, %add3A_441 : i32
        %get3A_443 = arith.index_cast %add3A_442 : i32 to index
        %get3A_444 = arith.constant 16 : index
        %get3A_445 = tpu.vector_load %arg5[%get3A_443, %get3A_444] {strides = array<i32>} : memref<190x64xf32, #tpu.memory_space<vmem>>, vector<16xf32>,
        %max3A_446 = arith.constant 0.000000e+00 : f32
        %max3A_447 = vector.broadcast %max3A_446 : f32 to vector<16xf32>
        %max3A_448 = arith.maximumf %get3A_445, %max3A_447 : vector<16xf32>
        %bitcast3A_449 = vector.bitcast %max3A_448 : vector<16xf32> to vector<16xi32>
        %shift_right_logical3A_450 = arith.constant 1 : i32
        %shift_right_logical3A_451 = vector.broadcast %shift_right_logical3A_450 : i32 to vector<16xi32>
        %shift_right_logical3A_452 = arith.shrui %bitcast3A_449, %shift_right_logical3A_451 : vector<16xi32>
        %add3A_453 = arith.constant 532487669 : i32
        %add3A_454 = vector.broadcast %add3A_453 : i32 to vector<16xi32>
        %add3A_455 = arith.addi %shift_right_logical3A_452, %add3A_454 : vector<16xi32>
        %bitcast3A_456 = vector.bitcast %add3A_455 : vector<16xi32> to vector<16xf32>
        %div3A_457 = arith.divf %max3A_448, %bitcast3A_456 : vector<16xf32>
        %add3A_458 = arith.addf %bitcast3A_456, %div3A_457 : vector<16xf32>
        %mul3A_459 = arith.constant 5.000000e-01 : f32
        %mul3A_460 = vector.broadcast %mul3A_459 : f32 to vector<16xf32>
        %mul3A_461 = arith.mulf %mul3A_460, %add3A_458 : vector<16xf32>
        %div3A_462 = arith.divf %max3A_448, %mul3A_461 : vector<16xf32>
        %add3A_463 = arith.addf %mul3A_461, %div3A_462 : vector<16xf32>
        %mul3A_464 = arith.constant 5.000000e-01 : f32
        %mul3A_465 = vector.broadcast %mul3A_464 : f32 to vector<16xf32>
        %mul3A_466 = arith.mulf %mul3A_465, %add3A_463 : vector<16xf32>
        %div3A_467 = arith.divf %max3A_448, %mul3A_466 : vector<16xf32>
        %add3A_468 = arith.addf %mul3A_466, %div3A_467 : vector<16xf32>
        %mul3A_469 = arith.constant 5.000000e-01 : f32
        %mul3A_470 = vector.broadcast %mul3A_469 : f32 to vector<16xf32>
        %mul3A_471 = arith.mulf %mul3A_470, %add3A_468 : vector<16xf32>
        %div3A_472 = arith.divf %max3A_448, %mul3A_471 : vector<16xf32>
        %add3A_473 = arith.addf %mul3A_471, %div3A_472 : vector<16xf32>
        %mul3A_474 = arith.constant 5.000000e-01 : f32
        %mul3A_475 = vector.broadcast %mul3A_474 : f32 to vector<16xf32>
        %mul3A_476 = arith.mulf %mul3A_475, %add3A_473 : vector<16xf32>
        %swap3A_477 = arith.index_cast %scan3A_360 : i32 to index
        %swap3A_478 = arith.constant 16 : index
        %swap3A_479 = tpu.vector_load %arg10[%swap3A_477, %swap3A_478] {strides = array<i32>} : memref<10x64xf32, #tpu.memory_space<vmem>>, vector<16xf32>,
        tpu.vector_store %arg10[%swap3A_477, %swap3A_478], %mul3A_476 {strides = array<i32>} : memref<10x64xf32, #tpu.memory_space<vmem>>, vector<16xf32>,
        %mul3A_480 = arith.constant 19 : i32
        %mul3A_481 = arith.muli %scan3A_360, %mul3A_480 : i32
        %add3A_482 = arith.constant 4 : i32
        %add3A_483 = arith.addi %mul3A_481, %add3A_482 : i32
        %get3A_484 = arith.index_cast %add3A_483 : i32 to index
        %get3A_485 = arith.constant 16 : index
        %get3A_486 = tpu.vector_load %arg5[%get3A_484, %get3A_485] {strides = array<i32>} : memref<190x64xf32, #tpu.memory_space<vmem>>, vector<16xf32>,
        %max3A_487 = arith.constant 0.000000e+00 : f32
        %max3A_488 = vector.broadcast %max3A_487 : f32 to vector<16xf32>
        %max3A_489 = arith.maximumf %get3A_486, %max3A_488 : vector<16xf32>
        %bitcast3A_490 = vector.bitcast %max3A_489 : vector<16xf32> to vector<16xi32>
        %shift_right_logical3A_491 = arith.constant 1 : i32
        %shift_right_logical3A_492 = vector.broadcast %shift_right_logical3A_491 : i32 to vector<16xi32>
        %shift_right_logical3A_493 = arith.shrui %bitcast3A_490, %shift_right_logical3A_492 : vector<16xi32>
        %add3A_494 = arith.constant 532487669 : i32
        %add3A_495 = vector.broadcast %add3A_494 : i32 to vector<16xi32>
        %add3A_496 = arith.addi %shift_right_logical3A_493, %add3A_495 : vector<16xi32>
        %bitcast3A_497 = vector.bitcast %add3A_496 : vector<16xi32> to vector<16xf32>
        %div3A_498 = arith.divf %max3A_489, %bitcast3A_497 : vector<16xf32>
        %add3A_499 = arith.addf %bitcast3A_497, %div3A_498 : vector<16xf32>
        %mul3A_500 = arith.constant 5.000000e-01 : f32
        %mul3A_501 = vector.broadcast %mul3A_500 : f32 to vector<16xf32>
        %mul3A_502 = arith.mulf %mul3A_501, %add3A_499 : vector<16xf32>
        %div3A_503 = arith.divf %max3A_489, %mul3A_502 : vector<16xf32>
        %add3A_504 = arith.addf %mul3A_502, %div3A_503 : vector<16xf32>
        %mul3A_505 = arith.constant 5.000000e-01 : f32
        %mul3A_506 = vector.broadcast %mul3A_505 : f32 to vector<16xf32>
        %mul3A_507 = arith.mulf %mul3A_506, %add3A_504 : vector<16xf32>
        %div3A_508 = arith.divf %max3A_489, %mul3A_507 : vector<16xf32>
        %add3A_509 = arith.addf %mul3A_507, %div3A_508 : vector<16xf32>
        %mul3A_510 = arith.constant 5.000000e-01 : f32
        %mul3A_511 = vector.broadcast %mul3A_510 : f32 to vector<16xf32>
        %mul3A_512 = arith.mulf %mul3A_511, %add3A_509 : vector<16xf32>
        %div3A_513 = arith.divf %max3A_489, %mul3A_512 : vector<16xf32>
        %add3A_514 = arith.addf %mul3A_512, %div3A_513 : vector<16xf32>
        %mul3A_515 = arith.constant 5.000000e-01 : f32
        %mul3A_516 = vector.broadcast %mul3A_515 : f32 to vector<16xf32>
        %mul3A_517 = arith.mulf %mul3A_516, %add3A_514 : vector<16xf32>
        %swap3A_518 = arith.index_cast %scan3A_360 : i32 to index
        %swap3A_519 = arith.constant 16 : index
        %swap3A_520 = tpu.vector_load %arg11[%swap3A_518, %swap3A_519] {strides = array<i32>} : memref<10x64xf32, #tpu.memory_space<vmem>>, vector<16xf32>,
        tpu.vector_store %arg11[%swap3A_518, %swap3A_519], %mul3A_517 {strides = array<i32>} : memref<10x64xf32, #tpu.memory_space<vmem>>, vector<16xf32>,
        %mul3A_521 = arith.constant 19 : i32
        %mul3A_522 = arith.muli %scan3A_360, %mul3A_521 : i32
        %add3A_523 = arith.constant 3 : i32
        %add3A_524 = arith.addi %mul3A_522, %add3A_523 : i32
        %get3A_525 = arith.index_cast %add3A_524 : i32 to index
        %get3A_526 = arith.constant 32 : index
        %get3A_527 = tpu.vector_load %arg5[%get3A_525, %get3A_526] {strides = array<i32>} : memref<190x64xf32, #tpu.memory_space<vmem>>, vector<16xf32>,
        %max3A_528 = arith.constant 0.000000e+00 : f32
        %max3A_529 = vector.broadcast %max3A_528 : f32 to vector<16xf32>
        %max3A_530 = arith.maximumf %get3A_527, %max3A_529 : vector<16xf32>
        %bitcast3A_531 = vector.bitcast %max3A_530 : vector<16xf32> to vector<16xi32>
        %shift_right_logical3A_532 = arith.constant 1 : i32
        %shift_right_logical3A_533 = vector.broadcast %shift_right_logical3A_532 : i32 to vector<16xi32>
        %shift_right_logical3A_534 = arith.shrui %bitcast3A_531, %shift_right_logical3A_533 : vector<16xi32>
        %add3A_535 = arith.constant 532487669 : i32
        %add3A_536 = vector.broadcast %add3A_535 : i32 to vector<16xi32>
        %add3A_537 = arith.addi %shift_right_logical3A_534, %add3A_536 : vector<16xi32>
        %bitcast3A_538 = vector.bitcast %add3A_537 : vector<16xi32> to vector<16xf32>
        %div3A_539 = arith.divf %max3A_530, %bitcast3A_538 : vector<16xf32>
        %add3A_540 = arith.addf %bitcast3A_538, %div3A_539 : vector<16xf32>
        %mul3A_541 = arith.constant 5.000000e-01 : f32
        %mul3A_542 = vector.broadcast %mul3A_541 : f32 to vector<16xf32>
        %mul3A_543 = arith.mulf %mul3A_542, %add3A_540 : vector<16xf32>
        %div3A_544 = arith.divf %max3A_530, %mul3A_543 : vector<16xf32>
        %add3A_545 = arith.addf %mul3A_543, %div3A_544 : vector<16xf32>
        %mul3A_546 = arith.constant 5.000000e-01 : f32
        %mul3A_547 = vector.broadcast %mul3A_546 : f32 to vector<16xf32>
        %mul3A_548 = arith.mulf %mul3A_547, %add3A_545 : vector<16xf32>
        %div3A_549 = arith.divf %max3A_530, %mul3A_548 : vector<16xf32>
        %add3A_550 = arith.addf %mul3A_548, %div3A_549 : vector<16xf32>
        %mul3A_551 = arith.constant 5.000000e-01 : f32
        %mul3A_552 = vector.broadcast %mul3A_551 : f32 to vector<16xf32>
        %mul3A_553 = arith.mulf %mul3A_552, %add3A_550 : vector<16xf32>
        %div3A_554 = arith.divf %max3A_530, %mul3A_553 : vector<16xf32>
        %add3A_555 = arith.addf %mul3A_553, %div3A_554 : vector<16xf32>
        %mul3A_556 = arith.constant 5.000000e-01 : f32
        %mul3A_557 = vector.broadcast %mul3A_556 : f32 to vector<16xf32>
        %mul3A_558 = arith.mulf %mul3A_557, %add3A_555 : vector<16xf32>
        %swap3A_559 = arith.index_cast %scan3A_360 : i32 to index
        %swap3A_560 = arith.constant 32 : index
        %swap3A_561 = tpu.vector_load %arg10[%swap3A_559, %swap3A_560] {strides = array<i32>} : memref<10x64xf32, #tpu.memory_space<vmem>>, vector<16xf32>,
        tpu.vector_store %arg10[%swap3A_559, %swap3A_560], %mul3A_558 {strides = array<i32>} : memref<10x64xf32, #tpu.memory_space<vmem>>, vector<16xf32>,
        %mul3A_562 = arith.constant 19 : i32
        %mul3A_563 = arith.muli %scan3A_360, %mul3A_562 : i32
        %add3A_564 = arith.constant 4 : i32
        %add3A_565 = arith.addi %mul3A_563, %add3A_564 : i32
        %get3A_566 = arith.index_cast %add3A_565 : i32 to index
        %get3A_567 = arith.constant 32 : index
        %get3A_568 = tpu.vector_load %arg5[%get3A_566, %get3A_567] {strides = array<i32>} : memref<190x64xf32, #tpu.memory_space<vmem>>, vector<16xf32>,
        %max3A_569 = arith.constant 0.000000e+00 : f32
        %max3A_570 = vector.broadcast %max3A_569 : f32 to vector<16xf32>
        %max3A_571 = arith.maximumf %get3A_568, %max3A_570 : vector<16xf32>
        %bitcast3A_572 = vector.bitcast %max3A_571 : vector<16xf32> to vector<16xi32>
        %shift_right_logical3A_573 = arith.constant 1 : i32
        %shift_right_logical3A_574 = vector.broadcast %shift_right_logical3A_573 : i32 to vector<16xi32>
        %shift_right_logical3A_575 = arith.shrui %bitcast3A_572, %shift_right_logical3A_574 : vector<16xi32>
        %add3A_576 = arith.constant 532487669 : i32
        %add3A_577 = vector.broadcast %add3A_576 : i32 to vector<16xi32>
        %add3A_578 = arith.addi %shift_right_logical3A_575, %add3A_577 : vector<16xi32>
        %bitcast3A_579 = vector.bitcast %add3A_578 : vector<16xi32> to vector<16xf32>
        %div3A_580 = arith.divf %max3A_571, %bitcast3A_579 : vector<16xf32>
        %add3A_581 = arith.addf %bitcast3A_579, %div3A_580 : vector<16xf32>
        %mul3A_582 = arith.constant 5.000000e-01 : f32
        %mul3A_583 = vector.broadcast %mul3A_582 : f32 to vector<16xf32>
        %mul3A_584 = arith.mulf %mul3A_583, %add3A_581 : vector<16xf32>
        %div3A_585 = arith.divf %max3A_571, %mul3A_584 : vector<16xf32>
        %add3A_586 = arith.addf %mul3A_584, %div3A_585 : vector<16xf32>
        %mul3A_587 = arith.constant 5.000000e-01 : f32
        %mul3A_588 = vector.broadcast %mul3A_587 : f32 to vector<16xf32>
        %mul3A_589 = arith.mulf %mul3A_588, %add3A_586 : vector<16xf32>
        %div3A_590 = arith.divf %max3A_571, %mul3A_589 : vector<16xf32>
        %add3A_591 = arith.addf %mul3A_589, %div3A_590 : vector<16xf32>
        %mul3A_592 = arith.constant 5.000000e-01 : f32
        %mul3A_593 = vector.broadcast %mul3A_592 : f32 to vector<16xf32>
        %mul3A_594 = arith.mulf %mul3A_593, %add3A_591 : vector<16xf32>
        %div3A_595 = arith.divf %max3A_571, %mul3A_594 : vector<16xf32>
        %add3A_596 = arith.addf %mul3A_594, %div3A_595 : vector<16xf32>
        %mul3A_597 = arith.constant 5.000000e-01 : f32
        %mul3A_598 = vector.broadcast %mul3A_597 : f32 to vector<16xf32>
        %mul3A_599 = arith.mulf %mul3A_598, %add3A_596 : vector<16xf32>
        %swap3A_600 = arith.index_cast %scan3A_360 : i32 to index
        %swap3A_601 = arith.constant 32 : index
        %swap3A_602 = tpu.vector_load %arg11[%swap3A_600, %swap3A_601] {strides = array<i32>} : memref<10x64xf32, #tpu.memory_space<vmem>>, vector<16xf32>,
        tpu.vector_store %arg11[%swap3A_600, %swap3A_601], %mul3A_599 {strides = array<i32>} : memref<10x64xf32, #tpu.memory_space<vmem>>, vector<16xf32>,
        %mul3A_603 = arith.constant 19 : i32
        %mul3A_604 = arith.muli %scan3A_360, %mul3A_603 : i32
        %add3A_605 = arith.constant 3 : i32
        %add3A_606 = arith.addi %mul3A_604, %add3A_605 : i32
        %get3A_607 = arith.index_cast %add3A_606 : i32 to index
        %get3A_608 = arith.constant 48 : index
        %get3A_609 = tpu.vector_load %arg5[%get3A_607, %get3A_608] {strides = array<i32>} : memref<190x64xf32, #tpu.memory_space<vmem>>, vector<16xf32>,
        %max3A_610 = arith.constant 0.000000e+00 : f32
        %max3A_611 = vector.broadcast %max3A_610 : f32 to vector<16xf32>
        %max3A_612 = arith.maximumf %get3A_609, %max3A_611 : vector<16xf32>
        %bitcast3A_613 = vector.bitcast %max3A_612 : vector<16xf32> to vector<16xi32>
        %shift_right_logical3A_614 = arith.constant 1 : i32
        %shift_right_logical3A_615 = vector.broadcast %shift_right_logical3A_614 : i32 to vector<16xi32>
        %shift_right_logical3A_616 = arith.shrui %bitcast3A_613, %shift_right_logical3A_615 : vector<16xi32>
        %add3A_617 = arith.constant 532487669 : i32
        %add3A_618 = vector.broadcast %add3A_617 : i32 to vector<16xi32>
        %add3A_619 = arith.addi %shift_right_logical3A_616, %add3A_618 : vector<16xi32>
        %bitcast3A_620 = vector.bitcast %add3A_619 : vector<16xi32> to vector<16xf32>
        %div3A_621 = arith.divf %max3A_612, %bitcast3A_620 : vector<16xf32>
        %add3A_622 = arith.addf %bitcast3A_620, %div3A_621 : vector<16xf32>
        %mul3A_623 = arith.constant 5.000000e-01 : f32
        %mul3A_624 = vector.broadcast %mul3A_623 : f32 to vector<16xf32>
        %mul3A_625 = arith.mulf %mul3A_624, %add3A_622 : vector<16xf32>
        %div3A_626 = arith.divf %max3A_612, %mul3A_625 : vector<16xf32>
        %add3A_627 = arith.addf %mul3A_625, %div3A_626 : vector<16xf32>
        %mul3A_628 = arith.constant 5.000000e-01 : f32
        %mul3A_629 = vector.broadcast %mul3A_628 : f32 to vector<16xf32>
        %mul3A_630 = arith.mulf %mul3A_629, %add3A_627 : vector<16xf32>
        %div3A_631 = arith.divf %max3A_612, %mul3A_630 : vector<16xf32>
        %add3A_632 = arith.addf %mul3A_630, %div3A_631 : vector<16xf32>
        %mul3A_633 = arith.constant 5.000000e-01 : f32
        %mul3A_634 = vector.broadcast %mul3A_633 : f32 to vector<16xf32>
        %mul3A_635 = arith.mulf %mul3A_634, %add3A_632 : vector<16xf32>
        %div3A_636 = arith.divf %max3A_612, %mul3A_635 : vector<16xf32>
        %add3A_637 = arith.addf %mul3A_635, %div3A_636 : vector<16xf32>
        %mul3A_638 = arith.constant 5.000000e-01 : f32
        %mul3A_639 = vector.broadcast %mul3A_638 : f32 to vector<16xf32>
        %mul3A_640 = arith.mulf %mul3A_639, %add3A_637 : vector<16xf32>
        %swap3A_641 = arith.index_cast %scan3A_360 : i32 to index
        %swap3A_642 = arith.constant 48 : index
        %swap3A_643 = tpu.vector_load %arg10[%swap3A_641, %swap3A_642] {strides = array<i32>} : memref<10x64xf32, #tpu.memory_space<vmem>>, vector<16xf32>,
        tpu.vector_store %arg10[%swap3A_641, %swap3A_642], %mul3A_640 {strides = array<i32>} : memref<10x64xf32, #tpu.memory_space<vmem>>, vector<16xf32>,
        %mul3A_644 = arith.constant 19 : i32
        %mul3A_645 = arith.muli %scan3A_360, %mul3A_644 : i32
        %add3A_646 = arith.constant 4 : i32
        %add3A_647 = arith.addi %mul3A_645, %add3A_646 : i32
        %get3A_648 = arith.index_cast %add3A_647 : i32 to index
        %get3A_649 = arith.constant 48 : index
        %get3A_650 = tpu.vector_load %arg5[%get3A_648, %get3A_649] {strides = array<i32>} : memref<190x64xf32, #tpu.memory_space<vmem>>, vector<16xf32>,
        %max3A_651 = arith.constant 0.000000e+00 : f32
        %max3A_652 = vector.broadcast %max3A_651 : f32 to vector<16xf32>
        %max3A_653 = arith.maximumf %get3A_650, %max3A_652 : vector<16xf32>
        %bitcast3A_654 = vector.bitcast %max3A_653 : vector<16xf32> to vector<16xi32>
        %shift_right_logical3A_655 = arith.constant 1 : i32
        %shift_right_logical3A_656 = vector.broadcast %shift_right_logical3A_655 : i32 to vector<16xi32>
        %shift_right_logical3A_657 = arith.shrui %bitcast3A_654, %shift_right_logical3A_656 : vector<16xi32>
        %add3A_658 = arith.constant 532487669 : i32
        %add3A_659 = vector.broadcast %add3A_658 : i32 to vector<16xi32>
        %add3A_660 = arith.addi %shift_right_logical3A_657, %add3A_659 : vector<16xi32>
        %bitcast3A_661 = vector.bitcast %add3A_660 : vector<16xi32> to vector<16xf32>
        %div3A_662 = arith.divf %max3A_653, %bitcast3A_661 : vector<16xf32>
        %add3A_663 = arith.addf %bitcast3A_661, %div3A_662 : vector<16xf32>
        %mul3A_664 = arith.constant 5.000000e-01 : f32
        %mul3A_665 = vector.broadcast %mul3A_664 : f32 to vector<16xf32>
        %mul3A_666 = arith.mulf %mul3A_665, %add3A_663 : vector<16xf32>
        %div3A_667 = arith.divf %max3A_653, %mul3A_666 : vector<16xf32>
        %add3A_668 = arith.addf %mul3A_666, %div3A_667 : vector<16xf32>
        %mul3A_669 = arith.constant 5.000000e-01 : f32
        %mul3A_670 = vector.broadcast %mul3A_669 : f32 to vector<16xf32>
        %mul3A_671 = arith.mulf %mul3A_670, %add3A_668 : vector<16xf32>
        %div3A_672 = arith.divf %max3A_653, %mul3A_671 : vector<16xf32>
        %add3A_673 = arith.addf %mul3A_671, %div3A_672 : vector<16xf32>
        %mul3A_674 = arith.constant 5.000000e-01 : f32
        %mul3A_675 = vector.broadcast %mul3A_674 : f32 to vector<16xf32>
        %mul3A_676 = arith.mulf %mul3A_675, %add3A_673 : vector<16xf32>
        %div3A_677 = arith.divf %max3A_653, %mul3A_676 : vector<16xf32>
        %add3A_678 = arith.addf %mul3A_676, %div3A_677 : vector<16xf32>
        %mul3A_679 = arith.constant 5.000000e-01 : f32
        %mul3A_680 = vector.broadcast %mul3A_679 : f32 to vector<16xf32>
        %mul3A_681 = arith.mulf %mul3A_680, %add3A_678 : vector<16xf32>
        %swap3A_682 = arith.index_cast %scan3A_360 : i32 to index
        %swap3A_683 = arith.constant 48 : index
        %swap3A_684 = tpu.vector_load %arg11[%swap3A_682, %swap3A_683] {strides = array<i32>} : memref<10x64xf32, #tpu.memory_space<vmem>>, vector<16xf32>,
        tpu.vector_store %arg11[%swap3A_682, %swap3A_683], %mul3A_681 {strides = array<i32>} : memref<10x64xf32, #tpu.memory_space<vmem>>, vector<16xf32>,
        %scan3A_685 = arith.constant 0 : i32
        scf.yield %scan3A_685 : i32
      }
      %scan3A_291 = arith.constant 10 : i32
      %scan3A_292 = arith.constant 0 : i32
      %scan3A_293 = arith.constant 0 : i32
      %scan3A_294 = arith.constant 10 : i32
      %scan3A_295 = arith.addi %scan3A_293, %scan3A_294 : i32
      %scan3A_296 = arith.constant 1 : i32
      %scan3A_297 = scf.for %scan3A_360 = %scan3A_293 to %scan3A_295 step %scan3A_296 iter_args(%scan3A_361 = %scan3A_292) -> (i32)  : i32 {
        %mul3A = arith.constant 19 : i32
        %mul3A_362 = arith.muli %scan3A_360, %mul3A : i32
        %add3A_363 = arith.constant 1 : i32
        %add3A_364 = arith.addi %mul3A_362, %add3A_363 : i32
        %get3A = arith.index_cast %add3A_364 : i32 to index
        %get3A_365 = arith.constant 0 : index
        %get3A_366 = tpu.vector_load %arg5[%get3A, %get3A_365] {strides = array<i32>} : memref<190x64xf32, #tpu.memory_space<vmem>>, vector<16xf32>,
        %add3A_367 = arith.constant 2 : i32
        %add3A_368 = arith.addi %mul3A_362, %add3A_367 : i32
        %get3A_369 = arith.index_cast %add3A_368 : i32 to index
        %get3A_370 = arith.constant 0 : index
        %get3A_371 = tpu.vector_load %arg5[%get3A_369, %get3A_370] {strides = array<i32>} : memref<190x64xf32, #tpu.memory_space<vmem>>, vector<16xf32>,
        %add3A_372 = arith.constant 3 : i32
        %add3A_373 = arith.addi %mul3A_362, %add3A_372 : i32
        %get3A_374 = arith.index_cast %add3A_373 : i32 to index
        %get3A_375 = arith.constant 0 : index
        %get3A_376 = tpu.vector_load %arg5[%get3A_374, %get3A_375] {strides = array<i32>} : memref<190x64xf32, #tpu.memory_space<vmem>>, vector<16xf32>,
        %add3A_377 = arith.constant 4 : i32
        %add3A_378 = arith.addi %mul3A_362, %add3A_377 : i32
        %get3A_379 = arith.index_cast %add3A_378 : i32 to index
        %get3A_380 = arith.constant 0 : index
        %get3A_381 = tpu.vector_load %arg5[%get3A_379, %get3A_380] {strides = array<i32>} : memref<190x64xf32, #tpu.memory_space<vmem>>, vector<16xf32>,
        %div3A_382 = arith.constant 2.000000e+00 : f32
        %div3A_383 = vector.broadcast %div3A_382 : f32 to vector<16xf32>
        %div3A_384 = arith.divf %get3A_376, %div3A_383 : vector<16xf32>
        %sub3A_385 = arith.subf %get3A_366, %div3A_384 : vector<16xf32>
        %mul3A_386 = arith.constant 4 : i32
        %mul3A_387 = arith.muli %scan3A_360, %mul3A_386 : i32
        %swap3A_388 = arith.index_cast %mul3A_387 : i32 to index
        %swap3A_389 = arith.constant 0 : index
        %swap3A_390 = tpu.vector_load %arg12[%swap3A_388, %swap3A_389] {strides = array<i32>} : memref<40x64xf32, #tpu.memory_space<vmem>>, vector<16xf32>,
        tpu.vector_store %arg12[%swap3A_388, %swap3A_389], %sub3A_385 {strides = array<i32>} : memref<40x64xf32, #tpu.memory_space<vmem>>, vector<16xf32>,
        %div3A_391 = arith.constant 2.000000e+00 : f32
        %div3A_392 = vector.broadcast %div3A_391 : f32 to vector<16xf32>
        %div3A_393 = arith.divf %get3A_381, %div3A_392 : vector<16xf32>
        %sub3A_394 = arith.subf %get3A_371, %div3A_393 : vector<16xf32>
        %mul3A_395 = arith.constant 4 : i32
        %mul3A_396 = arith.muli %scan3A_360, %mul3A_395 : i32
        %add3A_397 = arith.constant 1 : i32
        %add3A_398 = arith.addi %mul3A_396, %add3A_397 : i32
        %swap3A_399 = arith.index_cast %add3A_398 : i32 to index
        %swap3A_400 = arith.constant 0 : index
        %swap3A_401 = tpu.vector_load %arg12[%swap3A_399, %swap3A_400] {strides = array<i32>} : memref<40x64xf32, #tpu.memory_space<vmem>>, vector<16xf32>,
        tpu.vector_store %arg12[%swap3A_399, %swap3A_400], %sub3A_394 {strides = array<i32>} : memref<40x64xf32, #tpu.memory_space<vmem>>, vector<16xf32>,
        %div3A_402 = arith.constant 2.000000e+00 : f32
        %div3A_403 = vector.broadcast %div3A_402 : f32 to vector<16xf32>
        %div3A_404 = arith.divf %get3A_376, %div3A_403 : vector<16xf32>
        %add3A_405 = arith.addf %get3A_366, %div3A_404 : vector<16xf32>
        %mul3A_406 = arith.constant 4 : i32
        %mul3A_407 = arith.muli %scan3A_360, %mul3A_406 : i32
        %add3A_408 = arith.constant 2 : i32
        %add3A_409 = arith.addi %mul3A_407, %add3A_408 : i32
        %swap3A_410 = arith.index_cast %add3A_409 : i32 to index
        %swap3A_411 = arith.constant 0 : index
        %swap3A_412 = tpu.vector_load %arg12[%swap3A_410, %swap3A_411] {strides = array<i32>} : memref<40x64xf32, #tpu.memory_space<vmem>>, vector<16xf32>,
        tpu.vector_store %arg12[%swap3A_410, %swap3A_411], %add3A_405 {strides = array<i32>} : memref<40x64xf32, #tpu.memory_space<vmem>>, vector<16xf32>,
        %div3A_413 = arith.constant 2.000000e+00 : f32
        %div3A_414 = vector.broadcast %div3A_413 : f32 to vector<16xf32>
        %div3A_415 = arith.divf %get3A_381, %div3A_414 : vector<16xf32>
        %add3A_416 = arith.addf %get3A_371, %div3A_415 : vector<16xf32>
        %mul3A_417 = arith.constant 4 : i32
        %mul3A_418 = arith.muli %scan3A_360, %mul3A_417 : i32
        %add3A_419 = arith.constant 3 : i32
        %add3A_420 = arith.addi %mul3A_418, %add3A_419 : i32
        %swap3A_421 = arith.index_cast %add3A_420 : i32 to index
        %swap3A_422 = arith.constant 0 : index
        %swap3A_423 = tpu.vector_load %arg12[%swap3A_421, %swap3A_422] {strides = array<i32>} : memref<40x64xf32, #tpu.memory_space<vmem>>, vector<16xf32>,
        tpu.vector_store %arg12[%swap3A_421, %swap3A_422], %add3A_416 {strides = array<i32>} : memref<40x64xf32, #tpu.memory_space<vmem>>, vector<16xf32>,
        %add3A_424 = arith.constant 1 : i32
        %add3A_425 = arith.addi %mul3A_362, %add3A_424 : i32
        %get3A_426 = arith.index_cast %add3A_425 : i32 to index
        %get3A_427 = arith.constant 16 : index
        %get3A_428 = tpu.vector_load %arg5[%get3A_426, %get3A_427] {strides = array<i32>} : memref<190x64xf32, #tpu.memory_space<vmem>>, vector<16xf32>,
        %add3A_429 = arith.constant 2 : i32
        %add3A_430 = arith.addi %mul3A_362, %add3A_429 : i32
        %get3A_431 = arith.index_cast %add3A_430 : i32 to index
        %get3A_432 = arith.constant 16 : index
        %get3A_433 = tpu.vector_load %arg5[%get3A_431, %get3A_432] {strides = array<i32>} : memref<190x64xf32, #tpu.memory_space<vmem>>, vector<16xf32>,
        %add3A_434 = arith.constant 3 : i32
        %add3A_435 = arith.addi %mul3A_362, %add3A_434 : i32
        %get3A_436 = arith.index_cast %add3A_435 : i32 to index
        %get3A_437 = arith.constant 16 : index
        %get3A_438 = tpu.vector_load %arg5[%get3A_436, %get3A_437] {strides = array<i32>} : memref<190x64xf32, #tpu.memory_space<vmem>>, vector<16xf32>,
        %add3A_439 = arith.constant 4 : i32
        %add3A_440 = arith.addi %mul3A_362, %add3A_439 : i32
        %get3A_441 = arith.index_cast %add3A_440 : i32 to index
        %get3A_442 = arith.constant 16 : index
        %get3A_443 = tpu.vector_load %arg5[%get3A_441, %get3A_442] {strides = array<i32>} : memref<190x64xf32, #tpu.memory_space<vmem>>, vector<16xf32>,
        %div3A_444 = arith.constant 2.000000e+00 : f32
        %div3A_445 = vector.broadcast %div3A_444 : f32 to vector<16xf32>
        %div3A_446 = arith.divf %get3A_438, %div3A_445 : vector<16xf32>
        %sub3A_447 = arith.subf %get3A_428, %div3A_446 : vector<16xf32>
        %mul3A_448 = arith.constant 4 : i32
        %mul3A_449 = arith.muli %scan3A_360, %mul3A_448 : i32
        %swap3A_450 = arith.index_cast %mul3A_449 : i32 to index
        %swap3A_451 = arith.constant 16 : index
        %swap3A_452 = tpu.vector_load %arg12[%swap3A_450, %swap3A_451] {strides = array<i32>} : memref<40x64xf32, #tpu.memory_space<vmem>>, vector<16xf32>,
        tpu.vector_store %arg12[%swap3A_450, %swap3A_451], %sub3A_447 {strides = array<i32>} : memref<40x64xf32, #tpu.memory_space<vmem>>, vector<16xf32>,
        %div3A_453 = arith.constant 2.000000e+00 : f32
        %div3A_454 = vector.broadcast %div3A_453 : f32 to vector<16xf32>
        %div3A_455 = arith.divf %get3A_443, %div3A_454 : vector<16xf32>
        %sub3A_456 = arith.subf %get3A_433, %div3A_455 : vector<16xf32>
        %mul3A_457 = arith.constant 4 : i32
        %mul3A_458 = arith.muli %scan3A_360, %mul3A_457 : i32
        %add3A_459 = arith.constant 1 : i32
        %add3A_460 = arith.addi %mul3A_458, %add3A_459 : i32
        %swap3A_461 = arith.index_cast %add3A_460 : i32 to index
        %swap3A_462 = arith.constant 16 : index
        %swap3A_463 = tpu.vector_load %arg12[%swap3A_461, %swap3A_462] {strides = array<i32>} : memref<40x64xf32, #tpu.memory_space<vmem>>, vector<16xf32>,
        tpu.vector_store %arg12[%swap3A_461, %swap3A_462], %sub3A_456 {strides = array<i32>} : memref<40x64xf32, #tpu.memory_space<vmem>>, vector<16xf32>,
        %div3A_464 = arith.constant 2.000000e+00 : f32
        %div3A_465 = vector.broadcast %div3A_464 : f32 to vector<16xf32>
        %div3A_466 = arith.divf %get3A_438, %div3A_465 : vector<16xf32>
        %add3A_467 = arith.addf %get3A_428, %div3A_466 : vector<16xf32>
        %mul3A_468 = arith.constant 4 : i32
        %mul3A_469 = arith.muli %scan3A_360, %mul3A_468 : i32
        %add3A_470 = arith.constant 2 : i32
        %add3A_471 = arith.addi %mul3A_469, %add3A_470 : i32
        %swap3A_472 = arith.index_cast %add3A_471 : i32 to index
        %swap3A_473 = arith.constant 16 : index
        %swap3A_474 = tpu.vector_load %arg12[%swap3A_472, %swap3A_473] {strides = array<i32>} : memref<40x64xf32, #tpu.memory_space<vmem>>, vector<16xf32>,
        tpu.vector_store %arg12[%swap3A_472, %swap3A_473], %add3A_467 {strides = array<i32>} : memref<40x64xf32, #tpu.memory_space<vmem>>, vector<16xf32>,
        %div3A_475 = arith.constant 2.000000e+00 : f32
        %div3A_476 = vector.broadcast %div3A_475 : f32 to vector<16xf32>
        %div3A_477 = arith.divf %get3A_443, %div3A_476 : vector<16xf32>
        %add3A_478 = arith.addf %get3A_433, %div3A_477 : vector<16xf32>
        %mul3A_479 = arith.constant 4 : i32
        %mul3A_480 = arith.muli %scan3A_360, %mul3A_479 : i32
        %add3A_481 = arith.constant 3 : i32
        %add3A_482 = arith.addi %mul3A_480, %add3A_481 : i32
        %swap3A_483 = arith.index_cast %add3A_482 : i32 to index
        %swap3A_484 = arith.constant 16 : index
        %swap3A_485 = tpu.vector_load %arg12[%swap3A_483, %swap3A_484] {strides = array<i32>} : memref<40x64xf32, #tpu.memory_space<vmem>>, vector<16xf32>,
        tpu.vector_store %arg12[%swap3A_483, %swap3A_484], %add3A_478 {strides = array<i32>} : memref<40x64xf32, #tpu.memory_space<vmem>>, vector<16xf32>,
        %add3A_486 = arith.constant 1 : i32
        %add3A_487 = arith.addi %mul3A_362, %add3A_486 : i32
        %get3A_488 = arith.index_cast %add3A_487 : i32 to index
        %get3A_489 = arith.constant 32 : index
        %get3A_490 = tpu.vector_load %arg5[%get3A_488, %get3A_489] {strides = array<i32>} : memref<190x64xf32, #tpu.memory_space<vmem>>, vector<16xf32>,
        %add3A_491 = arith.constant 2 : i32
        %add3A_492 = arith.addi %mul3A_362, %add3A_491 : i32
        %get3A_493 = arith.index_cast %add3A_492 : i32 to index
        %get3A_494 = arith.constant 32 : index
        %get3A_495 = tpu.vector_load %arg5[%get3A_493, %get3A_494] {strides = array<i32>} : memref<190x64xf32, #tpu.memory_space<vmem>>, vector<16xf32>,
        %add3A_496 = arith.constant 3 : i32
        %add3A_497 = arith.addi %mul3A_362, %add3A_496 : i32
        %get3A_498 = arith.index_cast %add3A_497 : i32 to index
        %get3A_499 = arith.constant 32 : index
        %get3A_500 = tpu.vector_load %arg5[%get3A_498, %get3A_499] {strides = array<i32>} : memref<190x64xf32, #tpu.memory_space<vmem>>, vector<16xf32>,
        %add3A_501 = arith.constant 4 : i32
        %add3A_502 = arith.addi %mul3A_362, %add3A_501 : i32
        %get3A_503 = arith.index_cast %add3A_502 : i32 to index
        %get3A_504 = arith.constant 32 : index
        %get3A_505 = tpu.vector_load %arg5[%get3A_503, %get3A_504] {strides = array<i32>} : memref<190x64xf32, #tpu.memory_space<vmem>>, vector<16xf32>,
        %div3A_506 = arith.constant 2.000000e+00 : f32
        %div3A_507 = vector.broadcast %div3A_506 : f32 to vector<16xf32>
        %div3A_508 = arith.divf %get3A_500, %div3A_507 : vector<16xf32>
        %sub3A_509 = arith.subf %get3A_490, %div3A_508 : vector<16xf32>
        %mul3A_510 = arith.constant 4 : i32
        %mul3A_511 = arith.muli %scan3A_360, %mul3A_510 : i32
        %swap3A_512 = arith.index_cast %mul3A_511 : i32 to index
        %swap3A_513 = arith.constant 32 : index
        %swap3A_514 = tpu.vector_load %arg12[%swap3A_512, %swap3A_513] {strides = array<i32>} : memref<40x64xf32, #tpu.memory_space<vmem>>, vector<16xf32>,
        tpu.vector_store %arg12[%swap3A_512, %swap3A_513], %sub3A_509 {strides = array<i32>} : memref<40x64xf32, #tpu.memory_space<vmem>>, vector<16xf32>,
        %div3A_515 = arith.constant 2.000000e+00 : f32
        %div3A_516 = vector.broadcast %div3A_515 : f32 to vector<16xf32>
        %div3A_517 = arith.divf %get3A_505, %div3A_516 : vector<16xf32>
        %sub3A_518 = arith.subf %get3A_495, %div3A_517 : vector<16xf32>
        %mul3A_519 = arith.constant 4 : i32
        %mul3A_520 = arith.muli %scan3A_360, %mul3A_519 : i32
        %add3A_521 = arith.constant 1 : i32
        %add3A_522 = arith.addi %mul3A_520, %add3A_521 : i32
        %swap3A_523 = arith.index_cast %add3A_522 : i32 to index
        %swap3A_524 = arith.constant 32 : index
        %swap3A_525 = tpu.vector_load %arg12[%swap3A_523, %swap3A_524] {strides = array<i32>} : memref<40x64xf32, #tpu.memory_space<vmem>>, vector<16xf32>,
        tpu.vector_store %arg12[%swap3A_523, %swap3A_524], %sub3A_518 {strides = array<i32>} : memref<40x64xf32, #tpu.memory_space<vmem>>, vector<16xf32>,
        %div3A_526 = arith.constant 2.000000e+00 : f32
        %div3A_527 = vector.broadcast %div3A_526 : f32 to vector<16xf32>
        %div3A_528 = arith.divf %get3A_500, %div3A_527 : vector<16xf32>
        %add3A_529 = arith.addf %get3A_490, %div3A_528 : vector<16xf32>
        %mul3A_530 = arith.constant 4 : i32
        %mul3A_531 = arith.muli %scan3A_360, %mul3A_530 : i32
        %add3A_532 = arith.constant 2 : i32
        %add3A_533 = arith.addi %mul3A_531, %add3A_532 : i32
        %swap3A_534 = arith.index_cast %add3A_533 : i32 to index
        %swap3A_535 = arith.constant 32 : index
        %swap3A_536 = tpu.vector_load %arg12[%swap3A_534, %swap3A_535] {strides = array<i32>} : memref<40x64xf32, #tpu.memory_space<vmem>>, vector<16xf32>,
        tpu.vector_store %arg12[%swap3A_534, %swap3A_535], %add3A_529 {strides = array<i32>} : memref<40x64xf32, #tpu.memory_space<vmem>>, vector<16xf32>,
        %div3A_537 = arith.constant 2.000000e+00 : f32
        %div3A_538 = vector.broadcast %div3A_537 : f32 to vector<16xf32>
        %div3A_539 = arith.divf %get3A_505, %div3A_538 : vector<16xf32>
        %add3A_540 = arith.addf %get3A_495, %div3A_539 : vector<16xf32>
        %mul3A_541 = arith.constant 4 : i32
        %mul3A_542 = arith.muli %scan3A_360, %mul3A_541 : i32
        %add3A_543 = arith.constant 3 : i32
        %add3A_544 = arith.addi %mul3A_542, %add3A_543 : i32
        %swap3A_545 = arith.index_cast %add3A_544 : i32 to index
        %swap3A_546 = arith.constant 32 : index
        %swap3A_547 = tpu.vector_load %arg12[%swap3A_545, %swap3A_546] {strides = array<i32>} : memref<40x64xf32, #tpu.memory_space<vmem>>, vector<16xf32>,
        tpu.vector_store %arg12[%swap3A_545, %swap3A_546], %add3A_540 {strides = array<i32>} : memref<40x64xf32, #tpu.memory_space<vmem>>, vector<16xf32>,
        %add3A_548 = arith.constant 1 : i32
        %add3A_549 = arith.addi %mul3A_362, %add3A_548 : i32
        %get3A_550 = arith.index_cast %add3A_549 : i32 to index
        %get3A_551 = arith.constant 48 : index
        %get3A_552 = tpu.vector_load %arg5[%get3A_550, %get3A_551] {strides = array<i32>} : memref<190x64xf32, #tpu.memory_space<vmem>>, vector<16xf32>,
        %add3A_553 = arith.constant 2 : i32
        %add3A_554 = arith.addi %mul3A_362, %add3A_553 : i32
        %get3A_555 = arith.index_cast %add3A_554 : i32 to index
        %get3A_556 = arith.constant 48 : index
        %get3A_557 = tpu.vector_load %arg5[%get3A_555, %get3A_556] {strides = array<i32>} : memref<190x64xf32, #tpu.memory_space<vmem>>, vector<16xf32>,
        %add3A_558 = arith.constant 3 : i32
        %add3A_559 = arith.addi %mul3A_362, %add3A_558 : i32
        %get3A_560 = arith.index_cast %add3A_559 : i32 to index
        %get3A_561 = arith.constant 48 : index
        %get3A_562 = tpu.vector_load %arg5[%get3A_560, %get3A_561] {strides = array<i32>} : memref<190x64xf32, #tpu.memory_space<vmem>>, vector<16xf32>,
        %add3A_563 = arith.constant 4 : i32
        %add3A_564 = arith.addi %mul3A_362, %add3A_563 : i32
        %get3A_565 = arith.index_cast %add3A_564 : i32 to index
        %get3A_566 = arith.constant 48 : index
        %get3A_567 = tpu.vector_load %arg5[%get3A_565, %get3A_566] {strides = array<i32>} : memref<190x64xf32, #tpu.memory_space<vmem>>, vector<16xf32>,
        %div3A_568 = arith.constant 2.000000e+00 : f32
        %div3A_569 = vector.broadcast %div3A_568 : f32 to vector<16xf32>
        %div3A_570 = arith.divf %get3A_562, %div3A_569 : vector<16xf32>
        %sub3A_571 = arith.subf %get3A_552, %div3A_570 : vector<16xf32>
        %mul3A_572 = arith.constant 4 : i32
        %mul3A_573 = arith.muli %scan3A_360, %mul3A_572 : i32
        %swap3A_574 = arith.index_cast %mul3A_573 : i32 to index
        %swap3A_575 = arith.constant 48 : index
        %swap3A_576 = tpu.vector_load %arg12[%swap3A_574, %swap3A_575] {strides = array<i32>} : memref<40x64xf32, #tpu.memory_space<vmem>>, vector<16xf32>,
        tpu.vector_store %arg12[%swap3A_574, %swap3A_575], %sub3A_571 {strides = array<i32>} : memref<40x64xf32, #tpu.memory_space<vmem>>, vector<16xf32>,
        %div3A_577 = arith.constant 2.000000e+00 : f32
        %div3A_578 = vector.broadcast %div3A_577 : f32 to vector<16xf32>
        %div3A_579 = arith.divf %get3A_567, %div3A_578 : vector<16xf32>
        %sub3A_580 = arith.subf %get3A_557, %div3A_579 : vector<16xf32>
        %mul3A_581 = arith.constant 4 : i32
        %mul3A_582 = arith.muli %scan3A_360, %mul3A_581 : i32
        %add3A_583 = arith.constant 1 : i32
        %add3A_584 = arith.addi %mul3A_582, %add3A_583 : i32
        %swap3A_585 = arith.index_cast %add3A_584 : i32 to index
        %swap3A_586 = arith.constant 48 : index
        %swap3A_587 = tpu.vector_load %arg12[%swap3A_585, %swap3A_586] {strides = array<i32>} : memref<40x64xf32, #tpu.memory_space<vmem>>, vector<16xf32>,
        tpu.vector_store %arg12[%swap3A_585, %swap3A_586], %sub3A_580 {strides = array<i32>} : memref<40x64xf32, #tpu.memory_space<vmem>>, vector<16xf32>,
        %div3A_588 = arith.constant 2.000000e+00 : f32
        %div3A_589 = vector.broadcast %div3A_588 : f32 to vector<16xf32>
        %div3A_590 = arith.divf %get3A_562, %div3A_589 : vector<16xf32>
        %add3A_591 = arith.addf %get3A_552, %div3A_590 : vector<16xf32>
        %mul3A_592 = arith.constant 4 : i32
        %mul3A_593 = arith.muli %scan3A_360, %mul3A_592 : i32
        %add3A_594 = arith.constant 2 : i32
        %add3A_595 = arith.addi %mul3A_593, %add3A_594 : i32
        %swap3A_596 = arith.index_cast %add3A_595 : i32 to index
        %swap3A_597 = arith.constant 48 : index
        %swap3A_598 = tpu.vector_load %arg12[%swap3A_596, %swap3A_597] {strides = array<i32>} : memref<40x64xf32, #tpu.memory_space<vmem>>, vector<16xf32>,
        tpu.vector_store %arg12[%swap3A_596, %swap3A_597], %add3A_591 {strides = array<i32>} : memref<40x64xf32, #tpu.memory_space<vmem>>, vector<16xf32>,
        %div3A_599 = arith.constant 2.000000e+00 : f32
        %div3A_600 = vector.broadcast %div3A_599 : f32 to vector<16xf32>
        %div3A_601 = arith.divf %get3A_567, %div3A_600 : vector<16xf32>
        %add3A_602 = arith.addf %get3A_557, %div3A_601 : vector<16xf32>
        %mul3A_603 = arith.constant 4 : i32
        %mul3A_604 = arith.muli %scan3A_360, %mul3A_603 : i32
        %add3A_605 = arith.constant 3 : i32
        %add3A_606 = arith.addi %mul3A_604, %add3A_605 : i32
        %swap3A_607 = arith.index_cast %add3A_606 : i32 to index
        %swap3A_608 = arith.constant 48 : index
        %swap3A_609 = tpu.vector_load %arg12[%swap3A_607, %swap3A_608] {strides = array<i32>} : memref<40x64xf32, #tpu.memory_space<vmem>>, vector<16xf32>,
        tpu.vector_store %arg12[%swap3A_607, %swap3A_608], %add3A_602 {strides = array<i32>} : memref<40x64xf32, #tpu.memory_space<vmem>>, vector<16xf32>,
        %scan3A_610 = arith.constant 0 : i32
        scf.yield %scan3A_610 : i32
      }
      %scan3A_298 = arith.constant 10 : i32
      %scan3A_299 = arith.constant 0 : i32
      %scan3A_300 = arith.constant 0 : i32
      %scan3A_301 = arith.constant 10 : i32
      %scan3A_302 = arith.addi %scan3A_300, %scan3A_301 : i32
      %scan3A_303 = arith.constant 1 : i32
      %scan3A_304 = scf.for %scan3A_360 = %scan3A_300 to %scan3A_302 step %scan3A_303 iter_args(%scan3A_361 = %scan3A_299) -> (i32)  : i32 {
        %mul3A = arith.constant 19 : i32
        %mul3A_362 = arith.muli %scan3A_360, %mul3A : i32
        %broadcast_in_dim3A_363 = vector.broadcast %scan3A_360 : i32 to vector<16xi32>
        %get3A = arith.index_cast %mul3A_362 : i32 to index
        %get3A_364 = arith.constant 0 : index
        %get3A_365 = tpu.vector_load %arg6[%get3A, %get3A_364] {strides = array<i32>} : memref<190x64xf32, #tpu.memory_space<vmem>>, vector<16xf32>,
        %add3A_366 = arith.constant 1 : i32
        %add3A_367 = arith.addi %mul3A_362, %add3A_366 : i32
        %get3A_368 = arith.index_cast %add3A_367 : i32 to index
        %get3A_369 = arith.constant 0 : index
        %get3A_370 = tpu.vector_load %arg6[%get3A_368, %get3A_369] {strides = array<i32>} : memref<190x64xf32, #tpu.memory_space<vmem>>, vector<16xf32>,
        %add3A_371 = arith.constant 2 : i32
        %add3A_372 = arith.addi %mul3A_362, %add3A_371 : i32
        %get3A_373 = arith.index_cast %add3A_372 : i32 to index
        %get3A_374 = arith.constant 0 : index
        %get3A_375 = tpu.vector_load %arg6[%get3A_373, %get3A_374] {strides = array<i32>} : memref<190x64xf32, #tpu.memory_space<vmem>>, vector<16xf32>,
        %add3A_376 = arith.constant 3 : i32
        %add3A_377 = arith.addi %mul3A_362, %add3A_376 : i32
        %get3A_378 = arith.index_cast %add3A_377 : i32 to index
        %get3A_379 = arith.constant 0 : index
        %get3A_380 = tpu.vector_load %arg6[%get3A_378, %get3A_379] {strides = array<i32>} : memref<190x64xf32, #tpu.memory_space<vmem>>, vector<16xf32>,
        %add3A_381 = arith.constant 4 : i32
        %add3A_382 = arith.addi %mul3A_362, %add3A_381 : i32
        %get3A_383 = arith.index_cast %add3A_382 : i32 to index
        %get3A_384 = arith.constant 0 : index
        %get3A_385 = tpu.vector_load %arg6[%get3A_383, %get3A_384] {strides = array<i32>} : memref<190x64xf32, #tpu.memory_space<vmem>>, vector<16xf32>,
        %ne3A_386 = arith.constant 0.000000e+00 : f32
        %ne3A_387 = vector.broadcast %ne3A_386 : f32 to vector<16xf32>
        %ne3A_388 = arith.cmpf one, %get3A_365, %ne3A_387 : vector<16xf32>
        %div3A_389 = arith.constant 2.000000e+00 : f32
        %div3A_390 = vector.broadcast %div3A_389 : f32 to vector<16xf32>
        %div3A_391 = arith.divf %get3A_380, %div3A_390 : vector<16xf32>
        %sub3A_392 = arith.subf %get3A_370, %div3A_391 : vector<16xf32>
        %div3A_393 = arith.constant 2.000000e+00 : f32
        %div3A_394 = vector.broadcast %div3A_393 : f32 to vector<16xf32>
        %div3A_395 = arith.divf %get3A_385, %div3A_394 : vector<16xf32>
        %sub3A_396 = arith.subf %get3A_375, %div3A_395 : vector<16xf32>
        %div3A_397 = arith.constant 2.000000e+00 : f32
        %div3A_398 = vector.broadcast %div3A_397 : f32 to vector<16xf32>
        %div3A_399 = arith.divf %get3A_380, %div3A_398 : vector<16xf32>
        %add3A_400 = arith.addf %get3A_370, %div3A_399 : vector<16xf32>
        %div3A_401 = arith.constant 2.000000e+00 : f32
        %div3A_402 = vector.broadcast %div3A_401 : f32 to vector<16xf32>
        %div3A_403 = arith.divf %get3A_385, %div3A_402 : vector<16xf32>
        %add3A_404 = arith.addf %get3A_375, %div3A_403 : vector<16xf32>
        %get3A_405 = arith.index_cast %mul3A_362 : i32 to index
        %get3A_406 = arith.constant 16 : index
        %get3A_407 = tpu.vector_load %arg6[%get3A_405, %get3A_406] {strides = array<i32>} : memref<190x64xf32, #tpu.memory_space<vmem>>, vector<16xf32>,
        %add3A_408 = arith.constant 1 : i32
        %add3A_409 = arith.addi %mul3A_362, %add3A_408 : i32
        %get3A_410 = arith.index_cast %add3A_409 : i32 to index
        %get3A_411 = arith.constant 16 : index
        %get3A_412 = tpu.vector_load %arg6[%get3A_410, %get3A_411] {strides = array<i32>} : memref<190x64xf32, #tpu.memory_space<vmem>>, vector<16xf32>,
        %add3A_413 = arith.constant 2 : i32
        %add3A_414 = arith.addi %mul3A_362, %add3A_413 : i32
        %get3A_415 = arith.index_cast %add3A_414 : i32 to index
        %get3A_416 = arith.constant 16 : index
        %get3A_417 = tpu.vector_load %arg6[%get3A_415, %get3A_416] {strides = array<i32>} : memref<190x64xf32, #tpu.memory_space<vmem>>, vector<16xf32>,
        %add3A_418 = arith.constant 3 : i32
        %add3A_419 = arith.addi %mul3A_362, %add3A_418 : i32
        %get3A_420 = arith.index_cast %add3A_419 : i32 to index
        %get3A_421 = arith.constant 16 : index
        %get3A_422 = tpu.vector_load %arg6[%get3A_420, %get3A_421] {strides = array<i32>} : memref<190x64xf32, #tpu.memory_space<vmem>>, vector<16xf32>,
        %add3A_423 = arith.constant 4 : i32
        %add3A_424 = arith.addi %mul3A_362, %add3A_423 : i32
        %get3A_425 = arith.index_cast %add3A_424 : i32 to index
        %get3A_426 = arith.constant 16 : index
        %get3A_427 = tpu.vector_load %arg6[%get3A_425, %get3A_426] {strides = array<i32>} : memref<190x64xf32, #tpu.memory_space<vmem>>, vector<16xf32>,
        %ne3A_428 = arith.constant 0.000000e+00 : f32
        %ne3A_429 = vector.broadcast %ne3A_428 : f32 to vector<16xf32>
        %ne3A_430 = arith.cmpf one, %get3A_407, %ne3A_429 : vector<16xf32>
        %div3A_431 = arith.constant 2.000000e+00 : f32
        %div3A_432 = vector.broadcast %div3A_431 : f32 to vector<16xf32>
        %div3A_433 = arith.divf %get3A_422, %div3A_432 : vector<16xf32>
        %sub3A_434 = arith.subf %get3A_412, %div3A_433 : vector<16xf32>
        %div3A_435 = arith.constant 2.000000e+00 : f32
        %div3A_436 = vector.broadcast %div3A_435 : f32 to vector<16xf32>
        %div3A_437 = arith.divf %get3A_427, %div3A_436 : vector<16xf32>
        %sub3A_438 = arith.subf %get3A_417, %div3A_437 : vector<16xf32>
        %div3A_439 = arith.constant 2.000000e+00 : f32
        %div3A_440 = vector.broadcast %div3A_439 : f32 to vector<16xf32>
        %div3A_441 = arith.divf %get3A_422, %div3A_440 : vector<16xf32>
        %add3A_442 = arith.addf %get3A_412, %div3A_441 : vector<16xf32>
        %div3A_443 = arith.constant 2.000000e+00 : f32
        %div3A_444 = vector.broadcast %div3A_443 : f32 to vector<16xf32>
        %div3A_445 = arith.divf %get3A_427, %div3A_444 : vector<16xf32>
        %add3A_446 = arith.addf %get3A_417, %div3A_445 : vector<16xf32>
        %get3A_447 = arith.index_cast %mul3A_362 : i32 to index
        %get3A_448 = arith.constant 32 : index
        %get3A_449 = tpu.vector_load %arg6[%get3A_447, %get3A_448] {strides = array<i32>} : memref<190x64xf32, #tpu.memory_space<vmem>>, vector<16xf32>,
        %add3A_450 = arith.constant 1 : i32
        %add3A_451 = arith.addi %mul3A_362, %add3A_450 : i32
        %get3A_452 = arith.index_cast %add3A_451 : i32 to index
        %get3A_453 = arith.constant 32 : index
        %get3A_454 = tpu.vector_load %arg6[%get3A_452, %get3A_453] {strides = array<i32>} : memref<190x64xf32, #tpu.memory_space<vmem>>, vector<16xf32>,
        %add3A_455 = arith.constant 2 : i32
        %add3A_456 = arith.addi %mul3A_362, %add3A_455 : i32
        %get3A_457 = arith.index_cast %add3A_456 : i32 to index
        %get3A_458 = arith.constant 32 : index
        %get3A_459 = tpu.vector_load %arg6[%get3A_457, %get3A_458] {strides = array<i32>} : memref<190x64xf32, #tpu.memory_space<vmem>>, vector<16xf32>,
        %add3A_460 = arith.constant 3 : i32
        %add3A_461 = arith.addi %mul3A_362, %add3A_460 : i32
        %get3A_462 = arith.index_cast %add3A_461 : i32 to index
        %get3A_463 = arith.constant 32 : index
        %get3A_464 = tpu.vector_load %arg6[%get3A_462, %get3A_463] {strides = array<i32>} : memref<190x64xf32, #tpu.memory_space<vmem>>, vector<16xf32>,
        %add3A_465 = arith.constant 4 : i32
        %add3A_466 = arith.addi %mul3A_362, %add3A_465 : i32
        %get3A_467 = arith.index_cast %add3A_466 : i32 to index
        %get3A_468 = arith.constant 32 : index
        %get3A_469 = tpu.vector_load %arg6[%get3A_467, %get3A_468] {strides = array<i32>} : memref<190x64xf32, #tpu.memory_space<vmem>>, vector<16xf32>,
        %ne3A_470 = arith.constant 0.000000e+00 : f32
        %ne3A_471 = vector.broadcast %ne3A_470 : f32 to vector<16xf32>
        %ne3A_472 = arith.cmpf one, %get3A_449, %ne3A_471 : vector<16xf32>
        %div3A_473 = arith.constant 2.000000e+00 : f32
        %div3A_474 = vector.broadcast %div3A_473 : f32 to vector<16xf32>
        %div3A_475 = arith.divf %get3A_464, %div3A_474 : vector<16xf32>
        %sub3A_476 = arith.subf %get3A_454, %div3A_475 : vector<16xf32>
        %div3A_477 = arith.constant 2.000000e+00 : f32
        %div3A_478 = vector.broadcast %div3A_477 : f32 to vector<16xf32>
        %div3A_479 = arith.divf %get3A_469, %div3A_478 : vector<16xf32>
        %sub3A_480 = arith.subf %get3A_459, %div3A_479 : vector<16xf32>
        %div3A_481 = arith.constant 2.000000e+00 : f32
        %div3A_482 = vector.broadcast %div3A_481 : f32 to vector<16xf32>
        %div3A_483 = arith.divf %get3A_464, %div3A_482 : vector<16xf32>
        %add3A_484 = arith.addf %get3A_454, %div3A_483 : vector<16xf32>
        %div3A_485 = arith.constant 2.000000e+00 : f32
        %div3A_486 = vector.broadcast %div3A_485 : f32 to vector<16xf32>
        %div3A_487 = arith.divf %get3A_469, %div3A_486 : vector<16xf32>
        %add3A_488 = arith.addf %get3A_459, %div3A_487 : vector<16xf32>
        %get3A_489 = arith.index_cast %mul3A_362 : i32 to index
        %get3A_490 = arith.constant 48 : index
        %get3A_491 = tpu.vector_load %arg6[%get3A_489, %get3A_490] {strides = array<i32>} : memref<190x64xf32, #tpu.memory_space<vmem>>, vector<16xf32>,
        %add3A_492 = arith.constant 1 : i32
        %add3A_493 = arith.addi %mul3A_362, %add3A_492 : i32
        %get3A_494 = arith.index_cast %add3A_493 : i32 to index
        %get3A_495 = arith.constant 48 : index
        %get3A_496 = tpu.vector_load %arg6[%get3A_494, %get3A_495] {strides = array<i32>} : memref<190x64xf32, #tpu.memory_space<vmem>>, vector<16xf32>,
        %add3A_497 = arith.constant 2 : i32
        %add3A_498 = arith.addi %mul3A_362, %add3A_497 : i32
        %get3A_499 = arith.index_cast %add3A_498 : i32 to index
        %get3A_500 = arith.constant 48 : index
        %get3A_501 = tpu.vector_load %arg6[%get3A_499, %get3A_500] {strides = array<i32>} : memref<190x64xf32, #tpu.memory_space<vmem>>, vector<16xf32>,
        %add3A_502 = arith.constant 3 : i32
        %add3A_503 = arith.addi %mul3A_362, %add3A_502 : i32
        %get3A_504 = arith.index_cast %add3A_503 : i32 to index
        %get3A_505 = arith.constant 48 : index
        %get3A_506 = tpu.vector_load %arg6[%get3A_504, %get3A_505] {strides = array<i32>} : memref<190x64xf32, #tpu.memory_space<vmem>>, vector<16xf32>,
        %add3A_507 = arith.constant 4 : i32
        %add3A_508 = arith.addi %mul3A_362, %add3A_507 : i32
        %get3A_509 = arith.index_cast %add3A_508 : i32 to index
        %get3A_510 = arith.constant 48 : index
        %get3A_511 = tpu.vector_load %arg6[%get3A_509, %get3A_510] {strides = array<i32>} : memref<190x64xf32, #tpu.memory_space<vmem>>, vector<16xf32>,
        %ne3A_512 = arith.constant 0.000000e+00 : f32
        %ne3A_513 = vector.broadcast %ne3A_512 : f32 to vector<16xf32>
        %ne3A_514 = arith.cmpf one, %get3A_491, %ne3A_513 : vector<16xf32>
        %div3A_515 = arith.constant 2.000000e+00 : f32
        %div3A_516 = vector.broadcast %div3A_515 : f32 to vector<16xf32>
        %div3A_517 = arith.divf %get3A_506, %div3A_516 : vector<16xf32>
        %sub3A_518 = arith.subf %get3A_496, %div3A_517 : vector<16xf32>
        %div3A_519 = arith.constant 2.000000e+00 : f32
        %div3A_520 = vector.broadcast %div3A_519 : f32 to vector<16xf32>
        %div3A_521 = arith.divf %get3A_511, %div3A_520 : vector<16xf32>
        %sub3A_522 = arith.subf %get3A_501, %div3A_521 : vector<16xf32>
        %div3A_523 = arith.constant 2.000000e+00 : f32
        %div3A_524 = vector.broadcast %div3A_523 : f32 to vector<16xf32>
        %div3A_525 = arith.divf %get3A_506, %div3A_524 : vector<16xf32>
        %add3A_526 = arith.addf %get3A_496, %div3A_525 : vector<16xf32>
        %div3A_527 = arith.constant 2.000000e+00 : f32
        %div3A_528 = vector.broadcast %div3A_527 : f32 to vector<16xf32>
        %div3A_529 = arith.divf %get3A_511, %div3A_528 : vector<16xf32>
        %add3A_530 = arith.addf %get3A_501, %div3A_529 : vector<16xf32>
        %gather3A = tpu.vector_load_idx %arg13[%min3A_38, %select_n3A_162] : memref<7x16xi32, #tpu.memory_space<vmem>>[vector<16xi32>, vector<16xi32>], vector<16xi32>,
        %gather3A_531 = tpu.vector_load_idx %arg13[%min3A_72, %select_n3A_184] : memref<7x16xi32, #tpu.memory_space<vmem>>[vector<16xi32>, vector<16xi32>], vector<16xi32>,
        %gather3A_532 = tpu.vector_load_idx %arg13[%min3A_106, %select_n3A_206] : memref<7x16xi32, #tpu.memory_space<vmem>>[vector<16xi32>, vector<16xi32>], vector<16xi32>,
        %gather3A_533 = tpu.vector_load_idx %arg13[%min3A_140, %select_n3A_228] : memref<7x16xi32, #tpu.memory_space<vmem>>[vector<16xi32>, vector<16xi32>], vector<16xi32>,
        %broadcast_in_dim3A_534 = arith.constant 0 : i32
        %broadcast_in_dim3A_535 = vector.broadcast %broadcast_in_dim3A_534 : i32 to vector<16xi32>
        %broadcast_in_dim3A_536 = arith.constant 0 : i32
        %broadcast_in_dim3A_537 = vector.broadcast %broadcast_in_dim3A_536 : i32 to vector<16xi32>
        %broadcast_in_dim3A_538 = arith.constant 0 : i32
        %broadcast_in_dim3A_539 = vector.broadcast %broadcast_in_dim3A_538 : i32 to vector<16xi32>
        %broadcast_in_dim3A_540 = arith.constant 0 : i32
        %broadcast_in_dim3A_541 = vector.broadcast %broadcast_in_dim3A_540 : i32 to vector<16xi32>
        %scan3A_542 = arith.constant 0 : i32
        %scan3A_543 = arith.constant 10 : i32
        %scan3A_544 = arith.addi %scan3A_542, %scan3A_543 : i32
        %scan3A_545 = arith.constant 1 : i32
        %scan3A_546:4 = scf.for %scan3A_574 = %scan3A_542 to %scan3A_544 step %scan3A_545 iter_args(%scan3A_575 = %broadcast_in_dim3A_535, %scan3A_576 = %broadcast_in_dim3A_537, %scan3A_577 = %broadcast_in_dim3A_539, %scan3A_578 = %broadcast_in_dim3A_541) -> (vector<16xi32>, vector<16xi32>, vector<16xi32>, vector<16xi32>)  : i32 {
          %mul3A_579 = arith.constant 4 : i32
          %mul3A_580 = arith.muli %scan3A_574, %mul3A_579 : i32
          %get3A_581 = arith.index_cast %mul3A_580 : i32 to index
          %get3A_582 = arith.constant 0 : index
          %get3A_583 = tpu.vector_load %arg12[%get3A_581, %get3A_582] {strides = array<i32>} : memref<40x64xf32, #tpu.memory_space<vmem>>, vector<16xf32>,
          %max3A = arith.maximumf %sub3A_392, %get3A_583 : vector<16xf32>
          %mul3A_584 = arith.constant 4 : i32
          %mul3A_585 = arith.muli %scan3A_574, %mul3A_584 : i32
          %add3A_586 = arith.constant 1 : i32
          %add3A_587 = arith.addi %mul3A_585, %add3A_586 : i32
          %get3A_588 = arith.index_cast %add3A_587 : i32 to index
          %get3A_589 = arith.constant 0 : index
          %get3A_590 = tpu.vector_load %arg12[%get3A_588, %get3A_589] {strides = array<i32>} : memref<40x64xf32, #tpu.memory_space<vmem>>, vector<16xf32>,
          %max3A_591 = arith.maximumf %sub3A_396, %get3A_590 : vector<16xf32>
          %mul3A_592 = arith.constant 4 : i32
          %mul3A_593 = arith.muli %scan3A_574, %mul3A_592 : i32
          %add3A_594 = arith.constant 2 : i32
          %add3A_595 = arith.addi %mul3A_593, %add3A_594 : i32
          %get3A_596 = arith.index_cast %add3A_595 : i32 to index
          %get3A_597 = arith.constant 0 : index
          %get3A_598 = tpu.vector_load %arg12[%get3A_596, %get3A_597] {strides = array<i32>} : memref<40x64xf32, #tpu.memory_space<vmem>>, vector<16xf32>,
          %min3A_599 = arith.minimumf %add3A_400, %get3A_598 : vector<16xf32>
          %mul3A_600 = arith.constant 4 : i32
          %mul3A_601 = arith.muli %scan3A_574, %mul3A_600 : i32
          %add3A_602 = arith.constant 3 : i32
          %add3A_603 = arith.addi %mul3A_601, %add3A_602 : i32
          %get3A_604 = arith.index_cast %add3A_603 : i32 to index
          %get3A_605 = arith.constant 0 : index
          %get3A_606 = tpu.vector_load %arg12[%get3A_604, %get3A_605] {strides = array<i32>} : memref<40x64xf32, #tpu.memory_space<vmem>>, vector<16xf32>,
          %min3A_607 = arith.minimumf %add3A_404, %get3A_606 : vector<16xf32>
          %gt3A = arith.cmpf ogt, %min3A_599, %max3A : vector<16xf32>
          %gt3A_608 = arith.cmpf ogt, %min3A_607, %max3A_591 : vector<16xf32>
          %and3A_609 = arith.andi %gt3A, %gt3A_608 : vector<16xi1>
          %jit3A_610 = arith.constant 1.000000e+00 : f32
          %jit3A_611 = arith.constant 0.000000e+00 : f32
          %broadcast_in_dim3A_612 = vector.broadcast %jit3A_610 : f32 to vector<16xf32>
          %broadcast_in_dim3A_613 = vector.broadcast %jit3A_611 : f32 to vector<16xf32>
          %select_n3A_614 = arith.select %and3A_609, %broadcast_in_dim3A_612, %broadcast_in_dim3A_613 : vector<16xi1>, vector<16xf32>
          %swap3A_615 = arith.index_cast %scan3A_574 : i32 to index
          %swap3A_616 = arith.constant 0 : index
          %swap3A_617 = tpu.vector_load %arg8[%swap3A_615, %swap3A_616] {strides = array<i32>} : memref<10x64xf32, #tpu.memory_space<vmem>>, vector<16xf32>,
          tpu.vector_store %arg8[%swap3A_615, %swap3A_616], %select_n3A_614 {strides = array<i32>} : memref<10x64xf32, #tpu.memory_space<vmem>>, vector<16xf32>,
          %shift_right_logical3A = vector.broadcast %scan3A_574 : i32 to vector<16xi32>
          %shift_right_logical3A_618 = arith.shrui %gather3A, %shift_right_logical3A : vector<16xi32>
          %and3A_619 = arith.constant 1 : i32
          %and3A_620 = vector.broadcast %and3A_619 : i32 to vector<16xi32>
          %and3A_621 = arith.andi %shift_right_logical3A_618, %and3A_620 : vector<16xi32>
          %eq3A_622 = arith.constant 0 : i32
          %eq3A_623 = vector.broadcast %eq3A_622 : i32 to vector<16xi32>
          %eq3A_624 = arith.cmpi eq, %and3A_621, %eq3A_623 : vector<16xi32>
          %eq3A_625 = arith.constant 0 : i32
          %eq3A_626 = vector.broadcast %eq3A_625 : i32 to vector<16xi32>
          %eq3A_627 = arith.cmpi eq, %scan3A_575, %eq3A_626 : vector<16xi32>
          %and3A_628 = arith.andi %ne3A_388, %eq3A_627 : vector<16xi1>
          %and3A_629 = arith.andi %and3A_628, %and3A_609 : vector<16xi1>
          %and3A_630 = arith.andi %and3A_629, %eq3A_624 : vector<16xi1>
          %broadcast_in_dim3A_631 = vector.broadcast %scan3A_574 : i32 to vector<16xi32>
          %select_n3A_632 = arith.select %and3A_630, %broadcast_in_dim3A_631, %scan3A_575 : vector<16xi1>, vector<16xi32>
          %mul3A_633 = arith.constant 4 : i32
          %mul3A_634 = arith.muli %scan3A_574, %mul3A_633 : i32
          %get3A_635 = arith.index_cast %mul3A_634 : i32 to index
          %get3A_636 = arith.constant 16 : index
          %get3A_637 = tpu.vector_load %arg12[%get3A_635, %get3A_636] {strides = array<i32>} : memref<40x64xf32, #tpu.memory_space<vmem>>, vector<16xf32>,
          %max3A_638 = arith.maximumf %sub3A_434, %get3A_637 : vector<16xf32>
          %mul3A_639 = arith.constant 4 : i32
          %mul3A_640 = arith.muli %scan3A_574, %mul3A_639 : i32
          %add3A_641 = arith.constant 1 : i32
          %add3A_642 = arith.addi %mul3A_640, %add3A_641 : i32
          %get3A_643 = arith.index_cast %add3A_642 : i32 to index
          %get3A_644 = arith.constant 16 : index
          %get3A_645 = tpu.vector_load %arg12[%get3A_643, %get3A_644] {strides = array<i32>} : memref<40x64xf32, #tpu.memory_space<vmem>>, vector<16xf32>,
          %max3A_646 = arith.maximumf %sub3A_438, %get3A_645 : vector<16xf32>
          %mul3A_647 = arith.constant 4 : i32
          %mul3A_648 = arith.muli %scan3A_574, %mul3A_647 : i32
          %add3A_649 = arith.constant 2 : i32
          %add3A_650 = arith.addi %mul3A_648, %add3A_649 : i32
          %get3A_651 = arith.index_cast %add3A_650 : i32 to index
          %get3A_652 = arith.constant 16 : index
          %get3A_653 = tpu.vector_load %arg12[%get3A_651, %get3A_652] {strides = array<i32>} : memref<40x64xf32, #tpu.memory_space<vmem>>, vector<16xf32>,
          %min3A_654 = arith.minimumf %add3A_442, %get3A_653 : vector<16xf32>
          %mul3A_655 = arith.constant 4 : i32
          %mul3A_656 = arith.muli %scan3A_574, %mul3A_655 : i32
          %add3A_657 = arith.constant 3 : i32
          %add3A_658 = arith.addi %mul3A_656, %add3A_657 : i32
          %get3A_659 = arith.index_cast %add3A_658 : i32 to index
          %get3A_660 = arith.constant 16 : index
          %get3A_661 = tpu.vector_load %arg12[%get3A_659, %get3A_660] {strides = array<i32>} : memref<40x64xf32, #tpu.memory_space<vmem>>, vector<16xf32>,
          %min3A_662 = arith.minimumf %add3A_446, %get3A_661 : vector<16xf32>
          %gt3A_663 = arith.cmpf ogt, %min3A_654, %max3A_638 : vector<16xf32>
          %gt3A_664 = arith.cmpf ogt, %min3A_662, %max3A_646 : vector<16xf32>
          %and3A_665 = arith.andi %gt3A_663, %gt3A_664 : vector<16xi1>
          %jit3A_666 = arith.constant 1.000000e+00 : f32
          %jit3A_667 = arith.constant 0.000000e+00 : f32
          %broadcast_in_dim3A_668 = vector.broadcast %jit3A_666 : f32 to vector<16xf32>
          %broadcast_in_dim3A_669 = vector.broadcast %jit3A_667 : f32 to vector<16xf32>
          %select_n3A_670 = arith.select %and3A_665, %broadcast_in_dim3A_668, %broadcast_in_dim3A_669 : vector<16xi1>, vector<16xf32>
          %swap3A_671 = arith.index_cast %scan3A_574 : i32 to index
          %swap3A_672 = arith.constant 16 : index
          %swap3A_673 = tpu.vector_load %arg8[%swap3A_671, %swap3A_672] {strides = array<i32>} : memref<10x64xf32, #tpu.memory_space<vmem>>, vector<16xf32>,
          tpu.vector_store %arg8[%swap3A_671, %swap3A_672], %select_n3A_670 {strides = array<i32>} : memref<10x64xf32, #tpu.memory_space<vmem>>, vector<16xf32>,
          %shift_right_logical3A_674 = vector.broadcast %scan3A_574 : i32 to vector<16xi32>
          %shift_right_logical3A_675 = arith.shrui %gather3A_531, %shift_right_logical3A_674 : vector<16xi32>
          %and3A_676 = arith.constant 1 : i32
          %and3A_677 = vector.broadcast %and3A_676 : i32 to vector<16xi32>
          %and3A_678 = arith.andi %shift_right_logical3A_675, %and3A_677 : vector<16xi32>
          %eq3A_679 = arith.constant 0 : i32
          %eq3A_680 = vector.broadcast %eq3A_679 : i32 to vector<16xi32>
          %eq3A_681 = arith.cmpi eq, %and3A_678, %eq3A_680 : vector<16xi32>
          %eq3A_682 = arith.constant 0 : i32
          %eq3A_683 = vector.broadcast %eq3A_682 : i32 to vector<16xi32>
          %eq3A_684 = arith.cmpi eq, %scan3A_576, %eq3A_683 : vector<16xi32>
          %and3A_685 = arith.andi %ne3A_430, %eq3A_684 : vector<16xi1>
          %and3A_686 = arith.andi %and3A_685, %and3A_665 : vector<16xi1>
          %and3A_687 = arith.andi %and3A_686, %eq3A_681 : vector<16xi1>
          %broadcast_in_dim3A_688 = vector.broadcast %scan3A_574 : i32 to vector<16xi32>
          %select_n3A_689 = arith.select %and3A_687, %broadcast_in_dim3A_688, %scan3A_576 : vector<16xi1>, vector<16xi32>
          %mul3A_690 = arith.constant 4 : i32
          %mul3A_691 = arith.muli %scan3A_574, %mul3A_690 : i32
          %get3A_692 = arith.index_cast %mul3A_691 : i32 to index
          %get3A_693 = arith.constant 32 : index
          %get3A_694 = tpu.vector_load %arg12[%get3A_692, %get3A_693] {strides = array<i32>} : memref<40x64xf32, #tpu.memory_space<vmem>>, vector<16xf32>,
          %max3A_695 = arith.maximumf %sub3A_476, %get3A_694 : vector<16xf32>
          %mul3A_696 = arith.constant 4 : i32
          %mul3A_697 = arith.muli %scan3A_574, %mul3A_696 : i32
          %add3A_698 = arith.constant 1 : i32
          %add3A_699 = arith.addi %mul3A_697, %add3A_698 : i32
          %get3A_700 = arith.index_cast %add3A_699 : i32 to index
          %get3A_701 = arith.constant 32 : index
          %get3A_702 = tpu.vector_load %arg12[%get3A_700, %get3A_701] {strides = array<i32>} : memref<40x64xf32, #tpu.memory_space<vmem>>, vector<16xf32>,
          %max3A_703 = arith.maximumf %sub3A_480, %get3A_702 : vector<16xf32>
          %mul3A_704 = arith.constant 4 : i32
          %mul3A_705 = arith.muli %scan3A_574, %mul3A_704 : i32
          %add3A_706 = arith.constant 2 : i32
          %add3A_707 = arith.addi %mul3A_705, %add3A_706 : i32
          %get3A_708 = arith.index_cast %add3A_707 : i32 to index
          %get3A_709 = arith.constant 32 : index
          %get3A_710 = tpu.vector_load %arg12[%get3A_708, %get3A_709] {strides = array<i32>} : memref<40x64xf32, #tpu.memory_space<vmem>>, vector<16xf32>,
          %min3A_711 = arith.minimumf %add3A_484, %get3A_710 : vector<16xf32>
          %mul3A_712 = arith.constant 4 : i32
          %mul3A_713 = arith.muli %scan3A_574, %mul3A_712 : i32
          %add3A_714 = arith.constant 3 : i32
          %add3A_715 = arith.addi %mul3A_713, %add3A_714 : i32
          %get3A_716 = arith.index_cast %add3A_715 : i32 to index
          %get3A_717 = arith.constant 32 : index
          %get3A_718 = tpu.vector_load %arg12[%get3A_716, %get3A_717] {strides = array<i32>} : memref<40x64xf32, #tpu.memory_space<vmem>>, vector<16xf32>,
          %min3A_719 = arith.minimumf %add3A_488, %get3A_718 : vector<16xf32>
          %gt3A_720 = arith.cmpf ogt, %min3A_711, %max3A_695 : vector<16xf32>
          %gt3A_721 = arith.cmpf ogt, %min3A_719, %max3A_703 : vector<16xf32>
          %and3A_722 = arith.andi %gt3A_720, %gt3A_721 : vector<16xi1>
          %jit3A_723 = arith.constant 1.000000e+00 : f32
          %jit3A_724 = arith.constant 0.000000e+00 : f32
          %broadcast_in_dim3A_725 = vector.broadcast %jit3A_723 : f32 to vector<16xf32>
          %broadcast_in_dim3A_726 = vector.broadcast %jit3A_724 : f32 to vector<16xf32>
          %select_n3A_727 = arith.select %and3A_722, %broadcast_in_dim3A_725, %broadcast_in_dim3A_726 : vector<16xi1>, vector<16xf32>
          %swap3A_728 = arith.index_cast %scan3A_574 : i32 to index
          %swap3A_729 = arith.constant 32 : index
          %swap3A_730 = tpu.vector_load %arg8[%swap3A_728, %swap3A_729] {strides = array<i32>} : memref<10x64xf32, #tpu.memory_space<vmem>>, vector<16xf32>,
          tpu.vector_store %arg8[%swap3A_728, %swap3A_729], %select_n3A_727 {strides = array<i32>} : memref<10x64xf32, #tpu.memory_space<vmem>>, vector<16xf32>,
          %shift_right_logical3A_731 = vector.broadcast %scan3A_574 : i32 to vector<16xi32>
          %shift_right_logical3A_732 = arith.shrui %gather3A_532, %shift_right_logical3A_731 : vector<16xi32>
          %and3A_733 = arith.constant 1 : i32
          %and3A_734 = vector.broadcast %and3A_733 : i32 to vector<16xi32>
          %and3A_735 = arith.andi %shift_right_logical3A_732, %and3A_734 : vector<16xi32>
          %eq3A_736 = arith.constant 0 : i32
          %eq3A_737 = vector.broadcast %eq3A_736 : i32 to vector<16xi32>
          %eq3A_738 = arith.cmpi eq, %and3A_735, %eq3A_737 : vector<16xi32>
          %eq3A_739 = arith.constant 0 : i32
          %eq3A_740 = vector.broadcast %eq3A_739 : i32 to vector<16xi32>
          %eq3A_741 = arith.cmpi eq, %scan3A_577, %eq3A_740 : vector<16xi32>
          %and3A_742 = arith.andi %ne3A_472, %eq3A_741 : vector<16xi1>
          %and3A_743 = arith.andi %and3A_742, %and3A_722 : vector<16xi1>
          %and3A_744 = arith.andi %and3A_743, %eq3A_738 : vector<16xi1>
          %broadcast_in_dim3A_745 = vector.broadcast %scan3A_574 : i32 to vector<16xi32>
          %select_n3A_746 = arith.select %and3A_744, %broadcast_in_dim3A_745, %scan3A_577 : vector<16xi1>, vector<16xi32>
          %mul3A_747 = arith.constant 4 : i32
          %mul3A_748 = arith.muli %scan3A_574, %mul3A_747 : i32
          %get3A_749 = arith.index_cast %mul3A_748 : i32 to index
          %get3A_750 = arith.constant 48 : index
          %get3A_751 = tpu.vector_load %arg12[%get3A_749, %get3A_750] {strides = array<i32>} : memref<40x64xf32, #tpu.memory_space<vmem>>, vector<16xf32>,
          %max3A_752 = arith.maximumf %sub3A_518, %get3A_751 : vector<16xf32>
          %mul3A_753 = arith.constant 4 : i32
          %mul3A_754 = arith.muli %scan3A_574, %mul3A_753 : i32
          %add3A_755 = arith.constant 1 : i32
          %add3A_756 = arith.addi %mul3A_754, %add3A_755 : i32
          %get3A_757 = arith.index_cast %add3A_756 : i32 to index
          %get3A_758 = arith.constant 48 : index
          %get3A_759 = tpu.vector_load %arg12[%get3A_757, %get3A_758] {strides = array<i32>} : memref<40x64xf32, #tpu.memory_space<vmem>>, vector<16xf32>,
          %max3A_760 = arith.maximumf %sub3A_522, %get3A_759 : vector<16xf32>
          %mul3A_761 = arith.constant 4 : i32
          %mul3A_762 = arith.muli %scan3A_574, %mul3A_761 : i32
          %add3A_763 = arith.constant 2 : i32
          %add3A_764 = arith.addi %mul3A_762, %add3A_763 : i32
          %get3A_765 = arith.index_cast %add3A_764 : i32 to index
          %get3A_766 = arith.constant 48 : index
          %get3A_767 = tpu.vector_load %arg12[%get3A_765, %get3A_766] {strides = array<i32>} : memref<40x64xf32, #tpu.memory_space<vmem>>, vector<16xf32>,
          %min3A_768 = arith.minimumf %add3A_526, %get3A_767 : vector<16xf32>
          %mul3A_769 = arith.constant 4 : i32
          %mul3A_770 = arith.muli %scan3A_574, %mul3A_769 : i32
          %add3A_771 = arith.constant 3 : i32
          %add3A_772 = arith.addi %mul3A_770, %add3A_771 : i32
          %get3A_773 = arith.index_cast %add3A_772 : i32 to index
          %get3A_774 = arith.constant 48 : index
          %get3A_775 = tpu.vector_load %arg12[%get3A_773, %get3A_774] {strides = array<i32>} : memref<40x64xf32, #tpu.memory_space<vmem>>, vector<16xf32>,
          %min3A_776 = arith.minimumf %add3A_530, %get3A_775 : vector<16xf32>
          %gt3A_777 = arith.cmpf ogt, %min3A_768, %max3A_752 : vector<16xf32>
          %gt3A_778 = arith.cmpf ogt, %min3A_776, %max3A_760 : vector<16xf32>
          %and3A_779 = arith.andi %gt3A_777, %gt3A_778 : vector<16xi1>
          %jit3A_780 = arith.constant 1.000000e+00 : f32
          %jit3A_781 = arith.constant 0.000000e+00 : f32
          %broadcast_in_dim3A_782 = vector.broadcast %jit3A_780 : f32 to vector<16xf32>
          %broadcast_in_dim3A_783 = vector.broadcast %jit3A_781 : f32 to vector<16xf32>
          %select_n3A_784 = arith.select %and3A_779, %broadcast_in_dim3A_782, %broadcast_in_dim3A_783 : vector<16xi1>, vector<16xf32>
          %swap3A_785 = arith.index_cast %scan3A_574 : i32 to index
          %swap3A_786 = arith.constant 48 : index
          %swap3A_787 = tpu.vector_load %arg8[%swap3A_785, %swap3A_786] {strides = array<i32>} : memref<10x64xf32, #tpu.memory_space<vmem>>, vector<16xf32>,
          tpu.vector_store %arg8[%swap3A_785, %swap3A_786], %select_n3A_784 {strides = array<i32>} : memref<10x64xf32, #tpu.memory_space<vmem>>, vector<16xf32>,
          %shift_right_logical3A_788 = vector.broadcast %scan3A_574 : i32 to vector<16xi32>
          %shift_right_logical3A_789 = arith.shrui %gather3A_533, %shift_right_logical3A_788 : vector<16xi32>
          %and3A_790 = arith.constant 1 : i32
          %and3A_791 = vector.broadcast %and3A_790 : i32 to vector<16xi32>
          %and3A_792 = arith.andi %shift_right_logical3A_789, %and3A_791 : vector<16xi32>
          %eq3A_793 = arith.constant 0 : i32
          %eq3A_794 = vector.broadcast %eq3A_793 : i32 to vector<16xi32>
          %eq3A_795 = arith.cmpi eq, %and3A_792, %eq3A_794 : vector<16xi32>
          %eq3A_796 = arith.constant 0 : i32
          %eq3A_797 = vector.broadcast %eq3A_796 : i32 to vector<16xi32>
          %eq3A_798 = arith.cmpi eq, %scan3A_578, %eq3A_797 : vector<16xi32>
          %and3A_799 = arith.andi %ne3A_514, %eq3A_798 : vector<16xi1>
          %and3A_800 = arith.andi %and3A_799, %and3A_779 : vector<16xi1>
          %and3A_801 = arith.andi %and3A_800, %eq3A_795 : vector<16xi1>
          %broadcast_in_dim3A_802 = vector.broadcast %scan3A_574 : i32 to vector<16xi32>
          %select_n3A_803 = arith.select %and3A_801, %broadcast_in_dim3A_802, %scan3A_578 : vector<16xi1>, vector<16xi32>
          scf.yield %select_n3A_632, %select_n3A_689, %select_n3A_746, %select_n3A_803 : vector<16xi32>, vector<16xi32>, vector<16xi32>, vector<16xi32>
        }
        %scan3A_547 = arith.constant 10 : i32
        %swap3A_548 = arith.constant 0 : index
        %swap3A_549 = tpu.vector_load %arg14[%swap3A_548] {strides = array<i32>} : memref<64xi32, #tpu.memory_space<vmem>>, vector<16xi32>,
        tpu.vector_store %arg14[%swap3A_548], %scan3A_546#0 {strides = array<i32>} : memref<64xi32, #tpu.memory_space<vmem>>, vector<16xi32>,
        %swap3A_550 = arith.index_cast %scan3A_360 : i32 to index
        %swap3A_551 = arith.constant 0 : index
        %swap3A_552 = tpu.vector_load %arg7[%swap3A_550, %swap3A_551] {strides = array<i32>} : memref<10x64xi32, #tpu.memory_space<vmem>>, vector<16xi32>,
        tpu.vector_store %arg7[%swap3A_550, %swap3A_551], %scan3A_546#0 {strides = array<i32>} : memref<10x64xi32, #tpu.memory_space<vmem>>, vector<16xi32>,
        %swap3A_553 = arith.constant 16 : index
        %swap3A_554 = tpu.vector_load %arg14[%swap3A_553] {strides = array<i32>} : memref<64xi32, #tpu.memory_space<vmem>>, vector<16xi32>,
        tpu.vector_store %arg14[%swap3A_553], %scan3A_546#1 {strides = array<i32>} : memref<64xi32, #tpu.memory_space<vmem>>, vector<16xi32>,
        %swap3A_555 = arith.index_cast %scan3A_360 : i32 to index
        %swap3A_556 = arith.constant 16 : index
        %swap3A_557 = tpu.vector_load %arg7[%swap3A_555, %swap3A_556] {strides = array<i32>} : memref<10x64xi32, #tpu.memory_space<vmem>>, vector<16xi32>,
        tpu.vector_store %arg7[%swap3A_555, %swap3A_556], %scan3A_546#1 {strides = array<i32>} : memref<10x64xi32, #tpu.memory_space<vmem>>, vector<16xi32>,
        %swap3A_558 = arith.constant 32 : index
        %swap3A_559 = tpu.vector_load %arg14[%swap3A_558] {strides = array<i32>} : memref<64xi32, #tpu.memory_space<vmem>>, vector<16xi32>,
        tpu.vector_store %arg14[%swap3A_558], %scan3A_546#2 {strides = array<i32>} : memref<64xi32, #tpu.memory_space<vmem>>, vector<16xi32>,
        %swap3A_560 = arith.index_cast %scan3A_360 : i32 to index
        %swap3A_561 = arith.constant 32 : index
        %swap3A_562 = tpu.vector_load %arg7[%swap3A_560, %swap3A_561] {strides = array<i32>} : memref<10x64xi32, #tpu.memory_space<vmem>>, vector<16xi32>,
        tpu.vector_store %arg7[%swap3A_560, %swap3A_561], %scan3A_546#2 {strides = array<i32>} : memref<10x64xi32, #tpu.memory_space<vmem>>, vector<16xi32>,
        %swap3A_563 = arith.constant 48 : index
        %swap3A_564 = tpu.vector_load %arg14[%swap3A_563] {strides = array<i32>} : memref<64xi32, #tpu.memory_space<vmem>>, vector<16xi32>,
        tpu.vector_store %arg14[%swap3A_563], %scan3A_546#3 {strides = array<i32>} : memref<64xi32, #tpu.memory_space<vmem>>, vector<16xi32>,
        %swap3A_565 = arith.index_cast %scan3A_360 : i32 to index
        %swap3A_566 = arith.constant 48 : index
        %swap3A_567 = tpu.vector_load %arg7[%swap3A_565, %swap3A_566] {strides = array<i32>} : memref<10x64xi32, #tpu.memory_space<vmem>>, vector<16xi32>,
        tpu.vector_store %arg7[%swap3A_565, %swap3A_566], %scan3A_546#3 {strides = array<i32>} : memref<10x64xi32, #tpu.memory_space<vmem>>, vector<16xi32>,
        %lt3A_568 = arith.constant 7 : i32
        %lt3A_569 = arith.cmpi slt, %scan3A_360, %lt3A_568 : i32
        %convert_element_type3A_570 = arith.extui %lt3A_569 : i1 to i32
        %cond3A_571 = arith.constant 0 : i32
        %cond3A_572 = arith.cmpi ne, %convert_element_type3A_570, %cond3A_571 : i32
        scf.if %cond3A_572 {
          %min3A_574 = arith.constant 6 : i32
          %min3A_575 = vector.broadcast %min3A_574 : i32 to vector<16xi32>
          %min3A_576 = arith.minsi %iota3A, %min3A_575 : vector<16xi32>
          %broadcast_in_dim3A_577 = arith.constant 0 : i32
          %broadcast_in_dim3A_578 = vector.broadcast %broadcast_in_dim3A_577 : i32 to vector<16xi32>
          %mul3A_579 = arith.constant 7 : i32
          %mul3A_580 = vector.broadcast %mul3A_579 : i32 to vector<16xi32>
          %mul3A_581 = arith.muli %min3A_576, %mul3A_580 : vector<16xi32>
          %add3A_582 = arith.constant 0 : i32
          %add3A_583 = vector.broadcast %add3A_582 : i32 to vector<16xi32>
          %add3A_584 = arith.addi %mul3A_581, %add3A_583 : vector<16xi32>
          %gather3A_585 = tpu.vector_load_idx %arg14[%add3A_584] : memref<64xi32, #tpu.memory_space<vmem>>[vector<16xi32>], vector<16xi32>,
          %lt3A_586 = arith.constant 7 : i32
          %lt3A_587 = vector.broadcast %lt3A_586 : i32 to vector<16xi32>
          %lt3A_588 = arith.cmpi slt, %iota3A, %lt3A_587 : vector<16xi32>
          %shift_left3A = arith.constant 1 : i32
          %shift_left3A_589 = vector.broadcast %shift_left3A : i32 to vector<16xi32>
          %shift_left3A_590 = arith.shli %shift_left3A_589, %gather3A_585 : vector<16xi32>
          %jit3A_591 = arith.constant 0 : i32
          %broadcast_in_dim3A_592 = vector.broadcast %jit3A_591 : i32 to vector<16xi32>
          %select_n3A_593 = arith.select %lt3A_588, %shift_left3A_590, %broadcast_in_dim3A_592 : vector<16xi1>, vector<16xi32>
          %or3A = arith.ori %broadcast_in_dim3A_578, %select_n3A_593 : vector<16xi32>
          %mul3A_594 = arith.constant 7 : i32
          %mul3A_595 = vector.broadcast %mul3A_594 : i32 to vector<16xi32>
          %mul3A_596 = arith.muli %min3A_576, %mul3A_595 : vector<16xi32>
          %add3A_597 = arith.constant 1 : i32
          %add3A_598 = vector.broadcast %add3A_597 : i32 to vector<16xi32>
          %add3A_599 = arith.addi %mul3A_596, %add3A_598 : vector<16xi32>
          %gather3A_600 = tpu.vector_load_idx %arg14[%add3A_599] : memref<64xi32, #tpu.memory_space<vmem>>[vector<16xi32>], vector<16xi32>,
          %lt3A_601 = arith.constant 7 : i32
          %lt3A_602 = vector.broadcast %lt3A_601 : i32 to vector<16xi32>
          %lt3A_603 = arith.cmpi slt, %iota3A, %lt3A_602 : vector<16xi32>
          %shift_left3A_604 = arith.constant 1 : i32
          %shift_left3A_605 = vector.broadcast %shift_left3A_604 : i32 to vector<16xi32>
          %shift_left3A_606 = arith.shli %shift_left3A_605, %gather3A_600 : vector<16xi32>
          %jit3A_607 = arith.constant 0 : i32
          %broadcast_in_dim3A_608 = vector.broadcast %jit3A_607 : i32 to vector<16xi32>
          %select_n3A_609 = arith.select %lt3A_603, %shift_left3A_606, %broadcast_in_dim3A_608 : vector<16xi1>, vector<16xi32>
          %or3A_610 = arith.ori %or3A, %select_n3A_609 : vector<16xi32>
          %mul3A_611 = arith.constant 7 : i32
          %mul3A_612 = vector.broadcast %mul3A_611 : i32 to vector<16xi32>
          %mul3A_613 = arith.muli %min3A_576, %mul3A_612 : vector<16xi32>
          %add3A_614 = arith.constant 2 : i32
          %add3A_615 = vector.broadcast %add3A_614 : i32 to vector<16xi32>
          %add3A_616 = arith.addi %mul3A_613, %add3A_615 : vector<16xi32>
          %gather3A_617 = tpu.vector_load_idx %arg14[%add3A_616] : memref<64xi32, #tpu.memory_space<vmem>>[vector<16xi32>], vector<16xi32>,
          %lt3A_618 = arith.constant 7 : i32
          %lt3A_619 = vector.broadcast %lt3A_618 : i32 to vector<16xi32>
          %lt3A_620 = arith.cmpi slt, %iota3A, %lt3A_619 : vector<16xi32>
          %shift_left3A_621 = arith.constant 1 : i32
          %shift_left3A_622 = vector.broadcast %shift_left3A_621 : i32 to vector<16xi32>
          %shift_left3A_623 = arith.shli %shift_left3A_622, %gather3A_617 : vector<16xi32>
          %jit3A_624 = arith.constant 0 : i32
          %broadcast_in_dim3A_625 = vector.broadcast %jit3A_624 : i32 to vector<16xi32>
          %select_n3A_626 = arith.select %lt3A_620, %shift_left3A_623, %broadcast_in_dim3A_625 : vector<16xi1>, vector<16xi32>
          %or3A_627 = arith.ori %or3A_610, %select_n3A_626 : vector<16xi32>
          %mul3A_628 = arith.constant 7 : i32
          %mul3A_629 = vector.broadcast %mul3A_628 : i32 to vector<16xi32>
          %mul3A_630 = arith.muli %min3A_576, %mul3A_629 : vector<16xi32>
          %add3A_631 = arith.constant 3 : i32
          %add3A_632 = vector.broadcast %add3A_631 : i32 to vector<16xi32>
          %add3A_633 = arith.addi %mul3A_630, %add3A_632 : vector<16xi32>
          %gather3A_634 = tpu.vector_load_idx %arg14[%add3A_633] : memref<64xi32, #tpu.memory_space<vmem>>[vector<16xi32>], vector<16xi32>,
          %lt3A_635 = arith.constant 7 : i32
          %lt3A_636 = vector.broadcast %lt3A_635 : i32 to vector<16xi32>
          %lt3A_637 = arith.cmpi slt, %iota3A, %lt3A_636 : vector<16xi32>
          %shift_left3A_638 = arith.constant 1 : i32
          %shift_left3A_639 = vector.broadcast %shift_left3A_638 : i32 to vector<16xi32>
          %shift_left3A_640 = arith.shli %shift_left3A_639, %gather3A_634 : vector<16xi32>
          %jit3A_641 = arith.constant 0 : i32
          %broadcast_in_dim3A_642 = vector.broadcast %jit3A_641 : i32 to vector<16xi32>
          %select_n3A_643 = arith.select %lt3A_637, %shift_left3A_640, %broadcast_in_dim3A_642 : vector<16xi1>, vector<16xi32>
          %or3A_644 = arith.ori %or3A_627, %select_n3A_643 : vector<16xi32>
          %mul3A_645 = arith.constant 7 : i32
          %mul3A_646 = vector.broadcast %mul3A_645 : i32 to vector<16xi32>
          %mul3A_647 = arith.muli %min3A_576, %mul3A_646 : vector<16xi32>
          %add3A_648 = arith.constant 4 : i32
          %add3A_649 = vector.broadcast %add3A_648 : i32 to vector<16xi32>
          %add3A_650 = arith.addi %mul3A_647, %add3A_649 : vector<16xi32>
          %gather3A_651 = tpu.vector_load_idx %arg14[%add3A_650] : memref<64xi32, #tpu.memory_space<vmem>>[vector<16xi32>], vector<16xi32>,
          %lt3A_652 = arith.constant 7 : i32
          %lt3A_653 = vector.broadcast %lt3A_652 : i32 to vector<16xi32>
          %lt3A_654 = arith.cmpi slt, %iota3A, %lt3A_653 : vector<16xi32>
          %shift_left3A_655 = arith.constant 1 : i32
          %shift_left3A_656 = vector.broadcast %shift_left3A_655 : i32 to vector<16xi32>
          %shift_left3A_657 = arith.shli %shift_left3A_656, %gather3A_651 : vector<16xi32>
          %jit3A_658 = arith.constant 0 : i32
          %broadcast_in_dim3A_659 = vector.broadcast %jit3A_658 : i32 to vector<16xi32>
          %select_n3A_660 = arith.select %lt3A_654, %shift_left3A_657, %broadcast_in_dim3A_659 : vector<16xi1>, vector<16xi32>
          %or3A_661 = arith.ori %or3A_644, %select_n3A_660 : vector<16xi32>
          %mul3A_662 = arith.constant 7 : i32
          %mul3A_663 = vector.broadcast %mul3A_662 : i32 to vector<16xi32>
          %mul3A_664 = arith.muli %min3A_576, %mul3A_663 : vector<16xi32>
          %add3A_665 = arith.constant 5 : i32
          %add3A_666 = vector.broadcast %add3A_665 : i32 to vector<16xi32>
          %add3A_667 = arith.addi %mul3A_664, %add3A_666 : vector<16xi32>
          %gather3A_668 = tpu.vector_load_idx %arg14[%add3A_667] : memref<64xi32, #tpu.memory_space<vmem>>[vector<16xi32>], vector<16xi32>,
          %lt3A_669 = arith.constant 7 : i32
          %lt3A_670 = vector.broadcast %lt3A_669 : i32 to vector<16xi32>
          %lt3A_671 = arith.cmpi slt, %iota3A, %lt3A_670 : vector<16xi32>
          %shift_left3A_672 = arith.constant 1 : i32
          %shift_left3A_673 = vector.broadcast %shift_left3A_672 : i32 to vector<16xi32>
          %shift_left3A_674 = arith.shli %shift_left3A_673, %gather3A_668 : vector<16xi32>
          %jit3A_675 = arith.constant 0 : i32
          %broadcast_in_dim3A_676 = vector.broadcast %jit3A_675 : i32 to vector<16xi32>
          %select_n3A_677 = arith.select %lt3A_671, %shift_left3A_674, %broadcast_in_dim3A_676 : vector<16xi1>, vector<16xi32>
          %or3A_678 = arith.ori %or3A_661, %select_n3A_677 : vector<16xi32>
          %mul3A_679 = arith.constant 7 : i32
          %mul3A_680 = vector.broadcast %mul3A_679 : i32 to vector<16xi32>
          %mul3A_681 = arith.muli %min3A_576, %mul3A_680 : vector<16xi32>
          %add3A_682 = arith.constant 6 : i32
          %add3A_683 = vector.broadcast %add3A_682 : i32 to vector<16xi32>
          %add3A_684 = arith.addi %mul3A_681, %add3A_683 : vector<16xi32>
          %gather3A_685 = tpu.vector_load_idx %arg14[%add3A_684] : memref<64xi32, #tpu.memory_space<vmem>>[vector<16xi32>], vector<16xi32>,
          %lt3A_686 = arith.constant 7 : i32
          %lt3A_687 = vector.broadcast %lt3A_686 : i32 to vector<16xi32>
          %lt3A_688 = arith.cmpi slt, %iota3A, %lt3A_687 : vector<16xi32>
          %shift_left3A_689 = arith.constant 1 : i32
          %shift_left3A_690 = vector.broadcast %shift_left3A_689 : i32 to vector<16xi32>
          %shift_left3A_691 = arith.shli %shift_left3A_690, %gather3A_685 : vector<16xi32>
          %jit3A_692 = arith.constant 0 : i32
          %broadcast_in_dim3A_693 = vector.broadcast %jit3A_692 : i32 to vector<16xi32>
          %select_n3A_694 = arith.select %lt3A_688, %shift_left3A_691, %broadcast_in_dim3A_693 : vector<16xi1>, vector<16xi32>
          %or3A_695 = arith.ori %or3A_678, %select_n3A_694 : vector<16xi32>
          %broadcast_in_dim3A_696 = vector.broadcast %mul3A_362 : i32 to vector<16xi32>
          %mul3A_697 = arith.constant 7 : i32
          %mul3A_698 = vector.broadcast %mul3A_697 : i32 to vector<16xi32>
          %mul3A_699 = arith.muli %broadcast_in_dim3A_363, %mul3A_698 : vector<16xi32>
          %add3A_700 = arith.addi %mul3A_699, %min3A_576 : vector<16xi32>
          %gather3A_701 = tpu.vector_load_idx %arg6[%broadcast_in_dim3A_696, %add3A_700] : memref<190x64xf32, #tpu.memory_space<vmem>>[vector<16xi32>, vector<16xi32>], vector<16xf32>,
          %ne3A_702 = arith.constant 0.000000e+00 : f32
          %ne3A_703 = vector.broadcast %ne3A_702 : f32 to vector<16xf32>
          %ne3A_704 = arith.cmpf one, %gather3A_701, %ne3A_703 : vector<16xf32>
          %broadcast_in_dim3A_705 = arith.constant 0 : i32
          %broadcast_in_dim3A_706 = vector.broadcast %broadcast_in_dim3A_705 : i32 to vector<16xi32>
          %scan3A_707 = arith.constant 0 : i32
          %scan3A_708 = arith.constant 10 : i32
          %scan3A_709 = arith.addi %scan3A_707, %scan3A_708 : i32
          %scan3A_710 = arith.constant 1 : i32
          %scan3A_711 = scf.for %scan3A_868 = %scan3A_707 to %scan3A_709 step %scan3A_710 iter_args(%scan3A_869 = %broadcast_in_dim3A_706) -> (vector<16xi32>)  : i32 {
            %broadcast_in_dim3A_870 = vector.broadcast %scan3A_868 : i32 to vector<16xi32>
            %mul3A_871 = arith.constant 7 : i32
            %mul3A_872 = vector.broadcast %mul3A_871 : i32 to vector<16xi32>
            %mul3A_873 = arith.muli %broadcast_in_dim3A_363, %mul3A_872 : vector<16xi32>
            %add3A_874 = arith.addi %mul3A_873, %min3A_576 : vector<16xi32>
            %gather3A_875 = tpu.vector_load_idx %arg8[%broadcast_in_dim3A_870, %add3A_874] : memref<10x64xf32, #tpu.memory_space<vmem>>[vector<16xi32>, vector<16xi32>], vector<16xf32>,
            %shift_right_logical3A = vector.broadcast %scan3A_868 : i32 to vector<16xi32>
            %shift_right_logical3A_876 = arith.shrui %or3A_695, %shift_right_logical3A : vector<16xi32>
            %and3A_877 = arith.constant 1 : i32
            %and3A_878 = vector.broadcast %and3A_877 : i32 to vector<16xi32>
            %and3A_879 = arith.andi %shift_right_logical3A_876, %and3A_878 : vector<16xi32>
            %eq3A_880 = arith.constant 0 : i32
            %eq3A_881 = vector.broadcast %eq3A_880 : i32 to vector<16xi32>
            %eq3A_882 = arith.cmpi eq, %and3A_879, %eq3A_881 : vector<16xi32>
            %lt3A_883 = vector.broadcast %scan3A_360 : i32 to vector<16xi32>
            %lt3A_884 = arith.cmpi slt, %iota3A, %lt3A_883 : vector<16xi32>
            %ne3A_885 = arith.constant 0 : i32
            %ne3A_886 = arith.cmpi ne, %scan3A_868, %ne3A_885 : i32
            %broadcast_in_dim3A_887 = vector.broadcast %ne3A_886 : i1 to vector<16xi1>
            %select_n3A_888 = arith.select %lt3A_884, %eq3A_882, %broadcast_in_dim3A_887 : vector<16xi1>, vector<16xi1>
            %eq3A_889 = arith.constant 0 : i32
            %eq3A_890 = vector.broadcast %eq3A_889 : i32 to vector<16xi32>
            %eq3A_891 = arith.cmpi eq, %scan3A_869, %eq3A_890 : vector<16xi32>
            %and3A_892 = arith.andi %ne3A_704, %eq3A_891 : vector<16xi1>
            %ne3A_893 = arith.constant 0.000000e+00 : f32
            %ne3A_894 = vector.broadcast %ne3A_893 : f32 to vector<16xf32>
            %ne3A_895 = arith.cmpf one, %gather3A_875, %ne3A_894 : vector<16xf32>
            %and3A_896 = arith.andi %and3A_892, %ne3A_895 : vector<16xi1>
            %and3A_897 = arith.andi %and3A_896, %select_n3A_888 : vector<16xi1>
            %lt3A_898 = arith.constant 7 : i32
            %lt3A_899 = vector.broadcast %lt3A_898 : i32 to vector<16xi32>
            %lt3A_900 = arith.cmpi slt, %iota3A, %lt3A_899 : vector<16xi32>
            %and3A_901 = arith.andi %and3A_897, %lt3A_900 : vector<16xi1>
            %broadcast_in_dim3A_902 = vector.broadcast %scan3A_868 : i32 to vector<16xi32>
            %select_n3A_903 = arith.select %and3A_901, %broadcast_in_dim3A_902, %scan3A_869 : vector<16xi1>, vector<16xi32>
            scf.yield %select_n3A_903 : vector<16xi32>
          }
          %scan3A_712 = arith.constant 10 : i32
          %eq3A_713 = vector.broadcast %scan3A_360 : i32 to vector<16xi32>
          %eq3A_714 = arith.cmpi eq, %iota3A, %eq3A_713 : vector<16xi32>
          %and3A_715 = arith.andi %ne3A_704, %eq3A_714 : vector<16xi1>
          %reduce_or3A = arith.constant 1.000000e+00 : f32
          %reduce_or3A_716 = arith.constant 0.000000e+00 : f32
          %reduce_or3A_717 = vector.broadcast %reduce_or3A : f32 to vector<16xf32>
          %reduce_or3A_718 = vector.broadcast %reduce_or3A_716 : f32 to vector<16xf32>
          %reduce_or3A_719 = arith.select %and3A_715, %reduce_or3A_717, %reduce_or3A_718 : vector<16xi1>, vector<16xf32>
          %reduce_or3A_720 = arith.constant true
          %reduce_or3A_721 = vector.broadcast %reduce_or3A_720 : i1 to vector<16xi1>
          %reduce_or3A_722 = tpu.scan <max>, %reduce_or3A_719 masked %reduce_or3A_721 : vector<16xf32>, vector<16xi1> -> vector<16xf32>
          %reduce_or3A_723 = vector.extract %reduce_or3A_722[15] : f32 from vector<16xf32>
          %reduce_or3A_724 = arith.constant 0.000000e+00 : f32
          %reduce_or3A_725 = arith.cmpf ogt, %reduce_or3A_723, %reduce_or3A_724 : f32
          %scan3A_726 = arith.constant 0 : i32
          %scan3A_727 = arith.constant 0 : i32
          %scan3A_728 = arith.constant 10 : i32
          %scan3A_729 = arith.addi %scan3A_727, %scan3A_728 : i32
          %scan3A_730 = arith.constant 1 : i32
          %scan3A_731 = scf.for %scan3A_868 = %scan3A_727 to %scan3A_729 step %scan3A_730 iter_args(%scan3A_869 = %scan3A_726) -> (i32)  : i32 {
            %broadcast_in_dim3A_870 = vector.broadcast %scan3A_868 : i32 to vector<16xi32>
            %mul3A_871 = arith.constant 7 : i32
            %mul3A_872 = vector.broadcast %mul3A_871 : i32 to vector<16xi32>
            %mul3A_873 = arith.muli %broadcast_in_dim3A_363, %mul3A_872 : vector<16xi32>
            %add3A_874 = arith.addi %mul3A_873, %min3A_576 : vector<16xi32>
            %gather3A_875 = tpu.vector_load_idx %arg8[%broadcast_in_dim3A_870, %add3A_874] : memref<10x64xf32, #tpu.memory_space<vmem>>[vector<16xi32>, vector<16xi32>], vector<16xf32>,
            %eq3A_876 = vector.broadcast %scan3A_360 : i32 to vector<16xi32>
            %eq3A_877 = arith.cmpi eq, %iota3A, %eq3A_876 : vector<16xi32>
            %jit3A_878 = arith.constant 0.000000e+00 : f32
            %broadcast_in_dim3A_879 = vector.broadcast %jit3A_878 : f32 to vector<16xf32>
            %select_n3A_880 = arith.select %eq3A_877, %gather3A_875, %broadcast_in_dim3A_879 : vector<16xi1>, vector<16xf32>
            %reduce_sum3A = arith.constant true
            %reduce_sum3A_881 = vector.broadcast %reduce_sum3A : i1 to vector<16xi1>
            %reduce_sum3A_882 = tpu.scan <sum>, %select_n3A_880 masked %reduce_sum3A_881 : vector<16xf32>, vector<16xi1> -> vector<16xf32>
            %reduce_sum3A_883 = vector.extract %reduce_sum3A_882[15] : f32 from vector<16xf32>
            %ne3A_884 = vector.broadcast %scan3A_868 : i32 to vector<16xi32>
            %ne3A_885 = arith.cmpi ne, %scan3A_711, %ne3A_884 : vector<16xi32>
            %ge3A = vector.broadcast %scan3A_360 : i32 to vector<16xi32>
            %ge3A_886 = arith.cmpi sge, %iota3A, %ge3A : vector<16xi32>
            %or3A_887 = arith.ori %ne3A_885, %ge3A_886 : vector<16xi1>
            %reduce_and3A = arith.constant 1.000000e+00 : f32
            %reduce_and3A_888 = arith.constant 0.000000e+00 : f32
            %reduce_and3A_889 = vector.broadcast %reduce_and3A : f32 to vector<16xf32>
            %reduce_and3A_890 = vector.broadcast %reduce_and3A_888 : f32 to vector<16xf32>
            %reduce_and3A_891 = arith.select %or3A_887, %reduce_and3A_889, %reduce_and3A_890 : vector<16xi1>, vector<16xf32>
            %reduce_and3A_892 = arith.constant true
            %reduce_and3A_893 = vector.broadcast %reduce_and3A_892 : i1 to vector<16xi1>
            %reduce_and3A_894 = tpu.scan <min>, %reduce_and3A_891 masked %reduce_and3A_893 : vector<16xf32>, vector<16xi1> -> vector<16xf32>
            %reduce_and3A_895 = vector.extract %reduce_and3A_894[15] : f32 from vector<16xf32>
            %reduce_and3A_896 = arith.constant 0.000000e+00 : f32
            %reduce_and3A_897 = arith.cmpf ogt, %reduce_and3A_895, %reduce_and3A_896 : f32
            %ne3A_898 = arith.cmpi ne, %scan3A_869, %scan3A_868 : i32
            %and3A_899 = arith.andi %reduce_and3A_897, %ne3A_898 : i1
            %eq3A_900 = arith.constant 6 : i32
            %eq3A_901 = arith.cmpi eq, %scan3A_360, %eq3A_900 : i32
            %ne3A_902 = arith.constant 0 : i32
            %ne3A_903 = arith.cmpi ne, %scan3A_868, %ne3A_902 : i32
            %or3A_904 = arith.ori %eq3A_901, %ne3A_903 : i1
            %and3A_905 = arith.andi %and3A_899, %or3A_904 : i1
            %eq3A_906 = arith.constant 0 : i32
            %eq3A_907 = arith.cmpi eq, %scan3A_869, %eq3A_906 : i32
            %and3A_908 = arith.andi %reduce_or3A_725, %eq3A_907 : i1
            %ne3A_909 = arith.constant 0.000000e+00 : f32
            %ne3A_910 = arith.cmpf one, %reduce_sum3A_883, %ne3A_909 : f32
            %and3A_911 = arith.andi %and3A_908, %ne3A_910 : i1
            %and3A_912 = arith.andi %and3A_911, %and3A_905 : i1
            %select_n3A_913 = arith.select %and3A_912, %scan3A_868, %scan3A_869 : i32
            scf.yield %select_n3A_913 : i32
          }
          %scan3A_732 = arith.constant 10 : i32
          %eq3A_733 = vector.broadcast %scan3A_360 : i32 to vector<16xi32>
          %eq3A_734 = arith.cmpi eq, %iota3A, %eq3A_733 : vector<16xi32>
          %broadcast_in_dim3A_735 = vector.broadcast %scan3A_731 : i32 to vector<16xi32>
          %select_n3A_736 = arith.select %eq3A_734, %broadcast_in_dim3A_735, %scan3A_711 : vector<16xi1>, vector<16xi32>
          %mul3A_737 = arith.constant 7 : i32
          %mul3A_738 = vector.broadcast %mul3A_737 : i32 to vector<16xi32>
          %mul3A_739 = arith.muli %broadcast_in_dim3A_363, %mul3A_738 : vector<16xi32>
          %add3A_740 = arith.addi %mul3A_739, %iota3A : vector<16xi32>
          %lt3A_741 = arith.constant 7 : i32
          %lt3A_742 = vector.broadcast %lt3A_741 : i32 to vector<16xi32>
          %lt3A_743 = arith.cmpi slt, %iota3A, %lt3A_742 : vector<16xi32>
          tpu.vector_store_idx %arg7[%broadcast_in_dim3A_363, %add3A_740], %select_n3A_736 masked %lt3A_743 : memref<10x64xi32, #tpu.memory_space<vmem>>[vector<16xi32>, vector<16xi32>], vector<16xi32>, vector<16xi1>
          %broadcast_in_dim3A_744 = arith.constant 0 : i32
          %broadcast_in_dim3A_745 = vector.broadcast %broadcast_in_dim3A_744 : i32 to vector<16xi32>
          %mul3A_746 = arith.constant 7 : i32
          %mul3A_747 = vector.broadcast %mul3A_746 : i32 to vector<16xi32>
          %mul3A_748 = arith.muli %min3A_576, %mul3A_747 : vector<16xi32>
          %add3A_749 = arith.constant 0 : i32
          %add3A_750 = vector.broadcast %add3A_749 : i32 to vector<16xi32>
          %add3A_751 = arith.addi %mul3A_748, %add3A_750 : vector<16xi32>
          %gather3A_752 = tpu.vector_load_idx %arg7[%broadcast_in_dim3A_363, %add3A_751] : memref<10x64xi32, #tpu.memory_space<vmem>>[vector<16xi32>, vector<16xi32>], vector<16xi32>,
          %lt3A_753 = arith.constant 7 : i32
          %lt3A_754 = vector.broadcast %lt3A_753 : i32 to vector<16xi32>
          %lt3A_755 = arith.cmpi slt, %iota3A, %lt3A_754 : vector<16xi32>
          %shift_left3A_756 = arith.constant 1 : i32
          %shift_left3A_757 = vector.broadcast %shift_left3A_756 : i32 to vector<16xi32>
          %shift_left3A_758 = arith.shli %shift_left3A_757, %gather3A_752 : vector<16xi32>
          %jit3A_759 = arith.constant 0 : i32
          %broadcast_in_dim3A_760 = vector.broadcast %jit3A_759 : i32 to vector<16xi32>
          %select_n3A_761 = arith.select %lt3A_755, %shift_left3A_758, %broadcast_in_dim3A_760 : vector<16xi1>, vector<16xi32>
          %or3A_762 = arith.ori %broadcast_in_dim3A_745, %select_n3A_761 : vector<16xi32>
          %mul3A_763 = arith.constant 7 : i32
          %mul3A_764 = vector.broadcast %mul3A_763 : i32 to vector<16xi32>
          %mul3A_765 = arith.muli %min3A_576, %mul3A_764 : vector<16xi32>
          %add3A_766 = arith.constant 1 : i32
          %add3A_767 = vector.broadcast %add3A_766 : i32 to vector<16xi32>
          %add3A_768 = arith.addi %mul3A_765, %add3A_767 : vector<16xi32>
          %gather3A_769 = tpu.vector_load_idx %arg7[%broadcast_in_dim3A_363, %add3A_768] : memref<10x64xi32, #tpu.memory_space<vmem>>[vector<16xi32>, vector<16xi32>], vector<16xi32>,
          %lt3A_770 = arith.constant 7 : i32
          %lt3A_771 = vector.broadcast %lt3A_770 : i32 to vector<16xi32>
          %lt3A_772 = arith.cmpi slt, %iota3A, %lt3A_771 : vector<16xi32>
          %shift_left3A_773 = arith.constant 1 : i32
          %shift_left3A_774 = vector.broadcast %shift_left3A_773 : i32 to vector<16xi32>
          %shift_left3A_775 = arith.shli %shift_left3A_774, %gather3A_769 : vector<16xi32>
          %jit3A_776 = arith.constant 0 : i32
          %broadcast_in_dim3A_777 = vector.broadcast %jit3A_776 : i32 to vector<16xi32>
          %select_n3A_778 = arith.select %lt3A_772, %shift_left3A_775, %broadcast_in_dim3A_777 : vector<16xi1>, vector<16xi32>
          %or3A_779 = arith.ori %or3A_762, %select_n3A_778 : vector<16xi32>
          %mul3A_780 = arith.constant 7 : i32
          %mul3A_781 = vector.broadcast %mul3A_780 : i32 to vector<16xi32>
          %mul3A_782 = arith.muli %min3A_576, %mul3A_781 : vector<16xi32>
          %add3A_783 = arith.constant 2 : i32
          %add3A_784 = vector.broadcast %add3A_783 : i32 to vector<16xi32>
          %add3A_785 = arith.addi %mul3A_782, %add3A_784 : vector<16xi32>
          %gather3A_786 = tpu.vector_load_idx %arg7[%broadcast_in_dim3A_363, %add3A_785] : memref<10x64xi32, #tpu.memory_space<vmem>>[vector<16xi32>, vector<16xi32>], vector<16xi32>,
          %lt3A_787 = arith.constant 7 : i32
          %lt3A_788 = vector.broadcast %lt3A_787 : i32 to vector<16xi32>
          %lt3A_789 = arith.cmpi slt, %iota3A, %lt3A_788 : vector<16xi32>
          %shift_left3A_790 = arith.constant 1 : i32
          %shift_left3A_791 = vector.broadcast %shift_left3A_790 : i32 to vector<16xi32>
          %shift_left3A_792 = arith.shli %shift_left3A_791, %gather3A_786 : vector<16xi32>
          %jit3A_793 = arith.constant 0 : i32
          %broadcast_in_dim3A_794 = vector.broadcast %jit3A_793 : i32 to vector<16xi32>
          %select_n3A_795 = arith.select %lt3A_789, %shift_left3A_792, %broadcast_in_dim3A_794 : vector<16xi1>, vector<16xi32>
          %or3A_796 = arith.ori %or3A_779, %select_n3A_795 : vector<16xi32>
          %mul3A_797 = arith.constant 7 : i32
          %mul3A_798 = vector.broadcast %mul3A_797 : i32 to vector<16xi32>
          %mul3A_799 = arith.muli %min3A_576, %mul3A_798 : vector<16xi32>
          %add3A_800 = arith.constant 3 : i32
          %add3A_801 = vector.broadcast %add3A_800 : i32 to vector<16xi32>
          %add3A_802 = arith.addi %mul3A_799, %add3A_801 : vector<16xi32>
          %gather3A_803 = tpu.vector_load_idx %arg7[%broadcast_in_dim3A_363, %add3A_802] : memref<10x64xi32, #tpu.memory_space<vmem>>[vector<16xi32>, vector<16xi32>], vector<16xi32>,
          %lt3A_804 = arith.constant 7 : i32
          %lt3A_805 = vector.broadcast %lt3A_804 : i32 to vector<16xi32>
          %lt3A_806 = arith.cmpi slt, %iota3A, %lt3A_805 : vector<16xi32>
          %shift_left3A_807 = arith.constant 1 : i32
          %shift_left3A_808 = vector.broadcast %shift_left3A_807 : i32 to vector<16xi32>
          %shift_left3A_809 = arith.shli %shift_left3A_808, %gather3A_803 : vector<16xi32>
          %jit3A_810 = arith.constant 0 : i32
          %broadcast_in_dim3A_811 = vector.broadcast %jit3A_810 : i32 to vector<16xi32>
          %select_n3A_812 = arith.select %lt3A_806, %shift_left3A_809, %broadcast_in_dim3A_811 : vector<16xi1>, vector<16xi32>
          %or3A_813 = arith.ori %or3A_796, %select_n3A_812 : vector<16xi32>
          %mul3A_814 = arith.constant 7 : i32
          %mul3A_815 = vector.broadcast %mul3A_814 : i32 to vector<16xi32>
          %mul3A_816 = arith.muli %min3A_576, %mul3A_815 : vector<16xi32>
          %add3A_817 = arith.constant 4 : i32
          %add3A_818 = vector.broadcast %add3A_817 : i32 to vector<16xi32>
          %add3A_819 = arith.addi %mul3A_816, %add3A_818 : vector<16xi32>
          %gather3A_820 = tpu.vector_load_idx %arg7[%broadcast_in_dim3A_363, %add3A_819] : memref<10x64xi32, #tpu.memory_space<vmem>>[vector<16xi32>, vector<16xi32>], vector<16xi32>,
          %lt3A_821 = arith.constant 7 : i32
          %lt3A_822 = vector.broadcast %lt3A_821 : i32 to vector<16xi32>
          %lt3A_823 = arith.cmpi slt, %iota3A, %lt3A_822 : vector<16xi32>
          %shift_left3A_824 = arith.constant 1 : i32
          %shift_left3A_825 = vector.broadcast %shift_left3A_824 : i32 to vector<16xi32>
          %shift_left3A_826 = arith.shli %shift_left3A_825, %gather3A_820 : vector<16xi32>
          %jit3A_827 = arith.constant 0 : i32
          %broadcast_in_dim3A_828 = vector.broadcast %jit3A_827 : i32 to vector<16xi32>
          %select_n3A_829 = arith.select %lt3A_823, %shift_left3A_826, %broadcast_in_dim3A_828 : vector<16xi1>, vector<16xi32>
          %or3A_830 = arith.ori %or3A_813, %select_n3A_829 : vector<16xi32>
          %mul3A_831 = arith.constant 7 : i32
          %mul3A_832 = vector.broadcast %mul3A_831 : i32 to vector<16xi32>
          %mul3A_833 = arith.muli %min3A_576, %mul3A_832 : vector<16xi32>
          %add3A_834 = arith.constant 5 : i32
          %add3A_835 = vector.broadcast %add3A_834 : i32 to vector<16xi32>
          %add3A_836 = arith.addi %mul3A_833, %add3A_835 : vector<16xi32>
          %gather3A_837 = tpu.vector_load_idx %arg7[%broadcast_in_dim3A_363, %add3A_836] : memref<10x64xi32, #tpu.memory_space<vmem>>[vector<16xi32>, vector<16xi32>], vector<16xi32>,
          %lt3A_838 = arith.constant 7 : i32
          %lt3A_839 = vector.broadcast %lt3A_838 : i32 to vector<16xi32>
          %lt3A_840 = arith.cmpi slt, %iota3A, %lt3A_839 : vector<16xi32>
          %shift_left3A_841 = arith.constant 1 : i32
          %shift_left3A_842 = vector.broadcast %shift_left3A_841 : i32 to vector<16xi32>
          %shift_left3A_843 = arith.shli %shift_left3A_842, %gather3A_837 : vector<16xi32>
          %jit3A_844 = arith.constant 0 : i32
          %broadcast_in_dim3A_845 = vector.broadcast %jit3A_844 : i32 to vector<16xi32>
          %select_n3A_846 = arith.select %lt3A_840, %shift_left3A_843, %broadcast_in_dim3A_845 : vector<16xi1>, vector<16xi32>
          %or3A_847 = arith.ori %or3A_830, %select_n3A_846 : vector<16xi32>
          %mul3A_848 = arith.constant 7 : i32
          %mul3A_849 = vector.broadcast %mul3A_848 : i32 to vector<16xi32>
          %mul3A_850 = arith.muli %min3A_576, %mul3A_849 : vector<16xi32>
          %add3A_851 = arith.constant 6 : i32
          %add3A_852 = vector.broadcast %add3A_851 : i32 to vector<16xi32>
          %add3A_853 = arith.addi %mul3A_850, %add3A_852 : vector<16xi32>
          %gather3A_854 = tpu.vector_load_idx %arg7[%broadcast_in_dim3A_363, %add3A_853] : memref<10x64xi32, #tpu.memory_space<vmem>>[vector<16xi32>, vector<16xi32>], vector<16xi32>,
          %lt3A_855 = arith.constant 7 : i32
          %lt3A_856 = vector.broadcast %lt3A_855 : i32 to vector<16xi32>
          %lt3A_857 = arith.cmpi slt, %iota3A, %lt3A_856 : vector<16xi32>
          %shift_left3A_858 = arith.constant 1 : i32
          %shift_left3A_859 = vector.broadcast %shift_left3A_858 : i32 to vector<16xi32>
          %shift_left3A_860 = arith.shli %shift_left3A_859, %gather3A_854 : vector<16xi32>
          %jit3A_861 = arith.constant 0 : i32
          %broadcast_in_dim3A_862 = vector.broadcast %jit3A_861 : i32 to vector<16xi32>
          %select_n3A_863 = arith.select %lt3A_857, %shift_left3A_860, %broadcast_in_dim3A_862 : vector<16xi1>, vector<16xi32>
          %or3A_864 = arith.ori %or3A_847, %select_n3A_863 : vector<16xi32>
          %swap3A_865 = arith.index_cast %scan3A_360 : i32 to index
          %swap3A_866 = arith.constant 0 : index
          %swap3A_867 = tpu.vector_load %arg13[%swap3A_865, %swap3A_866] {strides = array<i32>} : memref<7x16xi32, #tpu.memory_space<vmem>>, vector<16xi32>,
          tpu.vector_store %arg13[%swap3A_865, %swap3A_866], %or3A_864 {strides = array<i32>} : memref<7x16xi32, #tpu.memory_space<vmem>>, vector<16xi32>,
        } else {
        }
        %scan3A_573 = arith.constant 0 : i32
        scf.yield %scan3A_573 : i32
      }
      %scan3A_305 = arith.constant 10 : i32
      %broadcast_in_dim3A_306 = arith.constant 0 : i32
      %broadcast_in_dim3A_307 = vector.broadcast %broadcast_in_dim3A_306 : i32 to vector<16xi32>
      %broadcast_in_dim3A_308 = arith.constant 0 : i32
      %broadcast_in_dim3A_309 = vector.broadcast %broadcast_in_dim3A_308 : i32 to vector<16xi32>
      %broadcast_in_dim3A_310 = arith.constant 0 : i32
      %broadcast_in_dim3A_311 = vector.broadcast %broadcast_in_dim3A_310 : i32 to vector<16xi32>
      %broadcast_in_dim3A_312 = arith.constant 0 : i32
      %broadcast_in_dim3A_313 = vector.broadcast %broadcast_in_dim3A_312 : i32 to vector<16xi32>
      %scan3A_314 = arith.constant 0.000000e+00 : f32
      %scan3A_315 = arith.constant 0.000000e+00 : f32
      %scan3A_316 = arith.constant 0.000000e+00 : f32
      %scan3A_317 = arith.constant 0.000000e+00 : f32
      %scan3A_318 = arith.constant 0 : i32
      %scan3A_319 = arith.constant 10 : i32
      %scan3A_320 = arith.addi %scan3A_318, %scan3A_319 : i32
      %scan3A_321 = arith.constant 1 : i32
      %scan3A_322:8 = scf.for %scan3A_360 = %scan3A_318 to %scan3A_320 step %scan3A_321 iter_args(%scan3A_361 = %scan3A_314, %scan3A_362 = %scan3A_315, %scan3A_363 = %scan3A_316, %scan3A_364 = %scan3A_317, %scan3A_365 = %broadcast_in_dim3A_307, %scan3A_366 = %broadcast_in_dim3A_309, %scan3A_367 = %broadcast_in_dim3A_311, %scan3A_368 = %broadcast_in_dim3A_313) -> (f32, f32, f32, f32, vector<16xi32>, vector<16xi32>, vector<16xi32>, vector<16xi32>)  : i32 {
        %mul3A = arith.constant 19 : i32
        %mul3A_369 = arith.muli %scan3A_360, %mul3A : i32
        %broadcast_in_dim3A_370 = vector.broadcast %scan3A_360 : i32 to vector<16xi32>
        %get3A = arith.index_cast %mul3A_369 : i32 to index
        %get3A_371 = arith.constant 0 : index
        %get3A_372 = tpu.vector_load %arg6[%get3A, %get3A_371] {strides = array<i32>} : memref<190x64xf32, #tpu.memory_space<vmem>>, vector<16xf32>,
        %ne3A_373 = arith.constant 0.000000e+00 : f32
        %ne3A_374 = vector.broadcast %ne3A_373 : f32 to vector<16xf32>
        %ne3A_375 = arith.cmpf one, %get3A_372, %ne3A_374 : vector<16xf32>
        %get3A_376 = arith.index_cast %scan3A_360 : i32 to index
        %get3A_377 = arith.constant 0 : index
        %get3A_378 = tpu.vector_load %arg7[%get3A_376, %get3A_377] {strides = array<i32>} : memref<10x64xi32, #tpu.memory_space<vmem>>, vector<16xi32>,
        %mul3A_379 = arith.constant 8 : i32
        %mul3A_380 = vector.broadcast %mul3A_379 : i32 to vector<16xi32>
        %mul3A_381 = arith.muli %min3A_38, %mul3A_380 : vector<16xi32>
        %gather3A = tpu.vector_load_idx %arg7[%broadcast_in_dim3A_370, %mul3A_381] : memref<10x64xi32, #tpu.memory_space<vmem>>[vector<16xi32>, vector<16xi32>], vector<16xi32>,
        %mul3A_382 = arith.constant 19 : i32
        %mul3A_383 = vector.broadcast %mul3A_382 : i32 to vector<16xi32>
        %mul3A_384 = arith.muli %gather3A, %mul3A_383 : vector<16xi32>
        %add3A_385 = arith.constant 1 : i32
        %add3A_386 = vector.broadcast %add3A_385 : i32 to vector<16xi32>
        %add3A_387 = arith.addi %mul3A_384, %add3A_386 : vector<16xi32>
        %gather3A_388 = tpu.vector_load_idx %arg5[%add3A_387, %add3A_3] : memref<190x64xf32, #tpu.memory_space<vmem>>[vector<16xi32>, vector<16xi32>], vector<16xf32>,
        %mul3A_389 = arith.constant 19 : i32
        %mul3A_390 = vector.broadcast %mul3A_389 : i32 to vector<16xi32>
        %mul3A_391 = arith.muli %gather3A, %mul3A_390 : vector<16xi32>
        %add3A_392 = arith.constant 2 : i32
        %add3A_393 = vector.broadcast %add3A_392 : i32 to vector<16xi32>
        %add3A_394 = arith.addi %mul3A_391, %add3A_393 : vector<16xi32>
        %gather3A_395 = tpu.vector_load_idx %arg5[%add3A_394, %add3A_3] : memref<190x64xf32, #tpu.memory_space<vmem>>[vector<16xi32>, vector<16xi32>], vector<16xf32>,
        %gather3A_396 = tpu.vector_load_idx %arg10[%get3A_378, %add3A_3] : memref<10x64xf32, #tpu.memory_space<vmem>>[vector<16xi32>, vector<16xi32>], vector<16xf32>,
        %gather3A_397 = tpu.vector_load_idx %arg11[%get3A_378, %add3A_3] : memref<10x64xf32, #tpu.memory_space<vmem>>[vector<16xi32>, vector<16xi32>], vector<16xf32>,
        %mul3A_398 = arith.constant 19 : i32
        %mul3A_399 = vector.broadcast %mul3A_398 : i32 to vector<16xi32>
        %mul3A_400 = arith.muli %get3A_378, %mul3A_399 : vector<16xi32>
        %gather3A_401 = tpu.vector_load_idx %arg5[%mul3A_400, %add3A_3] : memref<190x64xf32, #tpu.memory_space<vmem>>[vector<16xi32>, vector<16xi32>], vector<16xf32>,
        %gather3A_402 = tpu.vector_load_idx %arg9[%get3A_378, %add3A_3] : memref<10x64xf32, #tpu.memory_space<vmem>>[vector<16xi32>, vector<16xi32>], vector<16xf32>,
        %shift_left3A = arith.constant 1 : i32
        %shift_left3A_403 = vector.broadcast %shift_left3A : i32 to vector<16xi32>
        %shift_left3A_404 = arith.shli %shift_left3A_403, %get3A_378 : vector<16xi32>
        %jit3A_405 = arith.constant 0 : i32
        %broadcast_in_dim3A_406 = vector.broadcast %jit3A_405 : i32 to vector<16xi32>
        %select_n3A_407 = arith.select %ne3A_375, %shift_left3A_404, %broadcast_in_dim3A_406 : vector<16xi1>, vector<16xi32>
        %or3A = arith.ori %scan3A_365, %select_n3A_407 : vector<16xi32>
        %add3A_408 = arith.constant 1 : i32
        %add3A_409 = arith.addi %mul3A_369, %add3A_408 : i32
        %get3A_410 = arith.index_cast %add3A_409 : i32 to index
        %get3A_411 = arith.constant 0 : index
        %get3A_412 = tpu.vector_load %arg6[%get3A_410, %get3A_411] {strides = array<i32>} : memref<190x64xf32, #tpu.memory_space<vmem>>, vector<16xf32>,
        %sub3A_413 = arith.subf %get3A_412, %gather3A_388 : vector<16xf32>
        %add3A_414 = arith.constant 2 : i32
        %add3A_415 = arith.addi %mul3A_369, %add3A_414 : i32
        %get3A_416 = arith.index_cast %add3A_415 : i32 to index
        %get3A_417 = arith.constant 0 : index
        %get3A_418 = tpu.vector_load %arg6[%get3A_416, %get3A_417] {strides = array<i32>} : memref<190x64xf32, #tpu.memory_space<vmem>>, vector<16xf32>,
        %sub3A_419 = arith.subf %get3A_418, %gather3A_395 : vector<16xf32>
        %add3A_420 = arith.constant 3 : i32
        %add3A_421 = arith.addi %mul3A_369, %add3A_420 : i32
        %get3A_422 = arith.index_cast %add3A_421 : i32 to index
        %get3A_423 = arith.constant 0 : index
        %get3A_424 = tpu.vector_load %arg6[%get3A_422, %get3A_423] {strides = array<i32>} : memref<190x64xf32, #tpu.memory_space<vmem>>, vector<16xf32>,
        %max3A = arith.constant 0.000000e+00 : f32
        %max3A_425 = vector.broadcast %max3A : f32 to vector<16xf32>
        %max3A_426 = arith.maximumf %get3A_424, %max3A_425 : vector<16xf32>
        %bitcast3A = vector.bitcast %max3A_426 : vector<16xf32> to vector<16xi32>
        %shift_right_logical3A = arith.constant 1 : i32
        %shift_right_logical3A_427 = vector.broadcast %shift_right_logical3A : i32 to vector<16xi32>
        %shift_right_logical3A_428 = arith.shrui %bitcast3A, %shift_right_logical3A_427 : vector<16xi32>
        %add3A_429 = arith.constant 532487669 : i32
        %add3A_430 = vector.broadcast %add3A_429 : i32 to vector<16xi32>
        %add3A_431 = arith.addi %shift_right_logical3A_428, %add3A_430 : vector<16xi32>
        %bitcast3A_432 = vector.bitcast %add3A_431 : vector<16xi32> to vector<16xf32>
        %div3A_433 = arith.divf %max3A_426, %bitcast3A_432 : vector<16xf32>
        %add3A_434 = arith.addf %bitcast3A_432, %div3A_433 : vector<16xf32>
        %mul3A_435 = arith.constant 5.000000e-01 : f32
        %mul3A_436 = vector.broadcast %mul3A_435 : f32 to vector<16xf32>
        %mul3A_437 = arith.mulf %mul3A_436, %add3A_434 : vector<16xf32>
        %div3A_438 = arith.divf %max3A_426, %mul3A_437 : vector<16xf32>
        %add3A_439 = arith.addf %mul3A_437, %div3A_438 : vector<16xf32>
        %mul3A_440 = arith.constant 5.000000e-01 : f32
        %mul3A_441 = vector.broadcast %mul3A_440 : f32 to vector<16xf32>
        %mul3A_442 = arith.mulf %mul3A_441, %add3A_439 : vector<16xf32>
        %div3A_443 = arith.divf %max3A_426, %mul3A_442 : vector<16xf32>
        %add3A_444 = arith.addf %mul3A_442, %div3A_443 : vector<16xf32>
        %mul3A_445 = arith.constant 5.000000e-01 : f32
        %mul3A_446 = vector.broadcast %mul3A_445 : f32 to vector<16xf32>
        %mul3A_447 = arith.mulf %mul3A_446, %add3A_444 : vector<16xf32>
        %div3A_448 = arith.divf %max3A_426, %mul3A_447 : vector<16xf32>
        %add3A_449 = arith.addf %mul3A_447, %div3A_448 : vector<16xf32>
        %mul3A_450 = arith.constant 5.000000e-01 : f32
        %mul3A_451 = vector.broadcast %mul3A_450 : f32 to vector<16xf32>
        %mul3A_452 = arith.mulf %mul3A_451, %add3A_449 : vector<16xf32>
        %sub3A_453 = arith.subf %mul3A_452, %gather3A_396 : vector<16xf32>
        %add3A_454 = arith.constant 4 : i32
        %add3A_455 = arith.addi %mul3A_369, %add3A_454 : i32
        %get3A_456 = arith.index_cast %add3A_455 : i32 to index
        %get3A_457 = arith.constant 0 : index
        %get3A_458 = tpu.vector_load %arg6[%get3A_456, %get3A_457] {strides = array<i32>} : memref<190x64xf32, #tpu.memory_space<vmem>>, vector<16xf32>,
        %max3A_459 = arith.constant 0.000000e+00 : f32
        %max3A_460 = vector.broadcast %max3A_459 : f32 to vector<16xf32>
        %max3A_461 = arith.maximumf %get3A_458, %max3A_460 : vector<16xf32>
        %bitcast3A_462 = vector.bitcast %max3A_461 : vector<16xf32> to vector<16xi32>
        %shift_right_logical3A_463 = arith.constant 1 : i32
        %shift_right_logical3A_464 = vector.broadcast %shift_right_logical3A_463 : i32 to vector<16xi32>
        %shift_right_logical3A_465 = arith.shrui %bitcast3A_462, %shift_right_logical3A_464 : vector<16xi32>
        %add3A_466 = arith.constant 532487669 : i32
        %add3A_467 = vector.broadcast %add3A_466 : i32 to vector<16xi32>
        %add3A_468 = arith.addi %shift_right_logical3A_465, %add3A_467 : vector<16xi32>
        %bitcast3A_469 = vector.bitcast %add3A_468 : vector<16xi32> to vector<16xf32>
        %div3A_470 = arith.divf %max3A_461, %bitcast3A_469 : vector<16xf32>
        %add3A_471 = arith.addf %bitcast3A_469, %div3A_470 : vector<16xf32>
        %mul3A_472 = arith.constant 5.000000e-01 : f32
        %mul3A_473 = vector.broadcast %mul3A_472 : f32 to vector<16xf32>
        %mul3A_474 = arith.mulf %mul3A_473, %add3A_471 : vector<16xf32>
        %div3A_475 = arith.divf %max3A_461, %mul3A_474 : vector<16xf32>
        %add3A_476 = arith.addf %mul3A_474, %div3A_475 : vector<16xf32>
        %mul3A_477 = arith.constant 5.000000e-01 : f32
        %mul3A_478 = vector.broadcast %mul3A_477 : f32 to vector<16xf32>
        %mul3A_479 = arith.mulf %mul3A_478, %add3A_476 : vector<16xf32>
        %div3A_480 = arith.divf %max3A_461, %mul3A_479 : vector<16xf32>
        %add3A_481 = arith.addf %mul3A_479, %div3A_480 : vector<16xf32>
        %mul3A_482 = arith.constant 5.000000e-01 : f32
        %mul3A_483 = vector.broadcast %mul3A_482 : f32 to vector<16xf32>
        %mul3A_484 = arith.mulf %mul3A_483, %add3A_481 : vector<16xf32>
        %div3A_485 = arith.divf %max3A_461, %mul3A_484 : vector<16xf32>
        %add3A_486 = arith.addf %mul3A_484, %div3A_485 : vector<16xf32>
        %mul3A_487 = arith.constant 5.000000e-01 : f32
        %mul3A_488 = vector.broadcast %mul3A_487 : f32 to vector<16xf32>
        %mul3A_489 = arith.mulf %mul3A_488, %add3A_486 : vector<16xf32>
        %sub3A_490 = arith.subf %mul3A_489, %gather3A_397 : vector<16xf32>
        %get3A_491 = arith.index_cast %mul3A_369 : i32 to index
        %get3A_492 = arith.constant 0 : index
        %get3A_493 = tpu.vector_load %arg6[%get3A_491, %get3A_492] {strides = array<i32>} : memref<190x64xf32, #tpu.memory_space<vmem>>, vector<16xf32>,
        %sub3A_494 = arith.subf %get3A_493, %gather3A_401 : vector<16xf32>
        %mul3A_495 = arith.mulf %sub3A_413, %sub3A_413 : vector<16xf32>
        %mul3A_496 = arith.mulf %sub3A_419, %sub3A_419 : vector<16xf32>
        %mul3A_497 = arith.mulf %sub3A_453, %sub3A_453 : vector<16xf32>
        %mul3A_498 = arith.mulf %sub3A_490, %sub3A_490 : vector<16xf32>
        %mul3A_499 = arith.mulf %sub3A_494, %sub3A_494 : vector<16xf32>
        %jit3A_500 = arith.constant 1.000000e+00 : f32
        %jit3A_501 = arith.constant 0.000000e+00 : f32
        %broadcast_in_dim3A_502 = vector.broadcast %jit3A_500 : f32 to vector<16xf32>
        %broadcast_in_dim3A_503 = vector.broadcast %jit3A_501 : f32 to vector<16xf32>
        %select_n3A_504 = arith.select %ne3A_375, %broadcast_in_dim3A_502, %broadcast_in_dim3A_503 : vector<16xi1>, vector<16xf32>
        %reduce_sum3A = arith.constant true
        %reduce_sum3A_505 = vector.broadcast %reduce_sum3A : i1 to vector<16xi1>
        %reduce_sum3A_506 = tpu.scan <sum>, %select_n3A_504 masked %reduce_sum3A_505 : vector<16xf32>, vector<16xi1> -> vector<16xf32>
        %reduce_sum3A_507 = vector.extract %reduce_sum3A_506[15] : f32 from vector<16xf32>
        %add3A_508 = arith.addf %scan3A_361, %reduce_sum3A_507 : f32
        %add3A_509 = arith.addf %mul3A_495, %mul3A_496 : vector<16xf32>
        %add3A_510 = arith.addf %add3A_509, %mul3A_497 : vector<16xf32>
        %add3A_511 = arith.addf %add3A_510, %mul3A_498 : vector<16xf32>
        %mul3A_512 = arith.mulf %select_n3A_504, %add3A_511 : vector<16xf32>
        %reduce_sum3A_513 = arith.constant true
        %reduce_sum3A_514 = vector.broadcast %reduce_sum3A_513 : i1 to vector<16xi1>
        %reduce_sum3A_515 = tpu.scan <sum>, %mul3A_512 masked %reduce_sum3A_514 : vector<16xf32>, vector<16xi1> -> vector<16xf32>
        %reduce_sum3A_516 = vector.extract %reduce_sum3A_515[15] : f32 from vector<16xf32>
        %add3A_517 = arith.addf %scan3A_362, %reduce_sum3A_516 : f32
        %mul3A_518 = arith.mulf %select_n3A_504, %mul3A_499 : vector<16xf32>
        %reduce_sum3A_519 = arith.constant true
        %reduce_sum3A_520 = vector.broadcast %reduce_sum3A_519 : i1 to vector<16xi1>
        %reduce_sum3A_521 = tpu.scan <sum>, %mul3A_518 masked %reduce_sum3A_520 : vector<16xf32>, vector<16xi1> -> vector<16xf32>
        %reduce_sum3A_522 = vector.extract %reduce_sum3A_521[15] : f32 from vector<16xf32>
        %add3A_523 = arith.addf %scan3A_363, %reduce_sum3A_522 : f32
        %mul3A_524 = arith.mulf %select_n3A_504, %gather3A_402 : vector<16xf32>
        %reduce_sum3A_525 = arith.constant true
        %reduce_sum3A_526 = vector.broadcast %reduce_sum3A_525 : i1 to vector<16xi1>
        %reduce_sum3A_527 = tpu.scan <sum>, %mul3A_524 masked %reduce_sum3A_526 : vector<16xf32>, vector<16xi1> -> vector<16xf32>
        %reduce_sum3A_528 = vector.extract %reduce_sum3A_527[15] : f32 from vector<16xf32>
        %add3A_529 = arith.addf %scan3A_364, %reduce_sum3A_528 : f32
        %get3A_530 = arith.index_cast %mul3A_369 : i32 to index
        %get3A_531 = arith.constant 16 : index
        %get3A_532 = tpu.vector_load %arg6[%get3A_530, %get3A_531] {strides = array<i32>} : memref<190x64xf32, #tpu.memory_space<vmem>>, vector<16xf32>,
        %ne3A_533 = arith.constant 0.000000e+00 : f32
        %ne3A_534 = vector.broadcast %ne3A_533 : f32 to vector<16xf32>
        %ne3A_535 = arith.cmpf one, %get3A_532, %ne3A_534 : vector<16xf32>
        %get3A_536 = arith.index_cast %scan3A_360 : i32 to index
        %get3A_537 = arith.constant 16 : index
        %get3A_538 = tpu.vector_load %arg7[%get3A_536, %get3A_537] {strides = array<i32>} : memref<10x64xi32, #tpu.memory_space<vmem>>, vector<16xi32>,
        %mul3A_539 = arith.constant 8 : i32
        %mul3A_540 = vector.broadcast %mul3A_539 : i32 to vector<16xi32>
        %mul3A_541 = arith.muli %min3A_72, %mul3A_540 : vector<16xi32>
        %gather3A_542 = tpu.vector_load_idx %arg7[%broadcast_in_dim3A_370, %mul3A_541] : memref<10x64xi32, #tpu.memory_space<vmem>>[vector<16xi32>, vector<16xi32>], vector<16xi32>,
        %mul3A_543 = arith.constant 19 : i32
        %mul3A_544 = vector.broadcast %mul3A_543 : i32 to vector<16xi32>
        %mul3A_545 = arith.muli %gather3A_542, %mul3A_544 : vector<16xi32>
        %add3A_546 = arith.constant 1 : i32
        %add3A_547 = vector.broadcast %add3A_546 : i32 to vector<16xi32>
        %add3A_548 = arith.addi %mul3A_545, %add3A_547 : vector<16xi32>
        %gather3A_549 = tpu.vector_load_idx %arg5[%add3A_548, %add3A_6] : memref<190x64xf32, #tpu.memory_space<vmem>>[vector<16xi32>, vector<16xi32>], vector<16xf32>,
        %mul3A_550 = arith.constant 19 : i32
        %mul3A_551 = vector.broadcast %mul3A_550 : i32 to vector<16xi32>
        %mul3A_552 = arith.muli %gather3A_542, %mul3A_551 : vector<16xi32>
        %add3A_553 = arith.constant 2 : i32
        %add3A_554 = vector.broadcast %add3A_553 : i32 to vector<16xi32>
        %add3A_555 = arith.addi %mul3A_552, %add3A_554 : vector<16xi32>
        %gather3A_556 = tpu.vector_load_idx %arg5[%add3A_555, %add3A_6] : memref<190x64xf32, #tpu.memory_space<vmem>>[vector<16xi32>, vector<16xi32>], vector<16xf32>,
        %gather3A_557 = tpu.vector_load_idx %arg10[%get3A_538, %add3A_6] : memref<10x64xf32, #tpu.memory_space<vmem>>[vector<16xi32>, vector<16xi32>], vector<16xf32>,
        %gather3A_558 = tpu.vector_load_idx %arg11[%get3A_538, %add3A_6] : memref<10x64xf32, #tpu.memory_space<vmem>>[vector<16xi32>, vector<16xi32>], vector<16xf32>,
        %mul3A_559 = arith.constant 19 : i32
        %mul3A_560 = vector.broadcast %mul3A_559 : i32 to vector<16xi32>
        %mul3A_561 = arith.muli %get3A_538, %mul3A_560 : vector<16xi32>
        %gather3A_562 = tpu.vector_load_idx %arg5[%mul3A_561, %add3A_6] : memref<190x64xf32, #tpu.memory_space<vmem>>[vector<16xi32>, vector<16xi32>], vector<16xf32>,
        %gather3A_563 = tpu.vector_load_idx %arg9[%get3A_538, %add3A_6] : memref<10x64xf32, #tpu.memory_space<vmem>>[vector<16xi32>, vector<16xi32>], vector<16xf32>,
        %shift_left3A_564 = arith.constant 1 : i32
        %shift_left3A_565 = vector.broadcast %shift_left3A_564 : i32 to vector<16xi32>
        %shift_left3A_566 = arith.shli %shift_left3A_565, %get3A_538 : vector<16xi32>
        %jit3A_567 = arith.constant 0 : i32
        %broadcast_in_dim3A_568 = vector.broadcast %jit3A_567 : i32 to vector<16xi32>
        %select_n3A_569 = arith.select %ne3A_535, %shift_left3A_566, %broadcast_in_dim3A_568 : vector<16xi1>, vector<16xi32>
        %or3A_570 = arith.ori %scan3A_366, %select_n3A_569 : vector<16xi32>
        %add3A_571 = arith.constant 1 : i32
        %add3A_572 = arith.addi %mul3A_369, %add3A_571 : i32
        %get3A_573 = arith.index_cast %add3A_572 : i32 to index
        %get3A_574 = arith.constant 16 : index
        %get3A_575 = tpu.vector_load %arg6[%get3A_573, %get3A_574] {strides = array<i32>} : memref<190x64xf32, #tpu.memory_space<vmem>>, vector<16xf32>,
        %sub3A_576 = arith.subf %get3A_575, %gather3A_549 : vector<16xf32>
        %add3A_577 = arith.constant 2 : i32
        %add3A_578 = arith.addi %mul3A_369, %add3A_577 : i32
        %get3A_579 = arith.index_cast %add3A_578 : i32 to index
        %get3A_580 = arith.constant 16 : index
        %get3A_581 = tpu.vector_load %arg6[%get3A_579, %get3A_580] {strides = array<i32>} : memref<190x64xf32, #tpu.memory_space<vmem>>, vector<16xf32>,
        %sub3A_582 = arith.subf %get3A_581, %gather3A_556 : vector<16xf32>
        %add3A_583 = arith.constant 3 : i32
        %add3A_584 = arith.addi %mul3A_369, %add3A_583 : i32
        %get3A_585 = arith.index_cast %add3A_584 : i32 to index
        %get3A_586 = arith.constant 16 : index
        %get3A_587 = tpu.vector_load %arg6[%get3A_585, %get3A_586] {strides = array<i32>} : memref<190x64xf32, #tpu.memory_space<vmem>>, vector<16xf32>,
        %max3A_588 = arith.constant 0.000000e+00 : f32
        %max3A_589 = vector.broadcast %max3A_588 : f32 to vector<16xf32>
        %max3A_590 = arith.maximumf %get3A_587, %max3A_589 : vector<16xf32>
        %bitcast3A_591 = vector.bitcast %max3A_590 : vector<16xf32> to vector<16xi32>
        %shift_right_logical3A_592 = arith.constant 1 : i32
        %shift_right_logical3A_593 = vector.broadcast %shift_right_logical3A_592 : i32 to vector<16xi32>
        %shift_right_logical3A_594 = arith.shrui %bitcast3A_591, %shift_right_logical3A_593 : vector<16xi32>
        %add3A_595 = arith.constant 532487669 : i32
        %add3A_596 = vector.broadcast %add3A_595 : i32 to vector<16xi32>
        %add3A_597 = arith.addi %shift_right_logical3A_594, %add3A_596 : vector<16xi32>
        %bitcast3A_598 = vector.bitcast %add3A_597 : vector<16xi32> to vector<16xf32>
        %div3A_599 = arith.divf %max3A_590, %bitcast3A_598 : vector<16xf32>
        %add3A_600 = arith.addf %bitcast3A_598, %div3A_599 : vector<16xf32>
        %mul3A_601 = arith.constant 5.000000e-01 : f32
        %mul3A_602 = vector.broadcast %mul3A_601 : f32 to vector<16xf32>
        %mul3A_603 = arith.mulf %mul3A_602, %add3A_600 : vector<16xf32>
        %div3A_604 = arith.divf %max3A_590, %mul3A_603 : vector<16xf32>
        %add3A_605 = arith.addf %mul3A_603, %div3A_604 : vector<16xf32>
        %mul3A_606 = arith.constant 5.000000e-01 : f32
        %mul3A_607 = vector.broadcast %mul3A_606 : f32 to vector<16xf32>
        %mul3A_608 = arith.mulf %mul3A_607, %add3A_605 : vector<16xf32>
        %div3A_609 = arith.divf %max3A_590, %mul3A_608 : vector<16xf32>
        %add3A_610 = arith.addf %mul3A_608, %div3A_609 : vector<16xf32>
        %mul3A_611 = arith.constant 5.000000e-01 : f32
        %mul3A_612 = vector.broadcast %mul3A_611 : f32 to vector<16xf32>
        %mul3A_613 = arith.mulf %mul3A_612, %add3A_610 : vector<16xf32>
        %div3A_614 = arith.divf %max3A_590, %mul3A_613 : vector<16xf32>
        %add3A_615 = arith.addf %mul3A_613, %div3A_614 : vector<16xf32>
        %mul3A_616 = arith.constant 5.000000e-01 : f32
        %mul3A_617 = vector.broadcast %mul3A_616 : f32 to vector<16xf32>
        %mul3A_618 = arith.mulf %mul3A_617, %add3A_615 : vector<16xf32>
        %sub3A_619 = arith.subf %mul3A_618, %gather3A_557 : vector<16xf32>
        %add3A_620 = arith.constant 4 : i32
        %add3A_621 = arith.addi %mul3A_369, %add3A_620 : i32
        %get3A_622 = arith.index_cast %add3A_621 : i32 to index
        %get3A_623 = arith.constant 16 : index
        %get3A_624 = tpu.vector_load %arg6[%get3A_622, %get3A_623] {strides = array<i32>} : memref<190x64xf32, #tpu.memory_space<vmem>>, vector<16xf32>,
        %max3A_625 = arith.constant 0.000000e+00 : f32
        %max3A_626 = vector.broadcast %max3A_625 : f32 to vector<16xf32>
        %max3A_627 = arith.maximumf %get3A_624, %max3A_626 : vector<16xf32>
        %bitcast3A_628 = vector.bitcast %max3A_627 : vector<16xf32> to vector<16xi32>
        %shift_right_logical3A_629 = arith.constant 1 : i32
        %shift_right_logical3A_630 = vector.broadcast %shift_right_logical3A_629 : i32 to vector<16xi32>
        %shift_right_logical3A_631 = arith.shrui %bitcast3A_628, %shift_right_logical3A_630 : vector<16xi32>
        %add3A_632 = arith.constant 532487669 : i32
        %add3A_633 = vector.broadcast %add3A_632 : i32 to vector<16xi32>
        %add3A_634 = arith.addi %shift_right_logical3A_631, %add3A_633 : vector<16xi32>
        %bitcast3A_635 = vector.bitcast %add3A_634 : vector<16xi32> to vector<16xf32>
        %div3A_636 = arith.divf %max3A_627, %bitcast3A_635 : vector<16xf32>
        %add3A_637 = arith.addf %bitcast3A_635, %div3A_636 : vector<16xf32>
        %mul3A_638 = arith.constant 5.000000e-01 : f32
        %mul3A_639 = vector.broadcast %mul3A_638 : f32 to vector<16xf32>
        %mul3A_640 = arith.mulf %mul3A_639, %add3A_637 : vector<16xf32>
        %div3A_641 = arith.divf %max3A_627, %mul3A_640 : vector<16xf32>
        %add3A_642 = arith.addf %mul3A_640, %div3A_641 : vector<16xf32>
        %mul3A_643 = arith.constant 5.000000e-01 : f32
        %mul3A_644 = vector.broadcast %mul3A_643 : f32 to vector<16xf32>
        %mul3A_645 = arith.mulf %mul3A_644, %add3A_642 : vector<16xf32>
        %div3A_646 = arith.divf %max3A_627, %mul3A_645 : vector<16xf32>
        %add3A_647 = arith.addf %mul3A_645, %div3A_646 : vector<16xf32>
        %mul3A_648 = arith.constant 5.000000e-01 : f32
        %mul3A_649 = vector.broadcast %mul3A_648 : f32 to vector<16xf32>
        %mul3A_650 = arith.mulf %mul3A_649, %add3A_647 : vector<16xf32>
        %div3A_651 = arith.divf %max3A_627, %mul3A_650 : vector<16xf32>
        %add3A_652 = arith.addf %mul3A_650, %div3A_651 : vector<16xf32>
        %mul3A_653 = arith.constant 5.000000e-01 : f32
        %mul3A_654 = vector.broadcast %mul3A_653 : f32 to vector<16xf32>
        %mul3A_655 = arith.mulf %mul3A_654, %add3A_652 : vector<16xf32>
        %sub3A_656 = arith.subf %mul3A_655, %gather3A_558 : vector<16xf32>
        %get3A_657 = arith.index_cast %mul3A_369 : i32 to index
        %get3A_658 = arith.constant 16 : index
        %get3A_659 = tpu.vector_load %arg6[%get3A_657, %get3A_658] {strides = array<i32>} : memref<190x64xf32, #tpu.memory_space<vmem>>, vector<16xf32>,
        %sub3A_660 = arith.subf %get3A_659, %gather3A_562 : vector<16xf32>
        %mul3A_661 = arith.mulf %sub3A_576, %sub3A_576 : vector<16xf32>
        %mul3A_662 = arith.mulf %sub3A_582, %sub3A_582 : vector<16xf32>
        %mul3A_663 = arith.mulf %sub3A_619, %sub3A_619 : vector<16xf32>
        %mul3A_664 = arith.mulf %sub3A_656, %sub3A_656 : vector<16xf32>
        %mul3A_665 = arith.mulf %sub3A_660, %sub3A_660 : vector<16xf32>
        %jit3A_666 = arith.constant 1.000000e+00 : f32
        %jit3A_667 = arith.constant 0.000000e+00 : f32
        %broadcast_in_dim3A_668 = vector.broadcast %jit3A_666 : f32 to vector<16xf32>
        %broadcast_in_dim3A_669 = vector.broadcast %jit3A_667 : f32 to vector<16xf32>
        %select_n3A_670 = arith.select %ne3A_535, %broadcast_in_dim3A_668, %broadcast_in_dim3A_669 : vector<16xi1>, vector<16xf32>
        %reduce_sum3A_671 = arith.constant true
        %reduce_sum3A_672 = vector.broadcast %reduce_sum3A_671 : i1 to vector<16xi1>
        %reduce_sum3A_673 = tpu.scan <sum>, %select_n3A_670 masked %reduce_sum3A_672 : vector<16xf32>, vector<16xi1> -> vector<16xf32>
        %reduce_sum3A_674 = vector.extract %reduce_sum3A_673[15] : f32 from vector<16xf32>
        %add3A_675 = arith.addf %add3A_508, %reduce_sum3A_674 : f32
        %add3A_676 = arith.addf %mul3A_661, %mul3A_662 : vector<16xf32>
        %add3A_677 = arith.addf %add3A_676, %mul3A_663 : vector<16xf32>
        %add3A_678 = arith.addf %add3A_677, %mul3A_664 : vector<16xf32>
        %mul3A_679 = arith.mulf %select_n3A_670, %add3A_678 : vector<16xf32>
        %reduce_sum3A_680 = arith.constant true
        %reduce_sum3A_681 = vector.broadcast %reduce_sum3A_680 : i1 to vector<16xi1>
        %reduce_sum3A_682 = tpu.scan <sum>, %mul3A_679 masked %reduce_sum3A_681 : vector<16xf32>, vector<16xi1> -> vector<16xf32>
        %reduce_sum3A_683 = vector.extract %reduce_sum3A_682[15] : f32 from vector<16xf32>
        %add3A_684 = arith.addf %add3A_517, %reduce_sum3A_683 : f32
        %mul3A_685 = arith.mulf %select_n3A_670, %mul3A_665 : vector<16xf32>
        %reduce_sum3A_686 = arith.constant true
        %reduce_sum3A_687 = vector.broadcast %reduce_sum3A_686 : i1 to vector<16xi1>
        %reduce_sum3A_688 = tpu.scan <sum>, %mul3A_685 masked %reduce_sum3A_687 : vector<16xf32>, vector<16xi1> -> vector<16xf32>
        %reduce_sum3A_689 = vector.extract %reduce_sum3A_688[15] : f32 from vector<16xf32>
        %add3A_690 = arith.addf %add3A_523, %reduce_sum3A_689 : f32
        %mul3A_691 = arith.mulf %select_n3A_670, %gather3A_563 : vector<16xf32>
        %reduce_sum3A_692 = arith.constant true
        %reduce_sum3A_693 = vector.broadcast %reduce_sum3A_692 : i1 to vector<16xi1>
        %reduce_sum3A_694 = tpu.scan <sum>, %mul3A_691 masked %reduce_sum3A_693 : vector<16xf32>, vector<16xi1> -> vector<16xf32>
        %reduce_sum3A_695 = vector.extract %reduce_sum3A_694[15] : f32 from vector<16xf32>
        %add3A_696 = arith.addf %add3A_529, %reduce_sum3A_695 : f32
        %get3A_697 = arith.index_cast %mul3A_369 : i32 to index
        %get3A_698 = arith.constant 32 : index
        %get3A_699 = tpu.vector_load %arg6[%get3A_697, %get3A_698] {strides = array<i32>} : memref<190x64xf32, #tpu.memory_space<vmem>>, vector<16xf32>,
        %ne3A_700 = arith.constant 0.000000e+00 : f32
        %ne3A_701 = vector.broadcast %ne3A_700 : f32 to vector<16xf32>
        %ne3A_702 = arith.cmpf one, %get3A_699, %ne3A_701 : vector<16xf32>
        %get3A_703 = arith.index_cast %scan3A_360 : i32 to index
        %get3A_704 = arith.constant 32 : index
        %get3A_705 = tpu.vector_load %arg7[%get3A_703, %get3A_704] {strides = array<i32>} : memref<10x64xi32, #tpu.memory_space<vmem>>, vector<16xi32>,
        %mul3A_706 = arith.constant 8 : i32
        %mul3A_707 = vector.broadcast %mul3A_706 : i32 to vector<16xi32>
        %mul3A_708 = arith.muli %min3A_106, %mul3A_707 : vector<16xi32>
        %gather3A_709 = tpu.vector_load_idx %arg7[%broadcast_in_dim3A_370, %mul3A_708] : memref<10x64xi32, #tpu.memory_space<vmem>>[vector<16xi32>, vector<16xi32>], vector<16xi32>,
        %mul3A_710 = arith.constant 19 : i32
        %mul3A_711 = vector.broadcast %mul3A_710 : i32 to vector<16xi32>
        %mul3A_712 = arith.muli %gather3A_709, %mul3A_711 : vector<16xi32>
        %add3A_713 = arith.constant 1 : i32
        %add3A_714 = vector.broadcast %add3A_713 : i32 to vector<16xi32>
        %add3A_715 = arith.addi %mul3A_712, %add3A_714 : vector<16xi32>
        %gather3A_716 = tpu.vector_load_idx %arg5[%add3A_715, %add3A_9] : memref<190x64xf32, #tpu.memory_space<vmem>>[vector<16xi32>, vector<16xi32>], vector<16xf32>,
        %mul3A_717 = arith.constant 19 : i32
        %mul3A_718 = vector.broadcast %mul3A_717 : i32 to vector<16xi32>
        %mul3A_719 = arith.muli %gather3A_709, %mul3A_718 : vector<16xi32>
        %add3A_720 = arith.constant 2 : i32
        %add3A_721 = vector.broadcast %add3A_720 : i32 to vector<16xi32>
        %add3A_722 = arith.addi %mul3A_719, %add3A_721 : vector<16xi32>
        %gather3A_723 = tpu.vector_load_idx %arg5[%add3A_722, %add3A_9] : memref<190x64xf32, #tpu.memory_space<vmem>>[vector<16xi32>, vector<16xi32>], vector<16xf32>,
        %gather3A_724 = tpu.vector_load_idx %arg10[%get3A_705, %add3A_9] : memref<10x64xf32, #tpu.memory_space<vmem>>[vector<16xi32>, vector<16xi32>], vector<16xf32>,
        %gather3A_725 = tpu.vector_load_idx %arg11[%get3A_705, %add3A_9] : memref<10x64xf32, #tpu.memory_space<vmem>>[vector<16xi32>, vector<16xi32>], vector<16xf32>,
        %mul3A_726 = arith.constant 19 : i32
        %mul3A_727 = vector.broadcast %mul3A_726 : i32 to vector<16xi32>
        %mul3A_728 = arith.muli %get3A_705, %mul3A_727 : vector<16xi32>
        %gather3A_729 = tpu.vector_load_idx %arg5[%mul3A_728, %add3A_9] : memref<190x64xf32, #tpu.memory_space<vmem>>[vector<16xi32>, vector<16xi32>], vector<16xf32>,
        %gather3A_730 = tpu.vector_load_idx %arg9[%get3A_705, %add3A_9] : memref<10x64xf32, #tpu.memory_space<vmem>>[vector<16xi32>, vector<16xi32>], vector<16xf32>,
        %shift_left3A_731 = arith.constant 1 : i32
        %shift_left3A_732 = vector.broadcast %shift_left3A_731 : i32 to vector<16xi32>
        %shift_left3A_733 = arith.shli %shift_left3A_732, %get3A_705 : vector<16xi32>
        %jit3A_734 = arith.constant 0 : i32
        %broadcast_in_dim3A_735 = vector.broadcast %jit3A_734 : i32 to vector<16xi32>
        %select_n3A_736 = arith.select %ne3A_702, %shift_left3A_733, %broadcast_in_dim3A_735 : vector<16xi1>, vector<16xi32>
        %or3A_737 = arith.ori %scan3A_367, %select_n3A_736 : vector<16xi32>
        %add3A_738 = arith.constant 1 : i32
        %add3A_739 = arith.addi %mul3A_369, %add3A_738 : i32
        %get3A_740 = arith.index_cast %add3A_739 : i32 to index
        %get3A_741 = arith.constant 32 : index
        %get3A_742 = tpu.vector_load %arg6[%get3A_740, %get3A_741] {strides = array<i32>} : memref<190x64xf32, #tpu.memory_space<vmem>>, vector<16xf32>,
        %sub3A_743 = arith.subf %get3A_742, %gather3A_716 : vector<16xf32>
        %add3A_744 = arith.constant 2 : i32
        %add3A_745 = arith.addi %mul3A_369, %add3A_744 : i32
        %get3A_746 = arith.index_cast %add3A_745 : i32 to index
        %get3A_747 = arith.constant 32 : index
        %get3A_748 = tpu.vector_load %arg6[%get3A_746, %get3A_747] {strides = array<i32>} : memref<190x64xf32, #tpu.memory_space<vmem>>, vector<16xf32>,
        %sub3A_749 = arith.subf %get3A_748, %gather3A_723 : vector<16xf32>
        %add3A_750 = arith.constant 3 : i32
        %add3A_751 = arith.addi %mul3A_369, %add3A_750 : i32
        %get3A_752 = arith.index_cast %add3A_751 : i32 to index
        %get3A_753 = arith.constant 32 : index
        %get3A_754 = tpu.vector_load %arg6[%get3A_752, %get3A_753] {strides = array<i32>} : memref<190x64xf32, #tpu.memory_space<vmem>>, vector<16xf32>,
        %max3A_755 = arith.constant 0.000000e+00 : f32
        %max3A_756 = vector.broadcast %max3A_755 : f32 to vector<16xf32>
        %max3A_757 = arith.maximumf %get3A_754, %max3A_756 : vector<16xf32>
        %bitcast3A_758 = vector.bitcast %max3A_757 : vector<16xf32> to vector<16xi32>
        %shift_right_logical3A_759 = arith.constant 1 : i32
        %shift_right_logical3A_760 = vector.broadcast %shift_right_logical3A_759 : i32 to vector<16xi32>
        %shift_right_logical3A_761 = arith.shrui %bitcast3A_758, %shift_right_logical3A_760 : vector<16xi32>
        %add3A_762 = arith.constant 532487669 : i32
        %add3A_763 = vector.broadcast %add3A_762 : i32 to vector<16xi32>
        %add3A_764 = arith.addi %shift_right_logical3A_761, %add3A_763 : vector<16xi32>
        %bitcast3A_765 = vector.bitcast %add3A_764 : vector<16xi32> to vector<16xf32>
        %div3A_766 = arith.divf %max3A_757, %bitcast3A_765 : vector<16xf32>
        %add3A_767 = arith.addf %bitcast3A_765, %div3A_766 : vector<16xf32>
        %mul3A_768 = arith.constant 5.000000e-01 : f32
        %mul3A_769 = vector.broadcast %mul3A_768 : f32 to vector<16xf32>
        %mul3A_770 = arith.mulf %mul3A_769, %add3A_767 : vector<16xf32>
        %div3A_771 = arith.divf %max3A_757, %mul3A_770 : vector<16xf32>
        %add3A_772 = arith.addf %mul3A_770, %div3A_771 : vector<16xf32>
        %mul3A_773 = arith.constant 5.000000e-01 : f32
        %mul3A_774 = vector.broadcast %mul3A_773 : f32 to vector<16xf32>
        %mul3A_775 = arith.mulf %mul3A_774, %add3A_772 : vector<16xf32>
        %div3A_776 = arith.divf %max3A_757, %mul3A_775 : vector<16xf32>
        %add3A_777 = arith.addf %mul3A_775, %div3A_776 : vector<16xf32>
        %mul3A_778 = arith.constant 5.000000e-01 : f32
        %mul3A_779 = vector.broadcast %mul3A_778 : f32 to vector<16xf32>
        %mul3A_780 = arith.mulf %mul3A_779, %add3A_777 : vector<16xf32>
        %div3A_781 = arith.divf %max3A_757, %mul3A_780 : vector<16xf32>
        %add3A_782 = arith.addf %mul3A_780, %div3A_781 : vector<16xf32>
        %mul3A_783 = arith.constant 5.000000e-01 : f32
        %mul3A_784 = vector.broadcast %mul3A_783 : f32 to vector<16xf32>
        %mul3A_785 = arith.mulf %mul3A_784, %add3A_782 : vector<16xf32>
        %sub3A_786 = arith.subf %mul3A_785, %gather3A_724 : vector<16xf32>
        %add3A_787 = arith.constant 4 : i32
        %add3A_788 = arith.addi %mul3A_369, %add3A_787 : i32
        %get3A_789 = arith.index_cast %add3A_788 : i32 to index
        %get3A_790 = arith.constant 32 : index
        %get3A_791 = tpu.vector_load %arg6[%get3A_789, %get3A_790] {strides = array<i32>} : memref<190x64xf32, #tpu.memory_space<vmem>>, vector<16xf32>,
        %max3A_792 = arith.constant 0.000000e+00 : f32
        %max3A_793 = vector.broadcast %max3A_792 : f32 to vector<16xf32>
        %max3A_794 = arith.maximumf %get3A_791, %max3A_793 : vector<16xf32>
        %bitcast3A_795 = vector.bitcast %max3A_794 : vector<16xf32> to vector<16xi32>
        %shift_right_logical3A_796 = arith.constant 1 : i32
        %shift_right_logical3A_797 = vector.broadcast %shift_right_logical3A_796 : i32 to vector<16xi32>
        %shift_right_logical3A_798 = arith.shrui %bitcast3A_795, %shift_right_logical3A_797 : vector<16xi32>
        %add3A_799 = arith.constant 532487669 : i32
        %add3A_800 = vector.broadcast %add3A_799 : i32 to vector<16xi32>
        %add3A_801 = arith.addi %shift_right_logical3A_798, %add3A_800 : vector<16xi32>
        %bitcast3A_802 = vector.bitcast %add3A_801 : vector<16xi32> to vector<16xf32>
        %div3A_803 = arith.divf %max3A_794, %bitcast3A_802 : vector<16xf32>
        %add3A_804 = arith.addf %bitcast3A_802, %div3A_803 : vector<16xf32>
        %mul3A_805 = arith.constant 5.000000e-01 : f32
        %mul3A_806 = vector.broadcast %mul3A_805 : f32 to vector<16xf32>
        %mul3A_807 = arith.mulf %mul3A_806, %add3A_804 : vector<16xf32>
        %div3A_808 = arith.divf %max3A_794, %mul3A_807 : vector<16xf32>
        %add3A_809 = arith.addf %mul3A_807, %div3A_808 : vector<16xf32>
        %mul3A_810 = arith.constant 5.000000e-01 : f32
        %mul3A_811 = vector.broadcast %mul3A_810 : f32 to vector<16xf32>
        %mul3A_812 = arith.mulf %mul3A_811, %add3A_809 : vector<16xf32>
        %div3A_813 = arith.divf %max3A_794, %mul3A_812 : vector<16xf32>
        %add3A_814 = arith.addf %mul3A_812, %div3A_813 : vector<16xf32>
        %mul3A_815 = arith.constant 5.000000e-01 : f32
        %mul3A_816 = vector.broadcast %mul3A_815 : f32 to vector<16xf32>
        %mul3A_817 = arith.mulf %mul3A_816, %add3A_814 : vector<16xf32>
        %div3A_818 = arith.divf %max3A_794, %mul3A_817 : vector<16xf32>
        %add3A_819 = arith.addf %mul3A_817, %div3A_818 : vector<16xf32>
        %mul3A_820 = arith.constant 5.000000e-01 : f32
        %mul3A_821 = vector.broadcast %mul3A_820 : f32 to vector<16xf32>
        %mul3A_822 = arith.mulf %mul3A_821, %add3A_819 : vector<16xf32>
        %sub3A_823 = arith.subf %mul3A_822, %gather3A_725 : vector<16xf32>
        %get3A_824 = arith.index_cast %mul3A_369 : i32 to index
        %get3A_825 = arith.constant 32 : index
        %get3A_826 = tpu.vector_load %arg6[%get3A_824, %get3A_825] {strides = array<i32>} : memref<190x64xf32, #tpu.memory_space<vmem>>, vector<16xf32>,
        %sub3A_827 = arith.subf %get3A_826, %gather3A_729 : vector<16xf32>
        %mul3A_828 = arith.mulf %sub3A_743, %sub3A_743 : vector<16xf32>
        %mul3A_829 = arith.mulf %sub3A_749, %sub3A_749 : vector<16xf32>
        %mul3A_830 = arith.mulf %sub3A_786, %sub3A_786 : vector<16xf32>
        %mul3A_831 = arith.mulf %sub3A_823, %sub3A_823 : vector<16xf32>
        %mul3A_832 = arith.mulf %sub3A_827, %sub3A_827 : vector<16xf32>
        %jit3A_833 = arith.constant 1.000000e+00 : f32
        %jit3A_834 = arith.constant 0.000000e+00 : f32
        %broadcast_in_dim3A_835 = vector.broadcast %jit3A_833 : f32 to vector<16xf32>
        %broadcast_in_dim3A_836 = vector.broadcast %jit3A_834 : f32 to vector<16xf32>
        %select_n3A_837 = arith.select %ne3A_702, %broadcast_in_dim3A_835, %broadcast_in_dim3A_836 : vector<16xi1>, vector<16xf32>
        %reduce_sum3A_838 = arith.constant true
        %reduce_sum3A_839 = vector.broadcast %reduce_sum3A_838 : i1 to vector<16xi1>
        %reduce_sum3A_840 = tpu.scan <sum>, %select_n3A_837 masked %reduce_sum3A_839 : vector<16xf32>, vector<16xi1> -> vector<16xf32>
        %reduce_sum3A_841 = vector.extract %reduce_sum3A_840[15] : f32 from vector<16xf32>
        %add3A_842 = arith.addf %add3A_675, %reduce_sum3A_841 : f32
        %add3A_843 = arith.addf %mul3A_828, %mul3A_829 : vector<16xf32>
        %add3A_844 = arith.addf %add3A_843, %mul3A_830 : vector<16xf32>
        %add3A_845 = arith.addf %add3A_844, %mul3A_831 : vector<16xf32>
        %mul3A_846 = arith.mulf %select_n3A_837, %add3A_845 : vector<16xf32>
        %reduce_sum3A_847 = arith.constant true
        %reduce_sum3A_848 = vector.broadcast %reduce_sum3A_847 : i1 to vector<16xi1>
        %reduce_sum3A_849 = tpu.scan <sum>, %mul3A_846 masked %reduce_sum3A_848 : vector<16xf32>, vector<16xi1> -> vector<16xf32>
        %reduce_sum3A_850 = vector.extract %reduce_sum3A_849[15] : f32 from vector<16xf32>
        %add3A_851 = arith.addf %add3A_684, %reduce_sum3A_850 : f32
        %mul3A_852 = arith.mulf %select_n3A_837, %mul3A_832 : vector<16xf32>
        %reduce_sum3A_853 = arith.constant true
        %reduce_sum3A_854 = vector.broadcast %reduce_sum3A_853 : i1 to vector<16xi1>
        %reduce_sum3A_855 = tpu.scan <sum>, %mul3A_852 masked %reduce_sum3A_854 : vector<16xf32>, vector<16xi1> -> vector<16xf32>
        %reduce_sum3A_856 = vector.extract %reduce_sum3A_855[15] : f32 from vector<16xf32>
        %add3A_857 = arith.addf %add3A_690, %reduce_sum3A_856 : f32
        %mul3A_858 = arith.mulf %select_n3A_837, %gather3A_730 : vector<16xf32>
        %reduce_sum3A_859 = arith.constant true
        %reduce_sum3A_860 = vector.broadcast %reduce_sum3A_859 : i1 to vector<16xi1>
        %reduce_sum3A_861 = tpu.scan <sum>, %mul3A_858 masked %reduce_sum3A_860 : vector<16xf32>, vector<16xi1> -> vector<16xf32>
        %reduce_sum3A_862 = vector.extract %reduce_sum3A_861[15] : f32 from vector<16xf32>
        %add3A_863 = arith.addf %add3A_696, %reduce_sum3A_862 : f32
        %get3A_864 = arith.index_cast %mul3A_369 : i32 to index
        %get3A_865 = arith.constant 48 : index
        %get3A_866 = tpu.vector_load %arg6[%get3A_864, %get3A_865] {strides = array<i32>} : memref<190x64xf32, #tpu.memory_space<vmem>>, vector<16xf32>,
        %ne3A_867 = arith.constant 0.000000e+00 : f32
        %ne3A_868 = vector.broadcast %ne3A_867 : f32 to vector<16xf32>
        %ne3A_869 = arith.cmpf one, %get3A_866, %ne3A_868 : vector<16xf32>
        %get3A_870 = arith.index_cast %scan3A_360 : i32 to index
        %get3A_871 = arith.constant 48 : index
        %get3A_872 = tpu.vector_load %arg7[%get3A_870, %get3A_871] {strides = array<i32>} : memref<10x64xi32, #tpu.memory_space<vmem>>, vector<16xi32>,
        %mul3A_873 = arith.constant 8 : i32
        %mul3A_874 = vector.broadcast %mul3A_873 : i32 to vector<16xi32>
        %mul3A_875 = arith.muli %min3A_140, %mul3A_874 : vector<16xi32>
        %gather3A_876 = tpu.vector_load_idx %arg7[%broadcast_in_dim3A_370, %mul3A_875] : memref<10x64xi32, #tpu.memory_space<vmem>>[vector<16xi32>, vector<16xi32>], vector<16xi32>,
        %mul3A_877 = arith.constant 19 : i32
        %mul3A_878 = vector.broadcast %mul3A_877 : i32 to vector<16xi32>
        %mul3A_879 = arith.muli %gather3A_876, %mul3A_878 : vector<16xi32>
        %add3A_880 = arith.constant 1 : i32
        %add3A_881 = vector.broadcast %add3A_880 : i32 to vector<16xi32>
        %add3A_882 = arith.addi %mul3A_879, %add3A_881 : vector<16xi32>
        %gather3A_883 = tpu.vector_load_idx %arg5[%add3A_882, %add3A_12] : memref<190x64xf32, #tpu.memory_space<vmem>>[vector<16xi32>, vector<16xi32>], vector<16xf32>,
        %mul3A_884 = arith.constant 19 : i32
        %mul3A_885 = vector.broadcast %mul3A_884 : i32 to vector<16xi32>
        %mul3A_886 = arith.muli %gather3A_876, %mul3A_885 : vector<16xi32>
        %add3A_887 = arith.constant 2 : i32
        %add3A_888 = vector.broadcast %add3A_887 : i32 to vector<16xi32>
        %add3A_889 = arith.addi %mul3A_886, %add3A_888 : vector<16xi32>
        %gather3A_890 = tpu.vector_load_idx %arg5[%add3A_889, %add3A_12] : memref<190x64xf32, #tpu.memory_space<vmem>>[vector<16xi32>, vector<16xi32>], vector<16xf32>,
        %gather3A_891 = tpu.vector_load_idx %arg10[%get3A_872, %add3A_12] : memref<10x64xf32, #tpu.memory_space<vmem>>[vector<16xi32>, vector<16xi32>], vector<16xf32>,
        %gather3A_892 = tpu.vector_load_idx %arg11[%get3A_872, %add3A_12] : memref<10x64xf32, #tpu.memory_space<vmem>>[vector<16xi32>, vector<16xi32>], vector<16xf32>,
        %mul3A_893 = arith.constant 19 : i32
        %mul3A_894 = vector.broadcast %mul3A_893 : i32 to vector<16xi32>
        %mul3A_895 = arith.muli %get3A_872, %mul3A_894 : vector<16xi32>
        %gather3A_896 = tpu.vector_load_idx %arg5[%mul3A_895, %add3A_12] : memref<190x64xf32, #tpu.memory_space<vmem>>[vector<16xi32>, vector<16xi32>], vector<16xf32>,
        %gather3A_897 = tpu.vector_load_idx %arg9[%get3A_872, %add3A_12] : memref<10x64xf32, #tpu.memory_space<vmem>>[vector<16xi32>, vector<16xi32>], vector<16xf32>,
        %shift_left3A_898 = arith.constant 1 : i32
        %shift_left3A_899 = vector.broadcast %shift_left3A_898 : i32 to vector<16xi32>
        %shift_left3A_900 = arith.shli %shift_left3A_899, %get3A_872 : vector<16xi32>
        %jit3A_901 = arith.constant 0 : i32
        %broadcast_in_dim3A_902 = vector.broadcast %jit3A_901 : i32 to vector<16xi32>
        %select_n3A_903 = arith.select %ne3A_869, %shift_left3A_900, %broadcast_in_dim3A_902 : vector<16xi1>, vector<16xi32>
        %or3A_904 = arith.ori %scan3A_368, %select_n3A_903 : vector<16xi32>
        %add3A_905 = arith.constant 1 : i32
        %add3A_906 = arith.addi %mul3A_369, %add3A_905 : i32
        %get3A_907 = arith.index_cast %add3A_906 : i32 to index
        %get3A_908 = arith.constant 48 : index
        %get3A_909 = tpu.vector_load %arg6[%get3A_907, %get3A_908] {strides = array<i32>} : memref<190x64xf32, #tpu.memory_space<vmem>>, vector<16xf32>,
        %sub3A_910 = arith.subf %get3A_909, %gather3A_883 : vector<16xf32>
        %add3A_911 = arith.constant 2 : i32
        %add3A_912 = arith.addi %mul3A_369, %add3A_911 : i32
        %get3A_913 = arith.index_cast %add3A_912 : i32 to index
        %get3A_914 = arith.constant 48 : index
        %get3A_915 = tpu.vector_load %arg6[%get3A_913, %get3A_914] {strides = array<i32>} : memref<190x64xf32, #tpu.memory_space<vmem>>, vector<16xf32>,
        %sub3A_916 = arith.subf %get3A_915, %gather3A_890 : vector<16xf32>
        %add3A_917 = arith.constant 3 : i32
        %add3A_918 = arith.addi %mul3A_369, %add3A_917 : i32
        %get3A_919 = arith.index_cast %add3A_918 : i32 to index
        %get3A_920 = arith.constant 48 : index
        %get3A_921 = tpu.vector_load %arg6[%get3A_919, %get3A_920] {strides = array<i32>} : memref<190x64xf32, #tpu.memory_space<vmem>>, vector<16xf32>,
        %max3A_922 = arith.constant 0.000000e+00 : f32
        %max3A_923 = vector.broadcast %max3A_922 : f32 to vector<16xf32>
        %max3A_924 = arith.maximumf %get3A_921, %max3A_923 : vector<16xf32>
        %bitcast3A_925 = vector.bitcast %max3A_924 : vector<16xf32> to vector<16xi32>
        %shift_right_logical3A_926 = arith.constant 1 : i32
        %shift_right_logical3A_927 = vector.broadcast %shift_right_logical3A_926 : i32 to vector<16xi32>
        %shift_right_logical3A_928 = arith.shrui %bitcast3A_925, %shift_right_logical3A_927 : vector<16xi32>
        %add3A_929 = arith.constant 532487669 : i32
        %add3A_930 = vector.broadcast %add3A_929 : i32 to vector<16xi32>
        %add3A_931 = arith.addi %shift_right_logical3A_928, %add3A_930 : vector<16xi32>
        %bitcast3A_932 = vector.bitcast %add3A_931 : vector<16xi32> to vector<16xf32>
        %div3A_933 = arith.divf %max3A_924, %bitcast3A_932 : vector<16xf32>
        %add3A_934 = arith.addf %bitcast3A_932, %div3A_933 : vector<16xf32>
        %mul3A_935 = arith.constant 5.000000e-01 : f32
        %mul3A_936 = vector.broadcast %mul3A_935 : f32 to vector<16xf32>
        %mul3A_937 = arith.mulf %mul3A_936, %add3A_934 : vector<16xf32>
        %div3A_938 = arith.divf %max3A_924, %mul3A_937 : vector<16xf32>
        %add3A_939 = arith.addf %mul3A_937, %div3A_938 : vector<16xf32>
        %mul3A_940 = arith.constant 5.000000e-01 : f32
        %mul3A_941 = vector.broadcast %mul3A_940 : f32 to vector<16xf32>
        %mul3A_942 = arith.mulf %mul3A_941, %add3A_939 : vector<16xf32>
        %div3A_943 = arith.divf %max3A_924, %mul3A_942 : vector<16xf32>
        %add3A_944 = arith.addf %mul3A_942, %div3A_943 : vector<16xf32>
        %mul3A_945 = arith.constant 5.000000e-01 : f32
        %mul3A_946 = vector.broadcast %mul3A_945 : f32 to vector<16xf32>
        %mul3A_947 = arith.mulf %mul3A_946, %add3A_944 : vector<16xf32>
        %div3A_948 = arith.divf %max3A_924, %mul3A_947 : vector<16xf32>
        %add3A_949 = arith.addf %mul3A_947, %div3A_948 : vector<16xf32>
        %mul3A_950 = arith.constant 5.000000e-01 : f32
        %mul3A_951 = vector.broadcast %mul3A_950 : f32 to vector<16xf32>
        %mul3A_952 = arith.mulf %mul3A_951, %add3A_949 : vector<16xf32>
        %sub3A_953 = arith.subf %mul3A_952, %gather3A_891 : vector<16xf32>
        %add3A_954 = arith.constant 4 : i32
        %add3A_955 = arith.addi %mul3A_369, %add3A_954 : i32
        %get3A_956 = arith.index_cast %add3A_955 : i32 to index
        %get3A_957 = arith.constant 48 : index
        %get3A_958 = tpu.vector_load %arg6[%get3A_956, %get3A_957] {strides = array<i32>} : memref<190x64xf32, #tpu.memory_space<vmem>>, vector<16xf32>,
        %max3A_959 = arith.constant 0.000000e+00 : f32
        %max3A_960 = vector.broadcast %max3A_959 : f32 to vector<16xf32>
        %max3A_961 = arith.maximumf %get3A_958, %max3A_960 : vector<16xf32>
        %bitcast3A_962 = vector.bitcast %max3A_961 : vector<16xf32> to vector<16xi32>
        %shift_right_logical3A_963 = arith.constant 1 : i32
        %shift_right_logical3A_964 = vector.broadcast %shift_right_logical3A_963 : i32 to vector<16xi32>
        %shift_right_logical3A_965 = arith.shrui %bitcast3A_962, %shift_right_logical3A_964 : vector<16xi32>
        %add3A_966 = arith.constant 532487669 : i32
        %add3A_967 = vector.broadcast %add3A_966 : i32 to vector<16xi32>
        %add3A_968 = arith.addi %shift_right_logical3A_965, %add3A_967 : vector<16xi32>
        %bitcast3A_969 = vector.bitcast %add3A_968 : vector<16xi32> to vector<16xf32>
        %div3A_970 = arith.divf %max3A_961, %bitcast3A_969 : vector<16xf32>
        %add3A_971 = arith.addf %bitcast3A_969, %div3A_970 : vector<16xf32>
        %mul3A_972 = arith.constant 5.000000e-01 : f32
        %mul3A_973 = vector.broadcast %mul3A_972 : f32 to vector<16xf32>
        %mul3A_974 = arith.mulf %mul3A_973, %add3A_971 : vector<16xf32>
        %div3A_975 = arith.divf %max3A_961, %mul3A_974 : vector<16xf32>
        %add3A_976 = arith.addf %mul3A_974, %div3A_975 : vector<16xf32>
        %mul3A_977 = arith.constant 5.000000e-01 : f32
        %mul3A_978 = vector.broadcast %mul3A_977 : f32 to vector<16xf32>
        %mul3A_979 = arith.mulf %mul3A_978, %add3A_976 : vector<16xf32>
        %div3A_980 = arith.divf %max3A_961, %mul3A_979 : vector<16xf32>
        %add3A_981 = arith.addf %mul3A_979, %div3A_980 : vector<16xf32>
        %mul3A_982 = arith.constant 5.000000e-01 : f32
        %mul3A_983 = vector.broadcast %mul3A_982 : f32 to vector<16xf32>
        %mul3A_984 = arith.mulf %mul3A_983, %add3A_981 : vector<16xf32>
        %div3A_985 = arith.divf %max3A_961, %mul3A_984 : vector<16xf32>
        %add3A_986 = arith.addf %mul3A_984, %div3A_985 : vector<16xf32>
        %mul3A_987 = arith.constant 5.000000e-01 : f32
        %mul3A_988 = vector.broadcast %mul3A_987 : f32 to vector<16xf32>
        %mul3A_989 = arith.mulf %mul3A_988, %add3A_986 : vector<16xf32>
        %sub3A_990 = arith.subf %mul3A_989, %gather3A_892 : vector<16xf32>
        %get3A_991 = arith.index_cast %mul3A_369 : i32 to index
        %get3A_992 = arith.constant 48 : index
        %get3A_993 = tpu.vector_load %arg6[%get3A_991, %get3A_992] {strides = array<i32>} : memref<190x64xf32, #tpu.memory_space<vmem>>, vector<16xf32>,
        %sub3A_994 = arith.subf %get3A_993, %gather3A_896 : vector<16xf32>
        %mul3A_995 = arith.mulf %sub3A_910, %sub3A_910 : vector<16xf32>
        %mul3A_996 = arith.mulf %sub3A_916, %sub3A_916 : vector<16xf32>
        %mul3A_997 = arith.mulf %sub3A_953, %sub3A_953 : vector<16xf32>
        %mul3A_998 = arith.mulf %sub3A_990, %sub3A_990 : vector<16xf32>
        %mul3A_999 = arith.mulf %sub3A_994, %sub3A_994 : vector<16xf32>
        %jit3A_1000 = arith.constant 1.000000e+00 : f32
        %jit3A_1001 = arith.constant 0.000000e+00 : f32
        %broadcast_in_dim3A_1002 = vector.broadcast %jit3A_1000 : f32 to vector<16xf32>
        %broadcast_in_dim3A_1003 = vector.broadcast %jit3A_1001 : f32 to vector<16xf32>
        %select_n3A_1004 = arith.select %ne3A_869, %broadcast_in_dim3A_1002, %broadcast_in_dim3A_1003 : vector<16xi1>, vector<16xf32>
        %reduce_sum3A_1005 = arith.constant true
        %reduce_sum3A_1006 = vector.broadcast %reduce_sum3A_1005 : i1 to vector<16xi1>
        %reduce_sum3A_1007 = tpu.scan <sum>, %select_n3A_1004 masked %reduce_sum3A_1006 : vector<16xf32>, vector<16xi1> -> vector<16xf32>
        %reduce_sum3A_1008 = vector.extract %reduce_sum3A_1007[15] : f32 from vector<16xf32>
        %add3A_1009 = arith.addf %add3A_842, %reduce_sum3A_1008 : f32
        %add3A_1010 = arith.addf %mul3A_995, %mul3A_996 : vector<16xf32>
        %add3A_1011 = arith.addf %add3A_1010, %mul3A_997 : vector<16xf32>
        %add3A_1012 = arith.addf %add3A_1011, %mul3A_998 : vector<16xf32>
        %mul3A_1013 = arith.mulf %select_n3A_1004, %add3A_1012 : vector<16xf32>
        %reduce_sum3A_1014 = arith.constant true
        %reduce_sum3A_1015 = vector.broadcast %reduce_sum3A_1014 : i1 to vector<16xi1>
        %reduce_sum3A_1016 = tpu.scan <sum>, %mul3A_1013 masked %reduce_sum3A_1015 : vector<16xf32>, vector<16xi1> -> vector<16xf32>
        %reduce_sum3A_1017 = vector.extract %reduce_sum3A_1016[15] : f32 from vector<16xf32>
        %add3A_1018 = arith.addf %add3A_851, %reduce_sum3A_1017 : f32
        %mul3A_1019 = arith.mulf %select_n3A_1004, %mul3A_999 : vector<16xf32>
        %reduce_sum3A_1020 = arith.constant true
        %reduce_sum3A_1021 = vector.broadcast %reduce_sum3A_1020 : i1 to vector<16xi1>
        %reduce_sum3A_1022 = tpu.scan <sum>, %mul3A_1019 masked %reduce_sum3A_1021 : vector<16xf32>, vector<16xi1> -> vector<16xf32>
        %reduce_sum3A_1023 = vector.extract %reduce_sum3A_1022[15] : f32 from vector<16xf32>
        %add3A_1024 = arith.addf %add3A_857, %reduce_sum3A_1023 : f32
        %mul3A_1025 = arith.mulf %select_n3A_1004, %gather3A_897 : vector<16xf32>
        %reduce_sum3A_1026 = arith.constant true
        %reduce_sum3A_1027 = vector.broadcast %reduce_sum3A_1026 : i1 to vector<16xi1>
        %reduce_sum3A_1028 = tpu.scan <sum>, %mul3A_1025 masked %reduce_sum3A_1027 : vector<16xf32>, vector<16xi1> -> vector<16xf32>
        %reduce_sum3A_1029 = vector.extract %reduce_sum3A_1028[15] : f32 from vector<16xf32>
        %add3A_1030 = arith.addf %add3A_863, %reduce_sum3A_1029 : f32
        scf.yield %add3A_1009, %add3A_1018, %add3A_1024, %add3A_1030, %or3A, %or3A_570, %or3A_737, %or3A_904 : f32, f32, f32, f32, vector<16xi32>, vector<16xi32>, vector<16xi32>, vector<16xi32>
      }
      %scan3A_323 = arith.constant 10 : i32
      %scan3A_324 = arith.constant 0.000000e+00 : f32
      %scan3A_325 = arith.constant 0 : i32
      %scan3A_326 = arith.constant 10 : i32
      %scan3A_327 = arith.addi %scan3A_325, %scan3A_326 : i32
      %scan3A_328 = arith.constant 1 : i32
      %scan3A_329 = scf.for %scan3A_360 = %scan3A_325 to %scan3A_327 step %scan3A_328 iter_args(%scan3A_361 = %scan3A_324) -> (f32)  : i32 {
        %mul3A = arith.constant 19 : i32
        %mul3A_362 = arith.muli %scan3A_360, %mul3A : i32
        %shift_right_logical3A = vector.broadcast %scan3A_360 : i32 to vector<16xi32>
        %shift_right_logical3A_363 = arith.shrui %scan3A_322#4, %shift_right_logical3A : vector<16xi32>
        %and3A_364 = arith.constant 1 : i32
        %and3A_365 = vector.broadcast %and3A_364 : i32 to vector<16xi32>
        %and3A_366 = arith.andi %shift_right_logical3A_363, %and3A_365 : vector<16xi32>
        %eq3A_367 = arith.constant 0 : i32
        %eq3A_368 = vector.broadcast %eq3A_367 : i32 to vector<16xi32>
        %eq3A_369 = arith.cmpi eq, %and3A_366, %eq3A_368 : vector<16xi32>
        %get3A = arith.index_cast %mul3A_362 : i32 to index
        %get3A_370 = arith.constant 0 : index
        %get3A_371 = tpu.vector_load %arg6[%get3A, %get3A_370] {strides = array<i32>} : memref<190x64xf32, #tpu.memory_space<vmem>>, vector<16xf32>,
        %get3A_372 = arith.index_cast %mul3A_362 : i32 to index
        %get3A_373 = arith.constant 0 : index
        %get3A_374 = tpu.vector_load %arg5[%get3A_372, %get3A_373] {strides = array<i32>} : memref<190x64xf32, #tpu.memory_space<vmem>>, vector<16xf32>,
        %sub3A_375 = arith.subf %get3A_371, %get3A_374 : vector<16xf32>
        %mul3A_376 = arith.mulf %sub3A_375, %sub3A_375 : vector<16xf32>
        %jit3A_377 = arith.constant 0.000000e+00 : f32
        %broadcast_in_dim3A_378 = vector.broadcast %jit3A_377 : f32 to vector<16xf32>
        %select_n3A_379 = arith.select %eq3A_369, %mul3A_376, %broadcast_in_dim3A_378 : vector<16xi1>, vector<16xf32>
        %reduce_sum3A = arith.constant true
        %reduce_sum3A_380 = vector.broadcast %reduce_sum3A : i1 to vector<16xi1>
        %reduce_sum3A_381 = tpu.scan <sum>, %select_n3A_379 masked %reduce_sum3A_380 : vector<16xf32>, vector<16xi1> -> vector<16xf32>
        %reduce_sum3A_382 = vector.extract %reduce_sum3A_381[15] : f32 from vector<16xf32>
        %add3A_383 = arith.addf %scan3A_361, %reduce_sum3A_382 : f32
        %shift_right_logical3A_384 = vector.broadcast %scan3A_360 : i32 to vector<16xi32>
        %shift_right_logical3A_385 = arith.shrui %scan3A_322#5, %shift_right_logical3A_384 : vector<16xi32>
        %and3A_386 = arith.constant 1 : i32
        %and3A_387 = vector.broadcast %and3A_386 : i32 to vector<16xi32>
        %and3A_388 = arith.andi %shift_right_logical3A_385, %and3A_387 : vector<16xi32>
        %eq3A_389 = arith.constant 0 : i32
        %eq3A_390 = vector.broadcast %eq3A_389 : i32 to vector<16xi32>
        %eq3A_391 = arith.cmpi eq, %and3A_388, %eq3A_390 : vector<16xi32>
        %get3A_392 = arith.index_cast %mul3A_362 : i32 to index
        %get3A_393 = arith.constant 16 : index
        %get3A_394 = tpu.vector_load %arg6[%get3A_392, %get3A_393] {strides = array<i32>} : memref<190x64xf32, #tpu.memory_space<vmem>>, vector<16xf32>,
        %get3A_395 = arith.index_cast %mul3A_362 : i32 to index
        %get3A_396 = arith.constant 16 : index
        %get3A_397 = tpu.vector_load %arg5[%get3A_395, %get3A_396] {strides = array<i32>} : memref<190x64xf32, #tpu.memory_space<vmem>>, vector<16xf32>,
        %sub3A_398 = arith.subf %get3A_394, %get3A_397 : vector<16xf32>
        %mul3A_399 = arith.mulf %sub3A_398, %sub3A_398 : vector<16xf32>
        %jit3A_400 = arith.constant 0.000000e+00 : f32
        %broadcast_in_dim3A_401 = vector.broadcast %jit3A_400 : f32 to vector<16xf32>
        %select_n3A_402 = arith.select %eq3A_391, %mul3A_399, %broadcast_in_dim3A_401 : vector<16xi1>, vector<16xf32>
        %reduce_sum3A_403 = arith.constant true
        %reduce_sum3A_404 = vector.broadcast %reduce_sum3A_403 : i1 to vector<16xi1>
        %reduce_sum3A_405 = tpu.scan <sum>, %select_n3A_402 masked %reduce_sum3A_404 : vector<16xf32>, vector<16xi1> -> vector<16xf32>
        %reduce_sum3A_406 = vector.extract %reduce_sum3A_405[15] : f32 from vector<16xf32>
        %add3A_407 = arith.addf %add3A_383, %reduce_sum3A_406 : f32
        %shift_right_logical3A_408 = vector.broadcast %scan3A_360 : i32 to vector<16xi32>
        %shift_right_logical3A_409 = arith.shrui %scan3A_322#6, %shift_right_logical3A_408 : vector<16xi32>
        %and3A_410 = arith.constant 1 : i32
        %and3A_411 = vector.broadcast %and3A_410 : i32 to vector<16xi32>
        %and3A_412 = arith.andi %shift_right_logical3A_409, %and3A_411 : vector<16xi32>
        %eq3A_413 = arith.constant 0 : i32
        %eq3A_414 = vector.broadcast %eq3A_413 : i32 to vector<16xi32>
        %eq3A_415 = arith.cmpi eq, %and3A_412, %eq3A_414 : vector<16xi32>
        %get3A_416 = arith.index_cast %mul3A_362 : i32 to index
        %get3A_417 = arith.constant 32 : index
        %get3A_418 = tpu.vector_load %arg6[%get3A_416, %get3A_417] {strides = array<i32>} : memref<190x64xf32, #tpu.memory_space<vmem>>, vector<16xf32>,
        %get3A_419 = arith.index_cast %mul3A_362 : i32 to index
        %get3A_420 = arith.constant 32 : index
        %get3A_421 = tpu.vector_load %arg5[%get3A_419, %get3A_420] {strides = array<i32>} : memref<190x64xf32, #tpu.memory_space<vmem>>, vector<16xf32>,
        %sub3A_422 = arith.subf %get3A_418, %get3A_421 : vector<16xf32>
        %mul3A_423 = arith.mulf %sub3A_422, %sub3A_422 : vector<16xf32>
        %jit3A_424 = arith.constant 0.000000e+00 : f32
        %broadcast_in_dim3A_425 = vector.broadcast %jit3A_424 : f32 to vector<16xf32>
        %select_n3A_426 = arith.select %eq3A_415, %mul3A_423, %broadcast_in_dim3A_425 : vector<16xi1>, vector<16xf32>
        %reduce_sum3A_427 = arith.constant true
        %reduce_sum3A_428 = vector.broadcast %reduce_sum3A_427 : i1 to vector<16xi1>
        %reduce_sum3A_429 = tpu.scan <sum>, %select_n3A_426 masked %reduce_sum3A_428 : vector<16xf32>, vector<16xi1> -> vector<16xf32>
        %reduce_sum3A_430 = vector.extract %reduce_sum3A_429[15] : f32 from vector<16xf32>
        %add3A_431 = arith.addf %add3A_407, %reduce_sum3A_430 : f32
        %shift_right_logical3A_432 = vector.broadcast %scan3A_360 : i32 to vector<16xi32>
        %shift_right_logical3A_433 = arith.shrui %scan3A_322#7, %shift_right_logical3A_432 : vector<16xi32>
        %and3A_434 = arith.constant 1 : i32
        %and3A_435 = vector.broadcast %and3A_434 : i32 to vector<16xi32>
        %and3A_436 = arith.andi %shift_right_logical3A_433, %and3A_435 : vector<16xi32>
        %eq3A_437 = arith.constant 0 : i32
        %eq3A_438 = vector.broadcast %eq3A_437 : i32 to vector<16xi32>
        %eq3A_439 = arith.cmpi eq, %and3A_436, %eq3A_438 : vector<16xi32>
        %get3A_440 = arith.index_cast %mul3A_362 : i32 to index
        %get3A_441 = arith.constant 48 : index
        %get3A_442 = tpu.vector_load %arg6[%get3A_440, %get3A_441] {strides = array<i32>} : memref<190x64xf32, #tpu.memory_space<vmem>>, vector<16xf32>,
        %get3A_443 = arith.index_cast %mul3A_362 : i32 to index
        %get3A_444 = arith.constant 48 : index
        %get3A_445 = tpu.vector_load %arg5[%get3A_443, %get3A_444] {strides = array<i32>} : memref<190x64xf32, #tpu.memory_space<vmem>>, vector<16xf32>,
        %sub3A_446 = arith.subf %get3A_442, %get3A_445 : vector<16xf32>
        %mul3A_447 = arith.mulf %sub3A_446, %sub3A_446 : vector<16xf32>
        %jit3A_448 = arith.constant 0.000000e+00 : f32
        %broadcast_in_dim3A_449 = vector.broadcast %jit3A_448 : f32 to vector<16xf32>
        %select_n3A_450 = arith.select %eq3A_439, %mul3A_447, %broadcast_in_dim3A_449 : vector<16xi1>, vector<16xf32>
        %reduce_sum3A_451 = arith.constant true
        %reduce_sum3A_452 = vector.broadcast %reduce_sum3A_451 : i1 to vector<16xi1>
        %reduce_sum3A_453 = tpu.scan <sum>, %select_n3A_450 masked %reduce_sum3A_452 : vector<16xf32>, vector<16xi1> -> vector<16xf32>
        %reduce_sum3A_454 = vector.extract %reduce_sum3A_453[15] : f32 from vector<16xf32>
        %add3A_455 = arith.addf %add3A_431, %reduce_sum3A_454 : f32
        scf.yield %add3A_455 : f32
      }
      %scan3A_330 = arith.constant 10 : i32
      %eq3A_331 = arith.constant 0 : i32
      %eq3A_332 = vector.broadcast %eq3A_331 : i32 to vector<16xi32>
      %eq3A_333 = arith.cmpi eq, %iota3A, %eq3A_332 : vector<16xi32>
      %eq3A_334 = arith.constant 1 : i32
      %eq3A_335 = vector.broadcast %eq3A_334 : i32 to vector<16xi32>
      %eq3A_336 = arith.cmpi eq, %iota3A, %eq3A_335 : vector<16xi32>
      %eq3A_337 = arith.constant 2 : i32
      %eq3A_338 = vector.broadcast %eq3A_337 : i32 to vector<16xi32>
      %eq3A_339 = arith.cmpi eq, %iota3A, %eq3A_338 : vector<16xi32>
      %eq3A_340 = arith.constant 3 : i32
      %eq3A_341 = vector.broadcast %eq3A_340 : i32 to vector<16xi32>
      %eq3A_342 = arith.cmpi eq, %iota3A, %eq3A_341 : vector<16xi32>
      %eq3A_343 = arith.constant 4 : i32
      %eq3A_344 = vector.broadcast %eq3A_343 : i32 to vector<16xi32>
      %eq3A_345 = arith.cmpi eq, %iota3A, %eq3A_344 : vector<16xi32>
      %jit3A_346 = arith.constant 0.000000e+00 : f32
      %broadcast_in_dim3A_347 = vector.broadcast %scan3A_322#3 : f32 to vector<16xf32>
      %broadcast_in_dim3A_348 = vector.broadcast %jit3A_346 : f32 to vector<16xf32>
      %select_n3A_349 = arith.select %eq3A_345, %broadcast_in_dim3A_347, %broadcast_in_dim3A_348 : vector<16xi1>, vector<16xf32>
      %broadcast_in_dim3A_350 = vector.broadcast %scan3A_329 : f32 to vector<16xf32>
      %select_n3A_351 = arith.select %eq3A_342, %broadcast_in_dim3A_350, %select_n3A_349 : vector<16xi1>, vector<16xf32>
      %broadcast_in_dim3A_352 = vector.broadcast %scan3A_322#2 : f32 to vector<16xf32>
      %select_n3A_353 = arith.select %eq3A_339, %broadcast_in_dim3A_352, %select_n3A_351 : vector<16xi1>, vector<16xf32>
      %broadcast_in_dim3A_354 = vector.broadcast %scan3A_322#1 : f32 to vector<16xf32>
      %select_n3A_355 = arith.select %eq3A_336, %broadcast_in_dim3A_354, %select_n3A_353 : vector<16xi1>, vector<16xf32>
      %broadcast_in_dim3A_356 = vector.broadcast %scan3A_322#0 : f32 to vector<16xf32>
      %select_n3A_357 = arith.select %eq3A_333, %broadcast_in_dim3A_356, %select_n3A_355 : vector<16xi1>, vector<16xf32>
      %swap3A_358 = arith.constant 0 : index
      %swap3A_359 = tpu.vector_load %arg15[%swap3A_358] {strides = array<i32>} : memref<16xf32, #tpu.memory_space<vmem>>, vector<16xf32>,
      tpu.vector_store %arg15[%swap3A_358], %select_n3A_357 {strides = array<i32>} : memref<16xf32, #tpu.memory_space<vmem>>, vector<16xf32>,
      "tpu.region"() ({
        %run_scoped3A = tpu.sem_alloc : memref<!tpu.dma_semaphore, #tpu.memory_space<semaphore_mem>>
        %dma_start3A = arith.constant 0 : i32
        %dma_start3A_360 = tpu.memref_slice %arg4[%arg1, %dma_start3A] : memref<8x16xf32, #tpu.memory_space<hbm>> -> memref<1x16xf32, #tpu.memory_space<hbm>>
        %dma_start3A_361 = tpu.memref_squeeze %dma_start3A_360 : memref<1x16xf32, #tpu.memory_space<hbm>> -> memref<16xf32, #tpu.memory_space<hbm>>
        %dma_start3A_362 = arith.constant 0 : i32
        %dma_start3A_363 = tpu.memref_slice %arg4[%arg1, %dma_start3A_362] : memref<8x16xf32, #tpu.memory_space<hbm>> -> memref<1x16xf32, #tpu.memory_space<hbm>>
        %dma_start3A_364 = tpu.memref_squeeze %dma_start3A_363 : memref<1x16xf32, #tpu.memory_space<hbm>> -> memref<16xf32, #tpu.memory_space<hbm>>
        tpu.enqueue_dma source(%arg15 : memref<16xf32, #tpu.memory_space<vmem>>) target(%dma_start3A_364 : memref<16xf32, #tpu.memory_space<hbm>>) target_semaphore(%run_scoped3A : memref<!tpu.dma_semaphore, #tpu.memory_space<semaphore_mem>>)
        %dma_wait3A = arith.constant 0 : i32
        %dma_wait3A_365 = tpu.memref_slice %arg4[%arg1, %dma_wait3A] : memref<8x16xf32, #tpu.memory_space<hbm>> -> memref<1x16xf32, #tpu.memory_space<hbm>>
        %dma_wait3A_366 = tpu.memref_squeeze %dma_wait3A_365 : memref<1x16xf32, #tpu.memory_space<hbm>> -> memref<16xf32, #tpu.memory_space<hbm>>
        %dma_wait3A_367 = arith.constant 0 : i32
        %dma_wait3A_368 = tpu.memref_slice %arg4[%arg1, %dma_wait3A_367] : memref<8x16xf32, #tpu.memory_space<hbm>> -> memref<1x16xf32, #tpu.memory_space<hbm>>
        %dma_wait3A_369 = tpu.memref_squeeze %dma_wait3A_368 : memref<1x16xf32, #tpu.memory_space<hbm>> -> memref<16xf32, #tpu.memory_space<hbm>>
        tpu.wait_dma2 semaphore(%run_scoped3A : memref<!tpu.dma_semaphore, #tpu.memory_space<semaphore_mem>>) src(%arg15 : memref<16xf32, #tpu.memory_space<vmem>>) dst(%dma_wait3A_369 : memref<16xf32, #tpu.memory_space<hbm>>)
        tpu.yield
      }) : () -> ()
    } else {
    }
    return
  }
}

module attributes {stable_mosaic.version = 14 : i64} {
  func.func @_tc_combine_body(%arg0: memref<8x16xf32, #tpu.memory_space<vmem>>, %arg1: memref<1x1xf32, #tpu.memory_space<vmem>>) attributes {dimension_semantics = [], scalar_prefetch = 0 : i64, scratch_operands = 0 : i64, tpu.core_type = #tpu.core_type<tc>} {
    %get3A = arith.constant 0 : index
    %get3A_0 = arith.constant 0 : index
    %get3A_1 = vector.load %arg0[%get3A, %get3A_0] : memref<8x16xf32, #tpu.memory_space<vmem>>, vector<8x16xf32>
    %reduce_sum3A = arith.constant dense<0.000000e+00> : vector<16xf32>
    %reduce_sum3A_2 = vector.multi_reduction <add>, %get3A_1, %reduce_sum3A [0] : vector<8x16xf32> to vector<16xf32>
    %broadcast_in_dim3A = vector.shape_cast %reduce_sum3A_2 : vector<16xf32> to vector<1x16xf32>
    %iota3A = tpu.iota {dimensions = array<i32: 1>} : vector<1x16xi32>
    %eq3A = arith.constant 0 : i32
    %eq3A_3 = vector.broadcast %eq3A : i32 to vector<1x16xi32>
    %eq3A_4 = arith.cmpi eq, %iota3A, %eq3A_3 : vector<1x16xi32>
    %jit3A = arith.constant 0.000000e+00 : f32
    %broadcast_in_dim3A_5 = vector.broadcast %jit3A : f32 to vector<1x16xf32>
    %select_n3A = arith.select %eq3A_4, %broadcast_in_dim3A, %broadcast_in_dim3A_5 : vector<1x16xi1>, vector<1x16xf32>
    %reduce_sum3A_6 = vector.shape_cast %select_n3A : vector<1x16xf32> to vector<1x1x16xf32>
    %reduce_sum3A_7 = arith.constant dense<0.000000e+00> : vector<1xf32>
    %reduce_sum3A_8 = vector.multi_reduction <add>, %reduce_sum3A_6, %reduce_sum3A_7 [1, 2] : vector<1x1x16xf32> to vector<1xf32>
    %reduce_sum3A_9 = vector.shape_cast %reduce_sum3A_8 : vector<1xf32> to vector<1x1x1xf32>
    %reduce_sum3A_10 = vector.extract %reduce_sum3A_9[0, 0, 0] : f32 from vector<1x1x1xf32>
    %eq3A_11 = arith.constant 1 : i32
    %eq3A_12 = vector.broadcast %eq3A_11 : i32 to vector<1x16xi32>
    %eq3A_13 = arith.cmpi eq, %iota3A, %eq3A_12 : vector<1x16xi32>
    %jit3A_14 = arith.constant 0.000000e+00 : f32
    %broadcast_in_dim3A_15 = vector.broadcast %jit3A_14 : f32 to vector<1x16xf32>
    %select_n3A_16 = arith.select %eq3A_13, %broadcast_in_dim3A, %broadcast_in_dim3A_15 : vector<1x16xi1>, vector<1x16xf32>
    %reduce_sum3A_17 = vector.shape_cast %select_n3A_16 : vector<1x16xf32> to vector<1x1x16xf32>
    %reduce_sum3A_18 = arith.constant dense<0.000000e+00> : vector<1xf32>
    %reduce_sum3A_19 = vector.multi_reduction <add>, %reduce_sum3A_17, %reduce_sum3A_18 [1, 2] : vector<1x1x16xf32> to vector<1xf32>
    %reduce_sum3A_20 = vector.shape_cast %reduce_sum3A_19 : vector<1xf32> to vector<1x1x1xf32>
    %reduce_sum3A_21 = vector.extract %reduce_sum3A_20[0, 0, 0] : f32 from vector<1x1x1xf32>
    %eq3A_22 = arith.constant 2 : i32
    %eq3A_23 = vector.broadcast %eq3A_22 : i32 to vector<1x16xi32>
    %eq3A_24 = arith.cmpi eq, %iota3A, %eq3A_23 : vector<1x16xi32>
    %jit3A_25 = arith.constant 0.000000e+00 : f32
    %broadcast_in_dim3A_26 = vector.broadcast %jit3A_25 : f32 to vector<1x16xf32>
    %select_n3A_27 = arith.select %eq3A_24, %broadcast_in_dim3A, %broadcast_in_dim3A_26 : vector<1x16xi1>, vector<1x16xf32>
    %reduce_sum3A_28 = vector.shape_cast %select_n3A_27 : vector<1x16xf32> to vector<1x1x16xf32>
    %reduce_sum3A_29 = arith.constant dense<0.000000e+00> : vector<1xf32>
    %reduce_sum3A_30 = vector.multi_reduction <add>, %reduce_sum3A_28, %reduce_sum3A_29 [1, 2] : vector<1x1x16xf32> to vector<1xf32>
    %reduce_sum3A_31 = vector.shape_cast %reduce_sum3A_30 : vector<1xf32> to vector<1x1x1xf32>
    %reduce_sum3A_32 = vector.extract %reduce_sum3A_31[0, 0, 0] : f32 from vector<1x1x1xf32>
    %eq3A_33 = arith.constant 3 : i32
    %eq3A_34 = vector.broadcast %eq3A_33 : i32 to vector<1x16xi32>
    %eq3A_35 = arith.cmpi eq, %iota3A, %eq3A_34 : vector<1x16xi32>
    %jit3A_36 = arith.constant 0.000000e+00 : f32
    %broadcast_in_dim3A_37 = vector.broadcast %jit3A_36 : f32 to vector<1x16xf32>
    %select_n3A_38 = arith.select %eq3A_35, %broadcast_in_dim3A, %broadcast_in_dim3A_37 : vector<1x16xi1>, vector<1x16xf32>
    %reduce_sum3A_39 = vector.shape_cast %select_n3A_38 : vector<1x16xf32> to vector<1x1x16xf32>
    %reduce_sum3A_40 = arith.constant dense<0.000000e+00> : vector<1xf32>
    %reduce_sum3A_41 = vector.multi_reduction <add>, %reduce_sum3A_39, %reduce_sum3A_40 [1, 2] : vector<1x1x16xf32> to vector<1xf32>
    %reduce_sum3A_42 = vector.shape_cast %reduce_sum3A_41 : vector<1xf32> to vector<1x1x1xf32>
    %reduce_sum3A_43 = vector.extract %reduce_sum3A_42[0, 0, 0] : f32 from vector<1x1x1xf32>
    %eq3A_44 = arith.constant 4 : i32
    %eq3A_45 = vector.broadcast %eq3A_44 : i32 to vector<1x16xi32>
    %eq3A_46 = arith.cmpi eq, %iota3A, %eq3A_45 : vector<1x16xi32>
    %jit3A_47 = arith.constant 0.000000e+00 : f32
    %broadcast_in_dim3A_48 = vector.broadcast %jit3A_47 : f32 to vector<1x16xf32>
    %select_n3A_49 = arith.select %eq3A_46, %broadcast_in_dim3A, %broadcast_in_dim3A_48 : vector<1x16xi1>, vector<1x16xf32>
    %reduce_sum3A_50 = vector.shape_cast %select_n3A_49 : vector<1x16xf32> to vector<1x1x16xf32>
    %reduce_sum3A_51 = arith.constant dense<0.000000e+00> : vector<1xf32>
    %reduce_sum3A_52 = vector.multi_reduction <add>, %reduce_sum3A_50, %reduce_sum3A_51 [1, 2] : vector<1x1x16xf32> to vector<1xf32>
    %reduce_sum3A_53 = vector.shape_cast %reduce_sum3A_52 : vector<1xf32> to vector<1x1x1xf32>
    %reduce_sum3A_54 = vector.extract %reduce_sum3A_53[0, 0, 0] : f32 from vector<1x1x1xf32>
    %div3A = arith.divf %reduce_sum3A_21, %reduce_sum3A_10 : f32
    %mul3A = arith.constant 7.000000e+00 : f32
    %mul3A_55 = arith.mulf %div3A, %mul3A : f32
    %div3A_56 = arith.divf %reduce_sum3A_32, %reduce_sum3A_10 : f32
    %mul3A_57 = arith.constant 5.000000e+00 : f32
    %mul3A_58 = arith.mulf %div3A_56, %mul3A_57 : f32
    %add3A = arith.addf %mul3A_55, %mul3A_58 : f32
    %div3A_59 = arith.constant 3.920000e+03 : f32
    %div3A_60 = arith.divf %reduce_sum3A_43, %div3A_59 : f32
    %mul3A_61 = arith.constant 5.000000e+00 : f32
    %mul3A_62 = arith.mulf %div3A_60, %mul3A_61 : f32
    %add3A_63 = arith.addf %add3A, %mul3A_62 : f32
    %div3A_64 = arith.divf %reduce_sum3A_54, %reduce_sum3A_10 : f32
    %add3A_65 = arith.addf %add3A_63, %div3A_64 : f32
    %broadcast_in_dim3A_66 = arith.constant 1.000000e+00 : f32
    %broadcast_in_dim3A_67 = vector.broadcast %broadcast_in_dim3A_66 : f32 to vector<1x1xf32>
    %mul3A_68 = vector.broadcast %add3A_65 : f32 to vector<1x1xf32>
    %mul3A_69 = arith.mulf %broadcast_in_dim3A_67, %mul3A_68 : vector<1x1xf32>
    %swap3A = arith.constant 0 : index
    %swap3A_70 = arith.constant 0 : index
    %swap3A_71 = vector.load %arg1[%swap3A, %swap3A_70] : memref<1x1xf32, #tpu.memory_space<vmem>>, vector<1x1xf32>
    tpu.vector_store %arg1[%swap3A, %swap3A_70], %mul3A_69 {strides = array<i32>} : memref<1x1xf32, #tpu.memory_space<vmem>>, vector<1x1xf32>,
    return
  }
}

</mosaic_0001>

<sc_bundles>
// kernel: _yolo_sc.4.cloned.1.call-start
scs
__scs_entry_jumppad:
0x0: {  	(pc) =	sbr.rel $0x88, $3  }
0x1: {  	(tag) =	ssettag $0x0;
	lr =	simm.s32 $0x1  }
0x2: {  	[smem:$0x3F9F] =	sst lr;
	_ =	strace $0xD0000000  }
0x3: {  	_ = 	snop  }
0x4: {  	_ = 	snop  }
0x5: {  	_ = 	snop  }
0x6: {  	_ = 	snop  }
0x7: {  	_ = 	snop  }
__scs_overlays_trampoline_lowered:
0x8: {  	[smem:$0x3FAE] =	sst s0  }
0x9: {  	[smem:$0x3FAF] =	sst s1  }
0xa: {  	[smem:$0x3FB0] =	sst s2  }
0xb: {  	[smem:$0x3FB1] =	sst s3  }
0xc: {  	[smem:$0x3FB2] =	sst s4  }
0xd: {  	[smem:$0x3FB3] =	sst s5  }
0xe: {  	[smem:$0x3FB4] =	sst s6  }
0xf: {  	[smem:$0x3FB5] =	sst s7  }
0x10: {  	[smem:$0x3FB6] =	sst s8  }
0x11: {  	[smem:$0x3FB7] =	sst s9;
	s0 =	simm.s32 @!p0 $0x0  }
0x12: {  	s1 =	sld [smem:$0x3F9D];
	s0 =	simm.s32 @p0 $0x1  }
0x13: {  	[smem:$0x3FB8] =	sst s0;
	s0 =	simm.s32 @!p1 $0x0  }
0x14: {  	s2 =	sld [smem:$0x3F9C];
	s0 =	simm.s32 @p1 $0x1  }
0x15: {  	[smem:$0x3FB9] =	sst s0;
	s0 =	simm.s32 @!p2 $0x0  }
0x16: {  	s3 =	sld [smem:$0x3FDB];
	s0 =	simm.s32 @p2 $0x1  }
0x17: {  	s4 =	simm.s32 $0x1BF5;
	[smem:$0x3FBB] =	sst s0  }
0x18: {  	s0 =	sld [smem:$0x3F9E];
	_ =	swait.ge [sflag:s4], $0x0  }
0x19: {  	s7 =	sld [smem:$0x3F9F]  }
0x1a: {  	s8 =	sadd.s32 $0xFFFFE003, lr  }
0x1b: {  	s9 =	sadd.s32 $0xFFFFFEF7, lr;
	s5 =	simm.s32 $0xFFFFFFFF;
	p2 =	slt.u32 s8, $0xFFFFF086  }
0x1c: {  	p1 =	slt.u32 s9, $0xF7A;
	s5 =	simm.s32 @!p2 $0x0  }
0x1d: {  	s5 =	simm.s32 @p1 $0x1;
	p0 =	seq.s32 s7, s2  }
0x1e: {  	s7 =	smul.u32 @!p0 $0xF7A, s2;
	p2 =	seq.s32 @!p0 s5, $0x0  }
0x1f: {  	s9 =	smul.u32 $0xF7A, s1;
	s8 =	simm.s32 @!p0 $0x1BF5;
	p2 =	por !p2, p0  }
0x20: {  	[sflag:s8] =	ssyncset.s32 @!p0 $0xFFFFF086;
	s6 =	sadd.s32 @!p0 s3, s7;
	s7 =	simm.s32 @!p0 $0x108  }
0x21: {  	s3 =	sadd.s32 s3, s9;
	s6 =	sadd.s32 @!p0 $0x88, s6;
	s7 =	simm.s32 @p2 $0x1082  }
0x22: {  	[simem:s7], [sflag:s8] =	dma.local @!p0 [hbm:s6], $0xF7A  }
0x23: {  	s9 =	sor.u32 $0xD0000000, s2;
	s6 =	simm.s32 $0x108;
	_ =	swait.ge @!p0 [sflag:s8], $0x0  }
0x24: {  	s3 =	sadd.s32 $0x88, s3;
	s6 =	simm.s32 @!p1 $0x1082;
	[sflag:s4] =	ssyncset.s32 $0xFFFFF086  }
0x25: {  	[simem:s6], [sflag:s4] =	dma.local [hbm:s3], $0xF7A  }
0x26: {  	[smem:$0x3F9F] =	sst s1;
	(tag) =	ssettag s2;
	_ =	strace s9  }
0x27: {  	s1 =	sld [smem:$0x3FAF]  }
0x28: {  	s2 =	sld [smem:$0x3FB0]  }
0x29: {  	s4 =	sld [smem:$0x3FB2]  }
0x2a: {  	p0 =	seq.s32 s5, $0x0;
	s5 =	sld [smem:$0x3FB3]  }
0x2b: {  	s6 =	sld [smem:$0x3FB4]  }
0x2c: {  	s7 =	sld [smem:$0x3FB5]  }
0x2d: {  	s3 =	simm.s32 $0x108;
	s8 =	sld [smem:$0x3FB6]  }
0x2e: {  	s3 =	simm.s32 @!p0 $0x1082;
	s9 =	sld [smem:$0x3FB7]  }
0x2f: {  	lr =	sadd.s32 s0, s3;
	s0 =	sld [smem:$0x3FAE]  }
0x30: {  	s3 =	sld [smem:$0x3FB1]  }
0x31: {  	[smem:$0x3FBA] =	sst s10  }
0x32: {  	s10 =	sld [smem:$0x3FB8];
	_ =	sdelay $0x3  }
0x33: {  	p0 =	seq.s32 s10, $0x1;
	s10 =	sld [smem:$0x3FBA];
	_ =	sdelay $0x3  }
0x34: {  	[smem:$0x3FBA] =	sst s10  }
0x35: {  	s10 =	sld [smem:$0x3FB9];
	_ =	sdelay $0x3  }
0x36: {  	p1 =	seq.s32 s10, $0x1;
	s10 =	sld [smem:$0x3FBA];
	_ =	sdelay $0x3  }
0x37: {  	[smem:$0x3FBA] =	sst s10  }
0x38: {  	s10 =	sld [smem:$0x3FBB]  }
0x39: {  	_ = 	snop;
	(pc) =	sbr.ind lr, $3  }
0x3a: {  	_ = 	snop  }
0x3b: {  	_ = 	snop  }
0x3c: {  	p2 =	seq.s32 s10, $0x1;
	s10 =	sld [smem:$0x3FBA]  }
0x3d: {  	_ =	shalt  }
0x3e: {  	_ =	shalt  }
0x3f: {  	_ =	shalt  }
0x40: {  	_ =	shalt  }
0x41: {  	_ =	shalt  }
0x42: {  	_ =	shalt  }
0x43: {  	_ =	shalt  }
0x44: {  	_ =	shalt  }
0x45: {  	_ =	shalt  }
0x46: {  	_ =	shalt  }
0x47: {  	_ =	shalt  }
0x48: {  	_ =	shalt  }
0x49: {  	_ =	shalt  }
0x4a: {  	_ =	shalt  }
0x4b: {  	_ =	shalt  }
0x4c: {  	_ =	shalt  }
0x4d: {  	_ =	shalt  }
0x4e: {  	_ =	shalt  }
0x4f: {  	_ =	shalt  }
0x50: {  	_ =	shalt  }
0x51: {  	_ =	shalt  }
0x52: {  	_ =	shalt  }
0x53: {  	_ =	shalt  }
0x54: {  	_ =	shalt  }
0x55: {  	_ =	shalt  }
0x56: {  	_ =	shalt  }
0x57: {  	_ =	shalt  }
0x58: {  	_ =	shalt  }
0x59: {  	_ =	shalt  }
0x5a: {  	_ =	shalt  }
0x5b: {  	_ =	shalt  }
0x5c: {  	_ =	shalt  }
0x5d: {  	_ =	shalt  }
0x5e: {  	_ =	shalt  }
0x5f: {  	_ =	shalt  }
0x60: {  	_ =	shalt  }
0x61: {  	_ =	shalt  }
0x62: {  	_ =	shalt  }
0x63: {  	_ =	shalt  }
0x64: {  	_ =	shalt  }
0x65: {  	_ =	shalt  }
0x66: {  	_ =	shalt  }
0x67: {  	_ =	shalt  }
0x68: {  	_ =	shalt  }
0x69: {  	_ =	shalt  }
0x6a: {  	_ =	shalt  }
0x6b: {  	_ =	shalt  }
0x6c: {  	_ =	shalt  }
0x6d: {  	_ =	shalt  }
0x6e: {  	_ =	shalt  }
0x6f: {  	_ =	shalt  }
0x70: {  	_ =	shalt  }
0x71: {  	_ =	shalt  }
0x72: {  	_ =	shalt  }
0x73: {  	_ =	shalt  }
0x74: {  	_ =	shalt  }
0x75: {  	_ =	shalt  }
0x76: {  	_ =	shalt  }
0x77: {  	_ =	shalt  }
0x78: {  	_ =	shalt  }
0x79: {  	_ =	shalt  }
0x7a: {  	_ =	shalt  }
0x7b: {  	_ =	shalt  }
0x7c: {  	_ =	shalt  }
0x7d: {  	_ =	shalt  }
0x7e: {  	_ =	shalt  }
0x7f: {  	_ =	shalt  }
0x80: {  	_ =	shalt  }
0x81: {  	_ =	shalt  }
0x82: {  	_ =	shalt  }
0x83: {  	_ =	shalt  }
0x84: {  	_ =	shalt  }
0x85: {  	_ =	shalt  }
0x86: {  	_ =	shalt  }
0x87: {  	_ =	shalt  }
.Lfunc_end0:
.L_simem_size_0:
called_computation_lowered:
.L_overlay_start_0:
0x88: {  	s2 =	sld [smem:$0x3FD9]  }
0x89: {  	s3 =	sld [smem:$0x3FFE];
	_ =	sdelay $0x1  }
0x8a: {  	s1 =	srdreg.scid  }
0x8b: {  	s0 =	sand.u32 $0x1, s1  }
0x8c: {  	s16 =	sshll.u32 s0, $0xA;
	s2 =	sadd.s32 s3, s2  }
0x8d: {  	s2 =	sadd.s32 s2, s16  }
0x8e: {  	[smem:$0x3FC6] =	sst s2  }
0x8f: {  	_ = 	snop  }
0x90: {  	(tm) =	ssettm $0x1  }
0x91: {  	s17 =	sld [smem:$0x3FFB];
	_ =	sdelay $0x3  }
0x92: {  	_ =	strace s17  }
0x93: {  	s2 =	sld [smem:$0x3FFC];
	_ =	sdelay $0x3  }
0x94: {  	_ =	strace s2  }
0x95: {  	s2 =	sld [smem:$0x3FFD];
	_ =	sdelay $0x3  }
0x96: {  	_ =	strace s2  }
0x97: {  	_ =	strace $0x8FFFFFFF  }
0x98: {  	s18 =	sld [smem:$0x3FDB];
	_ =	sdelay $0x1  }
0x99: {  	s19 =	simm.s32 $_scs_section_size  }
0x9a: {  	s4 =	simm.s32 $_size__tile_overlayer_lowered;
	s5 =	simm.s32 $_tile_overlayer_lowered  }
0x9b: {  	s22 =	simm.s32 $0x1BFF;
	s21 =	sshll.u32 s5, $0x1;
	s2 =	sadd.s32 s19, s18  }
0x9c: {  	s6 =	simm.s32 $0x0;
	s20 =	sshll.u32 s4, $0x1;
	s4 =	sadd.s32 s21, s2  }
0x9d: {  	[timem:s6], [sflag:s22] =	dma.local [hbm:s4], s20  }
0x9e: {  	_ =	swait.ge [sflag:s22], s20  }
0x9f: {  	s3 =	ssub.s32 $0x0, s20;
	[sflag:s22] =	ssyncset.done $0x0  }
0xa0: {  	[sflag:s22] =	ssyncadd.s32 s3;
	_ =	sdelay $0x1  }
0xa1: {  	s23 =	simm.s32 $0x1B8B  }
0xa2: {  	_ =	swait.ge [sflag:s23], $0x1  }
0xa3: {  	[sflag:s23] =	ssyncset.done $0x0  }
0xa4: {  	s25 =	simm.s32 $0x1B8E;
	s24 =	sld [smem:$0x3FFE];
	[sflag:s23] =	ssyncadd.s32 $0xFFFFFFFF  }
0xa5: {  	s26 =	simm.s32 $execute0_lowered;
	[smem:$0x3FD2] =	sst s25  }
0xa6: {  	s4 =	sshll.u32 s26, $0x1;
	_ =	strace $0x80000046;
	[dreg:$0x1] =	wrdreg $0xFFFFFFFF  }
0xa7: {  	s28 =	simm.s32 $_size_execute0_lowered;
	s2 =	sadd.s32 s2, s4;
	[dreg:$0x0] =	wrdreg $0x0  }
0xa8: {  	s4 =	sshll.u32 s28, $0x1;
	[dreg:$0x2] =	wrdreg s2  }
0xa9: {  	[dreg:$0x3] =	wrdreg s4  }
0xaa: {  	[dreg:$0x4] =	wrdreg $0xC0  }
0xab: {  	_ =	task [dreg:s6], $0x5FFFF  }
0xac: {  	[dreg:$0x1] =	wrdreg $0xFFFFFFFF  }
0xad: {  	[dreg:$0x0] =	wrdreg $0x60  }
0xae: {  	[dreg:$0x2] =	wrdreg s24  }
0xaf: {  	[dreg:$0x3] =	wrdreg $0x9  }
0xb0: {  	_ =	task.clear_ibuf [dreg:s6], $0x4FFFF;
	_ =	strace $0x90000046  }
0xb1: {  	s29 =	simm.s32 $0x9;
	_ =	strace $0x80000048  }
0xb2: {  	_ =	swait.ge [sflag:s29], $0x1  }
0xb3: {  	[sflag:s29] =	ssyncadd.s32 $0xFFFFFFFF  }
0xb4: {  	_ =	strace $0x90000048  }
0xb5: {  	_ =	sfence  }
0xb6: {  	s30 =	sld [smem:$0x0];
	_ =	sdelay $0x2  }
0xb7: {  	s31 =	sshll.u32 s1, $0xD;
	s1 =	sshrl.u32 s1, $0x2  }
0xb8: {  	s3 =	sand.u32 $0x4000, s31;
	s1 =	sadd.s32 s1, s30  }
0xb9: {  	s0 =	sor.u32 s3, s0;
	s1 =	sshll.u32 s1, $0x11  }
0xba: {  	s0 =	sor.u32 s1, s0  }
0xbb: {  	s0 =	sadd.s32 $0x8F2B, s0  }
0xbc: {  	[sflag:s0] =	ssyncadd.remote.s32 $0x1  }
0xbd: {  	_ =	sfence.sel $0xFFFF  }
0xbe: {  	[dreg:$0x0] =	wrdreg $0xFFFFFFFF;
	(pc) =	sbr.abs _section_cstart, $3  }
0xbf: {  	[dreg:$0x1] =	wrdreg $0xFFFFFFFF  }
0xc0: {  	_ =	task.clear_ibuf [dreg:s6], $0x2FFFF;
	_ =	strace $0x9FFFFFFF  }
0xc1: {  	(tm) =	ssettm $0x7FFFFFFF  }
tec
execute0_lowered:
.L_overlay_start_1:
0x0: {  	(tag) =	ssettag $0x1  }
0x1: {  	s2 =	rddreg [dreg:$0x0];
	s3 =	simm.s32 $0x0  }
0x2: {  	[smem:$0x7FF] =	sst s3  }
0x3: {  	s0 =	rddreg [dreg:$0x1];
	v0 =	vimm.f32 $1.400000000e+01;
	_ =	strace $0x80000047  }
0x4: {  	(erf) = vrcp.f32 v0;
	v0 =	vimm.f32 $2.000000000e+00  }
0x5: {  	s1 =	srdreg.scid;
	(erf) = vrcp.f32 v0  }
0x6: {  	s4 =	sand.u32 $0x1, s1  }
0x7: {  	s1 =	stileid.u32;
	p0 =	seq.s32 s4, $0x1  }
0x8: {  	p1 =	sgt.u32 @!p0 s1, $0x7  }
0x9: {  	p0 =	por p0, p1  }
.Ltmp0:
0xa: {  	_ = 	snop;
	(pc) =	sbr.rel @p0 .LBB2_22-.Ltmp0, $3  }
0xb: {  	_ =	sdelay $0x1  }
0xc: {  	v1 =	vpop (erf)  }
0xd: {  	v0 =	vpop (erf)  }
0xe: {  	s4 =	smul.u32 $0xC00, s1  }
0xf: {  	s5 =	sadd.s32 $0x800, s2  }
0x10: {  	s26 =	simm.s32 $0x1;
	s5 =	sadd.s32 s5, s4  }
0x11: {  	[tilespmem:s3], [sflag:$0x1] =	stream.linear.gather [hbm4b:s5+s3], $0x5F00, $0x38;
	[tilespmem:$0x10100] =	vst v63  }
0x12: {  	_ =	swait.ge [sflag:s26], $0x5F00  }
0x13: {  	s6 =	sadd.s32 $0x6800, s2;
	[sflag:s26] =	ssyncset.done $0x0  }
0x14: {  	s28 =	simm.s32 $0x6000;
	s4 =	sadd.s32 s6, s4;
	[sflag:s26] =	ssyncadd.s32 $0xFFFFA100  }
0x15: {  	[tilespmem:s28], [sflag:$0x1] =	stream.linear.gather [hbm4b:s4+s3], $0x5F00, $0x38;
	[tilespmem:$0x10100] =	vst v63  }
0x16: {  	_ =	swait.ge [sflag:s26], $0x5F00  }
0x17: {  	[sflag:s26] =	ssyncset.done $0x0  }
0x18: {  	v2 =	vimm.s32 $0x0;
	[sflag:s26] =	ssyncadd.s32 $0xFFFFA100  }
0x19: {  	[tilespmem:$0xC000] =	vst v2  }
0x1a: {  	[tilespmem:$0xC010] =	vst v2  }
0x1b: {  	[tilespmem:$0xC020] =	vst v2  }
0x1c: {  	[tilespmem:$0xC030] =	vst v2  }
0x1d: {  	[tilespmem:$0xC080] =	vst v2  }
0x1e: {  	[tilespmem:$0xC090] =	vst v2  }
0x1f: {  	[tilespmem:$0xC0A0] =	vst v2  }
0x20: {  	[tilespmem:$0xC0B0] =	vst v2  }
0x21: {  	[tilespmem:$0xC100] =	vst v2  }
0x22: {  	[tilespmem:$0xC110] =	vst v2  }
0x23: {  	[tilespmem:$0xC120] =	vst v2  }
0x24: {  	[tilespmem:$0xC130] =	vst v2  }
0x25: {  	[tilespmem:$0xC180] =	vst v2  }
0x26: {  	[tilespmem:$0xC190] =	vst v2  }
0x27: {  	[tilespmem:$0xC1A0] =	vst v2  }
0x28: {  	[tilespmem:$0xC1B0] =	vst v2  }
0x29: {  	[tilespmem:$0xC200] =	vst v2  }
0x2a: {  	[tilespmem:$0xC210] =	vst v2  }
0x2b: {  	[tilespmem:$0xC220] =	vst v2  }
0x2c: {  	[tilespmem:$0xC230] =	vst v2  }
0x2d: {  	[tilespmem:$0xC280] =	vst v2  }
0x2e: {  	[tilespmem:$0xC290] =	vst v2  }
0x2f: {  	[tilespmem:$0xC2A0] =	vst v2  }
0x30: {  	[tilespmem:$0xC2B0] =	vst v2  }
0x31: {  	[tilespmem:$0xC300] =	vst v2  }
0x32: {  	[tilespmem:$0xC310] =	vst v2  }
0x33: {  	[tilespmem:$0xC320] =	vst v2  }
0x34: {  	[tilespmem:$0xC330] =	vst v2  }
0x35: {  	[tilespmem:$0xC380] =	vst v2  }
0x36: {  	[tilespmem:$0xC390] =	vst v2  }
0x37: {  	[tilespmem:$0xC3A0] =	vst v2  }
0x38: {  	[tilespmem:$0xC3B0] =	vst v2  }
0x39: {  	[tilespmem:$0xC400] =	vst v2  }
0x3a: {  	[tilespmem:$0xC410] =	vst v2  }
0x3b: {  	[tilespmem:$0xC420] =	vst v2  }
0x3c: {  	[tilespmem:$0xC430] =	vst v2  }
0x3d: {  	[tilespmem:$0xC480] =	vst v2  }
0x3e: {  	[tilespmem:$0xC490] =	vst v2  }
0x3f: {  	[tilespmem:$0xC4A0] =	vst v2  }
0x40: {  	[tilespmem:$0xC4B0] =	vst v2;
	v2 =	vimm.s32 $0x1  }
0x41: {  	[tilespmem:$0xFC00] =	vst v2  }
0x42: {  	[tilespmem:$0xFC80] =	vst v2  }
0x43: {  	[tilespmem:$0xFD00] =	vst v2  }
0x44: {  	[tilespmem:$0xFD80] =	vst v2  }
0x45: {  	s29 =	sshll.u32 s1, $0x4;
	s30 =	smul.u32 $0x2600, s1;
	[tilespmem:$0xFE00] =	vst v2  }
0x46: {  	s31 =	sadd.s32 s29, s2;
	[tilespmem:$0xFE80] =	vst v2  }
0x47: {  	s2 =	sadd.s32 $0xC800, s31;
	s5 =	simm.s32 $0x4A0;
	s4 =	sshrl.u32 s30, $0x2;
	[tilespmem:$0xFF00] =	vst v2  }
.LBB2_2:
0x48: {  	v2 =	vld [tilespmem:s5+$0xFFFFFDE0]  }
0x49: {  	v3 =	vld [tilespmem:s4+$0x6280]  }
0x4a: {  	v4 =	vld [tilespmem:s5+$0xFFFFFE60]  }
0x4b: {  	v5 =	vld [tilespmem:s4+$0x6300]  }
0x4c: {  	v6 =	vld [tilespmem:s5+$0xFFFFFEE0]  }
0x4d: {  	v7 =	vld [tilespmem:s4+$0x6380]  }
0x4e: {  	v8 =	vld [tilespmem:s5+$0xFFFFFF60]  }
0x4f: {  	v9 =	vld [tilespmem:s4+$0x6400]  }
0x50: {  	v33 =	vld [tilespmem:s5+$0xFFFFFFE0];
	v2 =	vsub.f32 v2, v3;
	v3 =	vsub.f32 v4, v5  }
0x51: {  	v34 =	vld [tilespmem:s4+$0x6480]  }
0x52: {  	v35 =	vld [tilespmem:s5+$0x60];
	v6 =	vsub.f32 v6, v7;
	v2 =	vmul.f32 v2, v2;
	v3 =	vmul.f32 v3, v3  }
0x53: {  	v10 =	vld [tilespmem:s4+$0x6500]  }
0x54: {  	v37 =	vld [tilespmem:s5+$0xE0];
	v36 =	vsub.f32 v8, v9;
	v2 =	vadd.f32 v3, v2;
	v3 =	vmul.f32 v6, v6  }
0x55: {  	v38 =	vld [tilespmem:s4+$0x6580]  }
0x56: {  	v39 =	vld [tilespmem:s5+$0x160];
	v4 =	vsub.f32 v33, v34;
	v2 =	vadd.f32 v3, v2;
	v3 =	vmul.f32 v36, v36  }
0x57: {  	v40 =	vld [tilespmem:s4+$0x6600]  }
0x58: {  	v42 =	vld [tilespmem:s5+$0x1E0];
	v41 =	vsub.f32 v35, v10;
	v2 =	vadd.f32 v3, v2;
	v3 =	vmul.f32 v4, v4  }
0x59: {  	v43 =	vld [tilespmem:s4+$0x6680]  }
0x5a: {  	v45 =	vld [tilespmem:s5+$0x260];
	v44 =	vsub.f32 v37, v38;
	v2 =	vadd.f32 v3, v2;
	v3 =	vmul.f32 v41, v41  }
0x5b: {  	v46 =	vld [tilespmem:s4+$0x6700]  }
0x5c: {  	v48 =	vld [tilespmem:s5+$0x2E0];
	v47 =	vsub.f32 v39, v40;
	v2 =	vadd.f32 v3, v2;
	v3 =	vmul.f32 v44, v44  }
0x5d: {  	v49 =	vld [tilespmem:s4+$0x6780]  }
0x5e: {  	v51 =	vld [tilespmem:s5+$0x360];
	v50 =	vsub.f32 v42, v43;
	v2 =	vadd.f32 v3, v2;
	v3 =	vmul.f32 v47, v47  }
0x5f: {  	v52 =	vld [tilespmem:s4+$0x6800]  }
0x60: {  	v54 =	vld [tilespmem:s5+$0x3E0];
	v53 =	vsub.f32 v45, v46;
	v2 =	vadd.f32 v3, v2;
	v3 =	vmul.f32 v50, v50  }
0x61: {  	v55 =	vld [tilespmem:s4+$0x6880]  }
0x62: {  	v57 =	vld [tilespmem:s5+$0x460];
	v56 =	vsub.f32 v48, v49;
	v2 =	vadd.f32 v3, v2;
	v3 =	vmul.f32 v53, v53  }
0x63: {  	v58 =	vld [tilespmem:s4+$0x6900]  }
0x64: {  	v59 =	vsub.f32 v51, v52;
	v2 =	vadd.f32 v3, v2;
	v3 =	vmul.f32 v56, v56;
	_ =	sdelay $0x1  }
0x65: {  	v60 =	vsub.f32 v54, v55;
	v2 =	vadd.f32 v3, v2;
	v3 =	vmul.f32 v59, v59;
	_ =	sdelay $0x1  }
0x66: {  	v61 =	vsub.f32 v57, v58;
	v2 =	vadd.f32 v3, v2;
	v3 =	vmul.f32 v60, v60;
	_ =	sdelay $0x1  }
0x67: {  	v2 =	vadd.f32 v3, v2;
	v3 =	vmul.f32 v61, v61;
	_ =	sdelay $0x1  }
0x68: {  	v2 =	vadd.f32 v3, v2;
	_ =	sdelay $0x1  }
0x69: {  	v2 =	vmul.f32 v2, v1  }
0x6a: {  	s6 =	sshra.s32 s3, $0x2  }
0x6b: {  	[tilespmem:s6+$0xD000] =	vst v2  }
0x6c: {  	v2 =	vld [tilespmem:s5+$0xFFFFFDF0]  }
0x6d: {  	v3 =	vld [tilespmem:s4+$0x6290]  }
0x6e: {  	v62 =	vld [tilespmem:s5+$0xFFFFFE70]  }
0x6f: {  	v63 =	vld [tilespmem:s4+$0x6310]  }
0x70: {  	v12 =	vld [tilespmem:s5+$0xFFFFFEF0]  }
0x71: {  	v13 =	vld [tilespmem:s4+$0x6390]  }
0x72: {  	v14 =	vld [tilespmem:s5+$0xFFFFFF70]  }
0x73: {  	v15 =	vld [tilespmem:s4+$0x6410]  }
0x74: {  	v16 =	vld [tilespmem:s5+$0xFFFFFFF0];
	v2 =	vsub.f32 v2, v3;
	v3 =	vsub.f32 v62, v63  }
0x75: {  	v17 =	vld [tilespmem:s4+$0x6490]  }
0x76: {  	v18 =	vld [tilespmem:s5+$0x70];
	v6 =	vsub.f32 v12, v13;
	v2 =	vmul.f32 v2, v2;
	v3 =	vmul.f32 v3, v3  }
0x77: {  	v19 =	vld [tilespmem:s4+$0x6510]  }
0x78: {  	v21 =	vld [tilespmem:s5+$0xF0];
	v20 =	vsub.f32 v14, v15;
	v2 =	vadd.f32 v3, v2;
	v3 =	vmul.f32 v6, v6  }
0x79: {  	v22 =	vld [tilespmem:s4+$0x6590]  }
0x7a: {  	v23 =	vld [tilespmem:s5+$0x170];
	v4 =	vsub.f32 v16, v17;
	v2 =	vadd.f32 v3, v2;
	v3 =	vmul.f32 v20, v20  }
0x7b: {  	v24 =	vld [tilespmem:s4+$0x6610]  }
0x7c: {  	v26 =	vld [tilespmem:s5+$0x1F0];
	v25 =	vsub.f32 v18, v19;
	v2 =	vadd.f32 v3, v2;
	v3 =	vmul.f32 v4, v4  }
0x7d: {  	v27 =	vld [tilespmem:s4+$0x6690]  }
0x7e: {  	v29 =	vld [tilespmem:s5+$0x270];
	v28 =	vsub.f32 v21, v22;
	v2 =	vadd.f32 v3, v2;
	v3 =	vmul.f32 v25, v25  }
0x7f: {  	v30 =	vld [tilespmem:s4+$0x6710]  }
0x80: {  	v32 =	vld [tilespmem:s5+$0x2F0];
	v31 =	vsub.f32 v23, v24;
	v2 =	vadd.f32 v3, v2;
	v3 =	vmul.f32 v28, v28  }
0x81: {  	v33 =	vld [tilespmem:s4+$0x6790]  }
0x82: {  	v35 =	vld [tilespmem:s5+$0x370];
	v34 =	vsub.f32 v26, v27;
	v2 =	vadd.f32 v3, v2;
	v3 =	vmul.f32 v31, v31  }
0x83: {  	v36 =	vld [tilespmem:s4+$0x6810]  }
0x84: {  	v38 =	vld [tilespmem:s5+$0x3F0];
	v37 =	vsub.f32 v29, v30;
	v2 =	vadd.f32 v3, v2;
	v3 =	vmul.f32 v34, v34  }
0x85: {  	v39 =	vld [tilespmem:s4+$0x6890]  }
0x86: {  	v41 =	vld [tilespmem:s5+$0x470];
	v40 =	vsub.f32 v32, v33;
	v2 =	vadd.f32 v3, v2;
	v3 =	vmul.f32 v37, v37  }
0x87: {  	v42 =	vld [tilespmem:s4+$0x6910]  }
0x88: {  	v43 =	vsub.f32 v35, v36;
	v2 =	vadd.f32 v3, v2;
	v3 =	vmul.f32 v40, v40;
	_ =	sdelay $0x1  }
0x89: {  	v44 =	vsub.f32 v38, v39;
	v2 =	vadd.f32 v3, v2;
	v3 =	vmul.f32 v43, v43;
	_ =	sdelay $0x1  }
0x8a: {  	v45 =	vsub.f32 v41, v42;
	v2 =	vadd.f32 v3, v2;
	v3 =	vmul.f32 v44, v44;
	_ =	sdelay $0x1  }
0x8b: {  	v2 =	vadd.f32 v3, v2;
	v3 =	vmul.f32 v45, v45;
	_ =	sdelay $0x1  }
0x8c: {  	v2 =	vadd.f32 v3, v2;
	_ =	sdelay $0x1  }
0x8d: {  	v2 =	vmul.f32 v2, v1;
	_ =	sdelay $0x1  }
0x8e: {  	[tilespmem:s6+$0xD010] =	vst v2  }
0x8f: {  	v2 =	vld [tilespmem:s5+$0xFFFFFE00]  }
0x90: {  	v3 =	vld [tilespmem:s4+$0x62A0]  }
0x91: {  	v46 =	vld [tilespmem:s5+$0xFFFFFE80]  }
0x92: {  	v47 =	vld [tilespmem:s4+$0x6320]  }
0x93: {  	v48 =	vld [tilespmem:s5+$0xFFFFFF00]  }
0x94: {  	v49 =	vld [tilespmem:s4+$0x63A0]  }
0x95: {  	v50 =	vld [tilespmem:s5+$0xFFFFFF80]  }
0x96: {  	v51 =	vld [tilespmem:s4+$0x6420]  }
0x97: {  	v52 =	vld [tilespmem:s5+$0x0];
	v2 =	vsub.f32 v2, v3;
	v3 =	vsub.f32 v46, v47  }
0x98: {  	v53 =	vld [tilespmem:s4+$0x64A0]  }
0x99: {  	v54 =	vld [tilespmem:s5+$0x80];
	v6 =	vsub.f32 v48, v49;
	v2 =	vmul.f32 v2, v2;
	v3 =	vmul.f32 v3, v3  }
0x9a: {  	v55 =	vld [tilespmem:s4+$0x6520]  }
0x9b: {  	v57 =	vld [tilespmem:s5+$0x100];
	v56 =	vsub.f32 v50, v51;
	v2 =	vadd.f32 v3, v2;
	v3 =	vmul.f32 v6, v6  }
0x9c: {  	v58 =	vld [tilespmem:s4+$0x65A0]  }
0x9d: {  	v59 =	vld [tilespmem:s5+$0x180];
	v4 =	vsub.f32 v52, v53;
	v2 =	vadd.f32 v3, v2;
	v3 =	vmul.f32 v56, v56  }
0x9e: {  	v60 =	vld [tilespmem:s4+$0x6620]  }
0x9f: {  	v62 =	vld [tilespmem:s5+$0x200];
	v61 =	vsub.f32 v54, v55;
	v2 =	vadd.f32 v3, v2;
	v3 =	vmul.f32 v4, v4  }
0xa0: {  	v63 =	vld [tilespmem:s4+$0x66A0]  }
0xa1: {  	v13 =	vld [tilespmem:s5+$0x280];
	v12 =	vsub.f32 v57, v58;
	v2 =	vadd.f32 v3, v2;
	v3 =	vmul.f32 v61, v61  }
0xa2: {  	v14 =	vld [tilespmem:s4+$0x6720]  }
0xa3: {  	v16 =	vld [tilespmem:s5+$0x300];
	v15 =	vsub.f32 v59, v60;
	v2 =	vadd.f32 v3, v2;
	v3 =	vmul.f32 v12, v12  }
0xa4: {  	v17 =	vld [tilespmem:s4+$0x67A0]  }
0xa5: {  	v19 =	vld [tilespmem:s5+$0x380];
	v18 =	vsub.f32 v62, v63;
	v2 =	vadd.f32 v3, v2;
	v3 =	vmul.f32 v15, v15  }
0xa6: {  	v20 =	vld [tilespmem:s4+$0x6820]  }
0xa7: {  	v22 =	vld [tilespmem:s5+$0x400];
	v21 =	vsub.f32 v13, v14;
	v2 =	vadd.f32 v3, v2;
	v3 =	vmul.f32 v18, v18  }
0xa8: {  	v23 =	vld [tilespmem:s4+$0x68A0]  }
0xa9: {  	v25 =	vld [tilespmem:s5+$0x480];
	v24 =	vsub.f32 v16, v17;
	v2 =	vadd.f32 v3, v2;
	v3 =	vmul.f32 v21, v21  }
0xaa: {  	v26 =	vld [tilespmem:s4+$0x6920]  }
0xab: {  	v27 =	vsub.f32 v19, v20;
	v2 =	vadd.f32 v3, v2;
	v3 =	vmul.f32 v24, v24;
	_ =	sdelay $0x1  }
0xac: {  	v28 =	vsub.f32 v22, v23;
	v2 =	vadd.f32 v3, v2;
	v3 =	vmul.f32 v27, v27;
	_ =	sdelay $0x1  }
0xad: {  	v29 =	vsub.f32 v25, v26;
	v2 =	vadd.f32 v3, v2;
	v3 =	vmul.f32 v28, v28;
	_ =	sdelay $0x1  }
0xae: {  	v2 =	vadd.f32 v3, v2;
	v3 =	vmul.f32 v29, v29;
	_ =	sdelay $0x1  }
0xaf: {  	v2 =	vadd.f32 v3, v2;
	_ =	sdelay $0x1  }
0xb0: {  	v2 =	vmul.f32 v2, v1;
	_ =	sdelay $0x1  }
0xb1: {  	[tilespmem:s6+$0xD020] =	vst v2  }
0xb2: {  	v2 =	vld [tilespmem:s5+$0xFFFFFE10]  }
0xb3: {  	v3 =	vld [tilespmem:s4+$0x62B0]  }
0xb4: {  	v30 =	vld [tilespmem:s5+$0xFFFFFE90]  }
0xb5: {  	v31 =	vld [tilespmem:s4+$0x6330]  }
0xb6: {  	v32 =	vld [tilespmem:s5+$0xFFFFFF10]  }
0xb7: {  	v33 =	vld [tilespmem:s4+$0x63B0]  }
0xb8: {  	v34 =	vld [tilespmem:s5+$0xFFFFFF90]  }
0xb9: {  	v35 =	vld [tilespmem:s4+$0x6430]  }
0xba: {  	v36 =	vld [tilespmem:s5+$0x10];
	v2 =	vsub.f32 v2, v3;
	v3 =	vsub.f32 v30, v31  }
0xbb: {  	v37 =	vld [tilespmem:s4+$0x64B0]  }
0xbc: {  	v38 =	vld [tilespmem:s5+$0x90];
	v6 =	vsub.f32 v32, v33;
	v2 =	vmul.f32 v2, v2;
	v3 =	vmul.f32 v3, v3  }
0xbd: {  	v39 =	vld [tilespmem:s4+$0x6530]  }
0xbe: {  	v41 =	vld [tilespmem:s5+$0x110];
	v40 =	vsub.f32 v34, v35;
	v2 =	vadd.f32 v3, v2;
	v3 =	vmul.f32 v6, v6  }
0xbf: {  	v42 =	vld [tilespmem:s4+$0x65B0]  }
0xc0: {  	v43 =	vld [tilespmem:s5+$0x190];
	v4 =	vsub.f32 v36, v37;
	v2 =	vadd.f32 v3, v2;
	v3 =	vmul.f32 v40, v40  }
0xc1: {  	v44 =	vld [tilespmem:s4+$0x6630]  }
0xc2: {  	v46 =	vld [tilespmem:s5+$0x210];
	v45 =	vsub.f32 v38, v39;
	v2 =	vadd.f32 v3, v2;
	v3 =	vmul.f32 v4, v4  }
0xc3: {  	v47 =	vld [tilespmem:s4+$0x66B0]  }
0xc4: {  	v49 =	vld [tilespmem:s5+$0x290];
	v48 =	vsub.f32 v41, v42;
	v2 =	vadd.f32 v3, v2;
	v3 =	vmul.f32 v45, v45  }
0xc5: {  	v50 =	vld [tilespmem:s4+$0x6730]  }
0xc6: {  	v52 =	vld [tilespmem:s5+$0x310];
	v51 =	vsub.f32 v43, v44;
	v2 =	vadd.f32 v3, v2;
	v3 =	vmul.f32 v48, v48  }
0xc7: {  	v53 =	vld [tilespmem:s4+$0x67B0]  }
0xc8: {  	v55 =	vld [tilespmem:s5+$0x390];
	v54 =	vsub.f32 v46, v47;
	v2 =	vadd.f32 v3, v2;
	v3 =	vmul.f32 v51, v51  }
0xc9: {  	v56 =	vld [tilespmem:s4+$0x6830]  }
0xca: {  	v58 =	vld [tilespmem:s5+$0x410];
	v57 =	vsub.f32 v49, v50;
	v2 =	vadd.f32 v3, v2;
	v3 =	vmul.f32 v54, v54  }
0xcb: {  	v59 =	vld [tilespmem:s4+$0x68B0]  }
0xcc: {  	v61 =	vld [tilespmem:s5+$0x490];
	v60 =	vsub.f32 v52, v53;
	v2 =	vadd.f32 v3, v2;
	v3 =	vmul.f32 v57, v57  }
0xcd: {  	v62 =	vld [tilespmem:s4+$0x6930]  }
0xce: {  	v4 =	vmul.f32 v60, v60;
	v2 =	vadd.f32 v3, v2;
	v3 =	vsub.f32 v55, v56;
	_ =	sdelay $0x1  }
0xcf: {  	v63 =	vsub.f32 v58, v59;
	v2 =	vadd.f32 v4, v2;
	v3 =	vmul.f32 v3, v3;
	_ =	sdelay $0x1  }
0xd0: {  	v4 =	vmul.f32 v63, v63;
	v2 =	vadd.f32 v3, v2;
	v3 =	vsub.f32 v61, v62;
	_ =	sdelay $0x1  }
0xd1: {  	v2 =	vadd.f32 v4, v2;
	v3 =	vmul.f32 v3, v3  }
0xd2: {  	p0 =	sne.s32 s3, $0x1200  }
.Ltmp1:
0xd3: {  	v2 =	vadd.f32 v3, v2;
	(pc) =	sbr.rel @p0 .LBB2_2-.Ltmp1, $3  }
0xd4: {  	_ = 	snop  }
0xd5: {  	v2 =	vmul.f32 v2, v1;
	_ =	sdelay $0x1  }
0xd6: {  	s3 =	sadd.s32 $0x200, s3;
	s5 =	sadd.s32 $0x980, s5;
	[tilespmem:s6+$0xD030] =	vst v2  }
0xd7: {  	s3 =	simm.s32 $0x230  }
0xd8: {  	s4 =	simm.s32 $0x0;
	s5 =	simm.s32 $0x200;
	v1 =	vld [tilespmem:s3+$0xFFFFFF50]  }
.LBB2_4:
0xd9: {  	p0 =	sne.s32 s5, $0x1200;
	_ =	sdelay $0x3  }
0xda: {  	v1 =	vmax.f32 v1, $0.0e+00  }
0xdb: {  	v2 =	vshrl.u32 v1, $0x1  }
0xdc: {  	v2 =	vadd.s32 $0x1FBD1DF5, v2  }
0xdd: {  	(erf) = vrcp.f32 v2;
	_ =	sdelay $0x8  }
0xde: {  	v3 =	vpop (erf)  }
0xdf: {  	v3 =	vmul.f32 v3, v1;
	_ =	sdelay $0x1  }
0xe0: {  	v2 =	vadd.f32 v2, v3;
	_ =	sdelay $0x1  }
0xe1: {  	v2 =	vmul.f32 $5.000000000e-01, v2;
	_ =	sdelay $0x1  }
0xe2: {  	(erf) = vrcp.f32 v2;
	_ =	sdelay $0x8  }
0xe3: {  	v3 =	vpop (erf)  }
0xe4: {  	v3 =	vmul.f32 v3, v1;
	_ =	sdelay $0x1  }
0xe5: {  	v2 =	vadd.f32 v3, v2;
	_ =	sdelay $0x1  }
0xe6: {  	v2 =	vmul.f32 $5.000000000e-01, v2;
	_ =	sdelay $0x1  }
0xe7: {  	(erf) = vrcp.f32 v2;
	_ =	sdelay $0x8  }
0xe8: {  	v3 =	vpop (erf)  }
0xe9: {  	v3 =	vmul.f32 v3, v1;
	_ =	sdelay $0x1  }
0xea: {  	v2 =	vadd.f32 v3, v2;
	_ =	sdelay $0x1  }
0xeb: {  	v2 =	vmul.f32 $5.000000000e-01, v2;
	_ =	sdelay $0x1  }
0xec: {  	(erf) = vrcp.f32 v2;
	_ =	sdelay $0x8  }
0xed: {  	v3 =	vpop (erf)  }
0xee: {  	v1 =	vmul.f32 v3, v1;
	_ =	sdelay $0x1  }
0xef: {  	v1 =	vadd.f32 v1, v2;
	_ =	sdelay $0x1  }
0xf0: {  	v1 =	vmul.f32 $5.000000000e-01, v1  }
0xf1: {  	s6 =	sshra.s32 s4, $0x2;
	s4 =	smov.u32 s5  }
0xf2: {  	[tilespmem:s6+$0xD800] =	vst v1  }
0xf3: {  	v1 =	vld [tilespmem:s3+$0xFFFFFFD0];
	_ =	sdelay $0x4  }
0xf4: {  	v1 =	vmax.f32 v1, $0.0e+00  }
0xf5: {  	v2 =	vshrl.u32 v1, $0x1  }
0xf6: {  	v2 =	vadd.s32 $0x1FBD1DF5, v2  }
0xf7: {  	(erf) = vrcp.f32 v2;
	_ =	sdelay $0x8  }
0xf8: {  	v3 =	vpop (erf)  }
0xf9: {  	v3 =	vmul.f32 v3, v1;
	_ =	sdelay $0x1  }
0xfa: {  	v2 =	vadd.f32 v2, v3;
	_ =	sdelay $0x1  }
0xfb: {  	v2 =	vmul.f32 $5.000000000e-01, v2;
	_ =	sdelay $0x1  }
0xfc: {  	(erf) = vrcp.f32 v2;
	_ =	sdelay $0x8  }
0xfd: {  	v3 =	vpop (erf)  }
0xfe: {  	v3 =	vmul.f32 v3, v1;
	_ =	sdelay $0x1  }
0xff: {  	v2 =	vadd.f32 v3, v2;
	_ =	sdelay $0x1  }
0x100: {  	v2 =	vmul.f32 $5.000000000e-01, v2;
	_ =	sdelay $0x1  }
0x101: {  	(erf) = vrcp.f32 v2;
	_ =	sdelay $0x8  }
0x102: {  	v3 =	vpop (erf)  }
0x103: {  	v3 =	vmul.f32 v3, v1;
	_ =	sdelay $0x1  }
0x104: {  	v2 =	vadd.f32 v3, v2;
	_ =	sdelay $0x1  }
0x105: {  	v2 =	vmul.f32 $5.000000000e-01, v2;
	_ =	sdelay $0x1  }
0x106: {  	(erf) = vrcp.f32 v2;
	_ =	sdelay $0x8  }
0x107: {  	v3 =	vpop (erf)  }
0x108: {  	v1 =	vmul.f32 v3, v1;
	_ =	sdelay $0x1  }
0x109: {  	v1 =	vadd.f32 v1, v2;
	_ =	sdelay $0x1  }
0x10a: {  	v1 =	vmul.f32 $5.000000000e-01, v1;
	_ =	sdelay $0x1  }
0x10b: {  	[tilespmem:s6+$0xE000] =	vst v1  }
0x10c: {  	v1 =	vld [tilespmem:s3+$0xFFFFFF60];
	_ =	sdelay $0x4  }
0x10d: {  	v1 =	vmax.f32 v1, $0.0e+00  }
0x10e: {  	v2 =	vshrl.u32 v1, $0x1  }
0x10f: {  	v2 =	vadd.s32 $0x1FBD1DF5, v2  }
0x110: {  	(erf) = vrcp.f32 v2;
	_ =	sdelay $0x8  }
0x111: {  	v3 =	vpop (erf)  }
0x112: {  	v3 =	vmul.f32 v3, v1;
	_ =	sdelay $0x1  }
0x113: {  	v2 =	vadd.f32 v2, v3;
	_ =	sdelay $0x1  }
0x114: {  	v2 =	vmul.f32 $5.000000000e-01, v2;
	_ =	sdelay $0x1  }
0x115: {  	(erf) = vrcp.f32 v2;
	_ =	sdelay $0x8  }
0x116: {  	v3 =	vpop (erf)  }
0x117: {  	v3 =	vmul.f32 v3, v1;
	_ =	sdelay $0x1  }
0x118: {  	v2 =	vadd.f32 v3, v2;
	_ =	sdelay $0x1  }
0x119: {  	v2 =	vmul.f32 $5.000000000e-01, v2;
	_ =	sdelay $0x1  }
0x11a: {  	(erf) = vrcp.f32 v2;
	_ =	sdelay $0x8  }
0x11b: {  	v3 =	vpop (erf)  }
0x11c: {  	v3 =	vmul.f32 v3, v1;
	_ =	sdelay $0x1  }
0x11d: {  	v2 =	vadd.f32 v3, v2;
	_ =	sdelay $0x1  }
0x11e: {  	v2 =	vmul.f32 $5.000000000e-01, v2;
	_ =	sdelay $0x1  }
0x11f: {  	(erf) = vrcp.f32 v2;
	_ =	sdelay $0x8  }
0x120: {  	v3 =	vpop (erf)  }
0x121: {  	v1 =	vmul.f32 v3, v1;
	_ =	sdelay $0x1  }
0x122: {  	v1 =	vadd.f32 v1, v2;
	_ =	sdelay $0x1  }
0x123: {  	v1 =	vmul.f32 $5.000000000e-01, v1;
	_ =	sdelay $0x1  }
0x124: {  	[tilespmem:s6+$0xD810] =	vst v1  }
0x125: {  	v1 =	vld [tilespmem:s3+$0xFFFFFFE0];
	_ =	sdelay $0x4  }
0x126: {  	v1 =	vmax.f32 v1, $0.0e+00  }
0x127: {  	v2 =	vshrl.u32 v1, $0x1  }
0x128: {  	v2 =	vadd.s32 $0x1FBD1DF5, v2  }
0x129: {  	(erf) = vrcp.f32 v2;
	_ =	sdelay $0x8  }
0x12a: {  	v3 =	vpop (erf)  }
0x12b: {  	v3 =	vmul.f32 v3, v1;
	_ =	sdelay $0x1  }
0x12c: {  	v2 =	vadd.f32 v2, v3;
	_ =	sdelay $0x1  }
0x12d: {  	v2 =	vmul.f32 $5.000000000e-01, v2;
	_ =	sdelay $0x1  }
0x12e: {  	(erf) = vrcp.f32 v2;
	_ =	sdelay $0x8  }
0x12f: {  	v3 =	vpop (erf)  }
0x130: {  	v3 =	vmul.f32 v3, v1;
	_ =	sdelay $0x1  }
0x131: {  	v2 =	vadd.f32 v3, v2;
	_ =	sdelay $0x1  }
0x132: {  	v2 =	vmul.f32 $5.000000000e-01, v2;
	_ =	sdelay $0x1  }
0x133: {  	(erf) = vrcp.f32 v2;
	_ =	sdelay $0x8  }
0x134: {  	v3 =	vpop (erf)  }
0x135: {  	v3 =	vmul.f32 v3, v1;
	_ =	sdelay $0x1  }
0x136: {  	v2 =	vadd.f32 v3, v2;
	_ =	sdelay $0x1  }
0x137: {  	v2 =	vmul.f32 $5.000000000e-01, v2;
	_ =	sdelay $0x1  }
0x138: {  	(erf) = vrcp.f32 v2;
	_ =	sdelay $0x8  }
0x139: {  	v3 =	vpop (erf)  }
0x13a: {  	v1 =	vmul.f32 v3, v1;
	_ =	sdelay $0x1  }
0x13b: {  	v1 =	vadd.f32 v1, v2;
	_ =	sdelay $0x1  }
0x13c: {  	v1 =	vmul.f32 $5.000000000e-01, v1;
	_ =	sdelay $0x1  }
0x13d: {  	[tilespmem:s6+$0xE010] =	vst v1  }
0x13e: {  	v1 =	vld [tilespmem:s3+$0xFFFFFF70];
	_ =	sdelay $0x4  }
0x13f: {  	v1 =	vmax.f32 v1, $0.0e+00  }
0x140: {  	v2 =	vshrl.u32 v1, $0x1  }
0x141: {  	v2 =	vadd.s32 $0x1FBD1DF5, v2  }
0x142: {  	(erf) = vrcp.f32 v2;
	_ =	sdelay $0x8  }
0x143: {  	v3 =	vpop (erf)  }
0x144: {  	v3 =	vmul.f32 v3, v1;
	_ =	sdelay $0x1  }
0x145: {  	v2 =	vadd.f32 v2, v3;
	_ =	sdelay $0x1  }
0x146: {  	v2 =	vmul.f32 $5.000000000e-01, v2;
	_ =	sdelay $0x1  }
0x147: {  	(erf) = vrcp.f32 v2;
	_ =	sdelay $0x8  }
0x148: {  	v3 =	vpop (erf)  }
0x149: {  	v3 =	vmul.f32 v3, v1;
	_ =	sdelay $0x1  }
0x14a: {  	v2 =	vadd.f32 v3, v2;
	_ =	sdelay $0x1  }
0x14b: {  	v2 =	vmul.f32 $5.000000000e-01, v2;
	_ =	sdelay $0x1  }
0x14c: {  	(erf) = vrcp.f32 v2;
	_ =	sdelay $0x8  }
0x14d: {  	v3 =	vpop (erf)  }
0x14e: {  	v3 =	vmul.f32 v3, v1;
	_ =	sdelay $0x1  }
0x14f: {  	v2 =	vadd.f32 v3, v2;
	_ =	sdelay $0x1  }
0x150: {  	v2 =	vmul.f32 $5.000000000e-01, v2;
	_ =	sdelay $0x1  }
0x151: {  	(erf) = vrcp.f32 v2;
	_ =	sdelay $0x8  }
0x152: {  	v3 =	vpop (erf)  }
0x153: {  	v1 =	vmul.f32 v3, v1;
	_ =	sdelay $0x1  }
0x154: {  	v1 =	vadd.f32 v1, v2;
	_ =	sdelay $0x1  }
0x155: {  	v1 =	vmul.f32 $5.000000000e-01, v1;
	_ =	sdelay $0x1  }
0x156: {  	[tilespmem:s6+$0xD820] =	vst v1  }
0x157: {  	v1 =	vld [tilespmem:s3+$0xFFFFFFF0];
	_ =	sdelay $0x4  }
0x158: {  	v1 =	vmax.f32 v1, $0.0e+00  }
0x159: {  	v2 =	vshrl.u32 v1, $0x1  }
0x15a: {  	v2 =	vadd.s32 $0x1FBD1DF5, v2  }
0x15b: {  	(erf) = vrcp.f32 v2;
	_ =	sdelay $0x8  }
0x15c: {  	v3 =	vpop (erf)  }
0x15d: {  	v3 =	vmul.f32 v3, v1;
	_ =	sdelay $0x1  }
0x15e: {  	v2 =	vadd.f32 v2, v3;
	_ =	sdelay $0x1  }
0x15f: {  	v2 =	vmul.f32 $5.000000000e-01, v2;
	_ =	sdelay $0x1  }
0x160: {  	(erf) = vrcp.f32 v2;
	_ =	sdelay $0x8  }
0x161: {  	v3 =	vpop (erf)  }
0x162: {  	v3 =	vmul.f32 v3, v1;
	_ =	sdelay $0x1  }
0x163: {  	v2 =	vadd.f32 v3, v2;
	_ =	sdelay $0x1  }
0x164: {  	v2 =	vmul.f32 $5.000000000e-01, v2;
	_ =	sdelay $0x1  }
0x165: {  	(erf) = vrcp.f32 v2;
	_ =	sdelay $0x8  }
0x166: {  	v3 =	vpop (erf)  }
0x167: {  	v3 =	vmul.f32 v3, v1;
	_ =	sdelay $0x1  }
0x168: {  	v2 =	vadd.f32 v3, v2;
	_ =	sdelay $0x1  }
0x169: {  	v2 =	vmul.f32 $5.000000000e-01, v2;
	_ =	sdelay $0x1  }
0x16a: {  	(erf) = vrcp.f32 v2;
	_ =	sdelay $0x8  }
0x16b: {  	v3 =	vpop (erf)  }
0x16c: {  	v1 =	vmul.f32 v3, v1;
	_ =	sdelay $0x1  }
0x16d: {  	v1 =	vadd.f32 v1, v2;
	_ =	sdelay $0x1  }
0x16e: {  	v1 =	vmul.f32 $5.000000000e-01, v1;
	_ =	sdelay $0x1  }
0x16f: {  	[tilespmem:s6+$0xE020] =	vst v1  }
0x170: {  	v1 =	vld [tilespmem:s3+$0xFFFFFF80];
	_ =	sdelay $0x4  }
0x171: {  	v1 =	vmax.f32 v1, $0.0e+00  }
0x172: {  	v2 =	vshrl.u32 v1, $0x1  }
0x173: {  	v2 =	vadd.s32 $0x1FBD1DF5, v2  }
0x174: {  	(erf) = vrcp.f32 v2;
	_ =	sdelay $0x8  }
0x175: {  	v3 =	vpop (erf)  }
0x176: {  	v3 =	vmul.f32 v3, v1;
	_ =	sdelay $0x1  }
0x177: {  	v2 =	vadd.f32 v2, v3;
	_ =	sdelay $0x1  }
0x178: {  	v2 =	vmul.f32 $5.000000000e-01, v2;
	_ =	sdelay $0x1  }
0x179: {  	(erf) = vrcp.f32 v2;
	_ =	sdelay $0x8  }
0x17a: {  	v3 =	vpop (erf)  }
0x17b: {  	v3 =	vmul.f32 v3, v1;
	_ =	sdelay $0x1  }
0x17c: {  	v2 =	vadd.f32 v3, v2;
	_ =	sdelay $0x1  }
0x17d: {  	v2 =	vmul.f32 $5.000000000e-01, v2;
	_ =	sdelay $0x1  }
0x17e: {  	(erf) = vrcp.f32 v2;
	_ =	sdelay $0x8  }
0x17f: {  	v3 =	vpop (erf)  }
0x180: {  	v3 =	vmul.f32 v3, v1;
	_ =	sdelay $0x1  }
0x181: {  	v2 =	vadd.f32 v3, v2;
	_ =	sdelay $0x1  }
0x182: {  	v2 =	vmul.f32 $5.000000000e-01, v2;
	_ =	sdelay $0x1  }
0x183: {  	(erf) = vrcp.f32 v2;
	_ =	sdelay $0x8  }
0x184: {  	v3 =	vpop (erf)  }
0x185: {  	v1 =	vmul.f32 v3, v1;
	_ =	sdelay $0x1  }
0x186: {  	v1 =	vadd.f32 v1, v2;
	_ =	sdelay $0x1  }
0x187: {  	v1 =	vmul.f32 $5.000000000e-01, v1;
	_ =	sdelay $0x1  }
0x188: {  	[tilespmem:s6+$0xD830] =	vst v1  }
0x189: {  	v1 =	vld [tilespmem:s3+$0x0];
	_ =	sdelay $0x4  }
0x18a: {  	v1 =	vmax.f32 v1, $0.0e+00  }
0x18b: {  	v2 =	vshrl.u32 v1, $0x1  }
0x18c: {  	v2 =	vadd.s32 $0x1FBD1DF5, v2  }
0x18d: {  	(erf) = vrcp.f32 v2;
	_ =	sdelay $0x8  }
0x18e: {  	v3 =	vpop (erf)  }
0x18f: {  	v3 =	vmul.f32 v3, v1;
	_ =	sdelay $0x1  }
0x190: {  	v2 =	vadd.f32 v2, v3;
	_ =	sdelay $0x1  }
0x191: {  	v2 =	vmul.f32 $5.000000000e-01, v2;
	_ =	sdelay $0x1  }
0x192: {  	(erf) = vrcp.f32 v2;
	_ =	sdelay $0x8  }
0x193: {  	v3 =	vpop (erf)  }
0x194: {  	v3 =	vmul.f32 v3, v1;
	_ =	sdelay $0x1  }
0x195: {  	v2 =	vadd.f32 v3, v2;
	_ =	sdelay $0x1  }
0x196: {  	v2 =	vmul.f32 $5.000000000e-01, v2;
	_ =	sdelay $0x1  }
0x197: {  	(erf) = vrcp.f32 v2;
	_ =	sdelay $0x8  }
0x198: {  	v3 =	vpop (erf)  }
0x199: {  	v3 =	vmul.f32 v3, v1;
	_ =	sdelay $0x1  }
0x19a: {  	v2 =	vadd.f32 v3, v2;
	_ =	sdelay $0x1  }
0x19b: {  	v2 =	vmul.f32 $5.000000000e-01, v2;
	_ =	sdelay $0x1  }
0x19c: {  	(erf) = vrcp.f32 v2;
	_ =	sdelay $0x8  }
0x19d: {  	v3 =	vpop (erf)  }
0x19e: {  	v1 =	vmul.f32 v3, v1;
	_ =	sdelay $0x1  }
0x19f: {  	v1 =	vadd.f32 v1, v2  }
.Ltmp2:
0x1a0: {  	(pc) =	sbr.rel @p0 .LBB2_4-.Ltmp2, $3  }
0x1a1: {  	v1 =	vmul.f32 $5.000000000e-01, v1;
	_ =	sdelay $0x1  }
0x1a2: {  	s3 =	sadd.s32 $0x980, s3;
	[tilespmem:s6+$0xE030] =	vst v1  }
0x1a3: {  	s5 =	sadd.s32 $0x200, s5;
	v1 =	vld [tilespmem:s3+$0xFFFFFF50]  }
0x1a4: {  	_ =	sdelay $0x3  }
0x1a5: {  	v1 =	vmax.f32 v1, $0.0e+00  }
0x1a6: {  	v2 =	vshrl.u32 v1, $0x1  }
0x1a7: {  	v2 =	vadd.s32 $0x1FBD1DF5, v2  }
0x1a8: {  	(erf) = vrcp.f32 v2;
	_ =	sdelay $0x8  }
0x1a9: {  	v3 =	vpop (erf)  }
0x1aa: {  	v3 =	vmul.f32 v3, v1;
	_ =	sdelay $0x1  }
0x1ab: {  	v2 =	vadd.f32 v2, v3;
	_ =	sdelay $0x1  }
0x1ac: {  	v2 =	vmul.f32 $5.000000000e-01, v2;
	_ =	sdelay $0x1  }
0x1ad: {  	(erf) = vrcp.f32 v2;
	_ =	sdelay $0x8  }
0x1ae: {  	v3 =	vpop (erf)  }
0x1af: {  	v3 =	vmul.f32 v3, v1;
	_ =	sdelay $0x1  }
0x1b0: {  	v2 =	vadd.f32 v3, v2;
	_ =	sdelay $0x1  }
0x1b1: {  	v2 =	vmul.f32 $5.000000000e-01, v2;
	_ =	sdelay $0x1  }
0x1b2: {  	(erf) = vrcp.f32 v2;
	_ =	sdelay $0x8  }
0x1b3: {  	v3 =	vpop (erf)  }
0x1b4: {  	v3 =	vmul.f32 v3, v1;
	_ =	sdelay $0x1  }
0x1b5: {  	v2 =	vadd.f32 v3, v2;
	_ =	sdelay $0x1  }
0x1b6: {  	v2 =	vmul.f32 $5.000000000e-01, v2;
	_ =	sdelay $0x1  }
0x1b7: {  	(erf) = vrcp.f32 v2;
	_ =	sdelay $0x8  }
0x1b8: {  	v3 =	vpop (erf)  }
0x1b9: {  	v1 =	vmul.f32 v3, v1;
	_ =	sdelay $0x1  }
0x1ba: {  	v1 =	vadd.f32 v1, v2;
	_ =	sdelay $0x1  }
0x1bb: {  	v1 =	vmul.f32 $5.000000000e-01, v1  }
0x1bc: {  	s4 =	sshra.s32 s4, $0x2  }
0x1bd: {  	[tilespmem:s4+$0xD800] =	vst v1  }
0x1be: {  	v1 =	vld [tilespmem:s3+$0xFFFFFFD0];
	_ =	sdelay $0x4  }
0x1bf: {  	v1 =	vmax.f32 v1, $0.0e+00  }
0x1c0: {  	v2 =	vshrl.u32 v1, $0x1  }
0x1c1: {  	v2 =	vadd.s32 $0x1FBD1DF5, v2  }
0x1c2: {  	(erf) = vrcp.f32 v2;
	_ =	sdelay $0x8  }
0x1c3: {  	v3 =	vpop (erf)  }
0x1c4: {  	v3 =	vmul.f32 v3, v1;
	_ =	sdelay $0x1  }
0x1c5: {  	v2 =	vadd.f32 v2, v3;
	_ =	sdelay $0x1  }
0x1c6: {  	v2 =	vmul.f32 $5.000000000e-01, v2;
	_ =	sdelay $0x1  }
0x1c7: {  	(erf) = vrcp.f32 v2;
	_ =	sdelay $0x8  }
0x1c8: {  	v3 =	vpop (erf)  }
0x1c9: {  	v3 =	vmul.f32 v3, v1;
	_ =	sdelay $0x1  }
0x1ca: {  	v2 =	vadd.f32 v3, v2;
	_ =	sdelay $0x1  }
0x1cb: {  	v2 =	vmul.f32 $5.000000000e-01, v2;
	_ =	sdelay $0x1  }
0x1cc: {  	(erf) = vrcp.f32 v2;
	_ =	sdelay $0x8  }
0x1cd: {  	v3 =	vpop (erf)  }
0x1ce: {  	v3 =	vmul.f32 v3, v1;
	_ =	sdelay $0x1  }
0x1cf: {  	v2 =	vadd.f32 v3, v2;
	_ =	sdelay $0x1  }
0x1d0: {  	v2 =	vmul.f32 $5.000000000e-01, v2;
	_ =	sdelay $0x1  }
0x1d1: {  	(erf) = vrcp.f32 v2;
	_ =	sdelay $0x8  }
0x1d2: {  	v3 =	vpop (erf)  }
0x1d3: {  	v1 =	vmul.f32 v3, v1;
	_ =	sdelay $0x1  }
0x1d4: {  	v1 =	vadd.f32 v1, v2;
	_ =	sdelay $0x1  }
0x1d5: {  	v1 =	vmul.f32 $5.000000000e-01, v1;
	_ =	sdelay $0x1  }
0x1d6: {  	[tilespmem:s4+$0xE000] =	vst v1  }
0x1d7: {  	v1 =	vld [tilespmem:s3+$0xFFFFFF60];
	_ =	sdelay $0x4  }
0x1d8: {  	v1 =	vmax.f32 v1, $0.0e+00  }
0x1d9: {  	v2 =	vshrl.u32 v1, $0x1  }
0x1da: {  	v2 =	vadd.s32 $0x1FBD1DF5, v2  }
0x1db: {  	(erf) = vrcp.f32 v2;
	_ =	sdelay $0x8  }
0x1dc: {  	v3 =	vpop (erf)  }
0x1dd: {  	v3 =	vmul.f32 v3, v1;
	_ =	sdelay $0x1  }
0x1de: {  	v2 =	vadd.f32 v2, v3;
	_ =	sdelay $0x1  }
0x1df: {  	v2 =	vmul.f32 $5.000000000e-01, v2;
	_ =	sdelay $0x1  }
0x1e0: {  	(erf) = vrcp.f32 v2;
	_ =	sdelay $0x8  }
0x1e1: {  	v3 =	vpop (erf)  }
0x1e2: {  	v3 =	vmul.f32 v3, v1;
	_ =	sdelay $0x1  }
0x1e3: {  	v2 =	vadd.f32 v3, v2;
	_ =	sdelay $0x1  }
0x1e4: {  	v2 =	vmul.f32 $5.000000000e-01, v2;
	_ =	sdelay $0x1  }
0x1e5: {  	(erf) = vrcp.f32 v2;
	_ =	sdelay $0x8  }
0x1e6: {  	v3 =	vpop (erf)  }
0x1e7: {  	v3 =	vmul.f32 v3, v1;
	_ =	sdelay $0x1  }
0x1e8: {  	v2 =	vadd.f32 v3, v2;
	_ =	sdelay $0x1  }
0x1e9: {  	v2 =	vmul.f32 $5.000000000e-01, v2;
	_ =	sdelay $0x1  }
0x1ea: {  	(erf) = vrcp.f32 v2;
	_ =	sdelay $0x8  }
0x1eb: {  	v3 =	vpop (erf)  }
0x1ec: {  	v1 =	vmul.f32 v3, v1;
	_ =	sdelay $0x1  }
0x1ed: {  	v1 =	vadd.f32 v1, v2;
	_ =	sdelay $0x1  }
0x1ee: {  	v1 =	vmul.f32 $5.000000000e-01, v1;
	_ =	sdelay $0x1  }
0x1ef: {  	[tilespmem:s4+$0xD810] =	vst v1  }
0x1f0: {  	v1 =	vld [tilespmem:s3+$0xFFFFFFE0];
	_ =	sdelay $0x4  }
0x1f1: {  	v1 =	vmax.f32 v1, $0.0e+00  }
0x1f2: {  	v2 =	vshrl.u32 v1, $0x1  }
0x1f3: {  	v2 =	vadd.s32 $0x1FBD1DF5, v2  }
0x1f4: {  	(erf) = vrcp.f32 v2;
	_ =	sdelay $0x8  }
0x1f5: {  	v3 =	vpop (erf)  }
0x1f6: {  	v3 =	vmul.f32 v3, v1;
	_ =	sdelay $0x1  }
0x1f7: {  	v2 =	vadd.f32 v2, v3;
	_ =	sdelay $0x1  }
0x1f8: {  	v2 =	vmul.f32 $5.000000000e-01, v2;
	_ =	sdelay $0x1  }
0x1f9: {  	(erf) = vrcp.f32 v2;
	_ =	sdelay $0x8  }
0x1fa: {  	v3 =	vpop (erf)  }
0x1fb: {  	v3 =	vmul.f32 v3, v1;
	_ =	sdelay $0x1  }
0x1fc: {  	v2 =	vadd.f32 v3, v2;
	_ =	sdelay $0x1  }
0x1fd: {  	v2 =	vmul.f32 $5.000000000e-01, v2;
	_ =	sdelay $0x1  }
0x1fe: {  	(erf) = vrcp.f32 v2;
	_ =	sdelay $0x8  }
0x1ff: {  	v3 =	vpop (erf)  }
0x200: {  	v3 =	vmul.f32 v3, v1;
	_ =	sdelay $0x1  }
0x201: {  	v2 =	vadd.f32 v3, v2;
	_ =	sdelay $0x1  }
0x202: {  	v2 =	vmul.f32 $5.000000000e-01, v2;
	_ =	sdelay $0x1  }
0x203: {  	(erf) = vrcp.f32 v2;
	_ =	sdelay $0x8  }
0x204: {  	v3 =	vpop (erf)  }
0x205: {  	v1 =	vmul.f32 v3, v1;
	_ =	sdelay $0x1  }
0x206: {  	v1 =	vadd.f32 v1, v2;
	_ =	sdelay $0x1  }
0x207: {  	v1 =	vmul.f32 $5.000000000e-01, v1;
	_ =	sdelay $0x1  }
0x208: {  	[tilespmem:s4+$0xE010] =	vst v1  }
0x209: {  	v1 =	vld [tilespmem:s3+$0xFFFFFF70];
	_ =	sdelay $0x4  }
0x20a: {  	v1 =	vmax.f32 v1, $0.0e+00  }
0x20b: {  	v2 =	vshrl.u32 v1, $0x1  }
0x20c: {  	v2 =	vadd.s32 $0x1FBD1DF5, v2  }
0x20d: {  	(erf) = vrcp.f32 v2;
	_ =	sdelay $0x8  }
0x20e: {  	v3 =	vpop (erf)  }
0x20f: {  	v3 =	vmul.f32 v3, v1;
	_ =	sdelay $0x1  }
0x210: {  	v2 =	vadd.f32 v2, v3;
	_ =	sdelay $0x1  }
0x211: {  	v2 =	vmul.f32 $5.000000000e-01, v2;
	_ =	sdelay $0x1  }
0x212: {  	(erf) = vrcp.f32 v2;
	_ =	sdelay $0x8  }
0x213: {  	v3 =	vpop (erf)  }
0x214: {  	v3 =	vmul.f32 v3, v1;
	_ =	sdelay $0x1  }
0x215: {  	v2 =	vadd.f32 v3, v2;
	_ =	sdelay $0x1  }
0x216: {  	v2 =	vmul.f32 $5.000000000e-01, v2;
	_ =	sdelay $0x1  }
0x217: {  	(erf) = vrcp.f32 v2;
	_ =	sdelay $0x8  }
0x218: {  	v3 =	vpop (erf)  }
0x219: {  	v3 =	vmul.f32 v3, v1;
	_ =	sdelay $0x1  }
0x21a: {  	v2 =	vadd.f32 v3, v2;
	_ =	sdelay $0x1  }
0x21b: {  	v2 =	vmul.f32 $5.000000000e-01, v2;
	_ =	sdelay $0x1  }
0x21c: {  	(erf) = vrcp.f32 v2;
	_ =	sdelay $0x8  }
0x21d: {  	v3 =	vpop (erf)  }
0x21e: {  	v1 =	vmul.f32 v3, v1;
	_ =	sdelay $0x1  }
0x21f: {  	v1 =	vadd.f32 v1, v2;
	_ =	sdelay $0x1  }
0x220: {  	v1 =	vmul.f32 $5.000000000e-01, v1;
	_ =	sdelay $0x1  }
0x221: {  	[tilespmem:s4+$0xD820] =	vst v1  }
0x222: {  	v1 =	vld [tilespmem:s3+$0xFFFFFFF0];
	_ =	sdelay $0x4  }
0x223: {  	v1 =	vmax.f32 v1, $0.0e+00  }
0x224: {  	v2 =	vshrl.u32 v1, $0x1  }
0x225: {  	v2 =	vadd.s32 $0x1FBD1DF5, v2  }
0x226: {  	(erf) = vrcp.f32 v2;
	_ =	sdelay $0x8  }
0x227: {  	v3 =	vpop (erf)  }
0x228: {  	v3 =	vmul.f32 v3, v1;
	_ =	sdelay $0x1  }
0x229: {  	v2 =	vadd.f32 v2, v3;
	_ =	sdelay $0x1  }
0x22a: {  	v2 =	vmul.f32 $5.000000000e-01, v2;
	_ =	sdelay $0x1  }
0x22b: {  	(erf) = vrcp.f32 v2;
	_ =	sdelay $0x8  }
0x22c: {  	v3 =	vpop (erf)  }
0x22d: {  	v3 =	vmul.f32 v3, v1;
	_ =	sdelay $0x1  }
0x22e: {  	v2 =	vadd.f32 v3, v2;
	_ =	sdelay $0x1  }
0x22f: {  	v2 =	vmul.f32 $5.000000000e-01, v2;
	_ =	sdelay $0x1  }
0x230: {  	(erf) = vrcp.f32 v2;
	_ =	sdelay $0x8  }
0x231: {  	v3 =	vpop (erf)  }
0x232: {  	v3 =	vmul.f32 v3, v1;
	_ =	sdelay $0x1  }
0x233: {  	v2 =	vadd.f32 v3, v2;
	_ =	sdelay $0x1  }
0x234: {  	v2 =	vmul.f32 $5.000000000e-01, v2;
	_ =	sdelay $0x1  }
0x235: {  	(erf) = vrcp.f32 v2;
	_ =	sdelay $0x8  }
0x236: {  	v3 =	vpop (erf)  }
0x237: {  	v1 =	vmul.f32 v3, v1;
	_ =	sdelay $0x1  }
0x238: {  	v1 =	vadd.f32 v1, v2;
	_ =	sdelay $0x1  }
0x239: {  	v1 =	vmul.f32 $5.000000000e-01, v1;
	_ =	sdelay $0x1  }
0x23a: {  	[tilespmem:s4+$0xE020] =	vst v1  }
0x23b: {  	v1 =	vld [tilespmem:s3+$0xFFFFFF80];
	_ =	sdelay $0x4  }
0x23c: {  	v1 =	vmax.f32 v1, $0.0e+00  }
0x23d: {  	v2 =	vshrl.u32 v1, $0x1  }
0x23e: {  	v2 =	vadd.s32 $0x1FBD1DF5, v2  }
0x23f: {  	(erf) = vrcp.f32 v2;
	_ =	sdelay $0x8  }
0x240: {  	v3 =	vpop (erf)  }
0x241: {  	v3 =	vmul.f32 v3, v1;
	_ =	sdelay $0x1  }
0x242: {  	v2 =	vadd.f32 v2, v3;
	_ =	sdelay $0x1  }
0x243: {  	v2 =	vmul.f32 $5.000000000e-01, v2;
	_ =	sdelay $0x1  }
0x244: {  	(erf) = vrcp.f32 v2;
	_ =	sdelay $0x8  }
0x245: {  	v3 =	vpop (erf)  }
0x246: {  	v3 =	vmul.f32 v3, v1;
	_ =	sdelay $0x1  }
0x247: {  	v2 =	vadd.f32 v3, v2;
	_ =	sdelay $0x1  }
0x248: {  	v2 =	vmul.f32 $5.000000000e-01, v2;
	_ =	sdelay $0x1  }
0x249: {  	(erf) = vrcp.f32 v2;
	_ =	sdelay $0x8  }
0x24a: {  	v3 =	vpop (erf)  }
0x24b: {  	v3 =	vmul.f32 v3, v1;
	_ =	sdelay $0x1  }
0x24c: {  	v2 =	vadd.f32 v3, v2;
	_ =	sdelay $0x1  }
0x24d: {  	v2 =	vmul.f32 $5.000000000e-01, v2;
	_ =	sdelay $0x1  }
0x24e: {  	(erf) = vrcp.f32 v2;
	_ =	sdelay $0x8  }
0x24f: {  	v3 =	vpop (erf)  }
0x250: {  	v1 =	vmul.f32 v3, v1;
	_ =	sdelay $0x1  }
0x251: {  	v1 =	vadd.f32 v1, v2;
	_ =	sdelay $0x1  }
0x252: {  	v1 =	vmul.f32 $5.000000000e-01, v1;
	_ =	sdelay $0x1  }
0x253: {  	[tilespmem:s4+$0xD830] =	vst v1  }
0x254: {  	v1 =	vld [tilespmem:s3+$0x0];
	_ =	sdelay $0x4  }
0x255: {  	v1 =	vmax.f32 v1, $0.0e+00  }
0x256: {  	v2 =	vshrl.u32 v1, $0x1  }
0x257: {  	v2 =	vadd.s32 $0x1FBD1DF5, v2  }
0x258: {  	(erf) = vrcp.f32 v2;
	_ =	sdelay $0x8  }
0x259: {  	v3 =	vpop (erf)  }
0x25a: {  	v3 =	vmul.f32 v3, v1;
	_ =	sdelay $0x1  }
0x25b: {  	v2 =	vadd.f32 v2, v3;
	_ =	sdelay $0x1  }
0x25c: {  	v2 =	vmul.f32 $5.000000000e-01, v2;
	_ =	sdelay $0x1  }
0x25d: {  	(erf) = vrcp.f32 v2;
	_ =	sdelay $0x8  }
0x25e: {  	v3 =	vpop (erf)  }
0x25f: {  	v3 =	vmul.f32 v3, v1;
	_ =	sdelay $0x1  }
0x260: {  	v2 =	vadd.f32 v3, v2;
	_ =	sdelay $0x1  }
0x261: {  	v2 =	vmul.f32 $5.000000000e-01, v2;
	_ =	sdelay $0x1  }
0x262: {  	(erf) = vrcp.f32 v2;
	_ =	sdelay $0x8  }
0x263: {  	v3 =	vpop (erf)  }
0x264: {  	v3 =	vmul.f32 v3, v1;
	_ =	sdelay $0x1  }
0x265: {  	v2 =	vadd.f32 v3, v2;
	_ =	sdelay $0x1  }
0x266: {  	v2 =	vmul.f32 $5.000000000e-01, v2;
	_ =	sdelay $0x1  }
0x267: {  	(erf) = vrcp.f32 v2;
	_ =	sdelay $0x8  }
0x268: {  	v3 =	vpop (erf)  }
0x269: {  	v1 =	vmul.f32 v3, v1;
	_ =	sdelay $0x1  }
0x26a: {  	v1 =	vadd.f32 v1, v2;
	_ =	sdelay $0x1  }
0x26b: {  	v1 =	vmul.f32 $5.000000000e-01, v1;
	_ =	sdelay $0x1  }
0x26c: {  	[tilespmem:s4+$0xE030] =	vst v1;
	s4 =	simm.s32 $0x0  }
0x26d: {  	v1 =	vld [tilespmem:s4+$0x180]  }
0x26e: {  	v2 =	vld [tilespmem:s4+$0x200]  }
0x26f: {  	v3 =	vld [tilespmem:s4+$0x80];
	_ =	sdelay $0x1  }
0x270: {  	v4 =	vld [tilespmem:s4+$0x100]  }
0x271: {  	v1 =	vmul.f32 v1, v0;
	_ =	sdelay $0x1  }
0x272: {  	v2 =	vmul.f32 v2, v0;
	v5 =	vsub.f32 v3, v1  }
0x273: {  	s3 =	simm.s32 $0xE900;
	v1 =	vadd.f32 v1, v3  }
0x274: {  	v3 =	vsub.f32 v4, v2;
	[tilespmem:s3+$0xFFFFFF00] =	vst v5  }
0x275: {  	v2 =	vadd.f32 v2, v4;
	[tilespmem:s3+$0x0] =	vst v1  }
0x276: {  	[tilespmem:s3+$0xFFFFFF80] =	vst v3  }
0x277: {  	[tilespmem:s3+$0x80] =	vst v2  }
0x278: {  	v1 =	vld [tilespmem:s4+$0x190]  }
0x279: {  	v2 =	vld [tilespmem:s4+$0x210]  }
0x27a: {  	v3 =	vld [tilespmem:s4+$0x90]  }
0x27b: {  	v59 =	vld [tilespmem:s4+$0x110];
	_ =	sdelay $0x1  }
0x27c: {  	v1 =	vmul.f32 v1, v0  }
0x27d: {  	v2 =	vmul.f32 v2, v0  }
0x27e: {  	v60 =	vsub.f32 v3, v1  }
0x27f: {  	v6 =	vsub.f32 v59, v2  }
0x280: {  	v1 =	vadd.f32 v1, v3;
	[tilespmem:s3+$0xFFFFFF10] =	vst v60  }
0x281: {  	v2 =	vadd.f32 v2, v59;
	[tilespmem:s3+$0xFFFFFF90] =	vst v6  }
0x282: {  	[tilespmem:s3+$0x10] =	vst v1  }
0x283: {  	[tilespmem:s3+$0x90] =	vst v2  }
0x284: {  	v1 =	vld [tilespmem:s4+$0x1A0]  }
0x285: {  	v2 =	vld [tilespmem:s4+$0x220]  }
0x286: {  	v3 =	vld [tilespmem:s4+$0xA0]  }
0x287: {  	v61 =	vld [tilespmem:s4+$0x120];
	_ =	sdelay $0x1  }
0x288: {  	v1 =	vmul.f32 v1, v0  }
0x289: {  	v2 =	vmul.f32 v2, v0  }
0x28a: {  	v62 =	vsub.f32 v3, v1  }
0x28b: {  	v63 =	vsub.f32 v61, v2  }
0x28c: {  	v1 =	vadd.f32 v1, v3;
	[tilespmem:s3+$0xFFFFFF20] =	vst v62  }
0x28d: {  	v2 =	vadd.f32 v2, v61;
	[tilespmem:s3+$0xFFFFFFA0] =	vst v63  }
0x28e: {  	[tilespmem:s3+$0x20] =	vst v1  }
0x28f: {  	s5 =	simm.s32 $0x2600;
	s7 =	simm.s32 $0xE900;
	[tilespmem:s3+$0xA0] =	vst v2  }
.LBB2_6:
0x290: {  	p0 =	sne.s32 s5, $0x15600  }
0x291: {  	v1 =	vld [tilespmem:s4+$0x230];
	s3 =	sadd.s32 $0x200, s3;
	s6 =	smov.u32 s5;
	s5 =	sadd.s32 $0x2600, s5  }
0x292: {  	v2 =	vld [tilespmem:s4+$0x1B0]  }
0x293: {  	v3 =	vld [tilespmem:s4+$0x130]  }
0x294: {  	v4 =	vld [tilespmem:s4+$0xB0];
	_ =	sdelay $0x1  }
0x295: {  	v1 =	vmul.f32 v1, v0  }
0x296: {  	v2 =	vmul.f32 v2, v0  }
0x297: {  	v5 =	vsub.f32 v3, v1;
	v1 =	vadd.f32 v1, v3  }
0x298: {  	v3 =	vsub.f32 v4, v2;
	v2 =	vadd.f32 v2, v4  }
0x299: {  	[tilespmem:s7+$0xB0] =	vst v1  }
0x29a: {  	[tilespmem:s7+$0x30] =	vst v2  }
0x29b: {  	[tilespmem:s7+$0xFFFFFFB0] =	vst v5  }
0x29c: {  	s4 =	sshra.s32 s6, $0x2;
	[tilespmem:s7+$0xFFFFFF30] =	vst v3;
	s7 =	smov.u32 s3  }
0x29d: {  	v1 =	vld [tilespmem:s4+$0x180]  }
0x29e: {  	v2 =	vld [tilespmem:s4+$0x200]  }
0x29f: {  	v3 =	vld [tilespmem:s4+$0x80]  }
0x2a0: {  	v4 =	vld [tilespmem:s4+$0x100];
	_ =	sdelay $0x1  }
0x2a1: {  	v1 =	vmul.f32 v1, v0  }
0x2a2: {  	v2 =	vmul.f32 v2, v0  }
0x2a3: {  	v5 =	vsub.f32 v3, v1;
	v1 =	vadd.f32 v1, v3  }
0x2a4: {  	v3 =	vsub.f32 v4, v2;
	v2 =	vadd.f32 v2, v4  }
0x2a5: {  	[tilespmem:s3+$0xFFFFFF00] =	vst v5  }
0x2a6: {  	[tilespmem:s3+$0x0] =	vst v1  }
0x2a7: {  	[tilespmem:s3+$0xFFFFFF80] =	vst v3  }
0x2a8: {  	[tilespmem:s3+$0x80] =	vst v2  }
0x2a9: {  	v1 =	vld [tilespmem:s4+$0x190]  }
0x2aa: {  	v2 =	vld [tilespmem:s4+$0x210]  }
0x2ab: {  	v3 =	vld [tilespmem:s4+$0x90]  }
0x2ac: {  	v4 =	vld [tilespmem:s4+$0x110];
	_ =	sdelay $0x1  }
0x2ad: {  	v1 =	vmul.f32 v1, v0  }
0x2ae: {  	v2 =	vmul.f32 v2, v0  }
0x2af: {  	v5 =	vsub.f32 v3, v1;
	v1 =	vadd.f32 v1, v3  }
0x2b0: {  	v3 =	vsub.f32 v4, v2;
	v2 =	vadd.f32 v2, v4  }
0x2b1: {  	[tilespmem:s3+$0xFFFFFF10] =	vst v5  }
0x2b2: {  	[tilespmem:s3+$0xFFFFFF90] =	vst v3  }
0x2b3: {  	[tilespmem:s3+$0x10] =	vst v1  }
0x2b4: {  	[tilespmem:s3+$0x90] =	vst v2  }
0x2b5: {  	v1 =	vld [tilespmem:s4+$0x1A0]  }
0x2b6: {  	v2 =	vld [tilespmem:s4+$0x220]  }
0x2b7: {  	v3 =	vld [tilespmem:s4+$0xA0]  }
0x2b8: {  	v4 =	vld [tilespmem:s4+$0x120];
	_ =	sdelay $0x1  }
0x2b9: {  	v1 =	vmul.f32 v1, v0  }
0x2ba: {  	v2 =	vmul.f32 v2, v0  }
0x2bb: {  	v5 =	vsub.f32 v3, v1;
	v1 =	vadd.f32 v1, v3  }
.Ltmp3:
0x2bc: {  	v3 =	vsub.f32 v4, v2;
	v2 =	vadd.f32 v2, v4;
	(pc) =	sbr.rel @p0 .LBB2_6-.Ltmp3, $4  }
0x2bd: {  	[tilespmem:s3+$0xFFFFFF20] =	vst v5  }
0x2be: {  	[tilespmem:s3+$0xFFFFFFA0] =	vst v3  }
0x2bf: {  	[tilespmem:s3+$0x20] =	vst v1  }
0x2c0: {  	[tilespmem:s3+$0xA0] =	vst v2  }
0x2c1: {  	v5 =	vimm.s32 $0x6543210;
	v6 =	vimm.s32 $0x80838281  }
0x2c2: {  	vm5 =	vcmask $0x1B00;
	vm1 =	vcmask $0x2B1C;
	vm0 =	vcmask $0x300  }
0x2c3: {  	v1 =	vld [tilespmem:s4+$0x230];
	vm2 =	vcmask $0x704;
	vm12 =	vcmask $0xB08;
	vm3 =	vcmask $0xF0C  }
0x2c4: {  	v2 =	vld [tilespmem:s4+$0x1B0];
	vm4 =	vcmask $0x1310;
	vm6 =	vcmask $0x1714;
	vm7 =	vcmask $0x3B38  }
0x2c5: {  	v3 =	vld [tilespmem:s4+$0x130];
	vm8 =	vcmask $0x1F1C;
	vm9 =	vcmask $0x2320;
	vm10 =	vcmask $0x2724  }
0x2c6: {  	v4 =	vld [tilespmem:s4+$0xB0];
	vm11 =	vcmask $0x2B28;
	v7 =	vimm.s32 $0x2C2C251E;
	v15 =	vimm.s32 $0x1A130C05  }
0x2c7: {  	v16 =	vimm.s32 $0x2E2E2720;
	v17 =	vimm.s32 $0x2F2F2821;
	v5 =	vunpack.c.l.s4.s8 v5  }
0x2c8: {  	v6 =	vunpack.c.0.s8.s32 v6;
	v7 =	vunpack.c.0.s8.s32 v7;
	v1 =	vmul.f32 v1, v0  }
0x2c9: {  	v15 =	vunpack.c.0.s8.s32 v15;
	v5 =	vunpack.c.0.s8.s32 v5;
	v2 =	vmul.f32 v2, v0  }
0x2ca: {  	v16 =	vunpack.c.0.s8.s32 v16;
	v13 =	vsub.f32 v3, v1;
	v9 =	vadd.f32 v1, v3  }
0x2cb: {  	v14 =	vsub.f32 v4, v2;
	v11 =	vadd.f32 v2, v4;
	v1 =	vnsel vm5, $0x101, v5  }
0x2cc: {  	v2 =	vand.u32 $0xFF, v6;
	v3 =	vimm.s32 $0x203;
	v4 =	vimm.s32 $0x84008685  }
0x2cd: {  	v5 =	vimm.s32 $0x17100902;
	v3 =	vsel vm0, $0x102, v3;
	v4 =	vunpack.c.0.s8.s32 v4  }
0x2ce: {  	v6 =	vimm.s32 $0x2B2B241D;
	v1 =	vsel vm1, v2, v1;
	v3 =	vsel vm2, $0x103, v3  }
0x2cf: {  	vm1 =	vcmask $0x372C;
	v2 =	vsel vm12, $0x104, v3;
	v3 =	vand.u32 $0xFF, v4  }
0x2d0: {  	v4 =	vimm.s32 $0x300;
	v2 =	vsel vm3, $0x105, v2;
	v1 =	vsel vm1, v3, v1  }
0x2d1: {  	vm1 =	vcmask $0x1B18;
	v3 =	vimm.s32 $0x305;
	v4 =	vsel vm0, $0x306, v4  }
0x2d2: {  	v2 =	vsel vm4, $0x106, v2;
	v3 =	vsel vm0, $0x204, v3;
	v4 =	vsel vm12, $0x301, v4  }
0x2d3: {  	v2 =	vsel vm6, $0x180, v2;
	v3 =	vsel vm2, $0x205, v3;
	v4 =	vsel vm3, $0x302, v4  }
0x2d4: {  	v2 =	vsel vm1, $0x181, v2;
	v3 =	vsel vm12, $0x206, v3;
	vm12 =	vcmask $0x2F2C  }
0x2d5: {  	v4 =	vsel vm4, $0x303, v4;
	v2 =	vsel vm8, $0x182, v2;
	v3 =	vsel vm3, $0x280, v3  }
0x2d6: {  	v4 =	vsel vm6, $0x304, v4;
	v2 =	vsel vm9, $0x183, v2;
	v3 =	vsel vm4, $0x281, v3  }
0x2d7: {  	v4 =	vsel vm1, $0x305, v4;
	v2 =	vsel vm10, $0x184, v2;
	v3 =	vsel vm6, $0x282, v3  }
0x2d8: {  	vm6 =	vcmask $0x3330;
	v2 =	vsel vm11, $0x185, v2;
	v3 =	vsel vm1, $0x283, v3  }
0x2d9: {  	v4 =	vsel vm8, $0x306, v4;
	v2 =	vsel vm12, $0x186, v2;
	v3 =	vsel vm8, $0x284, v3  }
0x2da: {  	vm1 =	vcmask $0x3734;
	v2 =	vsel vm6, $0x200, v2;
	v3 =	vsel vm9, $0x285, v3  }
0x2db: {  	v4 =	vsel vm10, $0x301, v4;
	v3 =	vsel vm10, $0x286, v3;
	v8 =	vsel vm1, $0x201, v2  }
0x2dc: {  	v2 =	vsel vm11, $0x300, v3;
	v3 =	vsel vm11, $0x302, v4;
	v4 =	vimm.s32 $0x150E0700  }
0x2dd: {  	v2 =	vsel vm12, $0x301, v2;
	v3 =	vsel vm12, $0x303, v3;
	v4 =	vunpack.c.0.s8.s32 v4  }
0x2de: {  	v2 =	vsel vm6, $0x302, v2;
	v3 =	vsel vm6, $0x304, v3;
	vm6 =	vcmask $0xF00  }
0x2df: {  	v10 =	vsel vm1, $0x303, v2;
	v12 =	vsel vm1, $0x305, v3;
	v3 =	vimm.s32 $0x2A2A231C  }
0x2e0: {  	v2 =	vnsel vm6, $0x2A, v4;
	v4 =	vimm.s32 $0x160F0801;
	v3 =	vunpack.c.0.s8.s32 v3  }
0x2e1: {  	v5 =	vunpack.c.0.s8.s32 v5;
	vm1 =	vcmask $0x1F10;
	v4 =	vunpack.c.0.s8.s32 v4  }
0x2e2: {  	v17 =	vunpack.c.0.s8.s32 v17;
	v6 =	vunpack.c.0.s8.s32 v6;
	v2 =	vsel vm1, v3, v2  }
0x2e3: {  	v3 =	vnsel vm6, $0x2B, v4;
	v4 =	vnsel vm6, $0x2C, v5;
	v5 =	vimm.s32 $0x18110A03  }
0x2e4: {  	v3 =	vsel vm1, v6, v3;
	v5 =	vunpack.c.0.s8.s32 v5;
	v6 =	vimm.s32 $0x2D2D261F  }
0x2e5: {  	v4 =	vsel vm1, v7, v4;
	v7 =	vimm.s32 $0x19120B04;
	v6 =	vunpack.c.0.s8.s32 v6  }
0x2e6: {  	[tilespmem:s7+$0xFFFFFFB0] =	vst v13;
	v13 =	vimm.s32 $0x1;
	v7 =	vunpack.c.0.s8.s32 v7;
	v5 =	vnsel vm6, $0x2D, v5  }
0x2e7: {  	v1 =	vsel vm7, $0x100, v1;
	vm8 =	vmxor vm8, vm8;
	v5 =	vsel vm1, v6, v5  }
0x2e8: {  	v6 =	vnsel vm6, $0x2E, v7;
	v7 =	vnsel vm6, $0x2F, v15;
	v15 =	vimm.s32 $0x1B140D06  }
0x2e9: {  	v6 =	vsel vm1, v16, v6;
	v7 =	vsel vm1, v17, v7;
	v17 =	vimm.s32 $0x66543210  }
.Ltmp4:
0x2ea: {  	v15 =	vunpack.c.0.s8.s32 v15;
	v16 =	vimm.s32 $0x30302922;
	v17 =	vunpack.c.l.s4.s8 v17;
	(pc) =	sbr.rel .LBB2_8-.Ltmp4, $4  }
0x2eb: {  	[tilespmem:s7+$0xB0] =	vst v9;
	v8 =	vsel vm7, $0x202, v8;
	v9 =	vsel vm7, $0x304, v10;
	v16 =	vunpack.c.0.s8.s32 v16  }
0x2ec: {  	s3 =	simm.s32 $0x0;
	v10 =	vsel vm7, $0x306, v12;
	v12 =	vnsel vm6, $0x30, v15;
	v15 =	vunpack.c.0.s8.s32 v17  }
0x2ed: {  	s4 =	simm.s32 $0xFC00;
	s5 =	simm.s32 $0x10000;
	s6 =	simm.s32 $0x6000;
	[tilespmem:s7+$0x30] =	vst v11;
	vm7 =	vmmov $0x7f;
	v11 =	vsel vm1, v16, v12;
	vm1 =	vcmask $0x1F00  }
0x2ee: {  	s8 =	simm.s32 $0xC000;
	s9 =	simm.s32 $0x0;
	[tilespmem:s7+$0xFFFFFF30] =	vst v14;
	s7 =	simm.s32 $0xC800;
	v12 =	vimm.f32 $0.0e+00;
	v14 =	vnsel vm1, $0x6, v15;
	v15 =	vlaneseq.u32  }
.LBB2_16:
0x2ef: {  	s9 =	sadd.s32 $0x1, s9  }
0x2f0: {  	p0 =	sne.s32 s9, $0xA  }
.Ltmp5:
0x2f1: {  	_ = 	snop;
	(pc) =	sbr.rel @!p0 .LBB2_17-.Ltmp5, $1  }
0x2f2: {  	_ =	sdelay $0x3  }
.LBB2_8:
0x2f3: {  	s10 =	smul.u32 $0x2600, s9;
	_ =	sdelay $0x1  }
0x2f4: {  	s11 =	sshra.s32 s10, $0x2  }
0x2f5: {  	v37 =	vld [tilespmem:s11+$0x6000]  }
0x2f6: {  	v17 =	vld [tilespmem:s11+$0x6080]  }
0x2f7: {  	v19 =	vld [tilespmem:s11+$0x6100]  }
0x2f8: {  	v16 =	vld [tilespmem:s11+$0x6180]  }
0x2f9: {  	v18 =	vld [tilespmem:s11+$0x6200]  }
0x2fa: {  	v30 =	vld [tilespmem:s11+$0x6010]  }
0x2fb: {  	v27 =	vld [tilespmem:s11+$0x6090]  }
0x2fc: {  	v25 =	vld [tilespmem:s11+$0x6110]  }
0x2fd: {  	v24 =	vld [tilespmem:s11+$0x6190]  }
0x2fe: {  	v26 =	vld [tilespmem:s11+$0x6210]  }
0x2ff: {  	v38 =	vld [tilespmem:s11+$0x6020]  }
0x300: {  	v31 =	vld [tilespmem:s11+$0x60A0]  }
0x301: {  	v33 =	vld [tilespmem:s11+$0x6120]  }
0x302: {  	v28 =	vld [tilespmem:s11+$0x61A0]  }
0x303: {  	s10 =	simm.s32 $0xE900;
	v29 =	vld [tilespmem:s11+$0x6220]  }
0x304: {  	v21 =	vld [tilespmem:s10+$0xFFFFFF00]  }
0x305: {  	v22 =	vld [tilespmem:s10+$0x80]  }
0x306: {  	v20 =	vld [tilespmem:s10+$0x0]  }
0x307: {  	v32 =	vld [tilespmem:s10+$0xFFFFFF80];
	v23 =	vmul.f32 v16, v0  }
0x308: {  	v36 =	vld [tilespmem:s11+$0x6030];
	v34 =	vmul.f32 v18, v0  }
0x309: {  	v35 =	vld [tilespmem:s11+$0x60B0];
	v16 =	vsub.f32 v17, v23;
	v17 =	vadd.f32 v23, v17  }
0x30a: {  	v39 =	vld [tilespmem:s11+$0x6130];
	v18 =	vsub.f32 v19, v34;
	v19 =	vadd.f32 v34, v19  }
0x30b: {  	v63 =	vld [tilespmem:s11+$0x61B0];
	v23 =	vmin.f32 v17, v20  }
0x30c: {  	v40 =	vld [tilespmem:s11+$0x6230];
	v41 =	vmax.f32 v16, v21;
	v32 =	vmax.f32 v18, v32;
	v22 =	vmin.f32 v19, v22  }
0x30d: {  	v20 =	vld.idx.msk [tilespmem:v1+s4+$0x0], $0xffff;
	vm1 =	vgt.f32 v23, v41;
	vm9 =	vgt.f32 v22, v32  }
0x30e: {  	v21 =	vld.idx.msk [tilespmem:v8+s4+$0x0], $0xffff;
	vm13 =	vmand vm1, vm9  }
0x30f: {  	s11 =	simm.s32 $0xC820;
	v22 =	vld.idx.msk [tilespmem:v9+s4+$0x0], $0xffff;
	v47 =	vsel vm13, $0x3F800000, v12  }
0x310: {  	v23 =	vld.idx.msk [tilespmem:v10+s4+$0x0], $0xffff;
	[tilespmem:s11+$0xFFFFFFE0] =	vst v47  }
0x311: {  	v32 =	vld [tilespmem:s10+$0x90]  }
0x312: {  	v48 =	vld [tilespmem:s10+$0x10]  }
0x313: {  	v42 =	vld [tilespmem:s10+$0xFFFFFF10]  }
0x314: {  	v26 =	vmul.f32 v26, v0;
	v43 =	vld [tilespmem:s10+$0xFFFFFF90]  }
0x315: {  	v44 =	vmul.f32 v24, v0  }
0x316: {  	v24 =	vsub.f32 v25, v26;
	v25 =	vadd.f32 v26, v25  }
0x317: {  	v26 =	vsub.f32 v27, v44;
	v27 =	vadd.f32 v44, v27  }
0x318: {  	v32 =	vmin.f32 v25, v32  }
0x319: {  	v41 =	vmin.f32 v27, v48;
	v42 =	vmax.f32 v26, v42;
	v43 =	vmax.f32 v24, v43  }
0x31a: {  	vm1 =	vgt.f32 v41, v42;
	vm9 =	vgt.f32 v32, v43  }
0x31b: {  	v56 =	vshll.u32 v13, s3;
	v49 =	vmul.f32 v28, v0;
	vm14 =	vmand vm1, vm9  }
0x31c: {  	v50 =	vmul.f32 v29, v0;
	v52 =	vmul.f32 v63, v0;
	v51 =	vsel vm14, $0x3F800000, v12  }
0x31d: {  	v40 =	vmul.f32 v40, v0;
	vm11 =	vlt.f32 v30, $0.0e+00;
	vm12 =	vgt.f32 v30, $0.0e+00;
	[tilespmem:s11+$0xFFFFFFF0] =	vst v51  }
0x31e: {  	vm10 =	vgt.f32 v38, $0.0e+00;
	v30 =	vimm.s32 $0x0;
	vm11 =	vmor vm12, vm11;
	v53 =	vld [tilespmem:s10+$0xFFFFFF20]  }
0x31f: {  	vm12 =	vgt.f32 v37, $0.0e+00;
	v28 =	vsub.f32 v31, v49;
	v29 =	vsub.f32 v33, v50;
	v42 =	vld [tilespmem:s10+$0xFFFFFFA0]  }
0x320: {  	v33 =	vadd.f32 v50, v33;
	v34 =	vsub.f32 v35, v52;
	v57 =	vand.u32 v20, v56;
	v54 =	vld [tilespmem:s10+$0x20]  }
0x321: {  	v60 =	vand.u32 v21, v56;
	v61 =	vand.u32 v22, v56;
	v32 =	vadd.f32 v49, v31;
	v55 =	vld [tilespmem:s10+$0xA0]  }
0x322: {  	v62 =	vor.u32 v30, v60;
	v31 =	vadd.f32 v52, v35;
	v35 =	vsub.f32 v39, v40  }
0x323: {  	vm1 =	vlt.f32 v36, $0.0e+00;
	vm9 =	vgt.f32 v36, $0.0e+00;
	v36 =	vadd.f32 v40, v39  }
0x324: {  	vm9 =	vmor vm9, vm1;
	vm1 =	vlt.f32 v38, $0.0e+00;
	v38 =	vor.u32 v30, v57  }
0x325: {  	vm10 =	vmor vm10, vm1;
	vm1 =	vlt.f32 v37, $0.0e+00;
	v58 =	vmax.f32 v29, v42  }
0x326: {  	v41 =	vmax.f32 v28, v53;
	v59 =	vmin.f32 v32, v54;
	v39 =	vmin.f32 v33, v55  }
0x327: {  	vm12 =	vmor vm12, vm1;
	vm1 =	vgt.f32 v59, v41;
	vm15 =	vgt.f32 v39, v58  }
0x328: {  	vm0 =	veq.s32 v38, $0x0;
	v37 =	vand.u32 v23, v56;
	vm1 =	vmand vm1, vm15  }
0x329: {  	v37 =	vor.u32 v30, v37;
	v39 =	vor.u32 v30, v61;
	v63 =	vsel vm1, $0x3F800000, v12  }
0x32a: {  	vm0 =	vmand vm12, vm0;
	vm15 =	veq.s32 v62, $0x0;
	vm2 =	veq.s32 v39, $0x0;
	[tilespmem:s11+$0x0] =	vst v63  }
0x32b: {  	vm0 =	vmand vm0, vm13;
	vm15 =	vmand vm11, vm15;
	vm2 =	vmand vm10, vm2;
	v40 =	vld [tilespmem:s10+$0xFFFFFF30]  }
0x32c: {  	vm13 =	veq.s32 v37, $0x0;
	vm14 =	vmand vm15, vm14;
	vm1 =	vmand vm2, vm1;
	v41 =	vld [tilespmem:s10+$0xB0]  }
0x32d: {  	s15 =	simm.s32 $0x1;
	s13 =	simm.s32 $0xC820;
	s12 =	simm.s32 $0x0;
	v39 =	vsel vm0, s3, v30;
	v38 =	vsel vm14, s3, v30;
	v37 =	vsel vm1, s3, v30;
	v42 =	vld [tilespmem:s10+$0xFFFFFFB0]  }
.LBB2_9:
0x32e: {  	s11 =	sadd.s32 $0x80, s11  }
0x32f: {  	v43 =	vshll.u32 v13, s15;
	v44 =	vld [tilespmem:s10+$0x30];
	s10 =	sadd.s32 $0x200, s10;
	s16 =	smov.u32 s15;
	s14 =	sadd.s32 $0x1, s15  }
0x330: {  	p0 =	sne.s32 s15, $0x9;
	v45 =	vand.u32 v20, v43;
	v46 =	vand.u32 v21, v43;
	v47 =	vand.u32 v22, v43  }
0x331: {  	v45 =	vor.u32 v39, v45;
	v46 =	vor.u32 v38, v46;
	v47 =	vor.u32 v37, v47  }
0x332: {  	v40 =	vmax.f32 v34, v40;
	vm1 =	veq.s32 v45, $0x0;
	v41 =	vmin.f32 v36, v41  }
0x333: {  	vm15 =	veq.s32 v46, $0x0;
	vm14 =	veq.s32 v47, $0x0;
	v42 =	vmax.f32 v35, v42  }
0x334: {  	v44 =	vmin.f32 v31, v44;
	vm0 =	vgt.f32 v41, v42  }
0x335: {  	vm13 =	vmand vm9, vm13;
	vm2 =	vgt.f32 v44, v40  }
0x336: {  	vm0 =	vmand vm2, vm0  }
0x337: {  	v40 =	vsel vm0, $0x3F800000, v12;
	vm0 =	vmand vm13, vm0  }
0x338: {  	v41 =	vand.u32 v23, v43;
	[tilespmem:s13+$0x10] =	vst v40;
	v30 =	vsel vm0, s12, v30;
	s12 =	smov.u32 s16;
	s13 =	smov.u32 s11  }
0x339: {  	v40 =	vld [tilespmem:s10+$0xFFFFFF00];
	v41 =	vor.u32 v30, v41  }
0x33a: {  	v42 =	vld [tilespmem:s10+$0x80];
	vm13 =	veq.s32 v41, $0x0  }
0x33b: {  	v41 =	vld [tilespmem:s10+$0x0]  }
0x33c: {  	v43 =	vld [tilespmem:s10+$0xFFFFFF80];
	_ =	sdelay $0x3  }
0x33d: {  	v41 =	vmin.f32 v17, v41  }
0x33e: {  	v40 =	vmax.f32 v16, v40;
	v42 =	vmin.f32 v19, v42;
	v43 =	vmax.f32 v18, v43  }
0x33f: {  	vm0 =	vgt.f32 v41, v40;
	vm2 =	vgt.f32 v42, v43  }
0x340: {  	vm1 =	vmand vm12, vm1;
	vm0 =	vmand vm0, vm2  }
0x341: {  	v40 =	vsel vm0, $0x3F800000, v12;
	vm0 =	vmand vm1, vm0  }
0x342: {  	[tilespmem:s11+$0xFFFFFFE0] =	vst v40;
	v39 =	vsel vm0, s12, v39  }
0x343: {  	v40 =	vld [tilespmem:s10+$0x90]  }
0x344: {  	v41 =	vld [tilespmem:s10+$0x10]  }
0x345: {  	v42 =	vld [tilespmem:s10+$0xFFFFFF10]  }
0x346: {  	v43 =	vld [tilespmem:s10+$0xFFFFFF90];
	_ =	sdelay $0x1  }
0x347: {  	v40 =	vmin.f32 v25, v40  }
0x348: {  	v41 =	vmin.f32 v27, v41  }
0x349: {  	v42 =	vmax.f32 v26, v42  }
0x34a: {  	v43 =	vmax.f32 v24, v43;
	vm0 =	vgt.f32 v41, v42  }
0x34b: {  	vm1 =	vgt.f32 v40, v43  }
0x34c: {  	vm0 =	vmand vm0, vm1;
	vm1 =	vmand vm11, vm15  }
0x34d: {  	v40 =	vsel vm0, $0x3F800000, v12;
	vm0 =	vmand vm1, vm0  }
0x34e: {  	[tilespmem:s11+$0xFFFFFFF0] =	vst v40;
	v38 =	vsel vm0, s12, v38  }
0x34f: {  	v40 =	vld [tilespmem:s10+$0xFFFFFF20]  }
0x350: {  	v41 =	vld [tilespmem:s10+$0xFFFFFFA0]  }
0x351: {  	v42 =	vld [tilespmem:s10+$0x20]  }
0x352: {  	v43 =	vld [tilespmem:s10+$0xA0];
	_ =	sdelay $0x2  }
0x353: {  	v41 =	vmax.f32 v29, v41  }
0x354: {  	v40 =	vmax.f32 v28, v40;
	v42 =	vmin.f32 v32, v42  }
0x355: {  	v43 =	vmin.f32 v33, v43;
	vm0 =	vgt.f32 v42, v40  }
0x356: {  	vm1 =	vgt.f32 v43, v41  }
0x357: {  	vm0 =	vmand vm0, vm1;
	vm1 =	vmand vm10, vm14  }
.Ltmp6:
0x358: {  	v40 =	vsel vm0, $0x3F800000, v12;
	vm0 =	vmand vm1, vm0;
	(pc) =	sbr.rel @p0 .LBB2_9-.Ltmp6, $4  }
0x359: {  	[tilespmem:s11+$0x0] =	vst v40;
	v37 =	vsel vm0, s12, v37  }
0x35a: {  	v40 =	vld [tilespmem:s10+$0xFFFFFF30]  }
0x35b: {  	v41 =	vld [tilespmem:s10+$0xB0]  }
0x35c: {  	s15 =	smov.u32 s14;
	v42 =	vld [tilespmem:s10+$0xFFFFFFB0]  }
0x35d: {  	v16 =	vld [tilespmem:s10+$0x30];
	_ =	sdelay $0x3  }
0x35e: {  	v17 =	vmax.f32 v34, v40  }
0x35f: {  	v18 =	vmin.f32 v36, v41;
	v19 =	vmax.f32 v35, v42;
	v16 =	vmin.f32 v31, v16  }
0x360: {  	vm0 =	vgt.f32 v18, v19;
	vm1 =	vgt.f32 v16, v17  }
0x361: {  	vm0 =	vmand vm1, vm0  }
0x362: {  	v16 =	vsel vm0, $0x3F800000, v12  }
0x363: {  	[tilespmem:s13+$0x10] =	vst v16  }
0x364: {  	s10 =	sshll.u32 s9, $0x7;
	[tilespmem:$0x10000] =	vst v39  }
0x365: {  	[tilespmem:s10+$0xC000] =	vst v39  }
0x366: {  	p0 =	sgt.u32 s9, $0x6;
	[tilespmem:$0x10010] =	vst v38  }
.Ltmp7:
0x367: {  	vm1 =	vmand vm9, vm13;
	[tilespmem:s10+$0xC010] =	vst v38;
	(pc) =	sbr.rel @p0 .LBB2_16-.Ltmp7, $4  }
0x368: {  	vm0 =	vmand vm1, vm0;
	[tilespmem:$0x10020] =	vst v37  }
0x369: {  	v16 =	vsel vm0, s12, v30;
	[tilespmem:s10+$0xC020] =	vst v37  }
0x36a: {  	[tilespmem:$0x10030] =	vst v16  }
0x36b: {  	[tilespmem:s10+$0xC030] =	vst v16  }
0x36c: {  	_ =	sdelay $0x3  }
0x36d: {  	v19 =	vld.idx.msk [tilespmem:v2+s5+$0x0], $0xffff  }
0x36e: {  	v17 =	vmov s9;
	v20 =	vld.idx.msk [tilespmem:v3+s5+$0x0], $0xffff  }
0x36f: {  	v21 =	vld.idx.msk [tilespmem:v4+s5+$0x0], $0xffff;
	v16 =	vmul.u32 $0x7, v17  }
0x370: {  	s11 =	smul.u32 $0x980, s9  }
0x371: {  	v23 =	vld.idx.msk [tilespmem:v5+s5+$0x0], $0xffff;
	v18 =	vadd.s32 v14, v16  }
0x372: {  	v24 =	vld.idx.msk [tilespmem:v6+s5+$0x0], $0xffff;
	v22 =	vor.u32 s11, v18  }
0x373: {  	v25 =	vld.idx.msk [tilespmem:v7+s5+$0x0], $0xffff;
	s12 =	simm.s32 $0x0;
	v19 =	vshll.u32 v13, v19;
	v20 =	vshll.u32 v13, v20  }
0x374: {  	v26 =	vmov s12;
	v19 =	vor.u32 v19, v20;
	v20 =	vshll.u32 v13, v21  }
0x375: {  	vm11 =	vgt.u32 v17, v15;
	v21 =	vld.idx.msk [tilespmem:v11+s5+$0x0], $0xffff;
	v19 =	vnsel vm7, $0x0, v19;
	v20 =	vnsel vm7, $0x0, v20  }
0x376: {  	v19 =	vor.u32 v20, v19;
	v20 =	vshll.u32 v13, v23;
	v23 =	vshll.u32 v26, $0x7  }
0x377: {  	vm12 =	vmneg vm11;
	v22 =	vld.idx.msk [tilespmem:v22+s6+$0x0], $0xffff;
	v23 =	vor.u32 v18, v23  }
0x378: {  	s11 =	simm.s32 $0x2;
	v24 =	vshll.u32 v13, v24;
	v62 =	vshll.u32 v13, v25;
	v20 =	vnsel vm7, $0x0, v20  }
0x379: {  	v63 =	vmov s11;
	v19 =	vor.u32 v20, v19;
	v20 =	vnsel vm7, $0x0, v24  }
0x37a: {  	v19 =	vor.u32 v20, v19;
	v20 =	vnsel vm7, $0x0, v62;
	v21 =	vshll.u32 v13, v21  }
0x37b: {  	s13 =	simm.s32 $0x1;
	v24 =	vshll.u32 v63, $0x7;
	v19 =	vor.u32 v20, v19;
	v20 =	vnsel vm7, $0x0, v21  }
0x37c: {  	v21 =	vmov s13;
	vm0 =	vlt.f32 v22, $0.0e+00;
	vm1 =	vgt.f32 v22, $0.0e+00;
	v22 =	vld.idx.msk [tilespmem:v23+s7+$0x0], $0xffff  }
0x37d: {  	v19 =	vor.u32 v20, v19;
	v20 =	vimm.s32 $0x0;
	v21 =	vshll.u32 v21, $0x7  }
0x37e: {  	v23 =	vor.u32 v18, v21;
	v21 =	vshrl.u32 v19, s12;
	vm14 =	veq.s32 v20, $0x0  }
0x37f: {  	p0 =	por $0x0, $0x0;
	vm10 =	vmor vm1, vm0;
	vm0 =	vmmov vm8;
	v21 =	vand.u32 $0x1, v21  }
0x380: {  	vm9 =	vmand vm10, vm7;
	vm0 =	vmneg @p0 vm0;
	vm1 =	veq.s32 v21, $0x0  }
0x381: {  	v21 =	vor.u32 v18, v24;
	vm2 =	vlt.f32 v22, $0.0e+00;
	vm13 =	vgt.f32 v22, $0.0e+00  }
0x382: {  	vm0 =	vmand vm12, vm0;
	vm1 =	vmand vm11, vm1;
	vm2 =	vmor vm13, vm2  }
0x383: {  	s14 =	simm.s32 $0x3;
	p1 =	por $0x1, $0x1;
	vm1 =	vmor vm1, vm0;
	v22 =	vld.idx.msk [tilespmem:v23+s7+$0x0], $0xffff;
	v23 =	vshrl.u32 v19, s13;
	vm13 =	vmand vm14, vm2  }
.LBB2_12:
0x384: {  	vm0 =	vmmov vm8  }
0x385: {  	v24 =	vmov s14;
	vm1 =	vmand vm1, vm13;
	s15 =	smov.u32 s14;
	p0 =	sne.s32 s14, $0x9;
	vm0 =	vmneg @p1 vm0  }
.Ltmp8:
0x386: {  	v23 =	vand.u32 $0x1, v23;
	v24 =	vshll.u32 v24, $0x7;
	vm1 =	vmand vm1, vm9;
	(pc) =	sbr.rel @p0 .LBB2_12-.Ltmp8, $4  }
0x387: {  	s14 =	sadd.s32 $0x1, s14;
	vm2 =	veq.s32 v23, $0x0;
	vm0 =	vmand vm12, vm0;
	v20 =	vsel vm1, s12, v20;
	s12 =	smov.u32 s13  }
0x388: {  	vm1 =	vlt.f32 v22, $0.0e+00;
	vm13 =	vgt.f32 v22, $0.0e+00;
	s13 =	smov.u32 s11;
	s11 =	smov.u32 s15;
	v22 =	vld.idx.msk [tilespmem:v21+s7+$0x0], $0xffff;
	v21 =	vor.u32 v18, v24  }
0x389: {  	vm2 =	vmand vm11, vm2;
	vm14 =	veq.s32 v20, $0x0;
	vm13 =	vmor vm13, vm1  }
0x38a: {  	v23 =	vshrl.u32 v19, s13;
	p1 =	sne.s32 s13, $0x0;
	vm1 =	vmor vm2, vm0;
	vm13 =	vmand vm14, vm13  }
0x38b: {  	vm0 =	vmmov vm8;
	vm1 =	vmand vm1, vm13  }
0x38c: {  	v23 =	vand.u32 $0x1, v23;
	s16 =	simm.s32 $0x1;
	v19 =	vshrl.u32 v19, s11;
	vm0 =	vmneg @p1 vm0  }
0x38d: {  	vm1 =	vmand vm1, vm9;
	vm2 =	veq.s32 v23, $0x0;
	v23 =	vmov s16  }
0x38e: {  	vm0 =	vmand vm12, vm0;
	v20 =	vsel vm1, s12, v20;
	vm1 =	vlt.f32 v22, $0.0e+00  }
0x38f: {  	v21 =	vld.idx.msk [tilespmem:v21+s7+$0x0], $0xffff;
	vm13 =	vgt.f32 v22, $0.0e+00;
	vm2 =	vmand vm11, vm2;
	v22 =	vshll.u32 v23, $0x7  }
0x390: {  	vm1 =	vmor vm13, vm1;
	vm13 =	veq.s32 v20, $0x0;
	v22 =	vor.u32 v18, v22  }
0x391: {  	p0 =	sne.s32 s11, $0x0;
	vm0 =	vmor vm2, vm0;
	vm2 =	vmmov vm8;
	vm1 =	vmand vm13, vm1  }
0x392: {  	v19 =	vand.u32 $0x1, v19;
	vm2 =	vmneg @p0 vm2;
	vm0 =	vmand vm0, vm1  }
0x393: {  	vm1 =	veq.s32 v19, $0x0;
	vm2 =	vmand vm12, vm2;
	vm0 =	vmand vm0, vm9  }
0x394: {  	vm12 =	vgt.f32 v21, $0.0e+00;
	v19 =	vsel vm0, s13, v20;
	vm0 =	vlt.f32 v21, $0.0e+00  }
0x395: {  	vm1 =	vmand vm11, vm1;
	vm11 =	veq.s32 v19, $0x0;
	vm0 =	vmor vm12, vm0;
	v20 =	vld.idx.msk [tilespmem:v22+s7+$0x0], $0xffff  }
0x396: {  	vm1 =	vmor vm1, vm2;
	vm0 =	vmand vm11, vm0  }
0x397: {  	s18 =	simm.s32 $0x2;
	vm0 =	vmand vm1, vm0  }
0x398: {  	v21 =	vmov s18;
	vm0 =	vmand vm0, vm9;
	vm9 =	veq.s32 v17, v15  }
0x399: {  	v22 =	vadd.s32 $0x1, v15;
	v19 =	vsel vm0, s11, v19;
	vm0 =	vmand vm9, vm10  }
0x39a: {  	vm10 =	vlt.u32 v17, v22;
	v20 =	vnsel vm9, $0x0, v20;
	vm1 =	vne.s32 v19, s16  }
0x39b: {  	s17 =	simm.s32 $0x3;
	v21 =	vshll.u32 v21, $0x7;
	(xrf2) =	vadd.scan.msk.f32 $0xffff, v20;
	v20 =	vsel vm0, $0x3F800000, v12;
	vm0 =	vmor vm10, vm1  }
0x39c: {  	v21 =	vor.u32 v18, v21;
	(xrf0) =	vmax.scan.msk.f32 $0xffff, v20;
	v20 =	vmov s17;
	v22 =	vsel vm0, $0x3F800000, v12  }
0x39d: {  	v20 =	vshll.u32 v20, $0x7;
	(xrf0) =	vmin.scan.msk.f32 $0xffff, v22  }
0x39e: {  	v20 =	vor.u32 v18, v20;
	_ =	sdelay $0x2  }
0x39f: {  	v21 =	vld.idx.msk [tilespmem:v21+s7+$0x0], $0xffff  }
0x3a0: {  	s15 =	simm.s32 $0x4;
	v22, _, _ =	vpop (xrf0)  }
0x3a1: {  	v23 =	vmov s15;
	(v2sf) =	vpush v22, $0xF;
	v20 =	vld.idx.msk [tilespmem:v20+s7+$0x0], $0xffff;
	v22, _, _ =	vpop (xrf0)  }
0x3a2: {  	(v2sf) =	vpush v22, $0xF;
	v22 =	vshll.u32 v23, $0x7  }
0x3a3: {  	v22 =	vor.u32 v18, v22  }
0x3a4: {  	v21 =	vnsel vm9, $0x0, v21  }
0x3a5: {  	vm0 =	vne.s32 v19, s18;
	v24, _, _ =	vpop (xrf2);
	(xrf2) =	vadd.scan.msk.f32 $0xffff, v21  }
0x3a6: {  	vm0 =	vmor vm10, vm0;
	v20 =	vnsel vm9, $0x0, v20  }
0x3a7: {  	v23 =	vsel vm0, $0x3F800000, v12;
	vm0 =	vne.s32 v19, s17;
	(xrf2) =	vadd.scan.msk.f32 $0xffff, v20  }
0x3a8: {  	(xrf0) =	vmin.scan.msk.f32 $0xffff, v23;
	vm0 =	vmor vm10, vm0;
	v22 =	vld.idx.msk [tilespmem:v22+s7+$0x0], $0xffff  }
0x3a9: {  	s12 =	simm.s32 $0x5;
	(v2sf) =	vpush v24, $0xF;
	v20 =	vsel vm0, $0x3F800000, v12;
	vm0 =	vne.s32 v19, s15  }
0x3aa: {  	v21 =	vmov s12;
	(xrf0) =	vmin.scan.msk.f32 $0xffff, v20;
	vm0 =	vmor vm10, vm0  }
0x3ab: {  	v21 =	vshll.u32 v21, $0x7;
	v23 =	vsel vm0, $0x3F800000, v12  }
0x3ac: {  	v21 =	vor.u32 v18, v21  }
0x3ad: {  	v22 =	vnsel vm9, $0x0, v22  }
0x3ae: {  	(xrf0) =	vmin.scan.msk.f32 $0xffff, v23;
	v23, _, _ =	vpop (xrf0)  }
0x3af: {  	v62, _, _ =	vpop (xrf2);
	(v2sf) =	vpush v23, $0xF  }
0x3b0: {  	s14 =	simm.s32 $0x6;
	(v2sf) =	vpush v62, $0xF;
	(xrf2) =	vadd.scan.msk.f32 $0xffff, v22;
	v22, _, _ =	vpop (xrf0)  }
0x3b1: {  	v20 =	vmov s14;
	v21 =	vld.idx.msk [tilespmem:v21+s7+$0x0], $0xffff;
	s19 =	spop (v2sf);
	v63, _, _ =	vpop (xrf2);
	(v2sf) =	vpush v22, $0xF  }
0x3b2: {  	v20 =	vshll.u32 v20, $0x7;
	s21 =	spop (v2sf);
	(v2sf) =	vpush v63, $0xF  }
0x3b3: {  	s13 =	simm.s32 $0x7;
	v20 =	vor.u32 v18, v20  }
0x3b4: {  	v23 =	vmov s13  }
0x3b5: {  	vm0 =	vne.s32 v19, s12;
	v22 =	vshll.u32 v23, $0x7  }
0x3b6: {  	vm0 =	vmor vm10, vm0;
	v21 =	vnsel vm9, $0x0, v21  }
0x3b7: {  	s11 =	simm.s32 $0x0;
	p0 =	sgt.f32 s19, $0.0e+00;
	(xrf2) =	vadd.scan.msk.f32 $0xffff, v21;
	v23 =	vsel vm0, $0x3F800000, v12  }
0x3b8: {  	v20 =	vld.idx.msk [tilespmem:v20+s7+$0x0], $0xffff;
	s19 =	simm.s32 $0x8;
	v21 =	vor.u32 v18, v22;
	(xrf0) =	vmin.scan.msk.f32 $0xffff, v23;
	p1 =	sgt.f32 s21, $0.0e+00;
	s20 =	spop (v2sf);
	v22, _, _ =	vpop (xrf0)  }
.LBB2_14:
0x3b9: {  	p3 =	sgt.f32 s20, $0.0e+00  }
0x3ba: {  	p4 =	slt.f32 s20, $0.0e+00;
	s21 =	smov.u32 s12;
	s12 =	smov.u32 s14  }
0x3bb: {  	s14 =	smov.u32 s13;
	s13 =	smov.u32 s19;
	p2 =	sne.s32 s19, $0x9  }
0x3bc: {  	v23 =	vmov s19;
	v24, _, _ =	vpop (xrf2);
	(v2sf) =	vpush v22, $0xF;
	s19 =	sadd.s32 $0x1, s19;
	s20 =	smov.u32 s11;
	s22 =	smov.u32 s11  }
.Ltmp9:
0x3bd: {  	s24 =	smov.u32 s11;
	v22 =	vshll.u32 v23, $0x7;
	v23 =	vnsel vm9, $0x0, v20;
	v20 =	vld.idx.msk [tilespmem:v21+s7+$0x0], $0xffff;
	(v2sf) =	vpush v24, $0xF;
	s20 =	smov.u32 @p1 s16;
	(pc) =	sbr.rel @p2 .LBB2_14-.Ltmp9, $4  }
0x3be: {  	vm0 =	vne.s32 v19, s12;
	s16 =	smov.u32 s18;
	s18 =	smov.u32 s17;
	v21 =	vor.u32 v18, v22;
	(xrf2) =	vadd.scan.msk.f32 $0xffff, v23;
	s22 =	smov.u32 @p4 s20  }
0x3bf: {  	p1 =	seq.s32 s11, $0x0;
	vm0 =	vmor vm10, vm0;
	s23 =	spop (v2sf);
	s22 =	smov.u32 @p3 s20  }
0x3c0: {  	s17 =	smov.u32 s15;
	v23 =	vsel vm0, $0x3F800000, v12;
	s20 =	spop (v2sf);
	s24 =	smov.u32 @p1 s22  }
0x3c1: {  	s15 =	smov.u32 s21;
	p1 =	sgt.f32 s23, $0.0e+00;
	(xrf0) =	vmin.scan.msk.f32 $0xffff, v23;
	v22, _, _ =	vpop (xrf0);
	s11 =	smov.u32 @p0 s24  }
0x3c2: {  	_ = 	snop  }
0x3c3: {  	p2 =	slt.f32 s20, $0.0e+00;
	s19 =	smov.u32 s11  }
0x3c4: {  	v18, _, _ =	vpop (xrf2);
	(v2sf) =	vpush v22, $0xF;
	p3 =	sgt.f32 s20, $0.0e+00;
	s19 =	smov.u32 @p1 s16;
	s16 =	smov.u32 s11  }
0x3c5: {  	v20 =	vnsel vm9, $0x0, v20;
	(v2sf) =	vpush v18, $0xF;
	s16 =	smov.u32 @p2 s19  }
0x3c6: {  	v45 =	vld.idx.msk [tilespmem:v21+s7+$0x0], $0xffff;
	vm0 =	vne.s32 v19, s14;
	(xrf2) =	vadd.scan.msk.f32 $0xffff, v20;
	p1 =	seq.s32 s11, $0x0;
	s16 =	smov.u32 @p3 s19;
	s19 =	smov.u32 s11  }
0x3c7: {  	s31 =	spop (v2sf);
	vm0 =	vmor vm10, vm0;
	s19 =	smov.u32 @p1 s16  }
0x3c8: {  	s21 =	spop (v2sf);
	v46 =	vsel vm0, $0x3F800000, v12;
	p1 =	sgt.f32 s31, $0.0e+00;
	s11 =	smov.u32 @p0 s19  }
0x3c9: {  	p2 =	slt.f32 s21, $0.0e+00;
	(xrf0) =	vmin.scan.msk.f32 $0xffff, v46;
	v47, _, _ =	vpop (xrf0);
	s16 =	smov.u32 s11  }
0x3ca: {  	p3 =	sgt.f32 s21, $0.0e+00;
	v48, _, _ =	vpop (xrf2);
	(v2sf) =	vpush v47, $0xF;
	s16 =	smov.u32 @p1 s18;
	s18 =	smov.u32 s11  }
0x3cb: {  	v18 =	vnsel vm9, $0x0, v45;
	(v2sf) =	vpush v48, $0xF;
	s18 =	smov.u32 @p2 s16  }
0x3cc: {  	vm0 =	vne.s32 v19, s13;
	(xrf2) =	vadd.scan.msk.f32 $0xffff, v18;
	p1 =	seq.s32 s11, $0x0;
	s18 =	smov.u32 @p3 s16;
	s16 =	smov.u32 s11  }
0x3cd: {  	vm0 =	vmor vm10, vm0;
	s21 =	spop (v2sf);
	s16 =	smov.u32 @p1 s18  }
0x3ce: {  	v49 =	vsel vm0, $0x3F800000, v12;
	s22 =	spop (v2sf);
	p1 =	sgt.f32 s21, $0.0e+00;
	s11 =	smov.u32 @p0 s16  }
0x3cf: {  	(xrf0) =	vmin.scan.msk.f32 $0xffff, v49;
	v50, _, _ =	vpop (xrf0);
	p2 =	slt.f32 s22, $0.0e+00;
	s16 =	smov.u32 s11  }
0x3d0: {  	(v2sf) =	vpush v50, $0xF;
	v51, _, _ =	vpop (xrf2);
	p3 =	sgt.f32 s22, $0.0e+00;
	s16 =	smov.u32 @p1 s17;
	s17 =	smov.u32 s11  }
0x3d1: {  	(v2sf) =	vpush v51, $0xF;
	s17 =	smov.u32 @p2 s16  }
0x3d2: {  	p1 =	seq.s32 s11, $0x0;
	s17 =	smov.u32 @p3 s16;
	s16 =	smov.u32 s11  }
0x3d3: {  	s23 =	spop (v2sf);
	s16 =	smov.u32 @p1 s17  }
0x3d4: {  	s24 =	spop (v2sf);
	p1 =	sgt.f32 s23, $0.0e+00;
	s11 =	smov.u32 @p0 s16  }
0x3d5: {  	v52, _, _ =	vpop (xrf0);
	p2 =	slt.f32 s24, $0.0e+00;
	s16 =	smov.u32 s11  }
0x3d6: {  	(v2sf) =	vpush v52, $0xF;
	v53, _, _ =	vpop (xrf2);
	p3 =	sgt.f32 s24, $0.0e+00;
	s16 =	smov.u32 @p1 s15;
	s15 =	smov.u32 s11  }
0x3d7: {  	(v2sf) =	vpush v53, $0xF;
	s15 =	smov.u32 @p2 s16  }
0x3d8: {  	p1 =	seq.s32 s11, $0x0;
	s15 =	smov.u32 @p3 s16;
	s16 =	smov.u32 s11  }
0x3d9: {  	s25 =	spop (v2sf);
	s16 =	smov.u32 @p1 s15  }
0x3da: {  	s26 =	spop (v2sf);
	p1 =	sgt.f32 s25, $0.0e+00;
	s11 =	smov.u32 @p0 s16  }
0x3db: {  	p2 =	slt.f32 s26, $0.0e+00;
	s15 =	smov.u32 s11  }
0x3dc: {  	p3 =	sgt.f32 s26, $0.0e+00;
	s15 =	smov.u32 @p1 s12;
	s12 =	smov.u32 s11  }
0x3dd: {  	s12 =	smov.u32 @p2 s15  }
0x3de: {  	p1 =	seq.s32 s11, $0x0;
	s12 =	smov.u32 @p3 s15;
	s15 =	smov.u32 s11  }
0x3df: {  	s28 =	spop (v2sf);
	s15 =	smov.u32 @p1 s12  }
0x3e0: {  	s29 =	spop (v2sf);
	p1 =	sgt.f32 s28, $0.0e+00;
	s11 =	smov.u32 @p0 s15  }
0x3e1: {  	p2 =	slt.f32 s29, $0.0e+00;
	s12 =	smov.u32 s11  }
0x3e2: {  	p3 =	sgt.f32 s29, $0.0e+00;
	s12 =	smov.u32 @p1 s14;
	s14 =	smov.u32 s11  }
0x3e3: {  	s14 =	smov.u32 @p2 s12  }
0x3e4: {  	p1 =	seq.s32 s11, $0x0;
	s14 =	smov.u32 @p3 s12;
	s12 =	smov.u32 s11  }
0x3e5: {  	s30 =	spop (v2sf);
	s12 =	smov.u32 @p1 s14  }
0x3e6: {  	s31 =	spop (v2sf);
	p1 =	sgt.f32 s30, $0.0e+00;
	s11 =	smov.u32 @p0 s12  }
0x3e7: {  	v17 =	vshll.u32 v17, $0x7;
	p2 =	slt.f32 s31, $0.0e+00;
	s12 =	smov.u32 s11  }
0x3e8: {  	v16 =	vadd.s32 v17, v16;
	p3 =	sgt.f32 s31, $0.0e+00;
	s12 =	smov.u32 @p1 s13;
	s13 =	smov.u32 s11  }
0x3e9: {  	v16 =	vadd.s32 v15, v16;
	s13 =	smov.u32 @p2 s12  }
0x3ea: {  	v54 =	vor.u32 v2, v17;
	p1 =	seq.s32 s11, $0x0;
	s13 =	smov.u32 @p3 s12;
	s12 =	smov.u32 s11  }
0x3eb: {  	v55 =	vor.u32 v3, v17;
	s12 =	smov.u32 @p1 s13  }
0x3ec: {  	v56 =	vor.u32 v4, v17;
	s11 =	smov.u32 @p0 s12  }
0x3ed: {  	v58 =	vor.u32 v5, v17;
	v57 =	vsel vm9, s11, v19  }
0x3ee: {  	[tilespmem:v16+s8+$0x0] =	vst.idx.msk $0x7f, v57;
	v16 =	vor.u32 v6, v17  }
0x3ef: {  	v59 =	vor.u32 v7, v17;
	v18 =	vld.idx.msk [tilespmem:v54+s8+$0x0], $0xffff  }
0x3f0: {  	v17 =	vor.u32 v11, v17;
	v20 =	vld.idx.msk [tilespmem:v55+s8+$0x0], $0xffff  }
0x3f1: {  	v21 =	vld.idx.msk [tilespmem:v56+s8+$0x0], $0xffff  }
0x3f2: {  	v22 =	vld.idx.msk [tilespmem:v58+s8+$0x0], $0xffff  }
0x3f3: {  	v16 =	vld.idx.msk [tilespmem:v16+s8+$0x0], $0xffff  }
0x3f4: {  	v19 =	vld.idx.msk [tilespmem:v59+s8+$0x0], $0xffff  }
0x3f5: {  	v17 =	vld.idx.msk [tilespmem:v17+s8+$0x0], $0xffff;
	v18 =	vshll.u32 v13, v18;
	v20 =	vshll.u32 v13, v20  }
0x3f6: {  	v60 =	vshll.u32 v13, v21;
	v18 =	vor.u32 v18, v20  }
0x3f7: {  	v61 =	vshll.u32 v13, v22;
	v20 =	vnsel vm7, $0x0, v60;
	v18 =	vnsel vm7, $0x0, v18  }
0x3f8: {  	v62 =	vnsel vm7, $0x0, v61;
	v18 =	vor.u32 v20, v18;
	v16 =	vshll.u32 v13, v16  }
.Ltmp10:
0x3f9: {  	v19 =	vshll.u32 v13, v19;
	v18 =	vor.u32 v62, v18;
	v16 =	vnsel vm7, $0x0, v16;
	(pc) =	sbr.rel .LBB2_16-.Ltmp10, $4  }
0x3fa: {  	v63 =	vnsel vm7, $0x0, v19;
	v17 =	vshll.u32 v13, v17;
	v16 =	vor.u32 v16, v18  }
0x3fb: {  	v17 =	vnsel vm7, $0x0, v17;
	v16 =	vor.u32 v63, v16  }
0x3fc: {  	v16 =	vor.u32 v17, v16  }
0x3fd: {  	[tilespmem:s10+$0xFC00] =	vst v16  }
.LBB2_17:
0x3fe: {  	s5 =	simm.s32 $0x6120  }
0x3ff: {  	v0 =	vld [tilespmem:s5+$0x110]  }
0x400: {  	v1 =	vld [tilespmem:s5+$0x100]  }
0x401: {  	v3 =	vld [tilespmem:s5+$0x90]  }
0x402: {  	v4 =	vld [tilespmem:s5+$0xF0]  }
0x403: {  	v5 =	vld [tilespmem:s5+$0x80]  }
0x404: {  	v6 =	vld [tilespmem:s5+$0xE0]  }
0x405: {  	v7 =	vld [tilespmem:s5+$0x60]  }
0x406: {  	v8 =	vld [tilespmem:s5+$0x70];
	_ =	sdelay $0x1  }
0x407: {  	v10 =	vimm.s32 $0x28202020;
	v21 =	vmax.f32 v1, $0.0e+00;
	v2 =	vmax.f32 v0, $0.0e+00  }
0x408: {  	v19 =	vmax.f32 v4, $0.0e+00;
	v17 =	vmax.f32 v5, $0.0e+00;
	v25 =	vmax.f32 v3, $0.0e+00  }
0x409: {  	v18 =	vmax.f32 v6, $0.0e+00;
	v3 =	vmax.f32 v7, $0.0e+00;
	v0 =	vshrl.u32 v2, $0x1  }
0x40a: {  	v23 =	vmax.f32 v8, $0.0e+00;
	v1 =	vshrl.u32 v21, $0x1;
	v0 =	vadd.s32 $0x1FBD1DF5, v0  }
0x40b: {  	v4 =	vshrl.u32 v25, $0x1;
	v1 =	vadd.s32 $0x1FBD1DF5, v1;
	(erf) = vrcp.f32 v0  }
0x40c: {  	v5 =	vshrl.u32 v19, $0x1;
	v4 =	vadd.s32 $0x1FBD1DF5, v4;
	(erf) = vrcp.f32 v1  }
0x40d: {  	v6 =	vshrl.u32 v17, $0x1;
	v5 =	vadd.s32 $0x1FBD1DF5, v5;
	(erf) = vrcp.f32 v4  }
0x40e: {  	v7 =	vshrl.u32 v18, $0x1;
	v6 =	vadd.s32 $0x1FBD1DF5, v6;
	(erf) = vrcp.f32 v5  }
0x40f: {  	v8 =	vshrl.u32 v23, $0x1;
	v7 =	vadd.s32 $0x1FBD1DF5, v7;
	(erf) = vrcp.f32 v6  }
0x410: {  	v9 =	vshrl.u32 v3, $0x1;
	v8 =	vadd.s32 $0x1FBD1DF5, v8;
	(erf) = vrcp.f32 v7  }
0x411: {  	vm0 =	vcmask $0x1300;
	v9 =	vadd.s32 $0x1FBD1DF5, v9;
	(erf) = vrcp.f32 v8  }
0x412: {  	v11 =	vimm.s32 $0x20;
	v10 =	vunpack.c.0.s8.s32 v10;
	(erf) = vrcp.f32 v9  }
0x413: {  	vm1 =	vcmask $0x2710;
	s3 =	simm.s32 $0x0;
	v11 =	vsel vm0, $0x10, v11;
	vm0 =	vcmask $0x2F14;
	v56 =	vld [tilespmem:s5+$0xFFFFFF10]  }
0x414: {  	v27 =	vmov s3;
	v14 =	vsel vm0, $0x18, v11;
	v10 =	vnsel vm6, $0x30, v10;
	v12 =	vpop (erf)  }
0x415: {  	vm0 =	vcmask $0x371C;
	v27 =	vor.u32 $0x30, v27;
	v13 =	vpop (erf);
	v11 =	vmul.f32 v12, v2  }
0x416: {  	v61 =	vor.u32 s3, v14;
	v15 =	vsel vm1, $0x28, v10;
	v16 =	vpop (erf);
	v13 =	vmul.f32 v13, v21  }
0x417: {  	v60 =	vld [tilespmem:s5+$0xFFFFFEF0];
	v20 =	vor.u32 s3, v15;
	v10 =	vpop (erf);
	v16 =	vmul.f32 v16, v25;
	v0 =	vadd.f32 v0, v11  }
0x418: {  	vm6 =	vgt.f32 v56, $0.0e+00;
	v22 =	vpop (erf);
	v10 =	vmul.f32 v10, v19;
	v1 =	vadd.f32 v1, v13  }
0x419: {  	v11 =	vpop (erf);
	v22 =	vmul.f32 v22, v17;
	v4 =	vadd.f32 v4, v16;
	v0 =	vmul.f32 $5.000000000e-01, v0  }
0x41a: {  	v11 =	vmul.f32 v11, v18;
	v62 =	vpop (erf);
	v5 =	vadd.f32 v5, v10;
	v10 =	vmul.f32 $5.000000000e-01, v1  }
0x41b: {  	s4 =	simm.s32 $0xC000;
	v13 =	vmul.f32 v62, v23;
	v16 =	vpop (erf);
	v1 =	vadd.f32 v6, v22;
	v6 =	vmul.f32 $5.000000000e-01, v4  }
0x41c: {  	vm7 =	vlt.f32 v60, $0.0e+00;
	v27 =	vld.idx.msk [tilespmem:v27+s4+$0x0], $0xffff;
	(erf) = vrcp.f32 v0;
	v16 =	vmul.f32 v16, v3  }
0x41d: {  	v12 =	vld.idx.msk [tilespmem:v61+s4+$0x0], $0xffff;
	v4 =	vadd.f32 v7, v11;
	v5 =	vmul.f32 $5.000000000e-01, v5;
	(erf) = vrcp.f32 v10  }
0x41e: {  	v7 =	vadd.f32 v8, v13;
	v8 =	vmul.f32 $5.000000000e-01, v1;
	(erf) = vrcp.f32 v6  }
0x41f: {  	v1 =	vadd.f32 v9, v16;
	v11 =	vmul.f32 $5.000000000e-01, v4;
	(erf) = vrcp.f32 v5  }
0x420: {  	vm8 =	vgt.f32 v60, $0.0e+00;
	v7 =	vmul.f32 $5.000000000e-01, v7;
	(erf) = vrcp.f32 v8  }
0x421: {  	v47 =	vmul.u32 $0x980, v27;
	v16 =	vld.idx.msk [tilespmem:v20+s4+$0x0], $0xffff;
	v24 =	vmul.f32 $5.000000000e-01, v1;
	(erf) = vrcp.f32 v11  }
0x422: {  	v12 =	vmul.u32 $0x980, v12;
	v1 =	vimm.s32 $0x10;
	(erf) = vrcp.f32 v7  }
0x423: {  	v1 =	vsel vm5, $0x0, v1;
	vm5 =	vlt.f32 v56, $0.0e+00;
	(erf) = vrcp.f32 v24  }
0x424: {  	v20 =	vsel vm0, $0x8, v1;
	v1 =	vlaneseq.u32;
	vm5 =	vmor vm6, vm5  }
0x425: {  	vm6 =	vmor vm8, vm7;
	v9 =	vor.u32 $0x90, v1;
	v4 =	vor.u32 $0x110, v1;
	v22 =	vpop (erf)  }
0x426: {  	v63 =	vor.u32 $0xA0, v1;
	v28 =	vmul.u32 $0x980, v16;
	v26 =	vpop (erf);
	v22 =	vmul.f32 v22, v2  }
0x427: {  	v29 =	vor.u32 s3, v20;
	v32 =	vadd.s32 v9, v12;
	v16 =	vpop (erf);
	v26 =	vmul.f32 v26, v21  }
0x428: {  	[tilespmem:$0x1FF50] =	vst v9;
	v9 =	vor.u32 $0x120, v1;
	v30 =	vpop (erf);
	v16 =	vmul.f32 v16, v25;
	v0 =	vadd.f32 v22, v0  }
0x429: {  	v31 =	vadd.s32 v63, v28;
	v33 =	vpop (erf);
	v30 =	vmul.f32 v30, v19;
	v10 =	vadd.f32 v26, v10  }
0x42a: {  	s8 =	simm.s32 $0xC020;
	v22 =	vpop (erf);
	v33 =	vmul.f32 v33, v17;
	v6 =	vadd.f32 v16, v6;
	v0 =	vmul.f32 $5.000000000e-01, v0  }
0x42b: {  	v26 =	vld [tilespmem:s8+$0xFFFFFFF0];
	v34 =	vmul.f32 v22, v18;
	v22 =	vpop (erf);
	v5 =	vadd.f32 v30, v5;
	v30 =	vmul.f32 $5.000000000e-01, v10  }
0x42c: {  	v52 =	vld [tilespmem:s5+$0xFFFFFF80];
	v28 =	vadd.s32 v9, v28;
	v35 =	vmul.f32 v22, v23;
	v16 =	vpop (erf);
	v13 =	vmul.f32 $5.000000000e-01, v6  }
0x42d: {  	v36 =	vld [tilespmem:s5+$0xFFFFFF70];
	s3 =	simm.s32 $0x0;
	v8 =	vadd.f32 v33, v8;
	(erf) = vrcp.f32 v0;
	v16 =	vmul.f32 v16, v3  }
0x42e: {  	v32 =	vld.idx.msk [tilespmem:v32+s3+$0x0], $0xffff;
	v6 =	vadd.f32 v34, v11;
	v5 =	vmul.f32 $5.000000000e-01, v5;
	(erf) = vrcp.f32 v30  }
0x42f: {  	v22 =	vld [tilespmem:s8+$0x10];
	v7 =	vadd.f32 v35, v7;
	v53 =	vmul.f32 $5.000000000e-01, v8;
	(erf) = vrcp.f32 v13  }
0x430: {  	[tilespmem:$0x1FF60] =	vst v4;
	v10 =	vld.idx.msk [tilespmem:v29+s4+$0x0], $0xffff;
	v8 =	vadd.s32 v4, v12;
	v4 =	vor.u32 $0x100, v1;
	v45 =	vmul.u32 $0x980, v26  }
0x431: {  	v31 =	vld.idx.msk [tilespmem:v31+s3+$0x0], $0xffff;
	v37 =	vmul.f32 $5.000000000e-01, v6;
	(erf) = vrcp.f32 v5;
	v11 =	vadd.f32 v16, v24  }
0x432: {  	v6 =	vor.u32 $0x80, v1;
	v29 =	vmul.f32 $5.000000000e-01, v7;
	(erf) = vrcp.f32 v53  }
0x433: {  	v16 =	vor.u32 $0x30, v1;
	(erf) = vrcp.f32 v37;
	v39 =	vmul.f32 $5.000000000e-01, v11  }
0x434: {  	v11 =	vor.u32 $0x10, v1;
	v42 =	vmul.u32 $0x980, v22;
	(erf) = vrcp.f32 v29  }
0x435: {  	v40 =	vld [tilespmem:s5+$0xFFFFFFF0];
	v7 =	vor.u32 $0xB0, v1;
	v43 =	vmul.u32 $0x980, v10;
	v45 =	vor.u32 v11, v45  }
0x436: {  	v27 =	vsub.f32 v52, v31;
	v31 =	vsub.f32 v36, v32;
	v38 =	vld.idx.msk [tilespmem:v8+s3+$0x0], $0xffff;
	v42 =	vor.u32 v16, v42  }
0x437: {  	[tilespmem:$0x1FF40] =	vst v63;
	v24 =	vimm.s32 $0x0;
	v63 =	vadd.s32 v7, v47;
	v48 =	vadd.s32 v6, v43;
	v41 =	vpop (erf)  }
0x438: {  	v62 =	vld [tilespmem:s5+$0xFFFFFF90];
	[tilespmem:$0x1FF80] =	vst v4;
	v43 =	vadd.s32 v4, v43;
	v4 =	vimm.f32 $0.0e+00;
	v31 =	vmul.f32 v31, v31;
	v44 =	vpop (erf)  }
0x439: {  	v12 =	vld [tilespmem:s5+$0x10];
	v27 =	vmul.f32 v27, v27;
	v8 =	vor.u32 $0x130, v1;
	v54 =	vmul.f32 v41, v2;
	v46 =	vpop (erf)  }
0x43a: {  	v47 =	vadd.s32 v8, v47;
	(erf) = vrcp.f32 v39;
	v58 =	vmul.f32 v44, v21;
	v45 =	vld.idx.msk [tilespmem:v45+s3+$0x0], $0xffff;
	v49 =	vpop (erf)  }
0x43b: {  	v38 =	vsub.f32 v40, v38;
	v57 =	vmul.f32 v46, v25;
	v0 =	vadd.f32 v54, v0;
	v42 =	vld.idx.msk [tilespmem:v42+s3+$0x0], $0xffff;
	v55 =	vpop (erf)  }
0x43c: {  	v54 =	vld.idx.msk [tilespmem:v28+s3+$0x0], $0xffff;
	v49 =	vmul.f32 v49, v19;
	v30 =	vadd.f32 v58, v30;
	v59 =	vpop (erf);
	v34 =	vmul.f32 v55, v17  }
0x43d: {  	v28 =	vld [tilespmem:s5+$0xFFFFFF00];
	v33 =	vadd.f32 v57, v13;
	v50 =	vmul.f32 $5.000000000e-01, v0;
	v38 =	vmul.f32 v38, v38;
	v61 =	vpop (erf)  }
0x43e: {  	v48 =	vld.idx.msk [tilespmem:v48+s3+$0x0], $0xffff;
	v5 =	vadd.f32 v49, v5;
	v44 =	vmul.f32 v59, v18;
	v32 =	vmul.f32 v61, v23  }
0x43f: {  	v47 =	vld.idx.msk [tilespmem:v47+s3+$0x0], $0xffff;
	v34 =	vadd.f32 v34, v53;
	v33 =	vmul.f32 $5.000000000e-01, v33;
	v45 =	vsub.f32 v60, v45  }
0x440: {  	v43 =	vld.idx.msk [tilespmem:v43+s3+$0x0], $0xffff;
	(erf) = vrcp.f32 v50;
	v31 =	vadd.f32 v38, v31;
	v52 =	vadd.f32 v44, v37  }
0x441: {  	v13 =	vld [tilespmem:s5+$0xFFFFFF60];
	v44 =	vmul.f32 $5.000000000e-01, v30;
	v41 =	vmul.f32 $5.000000000e-01, v5;
	v36 =	vsub.f32 v56, v42  }
0x442: {  	v49 =	vld [tilespmem:s8+$0x0];
	vm1 =	vlt.f32 v28, $0.0e+00;
	vm0 =	vgt.f32 v28, $0.0e+00;
	(erf) = vrcp.f32 v33  }
0x443: {  	v53 =	vld [tilespmem:s5+$0xFFFFFFE0];
	v29 =	vadd.f32 v32, v29;
	v0 =	vpop (erf);
	v34 =	vmul.f32 $5.000000000e-01, v34;
	v45 =	vmul.f32 v45, v45  }
0x444: {  	v55 =	vld [tilespmem:s5+$0x0];
	v47 =	vsub.f32 v12, v47;
	v0 =	vmul.f32 v0, v3;
	(erf) = vrcp.f32 v44  }
0x445: {  	v30 =	vld.idx.msk [tilespmem:v63+s3+$0x0], $0xffff;
	vm7 =	vmor vm0, vm1;
	v35 =	vmul.f32 $5.000000000e-01, v52;
	v36 =	vmul.f32 v36, v36  }
0x446: {  	v32 =	vsub.f32 v13, v48;
	v29 =	vmul.f32 $5.000000000e-01, v29;
	(erf) = vrcp.f32 v41  }
0x447: {  	v60 =	vmul.f32 v47, v47;
	v52 =	vshll.u32 v49, $0x7;
	v39 =	vadd.f32 v0, v39  }
0x448: {  	v0 =	vimm.s32 $0x1;
	v37 =	vsub.f32 v53, v43;
	(erf) = vrcp.f32 v29  }
0x449: {  	v32 =	vmul.f32 v32, v32;
	v43 =	vsub.f32 v55, v54;
	v55 =	vmul.u32 $0x980, v49  }
0x44a: {  	v40 =	vsub.f32 v62, v30;
	v30 =	vshll.u32 v22, $0x7;
	v62 =	vshll.u32 v26, $0x7  }
0x44b: {  	v26 =	vshll.u32 v0, v26;
	v22 =	vshll.u32 v0, v22;
	(erf) = vrcp.f32 v34;
	v56 =	vpop (erf)  }
0x44c: {  	v39 =	vmul.f32 $5.000000000e-01, v39;
	v37 =	vmul.f32 v37, v37;
	v30 =	vor.u32 v16, v30;
	v57 =	vpop (erf)  }
0x44d: {  	v47 =	vor.u32 v11, v62;
	v51 =	vmul.f32 v43, v43;
	v46 =	vmul.f32 v57, v25  }
0x44e: {  	v62 =	vsel vm6, $0x3F800000, v4;
	(erf) = vrcp.f32 v35;
	v40 =	vmul.f32 v40, v40  }
0x44f: {  	v45 =	vmul.f32 v45, v62;
	(erf) = vrcp.f32 v39;
	v58 =	vpop (erf);
	v33 =	vadd.f32 v46, v33;
	v46 =	vld [tilespmem:s8+$0xFFFFFFE0]  }
0x450: {  	v32 =	vadd.f32 v37, v32;
	v27 =	vadd.f32 v51, v27;
	v42 =	vmul.f32 v56, v2;
	v59 =	vpop (erf)  }
0x451: {  	s7 =	simm.s32 $0xE000;
	v2 =	vor.u32 $0x20, v1;
	v38 =	vadd.f32 v60, v40;
	v25 =	vld [tilespmem:s5+$0xFFFFFEE0];
	v21 =	vmul.f32 v58, v21;
	v61 =	vpop (erf)  }
0x452: {  	s6 =	simm.s32 $0xD800;
	v48 =	vor.u32 v2, v52;
	v42 =	vadd.f32 v42, v50;
	v54 =	vld.idx.msk [tilespmem:v30+s7+$0x0], $0xffff;
	v23 =	vmul.f32 v61, v23  }
0x453: {  	v37 =	vor.u32 v2, v55;
	v12 =	vld.idx.msk [tilespmem:v30+s6+$0x0], $0xffff;
	v19 =	vmul.f32 v59, v19;
	v44 =	vadd.f32 v21, v44  }
0x454: {  	v21 =	vmul.f32 $5.000000000e-01, v42;
	v23 =	vadd.f32 v23, v29;
	v29 =	vshll.u32 v46, $0x7  }
0x455: {  	s5 =	simm.s32 $0xD000;
	v63 =	vpop (erf);
	v33 =	vmul.f32 $5.000000000e-01, v33;
	v19 =	vadd.f32 v19, v41;
	v29 =	vor.u32 v1, v29  }
0x456: {  	v59 =	vld.idx.msk [tilespmem:v47+s5+$0x0], $0xffff;
	v41 =	vsel vm7, $0x3F800000, v4;
	vm2 =	vlt.f32 v25, $0.0e+00;
	v17 =	vmul.f32 v63, v17  }
0x457: {  	v56 =	vld.idx.msk [tilespmem:v47+s6+$0x0], $0xffff;
	v13 =	vpop (erf);
	vm9 =	vgt.f32 v25, $0.0e+00;
	v40 =	vsub.f32 v21, v54;
	v21 =	vsel vm5, $0x3F800000, v4  }
0x458: {  	v57 =	vld.idx.msk [tilespmem:v47+s7+$0x0], $0xffff;
	v18 =	vmul.f32 v13, v18;
	v53 =	vpop (erf);
	v33 =	vsub.f32 v33, v12;
	v19 =	vmul.f32 $5.000000000e-01, v19  }
0x459: {  	v58 =	vld.idx.msk [tilespmem:v48+s5+$0x0], $0xffff;
	vm8 =	vmor vm9, vm2;
	v36 =	vmul.f32 v36, v21;
	v3 =	vmul.f32 v53, v3  }
0x45a: {  	v17 =	vadd.f32 v17, v34;
	v34 =	vsel vm8, $0x3F800000, v4;
	v23 =	vmul.f32 $5.000000000e-01, v23;
	v60 =	vld.idx.msk [tilespmem:v29+s6+$0x0], $0xffff  }
0x45b: {  	v42 =	vmul.f32 v59, v62;
	v40 =	vmul.f32 v40, v40;
	v3 =	vadd.f32 v3, v39;
	v61 =	vld.idx.msk [tilespmem:v29+s5+$0x0], $0xffff  }
0x45c: {  	v63 =	vmul.u32 $0x980, v46;
	v33 =	vmul.f32 v33, v33;
	v23 =	vsub.f32 v23, v56;
	v29 =	vld.idx.msk [tilespmem:v29+s7+$0x0], $0xffff  }
0x45d: {  	(xrf2) =	vadd.scan.msk.f32 $0xffff, v21;
	v12 =	vld.idx.msk [tilespmem:v48+s6+$0x0], $0xffff;
	v18 =	vadd.f32 v18, v35;
	v19 =	vsub.f32 v19, v57;
	v3 =	vmul.f32 $5.000000000e-01, v3  }
0x45e: {  	(xrf2) =	vadd.scan.msk.f32 $0xffff, v41;
	v39 =	vmul.f32 v58, v41;
	v47 =	vor.u32 v1, v63;
	v23 =	vmul.f32 v23, v23  }
0x45f: {  	v48 =	vld.idx.msk [tilespmem:v48+s7+$0x0], $0xffff;
	(xrf2) =	vadd.scan.msk.f32 $0xffff, v62;
	v17 =	vmul.f32 $5.000000000e-01, v17;
	v18 =	vmul.f32 $5.000000000e-01, v18;
	v3 =	vsub.f32 v3, v60  }
0x460: {  	(xrf2) =	vadd.scan.msk.f32 $0xffff, v34;
	v33 =	vadd.f32 v33, v38;
	v19 =	vmul.f32 v19, v19;
	v23 =	vadd.f32 v23, v31  }
0x461: {  	(xrf2) =	vadd.scan.msk.f32 $0xffff, v39;
	v35 =	vmul.f32 v61, v34;
	v18 =	vsub.f32 v18, v29;
	v3 =	vmul.f32 v3, v3  }
0x462: {  	v50 =	vmul.f32 $5.000000000e-01, v44;
	v58 =	vld.idx.msk [tilespmem:v37+s3+$0x0], $0xffff;
	v17 =	vsub.f32 v17, v12;
	v33 =	vadd.f32 v40, v33;
	(xrf2) =	vadd.scan.msk.f32 $0xffff, v42  }
0x463: {  	v19 =	vadd.f32 v19, v23;
	(xrf2) =	vadd.scan.msk.f32 $0xffff, v35;
	v18 =	vmul.f32 v18, v18;
	v3 =	vadd.f32 v3, v32  }
0x464: {  	s11 =	simm.s32 $0x6AA0;
	v26 =	vnsel vm6, $0x0, v26;
	v17 =	vmul.f32 v17, v17;
	v23 =	vld.idx.msk [tilespmem:v47+s3+$0x0], $0xffff;
	v29 =	vmul.f32 v33, v21;
	(xrf2) =	vadd.scan.msk.f32 $0xffff, v36  }
0x465: {  	v52 =	vld [tilespmem:s11+$0x90];
	v19 =	vmul.f32 v19, v62;
	(xrf2) =	vadd.scan.msk.f32 $0xffff, v45;
	v3 =	vadd.f32 v18, v3;
	v18 =	vsub.f32 v50, v48  }
0x466: {  	v53 =	vshll.u32 v0, v46;
	v56 =	vshll.u32 v0, v49;
	v31 =	vld [tilespmem:s11+$0x100];
	v17 =	vadd.f32 v17, v27;
	(xrf2) =	vadd.scan.msk.f32 $0xffff, v29  }
0x467: {  	v30 =	vld.idx.msk [tilespmem:v30+s5+$0x0], $0xffff;
	v42, _, _ =	vpop (xrf2);
	(xrf2) =	vadd.scan.msk.f32 $0xffff, v19;
	v19 =	vnsel vm8, $0x0, v53;
	v3 =	vmul.f32 v3, v34;
	v18 =	vmul.f32 v18, v18  }
0x468: {  	v13 =	vld [tilespmem:s11+$0x110];
	v27 =	vnsel vm7, $0x0, v56;
	v32 =	vsub.f32 v28, v58;
	v19 =	vor.u32 v24, v19  }
0x469: {  	v59, _, _ =	vpop (xrf2);
	v60 =	vld [tilespmem:s11+$0x70];
	v29 =	vadd.f32 v18, v17;
	(xrf2) =	vadd.scan.msk.f32 $0xffff, v3;
	v3 =	vnsel vm5, $0x0, v22;
	v22 =	vsub.f32 v25, v23  }
0x46a: {  	v54 =	vld [tilespmem:s11+$0xF0];
	v61, _, _ =	vpop (xrf2);
	v17 =	vor.u32 v24, v26;
	v18 =	vor.u32 v24, v27;
	v3 =	vor.u32 v24, v3  }
0x46b: {  	v57 =	vld [tilespmem:s11+$0xE0];
	v63, _, _ =	vpop (xrf2);
	v24 =	vmax.f32 v31, $0.0e+00;
	v23 =	vmul.f32 v29, v41;
	v31 =	vmul.f32 v22, v22  }
0x46c: {  	v21 =	vmul.f32 v30, v21;
	v46, _, _ =	vpop (xrf2)  }
0x46d: {  	v5 =	vlaneseq.u32;
	v12, _, _ =	vpop (xrf2);
	v32 =	vmul.f32 v32, v32;
	(xrf2) =	vadd.scan.msk.f32 $0xffff, v23;
	v31 =	vmul.f32 v31, v34  }
0x46e: {  	(v2sf) =	vpush v63, $0xF;
	v28 =	vmax.f32 v60, $0.0e+00;
	v27 =	vmax.f32 v13, $0.0e+00;
	v13, _, _ =	vpop (xrf2)  }
0x46f: {  	v55 =	vld [tilespmem:s11+$0x80];
	v30 =	vshrl.u32 v28, $0x1;
	v32 =	vmul.f32 v32, v41;
	v25 =	vmax.f32 v54, $0.0e+00;
	v51, _, _ =	vpop (xrf2)  }
0x470: {  	v26 =	vmax.f32 v57, $0.0e+00;
	v29 =	vmax.f32 v52, $0.0e+00;
	v52 =	vshrl.u32 v27, $0x1;
	v53, _, _ =	vpop (xrf2);
	(xrf2) =	vadd.scan.msk.f32 $0xffff, v31  }
0x471: {  	v36 =	vshrl.u32 v25, $0x1;
	v54 =	vshrl.u32 v24, $0x1;
	v44 =	vadd.s32 $0x1FBD1DF5, v52;
	v31, _, _ =	vpop (xrf2)  }
0x472: {  	v35 =	vshrl.u32 v29, $0x1;
	v34 =	vadd.s32 $0x1FBD1DF5, v54;
	(erf) = vrcp.f32 v44;
	v56, _, _ =	vpop (xrf2)  }
0x473: {  	v40 =	vshrl.u32 v26, $0x1;
	v33 =	vadd.s32 $0x1FBD1DF5, v35;
	(erf) = vrcp.f32 v34;
	v57, _, _ =	vpop (xrf2)  }
0x474: {  	v62 =	vld [tilespmem:s11+$0x60];
	v22 =	vmax.f32 v55, $0.0e+00;
	(erf) = vrcp.f32 v33;
	(xrf2) =	vadd.scan.msk.f32 $0xffff, v32;
	(v2sf) =	vpush v57, $0xF  }
0x475: {  	v36 =	vadd.s32 $0x1FBD1DF5, v36;
	v45 =	vadd.s32 $0x1FBD1DF5, v40;
	(v2sf) =	vpush v61, $0xF  }
0x476: {  	v55 =	vshrl.u32 v22, $0x1;
	(erf) = vrcp.f32 v36;
	(xrf2) =	vadd.scan.msk.f32 $0xffff, v21;
	(v2sf) =	vpush v56, $0xF  }
0x477: {  	s9 =	simm.s32 $0x80;
	v40 =	vadd.s32 $0x1FBD1DF5, v30;
	v30 =	vld [tilespmem:s11+$0xFFFFFF10];
	v35 =	vadd.s32 $0x1FBD1DF5, v55;
	(v2sf) =	vpush v59, $0xF;
	v58, _, _ =	vpop (xrf2)  }
0x478: {  	v38 =	vor.u32 s9, v20;
	(erf) = vrcp.f32 v35;
	(v2sf) =	vpush v58, $0xF  }
0x479: {  	v39 =	vor.u32 s9, v14;
	v23 =	vmax.f32 v62, $0.0e+00;
	(v2sf) =	vpush v42, $0xF  }
0x47a: {  	[tilespmem:$0x1FFD0] =	vst v14;
	v60 =	vmov s9;
	v21 =	vshrl.u32 v23, $0x1;
	v59, _, _ =	vpop (xrf2);
	(v2sf) =	vpush v31, $0xF  }
0x47b: {  	[tilespmem:$0x1FFE0] =	vst v15;
	v37 =	vor.u32 $0x30, v60;
	v41 =	vadd.s32 $0x1FBD1DF5, v21;
	v21 =	vld [tilespmem:s11+$0xFFFFFF00];
	v61 =	vpop (erf);
	(v2sf) =	vpush v59, $0xF  }
0x47c: {  	[tilespmem:$0x1FFF0] =	vst v20;
	vm5 =	vlt.f32 v30, $0.0e+00;
	(erf) = vrcp.f32 v45;
	v62 =	vpop (erf);
	v31 =	vld [tilespmem:s11+$0xFFFFFEF0];
	(v2sf) =	vpush v13, $0xF  }
0x47d: {  	[tilespmem:$0x1FFB0] =	vst v9;
	vm7 =	vgt.f32 v30, $0.0e+00;
	(erf) = vrcp.f32 v40;
	v52 =	vpop (erf);
	(v2sf) =	vpush v53, $0xF  }
0x47e: {  	[tilespmem:$0x1FF70] =	vst v6;
	(erf) = vrcp.f32 v41;
	v50 =	vmul.f32 v61, v27;
	v63, _, _ =	vpop (xrf2);
	(v2sf) =	vpush v12, $0xF  }
0x47f: {  	[tilespmem:$0x1FF90] =	vst v7;
	v49 =	vmul.f32 v62, v24;
	v42 =	vor.u32 s9, v15;
	v48 =	vpop (erf);
	(v2sf) =	vpush v63, $0xF  }
0x480: {  	s12 =	simm.f32 $0.0e+00;
	s14 =	simm.s32 $0x2;
	[tilespmem:$0x1FFA0] =	vst v8;
	vm6 =	vlt.f32 v21, $0.0e+00;
	vm8 =	vgt.f32 v21, $0.0e+00;
	v32, _, _ =	vpop (xrf2);
	(v2sf) =	vpush v46, $0xF  }
0x481: {  	s13 =	simm.f32 $0.0e+00;
	s10 =	simm.f32 $0.0e+00;
	[tilespmem:$0x1FFC0] =	vst v2;
	v43 =	vmul.f32 v52, v29;
	s9 =	simm.f32 $0.0e+00;
	vm9 =	vlt.f32 v31, $0.0e+00;
	v46 =	vpop (erf);
	(v2sf) =	vpush v51, $0xF  }
.LBB2_18:
0x482: {  	v47 =	vmul.f32 v48, v25  }
0x483: {  	v46 =	vmul.f32 v46, v22;
	v44 =	vadd.f32 v44, v50;
	v34 =	vadd.f32 v34, v49  }
0x484: {  	v43 =	vadd.f32 v33, v43;
	v36 =	vadd.f32 v36, v47  }
0x485: {  	v42 =	vld.idx.msk [tilespmem:v42+s4+$0x0], $0xffff;
	v46 =	vadd.f32 v35, v46;
	v44 =	vmul.f32 $5.000000000e-01, v44;
	v14 =	vmul.f32 $5.000000000e-01, v34  }
0x486: {  	v51 =	vmul.f32 $5.000000000e-01, v43;
	v52 =	vmul.f32 $5.000000000e-01, v36;
	v61 =	vpop (erf)  }
0x487: {  	v1 =	vld [tilespmem:$0x1FF40];
	v46 =	vmul.f32 $5.000000000e-01, v46;
	v48 =	vmul.f32 v61, v26;
	v62 =	vpop (erf)  }
0x488: {  	v63 =	vmul.f32 v62, v28;
	v12 =	vpop (erf);
	(erf) = vrcp.f32 v44  }
0x489: {  	s8 =	sadd.s32 $0x80, s8;
	v39 =	vld.idx.msk [tilespmem:v39+s4+$0x0], $0xffff;
	v13 =	vmul.f32 v12, v23;
	v60 =	vadd.f32 v45, v48;
	(erf) = vrcp.f32 v14  }
0x48a: {  	v34 =	vld [tilespmem:s8+$0x0];
	v42 =	vmul.u32 $0x980, v42;
	v40 =	vadd.f32 v40, v63;
	(erf) = vrcp.f32 v51  }
0x48b: {  	v36 =	vld [tilespmem:s8+$0xFFFFFFE0];
	v41 =	vadd.f32 v41, v13;
	v49 =	vmul.f32 $5.000000000e-01, v60;
	(erf) = vrcp.f32 v52  }
0x48c: {  	v60 =	vadd.s32 v1, v42;
	v1 =	vld [tilespmem:$0x1FF50];
	v40 =	vmul.f32 $5.000000000e-01, v40;
	(erf) = vrcp.f32 v46  }
0x48d: {  	v35 =	vld [tilespmem:s8+$0xFFFFFFF0];
	v50 =	vmul.f32 $5.000000000e-01, v41;
	(erf) = vrcp.f32 v49  }
0x48e: {  	(erf) = vrcp.f32 v40  }
0x48f: {  	v0 =	vld [tilespmem:$0x1FFC0];
	v39 =	vmul.u32 $0x980, v39;
	(erf) = vrcp.f32 v50  }
0x490: {  	v62 =	vshll.u32 v36, $0x7  }
0x491: {  	v61 =	vshll.u32 v34, $0x7;
	v43 =	vor.u32 v5, v62;
	v62 =	vadd.s32 v1, v39;
	v1 =	vld [tilespmem:$0x1FF60];
	v57 =	vpop (erf)  }
0x492: {  	v63 =	vshll.u32 v35, $0x7;
	v58 =	vpop (erf)  }
0x493: {  	v59 =	vpop (erf)  }
0x494: {  	v41 =	vor.u32 v0, v61;
	v61 =	vpop (erf)  }
0x495: {  	s15 =	spop (v2sf);
	(v2sf) =	vpush v32, $0xF;
	v32 =	vld [tilespmem:s11+$0xFFFFFEE0];
	v45 =	vor.u32 v11, v63;
	v63 =	vpop (erf)  }
0x496: {  	v39 =	vadd.s32 v1, v39;
	v1 =	vmul.f32 v58, v24;
	v12 =	vpop (erf)  }
0x497: {  	vm1 =	vgt.f32 v31, $0.0e+00;
	vm5 =	vmor vm7, vm5;
	v33 =	vld [tilespmem:s8+$0x10];
	v2 =	vmul.f32 v57, v27;
	v13 =	vpop (erf)  }
0x498: {  	vm6 =	vmor vm8, vm6;
	v56 =	vmul.u32 $0x980, v35;
	v47 =	vadd.f32 v1, v14;
	v14 =	vpop (erf)  }
0x499: {  	v38 =	vld.idx.msk [tilespmem:v38+s4+$0x0], $0xffff;
	v54 =	vmul.u32 $0x980, v34;
	v2 =	vadd.f32 v2, v44;
	v44 =	vmul.f32 v14, v23  }
0x49a: {  	vm7 =	vmor vm1, vm9;
	vm10 =	vlt.f32 v32, $0.0e+00;
	v56 =	vor.u32 v11, v56  }
0x49b: {  	v58 =	vmul.f32 v13, v28;
	v13 =	vadd.f32 v44, v50;
	v44 =	vor.u32 v0, v54;
	v0 =	vld [tilespmem:$0x1FF70]  }
0x49c: {  	vm11 =	vgt.f32 v32, $0.0e+00;
	v55 =	vshll.u32 v33, $0x7;
	v59 =	vmul.f32 v59, v29  }
0x49d: {  	v4 =	vld [tilespmem:s11+$0xFFFFFF70];
	vm8 =	vmor vm11, vm10;
	v61 =	vmul.f32 v61, v25;
	v63 =	vmul.f32 v63, v22  }
0x49e: {  	v9 =	vld [tilespmem:s11+$0xFFFFFFF0];
	v51 =	vadd.f32 v59, v51;
	v59 =	vmul.f32 $5.000000000e-01, v2;
	v14 =	vmul.u32 $0x980, v38  }
0x49f: {  	v56 =	vld.idx.msk [tilespmem:v56+s3+$0x0], $0xffff;
	v2 =	vimm.f32 $0.0e+00;
	v57 =	vmul.f32 v12, v26;
	v52 =	vadd.f32 v61, v52  }
0x4a0: {  	v46 =	vadd.f32 v63, v46;
	v51 =	vmul.f32 $5.000000000e-01, v51;
	v54 =	vadd.s32 v0, v14;
	v0 =	vld [tilespmem:$0x1FF80]  }
0x4a1: {  	(erf) = vrcp.f32 v59;
	v61 =	vmul.f32 $5.000000000e-01, v47;
	v63 =	vadd.f32 v57, v49;
	v49 =	vld.idx.msk [tilespmem:v37+s4+$0x0], $0xffff  }
0x4a2: {  	v52 =	vmul.f32 $5.000000000e-01, v52;
	v57 =	vld.idx.msk [tilespmem:v60+s3+$0x0], $0xffff;
	v37 =	vsel vm5, $0x3F800000, v2;
	v47 =	vsel vm7, $0x3F800000, v2  }
0x4a3: {  	v38 =	vsel vm6, $0x3F800000, v2;
	v12 =	vadd.f32 v58, v40;
	v58 =	vld.idx.msk [tilespmem:v62+s3+$0x0], $0xffff;
	(erf) = vrcp.f32 v61  }
0x4a4: {  	v46 =	vmul.f32 $5.000000000e-01, v46;
	v60 =	vld.idx.msk [tilespmem:v39+s3+$0x0], $0xffff;
	v39 =	vor.u32 v16, v55;
	(erf) = vrcp.f32 v51  }
0x4a5: {  	v50 =	vmul.f32 $5.000000000e-01, v63;
	(erf) = vrcp.f32 v52;
	v55 =	vadd.s32 v0, v14;
	v0 =	vld [tilespmem:$0x1FF90]  }
0x4a6: {  	v40 =	vsel vm8, $0x3F800000, v2;
	v2 =	vld [tilespmem:$0x1FFB0];
	v62 =	vmul.f32 $5.000000000e-01, v12;
	(erf) = vrcp.f32 v46  }
0x4a7: {  	v53 =	vmul.u32 $0x980, v33;
	v6 =	vld.idx.msk [tilespmem:v41+s5+$0x0], $0xffff;
	(erf) = vrcp.f32 v50  }
0x4a8: {  	v1 =	vld [tilespmem:s11+$0xFFFFFF80];
	v63 =	vmul.f32 $5.000000000e-01, v13;
	v49 =	vmul.u32 $0x980, v49;
	(erf) = vrcp.f32 v62  }
0x4a9: {  	v53 =	vor.u32 v16, v53;
	v8 =	vld.idx.msk [tilespmem:v43+s5+$0x0], $0xffff  }
0x4aa: {  	v31 =	vsub.f32 v31, v56;
	(erf) = vrcp.f32 v63;
	v12 =	vadd.s32 v0, v49;
	v0 =	vld [tilespmem:$0x1FFA0]  }
0x4ab: {  	v10 =	vadd.s32 v2, v42;
	v42 =	vpop (erf)  }
0x4ac: {  	v31 =	vmul.f32 v31, v31;
	v42 =	vmul.f32 v42, v27;
	v13 =	vpop (erf)  }
0x4ad: {  	v6 =	vmul.f32 v6, v38;
	v1 =	vsub.f32 v1, v57;
	v4 =	vsub.f32 v4, v58;
	v14 =	vpop (erf)  }
0x4ae: {  	v53 =	vld.idx.msk [tilespmem:v53+s3+$0x0], $0xffff;
	v2 =	vadd.f32 v42, v59;
	v13 =	vmul.f32 v13, v24;
	v15 =	vpop (erf);
	v14 =	vmul.f32 v14, v29  }
0x4af: {  	v7 =	vld.idx.msk [tilespmem:v45+s5+$0x0], $0xffff;
	v57 =	vadd.s32 v0, v49;
	v49 =	vmul.f32 v8, v40;
	v8 =	vsub.f32 v9, v60;
	v60 =	vpop (erf)  }
0x4b0: {  	v20 =	vld [tilespmem:s11+$0xFFFFFF60];
	(xrf2) =	vadd.scan.msk.f32 $0xffff, v37;
	v4 =	vmul.f32 v4, v4;
	v15 =	vmul.f32 v15, v25;
	v14 =	vadd.f32 v14, v51;
	v42 =	vpop (erf)  }
0x4b1: {  	(xrf2) =	vadd.scan.msk.f32 $0xffff, v38;
	v58 =	vld [tilespmem:s11+$0xFFFFFF90];
	v13 =	vadd.f32 v13, v61;
	v61 =	vmul.f32 $5.000000000e-01, v2;
	v59 =	vmul.f32 v42, v26;
	v42 =	vpop (erf)  }
0x4b2: {  	v54 =	vld.idx.msk [tilespmem:v54+s3+$0x0], $0xffff;
	v14 =	vmul.f32 $5.000000000e-01, v14;
	v51 =	vmul.f32 v42, v28  }
0x4b3: {  	v15 =	vadd.f32 v15, v52;
	v55 =	vld.idx.msk [tilespmem:v55+s3+$0x0], $0xffff;
	v60 =	vmul.f32 v60, v22;
	v42 =	vpop (erf);
	(erf) = vrcp.f32 v61  }
0x4b4: {  	(xrf2) =	vadd.scan.msk.f32 $0xffff, v47;
	v13 =	vmul.f32 $5.000000000e-01, v13;
	v9 =	vld [tilespmem:s11+$0x10];
	(erf) = vrcp.f32 v14;
	v62 =	vadd.f32 v51, v62  }
0x4b5: {  	v15 =	vmul.f32 $5.000000000e-01, v15;
	v0 =	vld [tilespmem:s11+$0xFFFFFFE0];
	v46 =	vadd.f32 v60, v46;
	v2 =	vmul.f32 v42, v23  }
0x4b6: {  	v50 =	vadd.f32 v59, v50;
	v60 =	vld.idx.msk [tilespmem:v57+s3+$0x0], $0xffff;
	(erf) = vrcp.f32 v13;
	v52 =	vmul.f32 $5.000000000e-01, v62  }
0x4b7: {  	v12 =	vld.idx.msk [tilespmem:v12+s3+$0x0], $0xffff;
	v57 =	vmul.f32 $5.000000000e-01, v46;
	v2 =	vadd.f32 v2, v63;
	(erf) = vrcp.f32 v15  }
0x4b8: {  	v48 =	vmul.u32 $0x980, v36;
	v10 =	vld.idx.msk [tilespmem:v10+s3+$0x0], $0xffff;
	v50 =	vmul.f32 $5.000000000e-01, v50;
	(erf) = vrcp.f32 v52  }
0x4b9: {  	v20 =	vsub.f32 v20, v54;
	v63 =	vld [tilespmem:s11+$0x0];
	v2 =	vmul.f32 $5.000000000e-01, v2;
	(erf) = vrcp.f32 v57  }
0x4ba: {  	v8 =	vmul.f32 v8, v8;
	v42, _, _ =	vpop (xrf2);
	v0 =	vsub.f32 v0, v55;
	(erf) = vrcp.f32 v50  }
0x4bb: {  	v46, _, _ =	vpop (xrf2);
	v9 =	vsub.f32 v9, v60;
	v60 =	vsub.f32 v30, v53;
	(erf) = vrcp.f32 v2  }
0x4bc: {  	v7 =	vmul.f32 v7, v47;
	v20 =	vmul.f32 v20, v20;
	v12 =	vsub.f32 v58, v12;
	v53 =	vpop (erf)  }
0x4bd: {  	v1 =	vmul.f32 v1, v1;
	v4 =	vadd.f32 v8, v4;
	v0 =	vmul.f32 v0, v0;
	v62 =	vpop (erf)  }
0x4be: {  	v12 =	vmul.f32 v12, v12;
	v30, _, _ =	vpop (xrf2);
	(xrf2) =	vadd.scan.msk.f32 $0xffff, v40;
	v10 =	vsub.f32 v63, v10;
	v63 =	vmul.f32 v62, v29  }
0x4bf: {  	v55 =	vor.u32 v5, v48;
	(xrf2) =	vadd.scan.msk.f32 $0xffff, v6;
	v6 =	vmul.f32 v31, v47;
	v48 =	vmul.f32 v60, v60;
	v60 =	vpop (erf)  }
0x4c0: {  	v54 =	vld.idx.msk [tilespmem:v39+s6+$0x0], $0xffff;
	v0 =	vadd.f32 v0, v20;
	v9 =	vmul.f32 v9, v9;
	v53 =	vmul.f32 v53, v27;
	v20 =	vpop (erf)  }
0x4c1: {  	v8 =	vmul.f32 v48, v37;
	v14 =	vadd.f32 v63, v14;
	v20 =	vmul.f32 v20, v25;
	v29 =	vpop (erf)  }
0x4c2: {  	v31 =	vld.idx.msk [tilespmem:v39+s7+$0x0], $0xffff;
	v9 =	vadd.f32 v9, v12;
	v24 =	vmul.f32 v60, v24;
	v28 =	vmul.f32 v29, v28;
	v63 =	vpop (erf)  }
0x4c3: {  	(xrf2) =	vadd.scan.msk.f32 $0xffff, v7;
	v62 =	vld.idx.msk [tilespmem:v45+s6+$0x0], $0xffff;
	v25 =	vadd.f32 v53, v61;
	v14 =	vmul.f32 $5.000000000e-01, v14;
	v15 =	vadd.f32 v20, v15;
	v27 =	vpop (erf)  }
0x4c4: {  	v20 =	vld.idx.msk [tilespmem:v43+s7+$0x0], $0xffff;
	v12 =	vmul.f32 v63, v22;
	v7 =	vmul.f32 v27, v26;
	v27 =	vadd.f32 v28, v52;
	v22 =	vpop (erf)  }
0x4c5: {  	v13 =	vadd.f32 v24, v13;
	v14 =	vsub.f32 v14, v54;
	v26 =	vld.idx.msk [tilespmem:v45+s7+$0x0], $0xffff;
	v22 =	vmul.f32 v22, v23  }
0x4c6: {  	v28 =	vld.idx.msk [tilespmem:v43+s6+$0x0], $0xffff;
	v23 =	vmul.f32 $5.000000000e-01, v25;
	v12 =	vadd.f32 v12, v57;
	v25 =	vmul.f32 $5.000000000e-01, v27  }
0x4c7: {  	v14 =	vmul.f32 v14, v14;
	v7 =	vadd.f32 v7, v50;
	v2 =	vadd.f32 v22, v2  }
0x4c8: {  	v15 =	vmul.f32 $5.000000000e-01, v15;
	v22 =	vsub.f32 v23, v31;
	v23 =	vsub.f32 v25, v62  }
0x4c9: {  	(xrf2) =	vadd.scan.msk.f32 $0xffff, v49;
	v24 =	vld.idx.msk [tilespmem:v41+s6+$0x0], $0xffff;
	v9 =	vadd.f32 v14, v9;
	v7 =	vmul.f32 $5.000000000e-01, v7;
	v2 =	vmul.f32 $5.000000000e-01, v2  }
0x4ca: {  	v31, _, _ =	vpop (xrf2);
	(xrf2) =	vadd.scan.msk.f32 $0xffff, v8;
	v22 =	vmul.f32 v22, v22;
	v8 =	vsub.f32 v15, v26;
	v51 =	vmul.f32 v23, v23  }
0x4cb: {  	v12 =	vmul.f32 $5.000000000e-01, v12;
	v7 =	vsub.f32 v7, v20;
	v2 =	vsub.f32 v2, v28  }
0x4cc: {  	v15 =	vld.idx.msk [tilespmem:v41+s7+$0x0], $0xffff;
	v9 =	vadd.f32 v22, v9;
	v8 =	vmul.f32 v8, v8;
	v4 =	vadd.f32 v51, v4  }
0x4cd: {  	v20 =	vmul.f32 v10, v10;
	v2 =	vmul.f32 v2, v2  }
0x4ce: {  	v7 =	vmul.f32 v7, v7;
	v9 =	vmul.f32 v9, v37;
	v4 =	vadd.f32 v8, v4  }
0x4cf: {  	v43, _, _ =	vpop (xrf2);
	(xrf2) =	vadd.scan.msk.f32 $0xffff, v6;
	v8 =	vmul.f32 $5.000000000e-01, v13;
	v0 =	vadd.f32 v2, v0;
	v2 =	vsub.f32 v12, v24  }
0x4d0: {  	v52, _, _ =	vpop (xrf2);
	v1 =	vadd.f32 v20, v1;
	(xrf2) =	vadd.scan.msk.f32 $0xffff, v9  }
0x4d1: {  	s31 =	spop (v2sf);
	v9 =	vld.idx.msk [tilespmem:v55+s3+$0x0], $0xffff;
	v0 =	vadd.f32 v7, v0;
	v7 =	vsub.f32 v8, v15;
	v2 =	vmul.f32 v2, v2  }
0x4d2: {  	s16 =	spop (v2sf);
	v23 =	vimm.s32 $0x1;
	v4 =	vmul.f32 v4, v47  }
0x4d3: {  	s17 =	spop (v2sf);
	v0 =	vmul.f32 v0, v40;
	v7 =	vmul.f32 v7, v7;
	v1 =	vadd.f32 v2, v1  }
0x4d4: {  	s18 =	spop (v2sf);
	s11 =	sadd.s32 $0x980, s11;
	v10, _, _ =	vpop (xrf2);
	v56 =	vshll.u32 v23, v36;
	v22 =	vshll.u32 v23, v34;
	(xrf2) =	vadd.scan.msk.f32 $0xffff, v4  }
0x4d5: {  	s19 =	spop (v2sf);
	v15 =	vshll.u32 v23, v35;
	v23 =	vshll.u32 v23, v33;
	v57, _, _ =	vpop (xrf2);
	v4 =	vld [tilespmem:s11+$0xE0];
	v1 =	vadd.f32 v7, v1;
	(xrf2) =	vadd.scan.msk.f32 $0xffff, v0  }
0x4d6: {  	s20 =	spop (v2sf);
	v58 =	vnsel vm7, $0x0, v15;
	v15 =	vld.idx.msk [tilespmem:v44+s3+$0x0], $0xffff;
	v2 =	vnsel vm8, $0x0, v56;
	v7 =	vsub.f32 v32, v9  }
0x4d7: {  	s21 =	spop (v2sf);
	v19 =	vor.u32 v19, v2;
	v2 =	vnsel vm5, $0x0, v23;
	v59 =	vmul.f32 v1, v38  }
0x4d8: {  	s22 =	spop (v2sf);
	v6 =	vld [tilespmem:s11+$0x110];
	v3 =	vor.u32 v3, v2;
	v2 =	vmul.f32 v7, v7  }
0x4d9: {  	s23 =	spop (v2sf);
	v9, _, _ =	vpop (xrf2);
	(xrf2) =	vadd.scan.msk.f32 $0xffff, v59  }
0x4da: {  	s24 =	spop (v2sf);
	v0 =	vld [tilespmem:s11+$0x60];
	v60 =	vmul.f32 v2, v40  }
0x4db: {  	s25 =	spop (v2sf);
	v26 =	vmax.f32 v4, $0.0e+00;
	v4 =	vsub.f32 v21, v15  }
0x4dc: {  	s26 =	spop (v2sf);
	v1, _, _ =	vpop (xrf2);
	(xrf2) =	vadd.scan.msk.f32 $0xffff, v60  }
0x4dd: {  	s28 =	spop (v2sf);
	v27 =	vmax.f32 v6, $0.0e+00;
	v6 =	vld.idx.msk [tilespmem:v39+s5+$0x0], $0xffff  }
0x4de: {  	s29 =	spop (v2sf);
	v54 =	vld [tilespmem:s11+$0x90];
	v61 =	vmul.f32 v4, v4;
	v2, _, _ =	vpop (xrf2)  }
0x4df: {  	s30 =	spop (v2sf);
	v53 =	vld [tilespmem:s11+$0x100];
	(v2sf) =	vpush v31, $0xF;
	v23 =	vmax.f32 v0, $0.0e+00;
	v0 =	vshrl.u32 v27, $0x1;
	v4, _, _ =	vpop (xrf2)  }
0x4e0: {  	v20 =	vld [tilespmem:s11+$0xF0];
	v44 =	vadd.s32 $0x1FBD1DF5, v0;
	v0 =	vmul.f32 v61, v38;
	(v2sf) =	vpush v4, $0xF  }
0x4e1: {  	v8 =	vld [tilespmem:s11+$0x80];
	(v2sf) =	vpush v30, $0xF  }
0x4e2: {  	(xrf2) =	vadd.scan.msk.f32 $0xffff, v0;
	v0 =	vmul.f32 v6, v37;
	(v2sf) =	vpush v2, $0xF  }
0x4e3: {  	v29 =	vmax.f32 v54, $0.0e+00;
	v22 =	vnsel vm6, $0x0, v22;
	(v2sf) =	vpush v46, $0xF;
	v4, _, _ =	vpop (xrf2)  }
0x4e4: {  	v18 =	vor.u32 v18, v22;
	v24 =	vmax.f32 v53, $0.0e+00;
	(v2sf) =	vpush v4, $0xF  }
0x4e5: {  	s12 =	sadd.f32 s15, s12;
	v28 =	vld [tilespmem:s11+$0x70];
	v25 =	vmax.f32 v20, $0.0e+00;
	(erf) = vrcp.f32 v44;
	(v2sf) =	vpush v42, $0xF  }
0x4e6: {  	s13 =	sadd.f32 s31, s13;
	v31 =	vld [tilespmem:s11+$0xFFFFFEF0];
	v22 =	vmax.f32 v8, $0.0e+00;
	v7 =	vshrl.u32 v24, $0x1;
	(xrf2) =	vadd.scan.msk.f32 $0xffff, v0;
	v0, _, _ =	vpop (xrf2);
	(v2sf) =	vpush v1, $0xF  }
0x4e7: {  	s12 =	sadd.f32 s16, s12;
	v8 =	vshrl.u32 v29, $0x1;
	v34 =	vadd.s32 $0x1FBD1DF5, v7;
	(v2sf) =	vpush v0, $0xF;
	v0 =	vld [tilespmem:$0x1FFD0]  }
0x4e8: {  	s13 =	sadd.f32 s17, s13;
	v62 =	vshrl.u32 v25, $0x1;
	v33 =	vadd.s32 $0x1FBD1DF5, v8;
	v21 =	vld [tilespmem:s11+$0xFFFFFF00];
	(erf) = vrcp.f32 v34  }
0x4e9: {  	s12 =	sadd.f32 s18, s12;
	v36 =	vadd.s32 $0x1FBD1DF5, v62;
	v63 =	vshrl.u32 v22, $0x1;
	(erf) = vrcp.f32 v33  }
0x4ea: {  	s13 =	sadd.f32 s19, s13;
	v28 =	vmax.f32 v28, $0.0e+00;
	v35 =	vadd.s32 $0x1FBD1DF5, v63;
	(erf) = vrcp.f32 v36;
	v4 =	vld [tilespmem:$0x1FFF0]  }
0x4eb: {  	s31 =	sshll.u32 s14, $0x7;
	s12 =	sadd.f32 s20, s12;
	vm9 =	vlt.f32 v31, $0.0e+00;
	(erf) = vrcp.f32 v35;
	v2 =	vshrl.u32 v28, $0x1  }
0x4ec: {  	s13 =	sadd.f32 s21, s13;
	v17 =	vor.u32 v17, v58;
	v7 =	vshrl.u32 v26, $0x1;
	v39 =	vor.u32 s31, v0;
	v0 =	vld [tilespmem:$0x1FFE0]  }
0x4ed: {  	s10 =	sadd.f32 s22, s10;
	v45 =	vadd.s32 $0x1FBD1DF5, v7;
	vm6 =	vlt.f32 v21, $0.0e+00;
	v6 =	vshrl.u32 v23, $0x1;
	v30 =	vld [tilespmem:s11+$0xFFFFFF10]  }
0x4ee: {  	s9 =	sadd.f32 s23, s9;
	vm8 =	vgt.f32 v21, $0.0e+00;
	v41 =	vadd.s32 $0x1FBD1DF5, v6;
	v40 =	vadd.s32 $0x1FBD1DF5, v2;
	v2 =	vpop (erf)  }
0x4ef: {  	p0 =	sne.s32 s14, $0x9;
	s10 =	sadd.f32 s24, s10;
	v6 =	vmov s31;
	(v2sf) =	vpush v10, $0xF;
	v38 =	vor.u32 s31, v4;
	v4, _, _ =	vpop (xrf2)  }
.Ltmp11:
0x4f0: {  	s9 =	sadd.f32 s25, s9;
	(erf) = vrcp.f32 v45;
	v37 =	vor.u32 $0x30, v6;
	(v2sf) =	vpush v9, $0xF;
	v32, _, _ =	vpop (xrf2);
	(pc) =	sbr.rel @p0 .LBB2_18-.Ltmp11, $4  }
0x4f1: {  	s10 =	sadd.f32 s26, s10;
	(erf) = vrcp.f32 v40;
	(v2sf) =	vpush v52, $0xF;
	v42 =	vor.u32 s31, v0;
	v0 =	vpop (erf)  }
0x4f2: {  	s9 =	sadd.f32 s28, s9;
	(erf) = vrcp.f32 v41;
	vm5 =	vlt.f32 v30, $0.0e+00;
	(v2sf) =	vpush v4, $0xF;
	v1 =	vpop (erf)  }
0x4f3: {  	s10 =	sadd.f32 s29, s10;
	vm7 =	vgt.f32 v30, $0.0e+00;
	v50 =	vmul.f32 v2, v27;
	(v2sf) =	vpush v43, $0xF;
	v48 =	vpop (erf)  }
0x4f4: {  	s14 =	sadd.s32 $0x1, s14;
	s9 =	sadd.f32 s30, s9;
	(v2sf) =	vpush v57, $0xF;
	v49 =	vmul.f32 v0, v24;
	v43 =	vmul.f32 v1, v29;
	v46 =	vpop (erf)  }
0x4f5: {  	_ =	sdelay $0x1  }
0x4f6: {  	v1 =	vadd.f32 v44, v50;
	v6 =	vadd.f32 v34, v49  }
0x4f7: {  	v0 =	vmul.f32 v48, v25;
	v4 =	vmul.f32 v46, v22;
	v8 =	vadd.f32 v33, v43  }
0x4f8: {  	v1 =	vmul.f32 $5.000000000e-01, v1;
	v6 =	vmul.f32 $5.000000000e-01, v6;
	v2 =	vpop (erf)  }
0x4f9: {  	v0 =	vadd.f32 v36, v0;
	v8 =	vmul.f32 $5.000000000e-01, v8;
	v2 =	vmul.f32 v2, v26;
	v7 =	vpop (erf)  }
0x4fa: {  	v10 =	vld.idx.msk [tilespmem:v42+s4+$0x0], $0xffff;
	v4 =	vadd.f32 v35, v4;
	(erf) = vrcp.f32 v1;
	v7 =	vmul.f32 v7, v28  }
0x4fb: {  	v12 =	vld.idx.msk [tilespmem:v39+s4+$0x0], $0xffff;
	v0 =	vmul.f32 $5.000000000e-01, v0;
	(erf) = vrcp.f32 v6;
	v2 =	vadd.f32 v45, v2  }
0x4fc: {  	s8 =	sadd.s32 $0x80, s8;
	v5 =	vld [tilespmem:$0x1FF40];
	v4 =	vmul.f32 $5.000000000e-01, v4;
	v9 =	vpop (erf);
	(erf) = vrcp.f32 v8;
	v7 =	vadd.f32 v40, v7  }
0x4fd: {  	v20 =	vld [tilespmem:s8+$0xFFFFFFF0];
	(erf) = vrcp.f32 v0;
	v2 =	vmul.f32 $5.000000000e-01, v2  }
0x4fe: {  	v33 =	vld [tilespmem:s11+$0xFFFFFEE0];
	(erf) = vrcp.f32 v4;
	v7 =	vmul.f32 $5.000000000e-01, v7  }
0x4ff: {  	v14 =	vld [tilespmem:s8+$0x10];
	v9 =	vmul.f32 v9, v23;
	(erf) = vrcp.f32 v2  }
0x500: {  	vm12 =	vgt.f32 v31, $0.0e+00;
	v15 =	vld [tilespmem:s8+$0x0];
	v10 =	vmul.u32 $0x980, v10;
	(erf) = vrcp.f32 v7  }
0x501: {  	vm5 =	vmor vm7, vm5;
	vm6 =	vmor vm8, vm6;
	v34 =	vld [tilespmem:s8+$0xFFFFFFE0];
	v9 =	vadd.f32 v41, v9  }
0x502: {  	v53 =	vshll.u32 v20, $0x7;
	v55 =	vadd.s32 v5, v10;
	v5 =	vld [tilespmem:$0x1FF50];
	v41 =	vmul.u32 $0x980, v20  }
0x503: {  	vm7 =	vmor vm12, vm9;
	v39 =	vor.u32 v11, v53;
	v9 =	vmul.f32 $5.000000000e-01, v9;
	v13 =	vpop (erf)  }
0x504: {  	v12 =	vmul.u32 $0x980, v12;
	vm10 =	vlt.f32 v33, $0.0e+00;
	v11 =	vor.u32 v11, v41;
	v56 =	vpop (erf)  }
0x505: {  	vm11 =	vgt.f32 v33, $0.0e+00;
	v35 =	vshll.u32 v14, $0x7;
	(erf) = vrcp.f32 v9;
	v63 =	vpop (erf)  }
0x506: {  	v57 =	vshll.u32 v15, $0x7;
	v52 =	vshll.u32 v34, $0x7;
	v13 =	vmul.f32 v13, v27;
	v54 =	vpop (erf)  }
0x507: {  	v47 =	vadd.s32 v5, v12;
	v5 =	vld [tilespmem:$0x1FF60];
	v36 =	vmul.f32 v56, v24;
	v42 =	vmul.f32 v63, v29;
	v58 =	vpop (erf)  }
0x508: {  	vm15 =	vmor vm11, vm10;
	v1 =	vadd.f32 v13, v1;
	v63 =	vld.idx.msk [tilespmem:v39+s5+$0x0], $0xffff;
	v45 =	vmul.f32 v54, v25;
	v59 =	vpop (erf)  }
0x509: {  	v11 =	vld.idx.msk [tilespmem:v11+s3+$0x0], $0xffff;
	v6 =	vadd.f32 v36, v6;
	v48 =	vmul.f32 v58, v22;
	v8 =	vadd.f32 v42, v8;
	v60 =	vpop (erf)  }
0x50a: {  	v1 =	vmul.f32 $5.000000000e-01, v1;
	v0 =	vadd.f32 v45, v0;
	v36 =	vmul.f32 v60, v28;
	v60 =	vld [tilespmem:$0x1FFC0]  }
0x50b: {  	v54 =	vld [tilespmem:$0x1FF80];
	v45 =	vmul.f32 $5.000000000e-01, v6;
	v4 =	vadd.f32 v48, v4;
	v48 =	vmul.f32 $5.000000000e-01, v8  }
0x50c: {  	v40 =	vmul.u32 $0x980, v14;
	v58 =	vld [tilespmem:$0x1FF70];
	(erf) = vrcp.f32 v1;
	v13 =	vmul.f32 v59, v26  }
0x50d: {  	v6 =	vld [tilespmem:s11+$0xFFFFFF80];
	v0 =	vmul.f32 $5.000000000e-01, v0;
	(erf) = vrcp.f32 v45;
	v59 =	vlaneseq.u32  }
0x50e: {  	v61 =	vpop (erf);
	v49 =	vmul.f32 $5.000000000e-01, v4;
	(erf) = vrcp.f32 v48;
	v4 =	vld.idx.msk [tilespmem:v38+s4+$0x0], $0xffff;
	v2 =	vadd.f32 v13, v2  }
0x50f: {  	v8 =	vld [tilespmem:s11+$0xFFFFFF70];
	v42 =	vmul.f32 v61, v23;
	v7 =	vadd.f32 v36, v7;
	v36 =	vor.u32 v60, v57  }
0x510: {  	v38 =	vor.u32 v59, v52;
	(erf) = vrcp.f32 v0;
	v61 =	vld [tilespmem:$0x1FF90];
	v2 =	vmul.f32 $5.000000000e-01, v2  }
0x511: {  	(erf) = vrcp.f32 v49;
	v9 =	vadd.f32 v42, v9;
	v42 =	vld.idx.msk [tilespmem:v47+s3+$0x0], $0xffff;
	v44 =	vmul.f32 $5.000000000e-01, v7  }
0x512: {  	v12 =	vadd.s32 v5, v12;
	v11 =	vsub.f32 v31, v11;
	v7 =	vld.idx.msk [tilespmem:v37+s4+$0x0], $0xffff;
	(erf) = vrcp.f32 v2  }
0x513: {  	v5 =	vimm.f32 $0.0e+00;
	v37 =	vld.idx.msk [tilespmem:v55+s3+$0x0], $0xffff;
	v62 =	vmul.u32 $0x980, v4;
	(erf) = vrcp.f32 v44  }
0x514: {  	v13 =	vsel vm15, $0x3F800000, v5;
	v11 =	vmul.f32 v11, v11;
	v43 =	vmul.f32 $5.000000000e-01, v9;
	v46 =	vld.idx.msk [tilespmem:v36+s5+$0x0], $0xffff  }
0x515: {  	v9 =	vor.u32 v16, v35;
	v41 =	vadd.s32 v58, v62;
	v47 =	vadd.s32 v54, v62;
	v62 =	vld [tilespmem:$0x1FFA0]  }
0x516: {  	v35 =	vsel vm7, $0x3F800000, v5;
	v4 =	vsel vm6, $0x3F800000, v5;
	v52 =	vld.idx.msk [tilespmem:v38+s5+$0x0], $0xffff;
	(erf) = vrcp.f32 v43;
	v51 =	vpop (erf)  }
0x517: {  	v16 =	vor.u32 v16, v40;
	v40 =	vpop (erf);
	v51 =	vmul.f32 v51, v27;
	v7 =	vmul.u32 $0x980, v7  }
0x518: {  	v42 =	vsub.f32 v8, v42;
	v53 =	vpop (erf);
	v37 =	vsub.f32 v6, v37;
	v40 =	vmul.f32 v40, v24  }
0x519: {  	v57 =	vld [tilespmem:$0x1FFB0];
	v55 =	vpop (erf);
	v1 =	vadd.f32 v51, v1;
	v54 =	vadd.s32 v61, v7;
	v6 =	vmul.f32 v46, v4  }
0x51a: {  	v56 =	vpop (erf);
	v46 =	vadd.s32 v62, v7;
	v7 =	vmul.f32 v63, v35;
	v63 =	vmul.f32 v53, v29  }
0x51b: {  	v12 =	vld.idx.msk [tilespmem:v12+s3+$0x0], $0xffff;
	v8 =	vmul.f32 v52, v13;
	v55 =	vmul.f32 v55, v25;
	v40 =	vadd.f32 v40, v45;
	v61 =	vpop (erf)  }
0x51c: {  	v58 =	vld [tilespmem:s11+$0xFFFFFF90];
	v56 =	vmul.f32 v56, v22;
	v1 =	vmul.f32 $5.000000000e-01, v1;
	v62 =	vpop (erf);
	v48 =	vadd.f32 v63, v48  }
0x51d: {  	v51 =	vld [tilespmem:s11+$0xFFFFFF60];
	v0 =	vadd.f32 v55, v0;
	v40 =	vmul.f32 $5.000000000e-01, v40;
	v63 =	vmul.f32 v62, v28  }
0x51e: {  	v10 =	vadd.s32 v57, v10;
	v41 =	vld.idx.msk [tilespmem:v41+s3+$0x0], $0xffff;
	(erf) = vrcp.f32 v1;
	v48 =	vmul.f32 $5.000000000e-01, v48  }
0x51f: {  	v47 =	vld.idx.msk [tilespmem:v47+s3+$0x0], $0xffff;
	v53 =	vmul.f32 v61, v26;
	v0 =	vmul.f32 $5.000000000e-01, v0;
	v62 =	vpop (erf);
	v44 =	vadd.f32 v63, v44  }
0x520: {  	v49 =	vadd.f32 v56, v49;
	v61 =	vld [tilespmem:s11+$0xFFFFFFE0];
	v55 =	vmul.f32 v62, v23;
	(erf) = vrcp.f32 v48  }
0x521: {  	v57 =	vld [tilespmem:s11+$0xFFFFFFF0];
	v2 =	vadd.f32 v53, v2;
	v44 =	vmul.f32 $5.000000000e-01, v44;
	(erf) = vrcp.f32 v40  }
0x522: {  	v54 =	vld.idx.msk [tilespmem:v54+s3+$0x0], $0xffff;
	v49 =	vmul.f32 $5.000000000e-01, v49;
	v43 =	vadd.f32 v55, v43;
	(erf) = vrcp.f32 v0  }
0x523: {  	v52 =	vld [tilespmem:s11+$0x10];
	v2 =	vmul.f32 $5.000000000e-01, v2;
	(erf) = vrcp.f32 v44  }
0x524: {  	v16 =	vld.idx.msk [tilespmem:v16+s3+$0x0], $0xffff;
	v43 =	vmul.f32 $5.000000000e-01, v43;
	(erf) = vrcp.f32 v49  }
0x525: {  	v41 =	vsub.f32 v51, v41;
	v46 =	vld.idx.msk [tilespmem:v46+s3+$0x0], $0xffff;
	v45 =	vsub.f32 v61, v47;
	(erf) = vrcp.f32 v2  }
0x526: {  	v12 =	vsub.f32 v57, v12;
	v63 =	vmul.u32 $0x980, v34;
	(erf) = vrcp.f32 v43  }
0x527: {  	v41 =	vmul.f32 v41, v41;
	v57 =	vsub.f32 v58, v54;
	v58 =	vmul.f32 v45, v45  }
0x528: {  	v50 =	vmul.u32 $0x980, v15;
	v11 =	vmul.f32 v11, v35;
	v42 =	vmul.f32 v42, v42;
	v10 =	vld.idx.msk [tilespmem:v10+s3+$0x0], $0xffff;
	v61 =	vpop (erf)  }
0x529: {  	v16 =	vsub.f32 v30, v16;
	v12 =	vmul.f32 v12, v12;
	v47 =	vld [tilespmem:s11+$0x0];
	v30 =	vadd.f32 v58, v41;
	v62 =	vpop (erf)  }
0x52a: {  	v58 =	vmul.f32 v61, v27;
	v46 =	vsub.f32 v52, v46;
	v52 =	vor.u32 v59, v63;
	v63 =	vpop (erf)  }
0x52b: {  	v5 =	vsel vm5, $0x3F800000, v5;
	v16 =	vmul.f32 v16, v16;
	v55 =	vmul.f32 v62, v29;
	v56 =	vpop (erf)  }
0x52c: {  	v37 =	vmul.f32 v37, v37;
	v45 =	vmul.f32 v57, v57;
	v1 =	vadd.f32 v58, v1;
	v57 =	vpop (erf)  }
0x52d: {  	v12 =	vadd.f32 v12, v42;
	v16 =	vmul.f32 v16, v5;
	v46 =	vmul.f32 v46, v46;
	v61 =	vpop (erf)  }
0x52e: {  	v10 =	vsub.f32 v47, v10;
	v1 =	vmul.f32 $5.000000000e-01, v1;
	v62 =	vld.idx.msk [tilespmem:v9+s7+$0x0], $0xffff;
	v63 =	vmul.f32 v63, v24;
	v51 =	vpop (erf)  }
0x52f: {  	v47 =	vld.idx.msk [tilespmem:v9+s6+$0x0], $0xffff;
	v45 =	vadd.f32 v46, v45;
	v29 =	vadd.f32 v55, v48;
	v59 =	vmul.f32 v57, v28;
	v55 =	vpop (erf)  }
0x530: {  	v53 =	vld.idx.msk [tilespmem:v39+s6+$0x0], $0xffff;
	v48 =	vmul.f32 v56, v25;
	v24 =	vadd.f32 v63, v40;
	v57 =	vmul.f32 v55, v23  }
0x531: {  	v58 =	vld.idx.msk [tilespmem:v38+s6+$0x0], $0xffff;
	v29 =	vmul.f32 $5.000000000e-01, v29;
	v56 =	vmul.f32 v61, v22;
	v28 =	vadd.f32 v59, v44  }
0x532: {  	v39 =	vld.idx.msk [tilespmem:v39+s7+$0x0], $0xffff;
	v0 =	vadd.f32 v48, v0;
	v54 =	vmul.f32 v51, v26;
	v23 =	vadd.f32 v57, v43  }
0x533: {  	(xrf2) =	vadd.scan.msk.f32 $0xffff, v5;
	v61 =	vld.idx.msk [tilespmem:v38+s7+$0x0], $0xffff;
	v1 =	vsub.f32 v1, v62;
	v31 =	vmul.f32 $5.000000000e-01, v24;
	v59 =	vmul.f32 $5.000000000e-01, v28  }
0x534: {  	(xrf2) =	vadd.scan.msk.f32 $0xffff, v4;
	v29 =	vsub.f32 v29, v47;
	v2 =	vadd.f32 v54, v2;
	v23 =	vmul.f32 $5.000000000e-01, v23  }
0x535: {  	(xrf2) =	vadd.scan.msk.f32 $0xffff, v35;
	v0 =	vmul.f32 $5.000000000e-01, v0;
	v22 =	vadd.f32 v56, v49;
	v25 =	vsub.f32 v59, v53  }
0x536: {  	(xrf2) =	vadd.scan.msk.f32 $0xffff, v13;
	v62 =	vld.idx.msk [tilespmem:v36+s6+$0x0], $0xffff;
	v29 =	vmul.f32 v29, v29;
	v2 =	vmul.f32 $5.000000000e-01, v2;
	v23 =	vsub.f32 v23, v58  }
0x537: {  	v63 =	vld.idx.msk [tilespmem:v36+s7+$0x0], $0xffff;
	v1 =	vmul.f32 v1, v1;
	v0 =	vsub.f32 v0, v39;
	v25 =	vmul.f32 v25, v25  }
0x538: {  	(xrf2) =	vadd.scan.msk.f32 $0xffff, v6;
	v29 =	vadd.f32 v29, v45;
	v2 =	vsub.f32 v2, v61;
	v23 =	vmul.f32 v23, v23  }
0x539: {  	(xrf2) =	vadd.scan.msk.f32 $0xffff, v7;
	v22 =	vmul.f32 $5.000000000e-01, v22;
	v0 =	vmul.f32 v0, v0;
	v6 =	vadd.f32 v25, v12  }
0x53a: {  	(xrf2) =	vadd.scan.msk.f32 $0xffff, v8;
	v1 =	vadd.f32 v1, v29;
	v2 =	vmul.f32 v2, v2;
	v7 =	vadd.f32 v23, v30  }
0x53b: {  	(xrf2) =	vadd.scan.msk.f32 $0xffff, v16;
	v10 =	vmul.f32 v10, v10;
	v22 =	vsub.f32 v22, v62;
	v0 =	vadd.f32 v0, v6  }
0x53c: {  	(xrf2) =	vadd.scan.msk.f32 $0xffff, v11;
	v1 =	vmul.f32 v1, v5;
	v2 =	vadd.f32 v2, v7;
	v7 =	vsub.f32 v31, v63  }
0x53d: {  	v11 =	vld.idx.msk [tilespmem:v52+s3+$0x0], $0xffff;
	v8 =	vmul.f32 v22, v22;
	v6 =	vadd.f32 v10, v37;
	v0 =	vmul.f32 v0, v35  }
0x53e: {  	v10 =	vor.u32 v60, v50;
	(xrf2) =	vadd.scan.msk.f32 $0xffff, v1;
	v1 =	vmul.f32 v2, v13  }
0x53f: {  	v6 =	vadd.f32 v8, v6;
	v2 =	vmul.f32 v7, v7  }
0x540: {  	v7, _, _ =	vpop (xrf2);
	(xrf2) =	vadd.scan.msk.f32 $0xffff, v0  }
0x541: {  	v2 =	vadd.f32 v2, v6;
	v0, _, _ =	vpop (xrf2);
	(xrf2) =	vadd.scan.msk.f32 $0xffff, v1  }
0x542: {  	v8 =	vsub.f32 v33, v11;
	v1, _, _ =	vpop (xrf2)  }
0x543: {  	v10 =	vld.idx.msk [tilespmem:v10+s3+$0x0], $0xffff;
	v2 =	vmul.f32 v2, v4;
	v6, _, _ =	vpop (xrf2)  }
0x544: {  	v8 =	vmul.f32 v8, v8;
	v11, _, _ =	vpop (xrf2)  }
0x545: {  	(xrf2) =	vadd.scan.msk.f32 $0xffff, v2;
	v35, _, _ =	vpop (xrf2)  }
0x546: {  	v2 =	vmul.f32 v8, v13;
	v36, _, _ =	vpop (xrf2)  }
0x547: {  	v37, _, _ =	vpop (xrf2)  }
0x548: {  	v10 =	vsub.f32 v21, v10;
	(xrf2) =	vadd.scan.msk.f32 $0xffff, v2;
	v8, _, _ =	vpop (xrf2)  }
0x549: {  	s29 =	simm.s32 $0x6020;
	v9 =	vld.idx.msk [tilespmem:v9+s5+$0x0], $0xffff;
	v38, _, _ =	vpop (xrf2)  }
0x54a: {  	s28 =	simm.s32 $0x20;
	(v2sf) =	vpush v32, $0xF;
	v42 =	vld [tilespmem:s29+$0xFFFFFFE0];
	v40 =	vimm.s32 $0x1;
	v10 =	vmul.f32 v10, v10;
	v2, _, _ =	vpop (xrf2)  }
0x54b: {  	v41 =	vshll.u32 v40, v34;
	v39 =	vld [tilespmem:s28+$0xFFFFFFE0];
	(v2sf) =	vpush v6, $0xF;
	v6, _, _ =	vpop (xrf2)  }
0x54c: {  	v20 =	vshll.u32 v40, v20;
	v4 =	vmul.f32 v10, v4;
	v10 =	vld [tilespmem:s29+$0xFFFFFFF0];
	(v2sf) =	vpush v6, $0xF  }
0x54d: {  	v15 =	vshll.u32 v40, v15;
	v20 =	vnsel vm7, $0x0, v20;
	v6 =	vld [tilespmem:s28+$0xFFFFFFF0];
	(v2sf) =	vpush v1, $0xF  }
0x54e: {  	s30 =	spop (v2sf);
	v15 =	vnsel vm6, $0x0, v15;
	v9 =	vmul.f32 v9, v5;
	(v2sf) =	vpush v2, $0xF  }
0x54f: {  	s31 =	spop (v2sf);
	s8 =	simm.s32 $0x0;
	v44 =	vld [tilespmem:s29+$0x0];
	v5 =	vor.u32 v17, v20;
	(xrf2) =	vadd.scan.msk.f32 $0xffff, v4;
	v4 =	vimm.s32 $0x1;
	(v2sf) =	vpush v0, $0xF;
	v0, _, _ =	vpop (xrf2)  }
0x550: {  	s11 =	spop (v2sf);
	v43 =	vld [tilespmem:s28+$0x0];
	v23 =	vnsel vm15, $0x0, v41;
	(v2sf) =	vpush v0, $0xF;
	v0 =	vshll.u32 v4, s8  }
0x551: {  	s14 =	spop (v2sf);
	(v2sf) =	vpush v7, $0xF;
	v7 =	vbroadcast v0, $0x0;
	v0 =	vsub.f32 v42, v39  }
0x552: {  	v1 =	vor.u32 v19, v23;
	(xrf2) =	vadd.scan.msk.f32 $0xffff, v9;
	v9, _, _ =	vpop (xrf2);
	v6 =	vsub.f32 v10, v6;
	(v2sf) =	vpush v38, $0xF  }
0x553: {  	s15 =	spop (v2sf);
	v45 =	vand.u32 v1, v7;
	v0 =	vmul.f32 v0, v0;
	(v2sf) =	vpush v9, $0xF  }
0x554: {  	v46 =	vand.u32 v5, v7;
	v6 =	vmul.f32 v6, v6;
	vm0 =	veq.s32 v45, $0x0  }
0x555: {  	s16 =	spop (v2sf);
	s5 =	sadd.f32 s30, s12;
	v47 =	vld [tilespmem:s29+$0x10];
	v9 =	vsub.f32 v44, v43;
	v0 =	vnsel vm0, $0x0, v0;
	vm0 =	veq.s32 v46, $0x0  }
0x556: {  	s18 =	simm.s32 $0x9A0;
	s17 =	spop (v2sf);
	s6 =	sadd.f32 s31, s13;
	v2 =	vor.u32 v18, v15;
	v10 =	vld [tilespmem:s28+$0x10];
	v6 =	vnsel vm0, $0x0, v6  }
0x557: {  	s20 =	simm.s32 $0x69A0;
	s19 =	spop (v2sf);
	s5 =	sadd.f32 s11, s5;
	v48 =	vld [tilespmem:s18+$0xFFFFFFE0];
	(v2sf) =	vpush v36, $0xF;
	v9 =	vmul.f32 v9, v9;
	(xrf2) =	vadd.scan.msk.f32 $0xffff, v0;
	v0 =	vand.u32 v2, v7  }
0x558: {  	s21 =	spop (v2sf);
	s6 =	sadd.f32 s14, s6;
	(v2sf) =	vpush v8, $0xF;
	v8 =	vld [tilespmem:s20+$0xFFFFFFE0];
	vm0 =	veq.s32 v0, $0x0  }
0x559: {  	s22 =	spop (v2sf);
	s5 =	sadd.f32 s15, s5;
	(v2sf) =	vpush v35, $0xF;
	(xrf2) =	vadd.scan.msk.f32 $0xffff, v6;
	v0 =	vnsel vm0, $0x0, v9;
	v9 =	vld [tilespmem:s18+$0xFFFFFFF0];
	v6, _, _ =	vpop (xrf2)  }
0x55a: {  	s25 =	simm.s32 $0x1;
	s6 =	sadd.f32 s16, s6;
	(xrf2) =	vadd.scan.msk.f32 $0xffff, v0;
	v0 =	vshll.u32 v40, v14;
	(v2sf) =	vpush v6, $0xF;
	v6 =	vld [tilespmem:s20+$0xFFFFFFF0]  }
0x55b: {  	s23 =	spop (v2sf);
	s3 =	sadd.f32 s17, s5;
	v50 =	vshll.u32 v4, s25;
	v10 =	vsub.f32 v47, v10;
	v0 =	vnsel vm5, $0x0, v0  }
0x55c: {  	s24 =	spop (v2sf);
	v52 =	vld [tilespmem:s18+$0x10];
	s8 =	sadd.f32 s22, s9;
	v0 =	vor.u32 v3, v0;
	v3 =	vbroadcast v50, $0x0  }
0x55d: {  	s26 =	spop (v2sf);
	v51 =	vld [tilespmem:s20+$0x0];
	s5 =	sadd.f32 s19, s6;
	v10 =	vmul.f32 v10, v10;
	v8 =	vsub.f32 v8, v48;
	v7 =	vand.u32 v0, v7  }
0x55e: {  	s28 =	spop (v2sf);
	s8 =	sadd.f32 s24, s8;
	(v2sf) =	vpush v11, $0xF;
	v11 =	vld [tilespmem:s18+$0x0];
	vm0 =	veq.s32 v7, $0x0;
	v7 =	vand.u32 v1, v3  }
0x55f: {  	v53 =	vld [tilespmem:s20+$0x10];
	s6 =	sadd.f32 s21, s10;
	s29 =	spop (v2sf);
	v6 =	vsub.f32 v6, v9;
	v9 =	vnsel vm0, $0x0, v10  }
0x560: {  	s30 =	spop (v2sf);
	s8 =	sadd.f32 s28, s8;
	v49, _, _ =	vpop (xrf2);
	(v2sf) =	vpush v37, $0xF;
	v8 =	vmul.f32 v8, v8;
	(xrf2) =	vadd.scan.msk.f32 $0xffff, v9  }
0x561: {  	s6 =	sadd.f32 s23, s6;
	s31 =	spop (v2sf);
	(v2sf) =	vpush v49, $0xF;
	vm0 =	veq.s32 v7, $0x0;
	v7, _, _ =	vpop (xrf2)  }
0x562: {  	s9 =	simm.s32 $0x1320;
	s7 =	sadd.f32 s30, s8;
	s8 =	spop (v2sf);
	v54 =	vand.u32 v2, v3;
	(v2sf) =	vpush v7, $0xF;
	v7 =	vnsel vm0, $0x0, v8  }
0x563: {  	s6 =	sadd.f32 s26, s6;
	v55 =	vld [tilespmem:s9+$0xFFFFFFF0];
	s11 =	spop (v2sf);
	v9 =	vand.u32 v5, v3;
	v6 =	vmul.f32 v6, v6;
	v8 =	vsub.f32 v51, v11;
	v10, _, _ =	vpop (xrf2);
	(xrf2) =	vadd.scan.msk.f32 $0xffff, v7  }
0x564: {  	s12 =	simm.s32 $0x7320;
	s13 =	spop (v2sf);
	vm0 =	veq.s32 v9, $0x0;
	v9 =	vld [tilespmem:s9+$0xFFFFFFE0];
	(v2sf) =	vpush v10, $0xF;
	v10 =	vsub.f32 v53, v52  }
0x565: {  	s6 =	sadd.f32 s29, s6;
	v3 =	vand.u32 v0, v3;
	v7 =	vld [tilespmem:s12+$0xFFFFFFE0];
	v6 =	vnsel vm0, $0x0, v6;
	v11, _, _ =	vpop (xrf2);
	v8 =	vmul.f32 v8, v8  }
0x566: {  	s3 =	sadd.f32 s31, s3;
	vm0 =	veq.s32 v54, $0x0;
	(v2sf) =	vpush v11, $0xF;
	(xrf2) =	vadd.scan.msk.f32 $0xffff, v6;
	v10 =	vmul.f32 v10, v10;
	v11 =	vld [tilespmem:s9+$0x0]  }
0x567: {  	s4 =	sadd.f32 s8, s5;
	s14 =	spop (v2sf);
	v8 =	vnsel vm0, $0x0, v8;
	vm0 =	veq.s32 v3, $0x0;
	v3 =	vld [tilespmem:s12+$0x0]  }
0x568: {  	s18 =	simm.s32 $0x2;
	s3 =	sadd.f32 s11, s3;
	s15 =	spop (v2sf);
	v6 =	vld [tilespmem:s12+$0xFFFFFFF0];
	(xrf2) =	vadd.scan.msk.f32 $0xffff, v8;
	v8 =	vnsel vm0, $0x0, v10  }
0x569: {  	s4 =	sadd.f32 s13, s4;
	s16 =	spop (v2sf);
	v10 =	vshll.u32 v4, s18;
	(xrf2) =	vadd.scan.msk.f32 $0xffff, v8  }
0x56a: {  	s3 =	sadd.f32 s14, s3;
	s17 =	spop (v2sf);
	v8 =	vbroadcast v10, $0x0;
	v7 =	vsub.f32 v7, v9;
	v56, _, _ =	vpop (xrf2)  }
0x56b: {  	s4 =	sadd.f32 s15, s4;
	s19 =	spop (v2sf);
	(v2sf) =	vpush v56, $0xF  }
0x56c: {  	s3 =	sadd.f32 s16, s3;
	s20 =	spop (v2sf);
	v57 =	vand.u32 v1, v8;
	v7 =	vmul.f32 v7, v7;
	v3 =	vsub.f32 v3, v11  }
0x56d: {  	s4 =	sadd.f32 s17, s4;
	s21 =	spop (v2sf);
	v9 =	vld [tilespmem:s9+$0x10];
	v6 =	vsub.f32 v6, v55;
	vm0 =	veq.s32 v57, $0x0;
	v11 =	vand.u32 v5, v8;
	v58, _, _ =	vpop (xrf2)  }
0x56e: {  	s5 =	sadd.f32 s19, s6;
	s22 =	spop (v2sf);
	v10 =	vld [tilespmem:s12+$0x10];
	v59 =	vnsel vm0, $0x0, v7;
	v3 =	vmul.f32 v3, v3;
	(v2sf) =	vpush v58, $0xF  }
0x56f: {  	s8 =	simm.s32 $0x7CA0;
	s6 =	sadd.f32 s20, s7;
	s23 =	spop (v2sf);
	v6 =	vmul.f32 v6, v6;
	(xrf2) =	vadd.scan.msk.f32 $0xffff, v59  }
0x570: {  	v61 =	vld [tilespmem:s8+$0xFFFFFFE0];
	s7 =	simm.s32 $0x1CA0;
	s5 =	sadd.f32 s21, s5;
	s24 =	spop (v2sf);
	v7 =	vand.u32 v2, v8;
	vm0 =	veq.s32 v11, $0x0;
	v11, _, _ =	vpop (xrf2)  }
0x571: {  	v60 =	vld [tilespmem:s7+$0xFFFFFFE0];
	s6 =	sadd.f32 s22, s6;
	s25 =	spop (v2sf);
	vm1 =	veq.s32 v7, $0x0;
	v6 =	vnsel vm0, $0x0, v6;
	(v2sf) =	vpush v11, $0xF  }
0x572: {  	s5 =	sadd.f32 s23, s5;
	v7 =	vld [tilespmem:s7+$0xFFFFFFF0];
	(xrf2) =	vadd.scan.msk.f32 $0xffff, v6;
	v11 =	vnsel vm1, $0x0, v3;
	v3, _, _ =	vpop (xrf2)  }
0x573: {  	s29 =	simm.s32 $0x3;
	s6 =	sadd.f32 s24, s6;
	s26 =	spop (v2sf);
	v10 =	vsub.f32 v10, v9;
	v9 =	vld [tilespmem:s8+$0xFFFFFFF0];
	(v2sf) =	vpush v3, $0xF;
	v63, _, _ =	vpop (xrf2)  }
0x574: {  	s28 =	simm.f32 $0.0e+00;
	v8 =	vand.u32 v0, v8;
	s5 =	sadd.f32 s25, s5;
	s30 =	spop (v2sf);
	(v2sf) =	vpush v63, $0xF  }
0x575: {  	v62 =	vshll.u32 v4, s29;
	vm0 =	veq.s32 v8, $0x0;
	v8 =	vld [tilespmem:s8+$0x0];
	v10 =	vmul.f32 v10, v10;
	s10 =	sadd.f32 s30, s28;
	(xrf2) =	vadd.scan.msk.f32 $0xffff, v11  }
0x576: {  	s6 =	sadd.f32 s26, s6;
	v6 =	vld [tilespmem:s7+$0x0];
	s31 =	spop (v2sf);
	v3 =	vbroadcast v62, $0x0;
	v11 =	vsub.f32 v61, v60  }
0x577: {  	s9 =	simm.s32 $0x4;
	v10 =	vnsel vm0, $0x0, v10;
	s10 =	sadd.f32 s31, s10;
	s11 =	spop (v2sf)  }
.LBB2_20:
0x578: {  	p0 =	sne.s32 s9, $0x9;
	v12 =	vand.u32 v1, v3;
	v11 =	vmul.f32 v11, v11;
	v7 =	vsub.f32 v9, v7;
	v9 =	vld [tilespmem:s7+$0x10];
	(xrf2) =	vadd.scan.msk.f32 $0xffff, v10;
	s12 =	smov.u32 s9;
	s9 =	sadd.s32 $0x1, s9  }
0x579: {  	v10 =	vand.u32 v5, v3;
	s10 =	sadd.f32 s11, s10;
	vm0 =	veq.s32 v12, $0x0;
	v12 =	vld [tilespmem:s8+$0x10];
	v13, _, _ =	vpop (xrf2)  }
0x57a: {  	v11 =	vnsel vm0, $0x0, v11;
	v14 =	vmul.f32 v7, v7;
	(v2sf) =	vpush v13, $0xF;
	s11 =	spop (v2sf)  }
0x57b: {  	s7 =	sadd.s32 $0x980, s7;
	vm0 =	veq.s32 v10, $0x0;
	v6 =	vsub.f32 v8, v6;
	(xrf2) =	vadd.scan.msk.f32 $0xffff, v11;
	s10 =	sadd.f32 s11, s10  }
0x57c: {  	s8 =	sadd.s32 $0x980, s8;
	v10 =	vld [tilespmem:s7+$0xFFFFFFE0];
	v8 =	vnsel vm0, $0x0, v14;
	v7, _, _ =	vpop (xrf2)  }
0x57d: {  	v13 =	vand.u32 v2, v3;
	v6 =	vmul.f32 v6, v6;
	v11 =	vld [tilespmem:s8+$0xFFFFFFE0];
	(v2sf) =	vpush v7, $0xF;
	s11 =	spop (v2sf)  }
0x57e: {  	vm0 =	veq.s32 v13, $0x0;
	v7 =	vld [tilespmem:s7+$0xFFFFFFF0];
	v12 =	vsub.f32 v12, v9;
	(xrf2) =	vadd.scan.msk.f32 $0xffff, v8;
	s10 =	sadd.f32 s11, s10  }
.Ltmp12:
0x57f: {  	v13 =	vnsel vm0, $0x0, v6;
	v9 =	vld [tilespmem:s8+$0xFFFFFFF0];
	v8, _, _ =	vpop (xrf2);
	(pc) =	sbr.rel @p0 .LBB2_20-.Ltmp12, $4  }
0x580: {  	v3 =	vand.u32 v0, v3;
	v6 =	vld [tilespmem:s7+$0x0];
	v15 =	vmul.f32 v12, v12;
	(v2sf) =	vpush v8, $0xF;
	s11 =	spop (v2sf)  }
0x581: {  	v14 =	vshll.u32 v4, s12;
	vm0 =	veq.s32 v3, $0x0;
	v8 =	vld [tilespmem:s8+$0x0];
	(xrf2) =	vadd.scan.msk.f32 $0xffff, v13;
	s10 =	sadd.f32 s11, s10  }
0x582: {  	v3 =	vbroadcast v14, $0x0;
	v11 =	vsub.f32 v11, v10;
	v10 =	vnsel vm0, $0x0, v15;
	v12, _, _ =	vpop (xrf2)  }
0x583: {  	(v2sf) =	vpush v12, $0xF;
	s11 =	spop (v2sf)  }
0x584: {  	v4 =	vld [tilespmem:s7+$0x10]  }
0x585: {  	v49 =	vld [tilespmem:s8+$0x10]  }
0x586: {  	v7 =	vsub.f32 v9, v7;
	v1 =	vand.u32 v1, v3;
	v11 =	vmul.f32 v11, v11  }
0x587: {  	(xrf2) =	vadd.scan.msk.f32 $0xffff, v10;
	v50 =	vand.u32 v5, v3;
	vm0 =	veq.s32 v1, $0x0  }
0x588: {  	v51 =	vmul.f32 v7, v7;
	v52 =	vnsel vm0, $0x0, v11;
	v53 =	vsub.f32 v8, v6  }
0x589: {  	v2 =	vand.u32 v2, v3;
	vm10 =	veq.s32 v50, $0x0;
	(xrf2) =	vadd.scan.msk.f32 $0xffff, v52  }
0x58a: {  	v5 =	vnsel vm10, $0x0, v51;
	v1 =	vmul.f32 v53, v53;
	v4 =	vsub.f32 v49, v4  }
0x58b: {  	v0 =	vand.u32 v0, v3;
	v54, _, _ =	vpop (xrf2);
	vm11 =	veq.s32 v2, $0x0;
	(xrf2) =	vadd.scan.msk.f32 $0xffff, v5  }
0x58c: {  	(v2sf) =	vpush v54, $0xF;
	v1 =	vnsel vm11, $0x0, v1;
	v55 =	vmul.f32 v4, v4  }
0x58d: {  	vm12 =	veq.s32 v0, $0x0;
	v56, _, _ =	vpop (xrf2);
	(xrf2) =	vadd.scan.msk.f32 $0xffff, v1  }
0x58e: {  	(v2sf) =	vpush v56, $0xF;
	v0 =	vnsel vm12, $0x0, v55  }
0x58f: {  	v57, _, _ =	vpop (xrf2);
	(xrf2) =	vadd.scan.msk.f32 $0xffff, v0  }
0x590: {  	s14 =	sadd.f32 s11, s10;
	(v2sf) =	vpush v57, $0xF  }
0x591: {  	s15 =	spop (v2sf);
	v58, _, _ =	vpop (xrf2)  }
0x592: {  	s7 =	sadd.f32 s15, s14;
	(v2sf) =	vpush v58, $0xF  }
0x593: {  	s16 =	spop (v2sf);
	v59, _, _ =	vpop (xrf2)  }
0x594: {  	s7 =	sadd.f32 s16, s7;
	(v2sf) =	vpush v59, $0xF  }
0x595: {  	s17 =	spop (v2sf);
	v60, _, _ =	vpop (xrf2)  }
0x596: {  	s7 =	sadd.f32 s17, s7;
	(v2sf) =	vpush v60, $0xF  }
0x597: {  	s18 =	spop (v2sf);
	v61, _, _ =	vpop (xrf2)  }
0x598: {  	s7 =	sadd.f32 s18, s7;
	(v2sf) =	vpush v61, $0xF  }
0x599: {  	s19 =	spop (v2sf);
	v62, _, _ =	vpop (xrf2)  }
0x59a: {  	s7 =	sadd.f32 s19, s7;
	(v2sf) =	vpush v62, $0xF  }
0x59b: {  	s20 =	spop (v2sf)  }
0x59c: {  	s7 =	sadd.f32 s20, s7  }
0x59d: {  	s21 =	spop (v2sf)  }
0x59e: {  	s7 =	sadd.f32 s21, s7  }
0x59f: {  	s22 =	spop (v2sf)  }
0x5a0: {  	s7 =	sadd.f32 s22, s7  }
0x5a1: {  	s23 =	spop (v2sf)  }
0x5a2: {  	s7 =	sadd.f32 s23, s7  }
0x5a3: {  	s24 =	spop (v2sf)  }
0x5a4: {  	s7 =	sadd.f32 s24, s7  }
0x5a5: {  	s25 =	spop (v2sf)  }
0x5a6: {  	s7 =	sadd.f32 s25, s7  }
0x5a7: {  	s26 =	spop (v2sf)  }
0x5a8: {  	v63 =	vmov s3;
	vm13 =	vcmask $0x300;
	s7 =	sadd.f32 s26, s7  }
0x5a9: {  	vm14 =	vcmask $0x704;
	v0 =	vnsel vm13, $0x0, v63;
	s28 =	spop (v2sf)  }
0x5aa: {  	vm15 =	vcmask $0xB08;
	v0 =	vsel vm14, s4, v0;
	s3 =	sadd.f32 s28, s7  }
0x5ab: {  	v0 =	vsel vm15, s5, v0  }
0x5ac: {  	v0 =	vsel vm3, s3, v0  }
0x5ad: {  	v0 =	vsel vm4, s6, v0  }
0x5ae: {  	s29 =	simm.s32 $0x0;
	s30 =	simm.s32 $0x10080;
	s31 =	simm.s32 $0x1;
	[tilespmem:$0x10080] =	vst v0  }
0x5af: {  	[hbm4b:s2+s29] =	stream.linear.scatter [tilespmem:s30], [sflag:$0x1], $0x80, $0x38;
	[tilespmem:$0x10100] =	vst v63  }
0x5b0: {  	_ =	swait.ge [sflag:s31], $0x80  }
0x5b1: {  	[sflag:s31] =	ssyncset.done $0x0  }
0x5b2: {  	[sflag:s31] =	ssyncadd.s32 $0xFFFFFF80  }
.LBB2_22:
0x5b3: {  	_ =	sfence.sel $0x180000  }
0x5b4: {  	[bflag:$0x0] =	sbarrier.arrive $0xFFFF  }
0x5b5: {  	p0 =	sne.s32 s1, $0x0;
	_ =	strace $0x90000047  }
0x5b6: {  	s0 =	sadd.s32 @!p0 $0x100000, s0;
	[bflag:$0x2] =	sbarrier.arrive $0xFFFF  }
0x5b7: {  	[sflag:s0] =	ssyncadd.tile.s32 @!p0 $0x1;
	_ =	shalt  }
.Lfunc_end2:
_tile_overlayer_lowered:
.L_overlay_start_2:
0x5b8: {  	(tag) =	ssettag $0x2  }
0x5b9: {  	s0 =	rddreg [dreg:$0x0];
	s2 =	stileid.u32  }
0x5ba: {  	s1 =	rddreg [dreg:$0x1];
	p0 =	sne.s32 s2, $0x0  }
0x5bb: {  	s3 =	rddreg [dreg:$0x2];
	[bflag:$0x3] =	sbarrier.arrive $0xFFFF;
	s2 =	simm.s32 @!p0 $0x1C01  }
0x5bc: {  	[timem:s3], [sflag:s2] =	dma.local @!p0 [hbm:s0], s1  }
0x5bd: {  	s0 =	simm.s32 @!p0 $0x1  }
0x5be: {  	_ =	swait.ge @!p0 [sflag:s0], s1  }
0x5bf: {  	s1 =	ssub.s32 @!p0 $0x0, s1;
	[sflag:s0] =	ssyncset.done @!p0 $0x0  }
0x5c0: {  	[sflag:s0] =	ssyncadd.s32 @!p0 s1  }
0x5c1: {  	[bflag:$0x3] =	sbarrier.arrive $0xFFFF  }
0x5c2: {  	_ =	shalt  }

</sc_bundles>
